<compile_context>
chip_gen: v7x
topology: tpu7x:2x2x1
jax: 0.10.2.dev20260603
libtpu: 0.0.44.dev20260713+nightly
codegen_flags: <defaults>
</compile_context>

<pallas_src>
import functools

import jax
import jax.numpy as jnp
from jax import lax
from jax.experimental import pallas as pl
from jax.experimental.pallas import tpu as pltpu
from jax.experimental.pallas import tpu_sc as plsc

N = 10000
E = 160000
D = 256
HC = 128
EA = 32
NSUB = 16
EPS = E // NSUB
KA = 40
NP = 10240
ROWS = NP // NSUB
CH = 32
MT = 2000



def _proj_body(x_ref, w_ref, o_ref):
    p = jnp.dot(x_ref[...], w_ref[...], preferred_element_type=jnp.float32)
    o_ref[0] = p[:, :HC]
    o_ref[1] = p[:, HC:]


def _proj_split(x, w):
    m, k = x.shape
    return pl.pallas_call(
        _proj_body,
        grid=(m // MT,),
        in_specs=[
            pl.BlockSpec((MT, k), lambda i: (i, 0)),
            pl.BlockSpec((k, D), lambda i: (0, 0)),
        ],
        out_specs=pl.BlockSpec((2, MT, HC), lambda i: (0, i, 0)),
        out_shape=jax.ShapeDtypeStruct((2, m, HC), jnp.float32),
    )(x, w)


def _mid_body(a_ref, xf_ref, w2_ref, o_ref):
    h = jax.nn.relu(jnp.concatenate([a_ref[0], a_ref[1]], axis=-1))
    hx = jnp.concatenate([h, xf_ref[...]], axis=-1)
    p = jnp.dot(hx, w2_ref[...], preferred_element_type=jnp.float32)
    o_ref[0] = p[:, :HC]
    o_ref[1] = p[:, HC:]


def _mid(a1, xf, w2hf):
    return pl.pallas_call(
        _mid_body,
        grid=(N // MT,),
        in_specs=[
            pl.BlockSpec((2, MT, HC), lambda i: (0, i, 0)),
            pl.BlockSpec((MT, D), lambda i: (i, 0)),
            pl.BlockSpec((2 * D, D), lambda i: (0, 0)),
        ],
        out_specs=pl.BlockSpec((2, MT, HC), lambda i: (0, i, 0)),
        out_shape=jax.ShapeDtypeStruct((2, N, HC), jnp.float32),
    )(a1, xf, w2hf)


def _fin_body(a_ref, o_ref):
    o_ref[...] = jax.nn.relu(jnp.concatenate([a_ref[0], a_ref[1]], axis=-1))


def _fin(a2):
    return pl.pallas_call(
        _fin_body,
        grid=(N // MT,),
        in_specs=[
            pl.BlockSpec((2, MT, HC), lambda i: (0, i, 0)),
        ],
        out_specs=pl.BlockSpec((MT, D), lambda i: (i, 0)),
        out_shape=jax.ShapeDtypeStruct((N, D), jnp.float32),
    )(a2)



def _sc_scatter(p2x, eaw, srcs, dst, z_a):
    mesh = plsc.VectorSubcoreMesh(core_axis_name="c", subcore_axis_name="s",
                                  num_cores=2)

    @functools.partial(
        pl.kernel,
        mesh=mesh,
        out_type=jax.ShapeDtypeStruct((2, NP, HC), jnp.float32),
        cost_estimate=pl.CostEstimate(
            flops=2 * E * HC * 2,
            bytes_accessed=2 * E * HC * 4 * 4,
            transcendentals=0,
        ),
        scratch_types=[
            pltpu.VMEM_SHARED((NP, HC), jnp.float32),
            pltpu.VMEM((4, KA), jnp.int32),
            pltpu.VMEM((4, KA), jnp.int32),
            pltpu.VMEM((4, KA, HC), jnp.float32),
            pltpu.VMEM((4, KA, HC), jnp.float32),
            pltpu.VMEM((CH, HC), jnp.float32),
            pltpu.VMEM((CH,), jnp.int32),
            pltpu.SemaphoreType.DMA,
            pltpu.SemaphoreType.DMA,
            pltpu.SemaphoreType.DMA,
            pltpu.SemaphoreType.DMA,
            pltpu.SemaphoreType.DMA,
            pltpu.SemaphoreType.DMA,
            pltpu.SemaphoreType.DMA,
            pltpu.SemaphoreType.DMA,
            pltpu.SemaphoreType.DMA,
            pltpu.SemaphoreType.DMA,
            pltpu.SemaphoreType.DMA,
            pltpu.SemaphoreType.DMA,
            pltpu.SemaphoreType.DMA,
        ],
    )
    def k(p_hbm, eaw_hbm, srcs_hbm, dst_hbm, za_hbm, a_out,
          a_sp, src_v, dst_v, rows_v, eaw_v, wba_v, idx_v,
          isem0, isem1, isem2, isem3, esem0, esem1, esem2, esem3,
          gsem0, gsem1, gsem2, gsem3, ssem):
        c = lax.axis_index("c")
        s = lax.axis_index("s")
        r0 = s * ROWS
        base = s * EPS
        lanes = lax.iota(jnp.int32, 16)

        def set_chunk_indices(j):
            row0 = r0 + j * CH
            for q in range(CH // 16):
                idx_v[pl.ds(q * 16, 16)] = lanes + (row0 + q * 16)

        pltpu.sync_copy(za_hbm, wba_v)

        def zblk(j, carry):
            set_chunk_indices(j)
            pltpu.sync_copy(wba_v, a_sp.at[idx_v])
            return carry

        lax.fori_loop(0, ROWS // CH, zblk, 0)
        plsc.subcore_barrier()

        isems = (isem0, isem1, isem2, isem3)
        esems = (esem0, esem1, esem2, esem3)
        gsems = (gsem0, gsem1, gsem2, gsem3)

        def quad(i, carry):
            e0 = base + (4 * i) * KA
            his = []
            hes = []
            for b in range(4):
                eb = e0 + b * KA
                his.append((
                    pltpu.async_copy(srcs_hbm.at[pl.ds(c * E + eb, KA)],
                                     src_v.at[b], isems[b]),
                    pltpu.async_copy(dst_hbm.at[pl.ds(eb, KA)],
                                     dst_v.at[b], isems[b]),
                ))
                hes.append(
                    pltpu.async_copy(eaw_hbm.at[pl.ds(c * E + eb, KA)],
                                     eaw_v.at[b], esems[b]))
            hgs = []
            for b in range(4):
                his[b][0].wait()
                his[b][1].wait()
                hgs.append(
                    pltpu.async_copy(p_hbm.at[src_v.at[b]], rows_v.at[b],
                                     gsems[b]))
            hws = []
            for b in range(4):
                hgs[b].wait()
                hes[b].wait()
                hws.append(
                    pltpu.async_copy(rows_v.at[b], a_sp.at[dst_v.at[b]],
                                     ssem, add=True))
                hws.append(
                    pltpu.async_copy(eaw_v.at[b], a_sp.at[dst_v.at[b]],
                                     ssem, add=True))
            for h in hws:
                h.wait()
            return carry

        nquad = (EPS // KA) // 4
        lax.fori_loop(0, nquad, quad, 0)

        for t in range(nquad * 4, EPS // KA):
            et = base + t * KA
            pltpu.sync_copy(srcs_hbm.at[pl.ds(c * E + et, KA)], src_v.at[0])
            pltpu.sync_copy(dst_hbm.at[pl.ds(et, KA)], dst_v.at[0])
            pltpu.async_copy(p_hbm.at[src_v.at[0]], rows_v.at[0], gsem0).wait()
            pltpu.sync_copy(eaw_hbm.at[pl.ds(c * E + et, KA)], eaw_v.at[0])
            pltpu.sync_copy(rows_v.at[0], a_sp.at[dst_v.at[0]], add=True)
            pltpu.sync_copy(eaw_v.at[0], a_sp.at[dst_v.at[0]], add=True)

        plsc.subcore_barrier()

        def wblk(j, carry):
            set_chunk_indices(j)
            off = pl.multiple_of(r0 + j * CH, 8)
            pltpu.async_copy(a_sp.at[idx_v], wba_v, gsem0).wait()
            pltpu.sync_copy(wba_v, a_out.at[c, pl.ds(off, CH)])
            return carry

        lax.fori_loop(0, ROWS // CH, wblk, 0)

    return k(p2x, eaw, srcs, dst, z_a)



def kernel(xCellCenters, xFace, edge_index_cf, edge_attr_cf,
           edge_index_fp, edge_attr_fp, W1, b1, W2, b2):
    f32 = jnp.float32
    ei1 = edge_index_cf.astype(jnp.int32)
    ei2 = edge_index_fp.astype(jnp.int32)
    srcs1 = jnp.concatenate([ei1[0], ei1[0] + N])
    srcs2 = jnp.concatenate([ei2[0], ei2[0] + N])
    dst1 = ei1[1]
    dst2 = ei2[1]

    ones = jnp.ones((E, 1), f32)
    zpad = jnp.zeros((E, EA - 17), f32)
    ea1 = jnp.concatenate([edge_attr_cf, ones, zpad], axis=1)
    ea2 = jnp.concatenate([edge_attr_fp, ones, zpad], axis=1)
    w1aug = jnp.concatenate(
        [W1[D:D + 16], b1[None, :], jnp.zeros((EA - 17, D), f32)], axis=0)
    w2aug = jnp.concatenate(
        [W2[2 * D:2 * D + 16], b2[None, :], jnp.zeros((EA - 17, D), f32)], axis=0)
    z_a = jnp.zeros((CH, HC), f32)

    p1 = _proj_split(xCellCenters, W1[:D])
    eaw1 = _proj_split(ea1, w1aug)
    a1 = _sc_scatter(p1.reshape(2 * N, HC), eaw1.reshape(2 * E, HC),
                     srcs1, dst1, z_a)
    p2 = _mid(a1, xFace[:N], W2[:2 * D])
    eaw2 = _proj_split(ea2, w2aug)
    a2 = _sc_scatter(p2.reshape(2 * N, HC), eaw2.reshape(2 * E, HC),
                     srcs2, dst2, z_a)
    return _fin(a2)

# --- scband reference (transcript-rebuilt; emitter-appended) ---
"""Pipeline reference for scband-conv-block1-43018392436863 (READ-ONLY COPY).

The authoritative reference and input builder live on the scoring server;
editing this copy changes nothing except your own understanding.
"""

import jax, jax.numpy as jnp
import numpy as np

N_CENTERS = 10000
N_FACES = 20000
N_POINTS = 10000
E_CF = 160000
E_FP = 160000
D_C = 256
D_F = 256
D_E = 16
OUT_CF = 256
OUT = 256


def setup_inputs(seed: int = 0) -> dict:
    key = jax.random.key(seed)
    ks = jax.random.split(key, 10)
    xCellCenters = jax.random.normal(ks[0], (N_CENTERS, D_C), dtype=jnp.float32)
    xFace = jax.random.normal(ks[1], (N_FACES, D_F), dtype=jnp.float32)
    edge_index_cf = jax.random.randint(ks[2], (2, E_CF), 0, 10000)
    edge_attr_cf = jax.random.normal(ks[3], (E_CF, D_E), dtype=jnp.float32)
    edge_index_fp = jax.random.randint(ks[4], (2, E_FP), 0, 10000)
    edge_attr_fp = jax.random.normal(ks[5], (E_FP, D_E), dtype=jnp.float32)
    W1 = jax.random.normal(ks[6], (D_C + D_E, OUT_CF), dtype=jnp.float32) * (1.0 / np.sqrt(D_C + D_E))
    b1 = jnp.zeros((OUT_CF,), dtype=jnp.float32)
    W2 = jax.random.normal(ks[7], (OUT_CF + D_F + D_E, OUT), dtype=jnp.float32) * (1.0 / np.sqrt(OUT_CF + D_F + D_E))
    b2 = jnp.zeros((OUT,), dtype=jnp.float32)
    return {
        'xCellCenters': xCellCenters,
        'xFace': xFace,
        'edge_index_cf': edge_index_cf,
        'edge_attr_cf': edge_attr_cf,
        'edge_index_fp': edge_index_fp,
        'edge_attr_fp': edge_attr_fp,
        'W1': W1,
        'b1': b1,
        'W2': W2,
        'b2': b2,
    }


def _custom_graph_conv(x, edge_index, edge_attr, W, b, num_dst):
    # CustomGraphConv: edge-wise message = Linear(concat(x[src], edge_attr)),
    # scatter-add aggregated onto destination nodes, then ReLU.
    src = edge_index[0]
    dst = edge_index[1]
    msg = jnp.concatenate([jnp.take(x, src, axis=0), edge_attr], axis=-1) @ W + b
    agg = jax.ops.segment_sum(msg, dst, num_segments=num_dst)
    return jax.nn.relu(agg)


def reference(xCellCenters, xFace, edge_index_cf, edge_attr_cf, edge_index_fp, edge_attr_fp, W1, b1, W2, b2):
    # layerCenterFace: cell centers -> faces
    h_face = _custom_graph_conv(xCellCenters, edge_index_cf, edge_attr_cf, W1, b1, N_FACES)
    # concat with raw face features along last dim
    x = jnp.concatenate([h_face, xFace], axis=-1)
    # layerFacePoint: faces -> points
    out = _custom_graph_conv(x, edge_index_fp, edge_attr_fp, W2, b2, N_POINTS)
    return out

if __name__ == "__main__":
    import jax
    _d = setup_inputs()
    print(jax.jit(kernel)(*tuple(_d.values())))

</pallas_src>

<mosaic_0001>
#map = affine_map<(d0, d1) -> (0, 0)>
#map1 = affine_map<(d0, d1) -> (0)>
#map2 = affine_map<(d0, d1) -> (0, 0, 0)>
module attributes {stable_mosaic.version = 14 : i64} {
  func.func @k(%arg0: i32, %arg1: i32, %arg2: memref<20000x128xf32, #tpu.memory_space<hbm>>, %arg3: memref<320000x128xf32, #tpu.memory_space<hbm>>, %arg4: memref<320000xi32, #tpu.memory_space<hbm>>, %arg5: memref<160000xi32, #tpu.memory_space<hbm>>, %arg6: memref<32x128xf32, #tpu.memory_space<hbm>>, %arg7: memref<2x10240x128xf32, #tpu.memory_space<hbm>>, %arg8: memref<10240x128xf32, #tpu.memory_space<vmem_shared>>, %arg9: memref<4x40xi32, #tpu.memory_space<vmem>>, %arg10: memref<4x40xi32, #tpu.memory_space<vmem>>, %arg11: memref<4x40x128xf32, #tpu.memory_space<vmem>>, %arg12: memref<4x40x128xf32, #tpu.memory_space<vmem>>, %arg13: memref<32x128xf32, #tpu.memory_space<vmem>>, %arg14: memref<32xi32, #tpu.memory_space<vmem>>, %arg15: memref<!tpu.dma_semaphore, #tpu.memory_space<semaphore_mem>>, %arg16: memref<!tpu.dma_semaphore, #tpu.memory_space<semaphore_mem>>, %arg17: memref<!tpu.dma_semaphore, #tpu.memory_space<semaphore_mem>>, %arg18: memref<!tpu.dma_semaphore, #tpu.memory_space<semaphore_mem>>, %arg19: memref<!tpu.dma_semaphore, #tpu.memory_space<semaphore_mem>>, %arg20: memref<!tpu.dma_semaphore, #tpu.memory_space<semaphore_mem>>, %arg21: memref<!tpu.dma_semaphore, #tpu.memory_space<semaphore_mem>>, %arg22: memref<!tpu.dma_semaphore, #tpu.memory_space<semaphore_mem>>, %arg23: memref<!tpu.dma_semaphore, #tpu.memory_space<semaphore_mem>>, %arg24: memref<!tpu.dma_semaphore, #tpu.memory_space<semaphore_mem>>, %arg25: memref<!tpu.dma_semaphore, #tpu.memory_space<semaphore_mem>>, %arg26: memref<!tpu.dma_semaphore, #tpu.memory_space<semaphore_mem>>, %arg27: memref<!tpu.dma_semaphore, #tpu.memory_space<semaphore_mem>>) attributes {dimension_semantics = [#tpu.dimension_semantics<core_parallel>, #tpu.dimension_semantics<subcore_parallel>], iteration_bounds = array<i64: 2, 16>, scalar_prefetch = 0 : i64, scratch_operands = 20 : i64, tpu.core_type = #tpu.core_type<sc_vector_subcore>, window_params = [{transform_indices = #map}, {transform_indices = #map}, {transform_indices = #map1}, {transform_indices = #map1}, {transform_indices = #map}, {transform_indices = #map2}]} {
    %mul3A = arith.constant 640 : i32
    %mul3A_0 = arith.muli %arg1, %mul3A : i32
    %mul3A_1 = arith.constant 10000 : i32
    %mul3A_2 = arith.muli %arg1, %mul3A_1 : i32
    %iota3A = tpu.iota {dimensions = array<i32: 0>} : vector<16xi32>
    "tpu.region"() ({
      %run_scoped3A_95 = tpu.sem_alloc : memref<!tpu.dma_semaphore, #tpu.memory_space<semaphore_mem>>
      tpu.enqueue_dma source(%arg6 : memref<32x128xf32, #tpu.memory_space<hbm>>) target(%arg13 : memref<32x128xf32, #tpu.memory_space<vmem>>) target_semaphore(%run_scoped3A_95 : memref<!tpu.dma_semaphore, #tpu.memory_space<semaphore_mem>>)
      tpu.wait_dma2 semaphore(%run_scoped3A_95 : memref<!tpu.dma_semaphore, #tpu.memory_space<semaphore_mem>>) src(%arg6 : memref<32x128xf32, #tpu.memory_space<hbm>>) dst(%arg13 : memref<32x128xf32, #tpu.memory_space<vmem>>)
      tpu.yield
    }) : () -> ()
    %scan3A = arith.constant 0 : i32
    %scan3A_3 = arith.constant 0 : i32
    %scan3A_4 = arith.constant 20 : i32
    %scan3A_5 = arith.addi %scan3A_3, %scan3A_4 : i32
    %scan3A_6 = arith.constant 1 : i32
    scf.for %scan3A_95 = %scan3A_3 to %scan3A_5 step %scan3A_6  : i32 {
      %mul3A_96 = arith.constant 32 : i32
      %mul3A_97 = arith.muli %scan3A_95, %mul3A_96 : i32
      %add3A_98 = arith.addi %mul3A_0, %mul3A_97 : i32
      %add3A_99 = arith.constant 0 : i32
      %add3A_100 = arith.addi %add3A_98, %add3A_99 : i32
      %add3A_101 = vector.broadcast %add3A_100 : i32 to vector<16xi32>
      %add3A_102 = arith.addi %iota3A, %add3A_101 : vector<16xi32>
      %swap3A = arith.constant 0 : index
      %swap3A_103 = tpu.vector_load %arg14[%swap3A] {strides = array<i32>} : memref<32xi32, #tpu.memory_space<vmem>>, vector<16xi32>,
      %swap3A_104 = vector.shape_cast %swap3A_103 : vector<16xi32> to vector<16xi32>
      %swap3A_105 = vector.shape_cast %add3A_102 : vector<16xi32> to vector<16xi32>
      tpu.vector_store %arg14[%swap3A], %swap3A_105 {strides = array<i32>} : memref<32xi32, #tpu.memory_space<vmem>>, vector<16xi32>,
      %add3A_106 = arith.constant 16 : i32
      %add3A_107 = arith.addi %add3A_98, %add3A_106 : i32
      %add3A_108 = vector.broadcast %add3A_107 : i32 to vector<16xi32>
      %add3A_109 = arith.addi %iota3A, %add3A_108 : vector<16xi32>
      %swap3A_110 = arith.constant 16 : index
      %swap3A_111 = tpu.vector_load %arg14[%swap3A_110] {strides = array<i32>} : memref<32xi32, #tpu.memory_space<vmem>>, vector<16xi32>,
      %swap3A_112 = vector.shape_cast %swap3A_111 : vector<16xi32> to vector<16xi32>
      %swap3A_113 = vector.shape_cast %add3A_109 : vector<16xi32> to vector<16xi32>
      tpu.vector_store %arg14[%swap3A_110], %swap3A_113 {strides = array<i32>} : memref<32xi32, #tpu.memory_space<vmem>>, vector<16xi32>,
      "tpu.region"() ({
        %run_scoped3A_114 = tpu.sem_alloc : memref<!tpu.dma_semaphore, #tpu.memory_space<semaphore_mem>>
        %dma_start3A_115 = arith.constant 0 : i32
        %dma_start3A_116 = arith.constant 0 : i32
        %dma_start3A_117 = tpu.memref_slice %arg8[%dma_start3A_115, %dma_start3A_116] : memref<10240x128xf32, #tpu.memory_space<vmem_shared>> -> memref<10240x128xf32, #tpu.memory_space<vmem_shared>>
        tpu.enqueue_indirect_dma source(%arg13 : memref<32x128xf32, #tpu.memory_space<vmem>>) target(%dma_start3A_117 : memref<10240x128xf32, #tpu.memory_space<vmem_shared>>) offsets(%arg14 : memref<32xi32, #tpu.memory_space<vmem>>) semaphore(%run_scoped3A_114 : memref<!tpu.dma_semaphore, #tpu.memory_space<semaphore_mem>>)
        %dma_wait3A_118 = arith.constant 0 : i32
        %dma_wait3A_119 = arith.constant 0 : i32
        %dma_wait3A_120 = tpu.memref_slice %arg8[%dma_wait3A_118, %dma_wait3A_119] : memref<10240x128xf32, #tpu.memory_space<vmem_shared>> -> memref<10240x128xf32, #tpu.memory_space<vmem_shared>>
        tpu.wait_indirect_dma semaphore(%run_scoped3A_114 : memref<!tpu.dma_semaphore, #tpu.memory_space<semaphore_mem>>) src(%arg13 : memref<32x128xf32, #tpu.memory_space<vmem>>) dst(%dma_wait3A_120 : memref<10240x128xf32, #tpu.memory_space<vmem_shared>>)
        tpu.yield
      }) : () -> ()
    }
    %scan3A_7 = arith.constant 20 : i32
    %barrier3A = arith.constant 0 : index
    tpu.barrier barrier_id(%barrier3A)
    %scan3A_8 = arith.constant 0 : i32
    %scan3A_9 = arith.constant 0 : i32
    %scan3A_10 = arith.constant 62 : i32
    %scan3A_11 = arith.addi %scan3A_9, %scan3A_10 : i32
    %scan3A_12 = arith.constant 1 : i32
    scf.for %scan3A_95 = %scan3A_9 to %scan3A_11 step %scan3A_12  : i32 {
      %mul3A_96 = arith.constant 4 : i32
      %mul3A_97 = arith.muli %mul3A_96, %scan3A_95 : i32
      %mul3A_98 = arith.constant 40 : i32
      %mul3A_99 = arith.muli %mul3A_97, %mul3A_98 : i32
      %add3A_100 = arith.addi %mul3A_2, %mul3A_99 : i32
      %add3A_101 = arith.constant 0 : i32
      %add3A_102 = arith.addi %add3A_100, %add3A_101 : i32
      %mul3A_103 = arith.constant 160000 : i32
      %mul3A_104 = arith.muli %arg0, %mul3A_103 : i32
      %add3A_105 = arith.addi %mul3A_104, %add3A_102 : i32
      %dma_start3A_106 = arith.constant 0 : i32
      %dma_start3A_107 = arith.constant 0 : i32
      %dma_start3A_108 = tpu.memref_slice %arg9[%dma_start3A_106, %dma_start3A_107] : memref<4x40xi32, #tpu.memory_space<vmem>> -> memref<1x40xi32, #tpu.memory_space<vmem>>
      %dma_start3A_109 = tpu.memref_squeeze %dma_start3A_108 : memref<1x40xi32, #tpu.memory_space<vmem>> -> memref<40xi32, #tpu.memory_space<vmem>>
      %dma_start3A_110 = tpu.memref_slice %arg4[%add3A_105] : memref<320000xi32, #tpu.memory_space<hbm>> -> memref<40xi32, #tpu.memory_space<hbm>>
      %dma_start3A_111 = arith.constant 0 : i32
      %dma_start3A_112 = tpu.memref_slice %arg9[%dma_start3A_106, %dma_start3A_111] : memref<4x40xi32, #tpu.memory_space<vmem>> -> memref<1x40xi32, #tpu.memory_space<vmem>>
      %dma_start3A_113 = tpu.memref_squeeze %dma_start3A_112 : memref<1x40xi32, #tpu.memory_space<vmem>> -> memref<40xi32, #tpu.memory_space<vmem>>
      %dma_start3A_114 = tpu.memref_slice %arg4[%add3A_105] : memref<320000xi32, #tpu.memory_space<hbm>> -> memref<40xi32, #tpu.memory_space<hbm>>
      tpu.enqueue_dma source(%dma_start3A_114 : memref<40xi32, #tpu.memory_space<hbm>>) target(%dma_start3A_113 : memref<40xi32, #tpu.memory_space<vmem>>) target_semaphore(%arg15 : memref<!tpu.dma_semaphore, #tpu.memory_space<semaphore_mem>>)
      %dma_start3A_115 = arith.constant 0 : i32
      %dma_start3A_116 = arith.constant 0 : i32
      %dma_start3A_117 = tpu.memref_slice %arg10[%dma_start3A_115, %dma_start3A_116] : memref<4x40xi32, #tpu.memory_space<vmem>> -> memref<1x40xi32, #tpu.memory_space<vmem>>
      %dma_start3A_118 = tpu.memref_squeeze %dma_start3A_117 : memref<1x40xi32, #tpu.memory_space<vmem>> -> memref<40xi32, #tpu.memory_space<vmem>>
      %dma_start3A_119 = tpu.memref_slice %arg5[%add3A_102] : memref<160000xi32, #tpu.memory_space<hbm>> -> memref<40xi32, #tpu.memory_space<hbm>>
      %dma_start3A_120 = arith.constant 0 : i32
      %dma_start3A_121 = tpu.memref_slice %arg10[%dma_start3A_115, %dma_start3A_120] : memref<4x40xi32, #tpu.memory_space<vmem>> -> memref<1x40xi32, #tpu.memory_space<vmem>>
      %dma_start3A_122 = tpu.memref_squeeze %dma_start3A_121 : memref<1x40xi32, #tpu.memory_space<vmem>> -> memref<40xi32, #tpu.memory_space<vmem>>
      %dma_start3A_123 = tpu.memref_slice %arg5[%add3A_102] : memref<160000xi32, #tpu.memory_space<hbm>> -> memref<40xi32, #tpu.memory_space<hbm>>
      tpu.enqueue_dma source(%dma_start3A_123 : memref<40xi32, #tpu.memory_space<hbm>>) target(%dma_start3A_122 : memref<40xi32, #tpu.memory_space<vmem>>) target_semaphore(%arg15 : memref<!tpu.dma_semaphore, #tpu.memory_space<semaphore_mem>>)
      %mul3A_124 = arith.constant 160000 : i32
      %mul3A_125 = arith.muli %arg0, %mul3A_124 : i32
      %add3A_126 = arith.addi %mul3A_125, %add3A_102 : i32
      %dma_start3A_127 = arith.constant 0 : i32
      %dma_start3A_128 = arith.constant 0 : i32
      %dma_start3A_129 = arith.constant 0 : i32
      %dma_start3A_130 = tpu.memref_slice %arg12[%dma_start3A_127, %dma_start3A_128, %dma_start3A_129] : memref<4x40x128xf32, #tpu.memory_space<vmem>> -> memref<1x40x128xf32, #tpu.memory_space<vmem>>
      %dma_start3A_131 = tpu.memref_squeeze %dma_start3A_130 : memref<1x40x128xf32, #tpu.memory_space<vmem>> -> memref<40x128xf32, #tpu.memory_space<vmem>>
      %dma_start3A_132 = arith.constant 0 : i32
      %dma_start3A_133 = tpu.memref_slice %arg3[%add3A_126, %dma_start3A_132] : memref<320000x128xf32, #tpu.memory_space<hbm>> -> memref<40x128xf32, #tpu.memory_space<hbm>>
      %dma_start3A_134 = arith.constant 0 : i32
      %dma_start3A_135 = arith.constant 0 : i32
      %dma_start3A_136 = tpu.memref_slice %arg12[%dma_start3A_127, %dma_start3A_134, %dma_start3A_135] : memref<4x40x128xf32, #tpu.memory_space<vmem>> -> memref<1x40x128xf32, #tpu.memory_space<vmem>>
      %dma_start3A_137 = tpu.memref_squeeze %dma_start3A_136 : memref<1x40x128xf32, #tpu.memory_space<vmem>> -> memref<40x128xf32, #tpu.memory_space<vmem>>
      %dma_start3A_138 = arith.constant 0 : i32
      %dma_start3A_139 = tpu.memref_slice %arg3[%add3A_126, %dma_start3A_138] : memref<320000x128xf32, #tpu.memory_space<hbm>> -> memref<40x128xf32, #tpu.memory_space<hbm>>
      tpu.enqueue_dma source(%dma_start3A_139 : memref<40x128xf32, #tpu.memory_space<hbm>>) target(%dma_start3A_137 : memref<40x128xf32, #tpu.memory_space<vmem>>) target_semaphore(%arg19 : memref<!tpu.dma_semaphore, #tpu.memory_space<semaphore_mem>>)
      %add3A_140 = arith.constant 40 : i32
      %add3A_141 = arith.addi %add3A_100, %add3A_140 : i32
      %mul3A_142 = arith.constant 160000 : i32
      %mul3A_143 = arith.muli %arg0, %mul3A_142 : i32
      %add3A_144 = arith.addi %mul3A_143, %add3A_141 : i32
      %dma_start3A_145 = arith.constant 1 : i32
      %dma_start3A_146 = arith.constant 0 : i32
      %dma_start3A_147 = tpu.memref_slice %arg9[%dma_start3A_145, %dma_start3A_146] : memref<4x40xi32, #tpu.memory_space<vmem>> -> memref<1x40xi32, #tpu.memory_space<vmem>>
      %dma_start3A_148 = tpu.memref_squeeze %dma_start3A_147 : memref<1x40xi32, #tpu.memory_space<vmem>> -> memref<40xi32, #tpu.memory_space<vmem>>
      %dma_start3A_149 = tpu.memref_slice %arg4[%add3A_144] : memref<320000xi32, #tpu.memory_space<hbm>> -> memref<40xi32, #tpu.memory_space<hbm>>
      %dma_start3A_150 = arith.constant 0 : i32
      %dma_start3A_151 = tpu.memref_slice %arg9[%dma_start3A_145, %dma_start3A_150] : memref<4x40xi32, #tpu.memory_space<vmem>> -> memref<1x40xi32, #tpu.memory_space<vmem>>
      %dma_start3A_152 = tpu.memref_squeeze %dma_start3A_151 : memref<1x40xi32, #tpu.memory_space<vmem>> -> memref<40xi32, #tpu.memory_space<vmem>>
      %dma_start3A_153 = tpu.memref_slice %arg4[%add3A_144] : memref<320000xi32, #tpu.memory_space<hbm>> -> memref<40xi32, #tpu.memory_space<hbm>>
      tpu.enqueue_dma source(%dma_start3A_153 : memref<40xi32, #tpu.memory_space<hbm>>) target(%dma_start3A_152 : memref<40xi32, #tpu.memory_space<vmem>>) target_semaphore(%arg16 : memref<!tpu.dma_semaphore, #tpu.memory_space<semaphore_mem>>)
      %dma_start3A_154 = arith.constant 1 : i32
      %dma_start3A_155 = arith.constant 0 : i32
      %dma_start3A_156 = tpu.memref_slice %arg10[%dma_start3A_154, %dma_start3A_155] : memref<4x40xi32, #tpu.memory_space<vmem>> -> memref<1x40xi32, #tpu.memory_space<vmem>>
      %dma_start3A_157 = tpu.memref_squeeze %dma_start3A_156 : memref<1x40xi32, #tpu.memory_space<vmem>> -> memref<40xi32, #tpu.memory_space<vmem>>
      %dma_start3A_158 = tpu.memref_slice %arg5[%add3A_141] : memref<160000xi32, #tpu.memory_space<hbm>> -> memref<40xi32, #tpu.memory_space<hbm>>
      %dma_start3A_159 = arith.constant 0 : i32
      %dma_start3A_160 = tpu.memref_slice %arg10[%dma_start3A_154, %dma_start3A_159] : memref<4x40xi32, #tpu.memory_space<vmem>> -> memref<1x40xi32, #tpu.memory_space<vmem>>
      %dma_start3A_161 = tpu.memref_squeeze %dma_start3A_160 : memref<1x40xi32, #tpu.memory_space<vmem>> -> memref<40xi32, #tpu.memory_space<vmem>>
      %dma_start3A_162 = tpu.memref_slice %arg5[%add3A_141] : memref<160000xi32, #tpu.memory_space<hbm>> -> memref<40xi32, #tpu.memory_space<hbm>>
      tpu.enqueue_dma source(%dma_start3A_162 : memref<40xi32, #tpu.memory_space<hbm>>) target(%dma_start3A_161 : memref<40xi32, #tpu.memory_space<vmem>>) target_semaphore(%arg16 : memref<!tpu.dma_semaphore, #tpu.memory_space<semaphore_mem>>)
      %mul3A_163 = arith.constant 160000 : i32
      %mul3A_164 = arith.muli %arg0, %mul3A_163 : i32
      %add3A_165 = arith.addi %mul3A_164, %add3A_141 : i32
      %dma_start3A_166 = arith.constant 1 : i32
      %dma_start3A_167 = arith.constant 0 : i32
      %dma_start3A_168 = arith.constant 0 : i32
      %dma_start3A_169 = tpu.memref_slice %arg12[%dma_start3A_166, %dma_start3A_167, %dma_start3A_168] : memref<4x40x128xf32, #tpu.memory_space<vmem>> -> memref<1x40x128xf32, #tpu.memory_space<vmem>>
      %dma_start3A_170 = tpu.memref_squeeze %dma_start3A_169 : memref<1x40x128xf32, #tpu.memory_space<vmem>> -> memref<40x128xf32, #tpu.memory_space<vmem>>
      %dma_start3A_171 = arith.constant 0 : i32
      %dma_start3A_172 = tpu.memref_slice %arg3[%add3A_165, %dma_start3A_171] : memref<320000x128xf32, #tpu.memory_space<hbm>> -> memref<40x128xf32, #tpu.memory_space<hbm>>
      %dma_start3A_173 = arith.constant 0 : i32
      %dma_start3A_174 = arith.constant 0 : i32
      %dma_start3A_175 = tpu.memref_slice %arg12[%dma_start3A_166, %dma_start3A_173, %dma_start3A_174] : memref<4x40x128xf32, #tpu.memory_space<vmem>> -> memref<1x40x128xf32, #tpu.memory_space<vmem>>
      %dma_start3A_176 = tpu.memref_squeeze %dma_start3A_175 : memref<1x40x128xf32, #tpu.memory_space<vmem>> -> memref<40x128xf32, #tpu.memory_space<vmem>>
      %dma_start3A_177 = arith.constant 0 : i32
      %dma_start3A_178 = tpu.memref_slice %arg3[%add3A_165, %dma_start3A_177] : memref<320000x128xf32, #tpu.memory_space<hbm>> -> memref<40x128xf32, #tpu.memory_space<hbm>>
      tpu.enqueue_dma source(%dma_start3A_178 : memref<40x128xf32, #tpu.memory_space<hbm>>) target(%dma_start3A_176 : memref<40x128xf32, #tpu.memory_space<vmem>>) target_semaphore(%arg20 : memref<!tpu.dma_semaphore, #tpu.memory_space<semaphore_mem>>)
      %add3A_179 = arith.constant 80 : i32
      %add3A_180 = arith.addi %add3A_100, %add3A_179 : i32
      %mul3A_181 = arith.constant 160000 : i32
      %mul3A_182 = arith.muli %arg0, %mul3A_181 : i32
      %add3A_183 = arith.addi %mul3A_182, %add3A_180 : i32
      %dma_start3A_184 = arith.constant 2 : i32
      %dma_start3A_185 = arith.constant 0 : i32
      %dma_start3A_186 = tpu.memref_slice %arg9[%dma_start3A_184, %dma_start3A_185] : memref<4x40xi32, #tpu.memory_space<vmem>> -> memref<1x40xi32, #tpu.memory_space<vmem>>
      %dma_start3A_187 = tpu.memref_squeeze %dma_start3A_186 : memref<1x40xi32, #tpu.memory_space<vmem>> -> memref<40xi32, #tpu.memory_space<vmem>>
      %dma_start3A_188 = tpu.memref_slice %arg4[%add3A_183] : memref<320000xi32, #tpu.memory_space<hbm>> -> memref<40xi32, #tpu.memory_space<hbm>>
      %dma_start3A_189 = arith.constant 0 : i32
      %dma_start3A_190 = tpu.memref_slice %arg9[%dma_start3A_184, %dma_start3A_189] : memref<4x40xi32, #tpu.memory_space<vmem>> -> memref<1x40xi32, #tpu.memory_space<vmem>>
      %dma_start3A_191 = tpu.memref_squeeze %dma_start3A_190 : memref<1x40xi32, #tpu.memory_space<vmem>> -> memref<40xi32, #tpu.memory_space<vmem>>
      %dma_start3A_192 = tpu.memref_slice %arg4[%add3A_183] : memref<320000xi32, #tpu.memory_space<hbm>> -> memref<40xi32, #tpu.memory_space<hbm>>
      tpu.enqueue_dma source(%dma_start3A_192 : memref<40xi32, #tpu.memory_space<hbm>>) target(%dma_start3A_191 : memref<40xi32, #tpu.memory_space<vmem>>) target_semaphore(%arg17 : memref<!tpu.dma_semaphore, #tpu.memory_space<semaphore_mem>>)
      %dma_start3A_193 = arith.constant 2 : i32
      %dma_start3A_194 = arith.constant 0 : i32
      %dma_start3A_195 = tpu.memref_slice %arg10[%dma_start3A_193, %dma_start3A_194] : memref<4x40xi32, #tpu.memory_space<vmem>> -> memref<1x40xi32, #tpu.memory_space<vmem>>
      %dma_start3A_196 = tpu.memref_squeeze %dma_start3A_195 : memref<1x40xi32, #tpu.memory_space<vmem>> -> memref<40xi32, #tpu.memory_space<vmem>>
      %dma_start3A_197 = tpu.memref_slice %arg5[%add3A_180] : memref<160000xi32, #tpu.memory_space<hbm>> -> memref<40xi32, #tpu.memory_space<hbm>>
      %dma_start3A_198 = arith.constant 0 : i32
      %dma_start3A_199 = tpu.memref_slice %arg10[%dma_start3A_193, %dma_start3A_198] : memref<4x40xi32, #tpu.memory_space<vmem>> -> memref<1x40xi32, #tpu.memory_space<vmem>>
      %dma_start3A_200 = tpu.memref_squeeze %dma_start3A_199 : memref<1x40xi32, #tpu.memory_space<vmem>> -> memref<40xi32, #tpu.memory_space<vmem>>
      %dma_start3A_201 = tpu.memref_slice %arg5[%add3A_180] : memref<160000xi32, #tpu.memory_space<hbm>> -> memref<40xi32, #tpu.memory_space<hbm>>
      tpu.enqueue_dma source(%dma_start3A_201 : memref<40xi32, #tpu.memory_space<hbm>>) target(%dma_start3A_200 : memref<40xi32, #tpu.memory_space<vmem>>) target_semaphore(%arg17 : memref<!tpu.dma_semaphore, #tpu.memory_space<semaphore_mem>>)
      %mul3A_202 = arith.constant 160000 : i32
      %mul3A_203 = arith.muli %arg0, %mul3A_202 : i32
      %add3A_204 = arith.addi %mul3A_203, %add3A_180 : i32
      %dma_start3A_205 = arith.constant 2 : i32
      %dma_start3A_206 = arith.constant 0 : i32
      %dma_start3A_207 = arith.constant 0 : i32
      %dma_start3A_208 = tpu.memref_slice %arg12[%dma_start3A_205, %dma_start3A_206, %dma_start3A_207] : memref<4x40x128xf32, #tpu.memory_space<vmem>> -> memref<1x40x128xf32, #tpu.memory_space<vmem>>
      %dma_start3A_209 = tpu.memref_squeeze %dma_start3A_208 : memref<1x40x128xf32, #tpu.memory_space<vmem>> -> memref<40x128xf32, #tpu.memory_space<vmem>>
      %dma_start3A_210 = arith.constant 0 : i32
      %dma_start3A_211 = tpu.memref_slice %arg3[%add3A_204, %dma_start3A_210] : memref<320000x128xf32, #tpu.memory_space<hbm>> -> memref<40x128xf32, #tpu.memory_space<hbm>>
      %dma_start3A_212 = arith.constant 0 : i32
      %dma_start3A_213 = arith.constant 0 : i32
      %dma_start3A_214 = tpu.memref_slice %arg12[%dma_start3A_205, %dma_start3A_212, %dma_start3A_213] : memref<4x40x128xf32, #tpu.memory_space<vmem>> -> memref<1x40x128xf32, #tpu.memory_space<vmem>>
      %dma_start3A_215 = tpu.memref_squeeze %dma_start3A_214 : memref<1x40x128xf32, #tpu.memory_space<vmem>> -> memref<40x128xf32, #tpu.memory_space<vmem>>
      %dma_start3A_216 = arith.constant 0 : i32
      %dma_start3A_217 = tpu.memref_slice %arg3[%add3A_204, %dma_start3A_216] : memref<320000x128xf32, #tpu.memory_space<hbm>> -> memref<40x128xf32, #tpu.memory_space<hbm>>
      tpu.enqueue_dma source(%dma_start3A_217 : memref<40x128xf32, #tpu.memory_space<hbm>>) target(%dma_start3A_215 : memref<40x128xf32, #tpu.memory_space<vmem>>) target_semaphore(%arg21 : memref<!tpu.dma_semaphore, #tpu.memory_space<semaphore_mem>>)
      %add3A_218 = arith.constant 120 : i32
      %add3A_219 = arith.addi %add3A_100, %add3A_218 : i32
      %mul3A_220 = arith.constant 160000 : i32
      %mul3A_221 = arith.muli %arg0, %mul3A_220 : i32
      %add3A_222 = arith.addi %mul3A_221, %add3A_219 : i32
      %dma_start3A_223 = arith.constant 3 : i32
      %dma_start3A_224 = arith.constant 0 : i32
      %dma_start3A_225 = tpu.memref_slice %arg9[%dma_start3A_223, %dma_start3A_224] : memref<4x40xi32, #tpu.memory_space<vmem>> -> memref<1x40xi32, #tpu.memory_space<vmem>>
      %dma_start3A_226 = tpu.memref_squeeze %dma_start3A_225 : memref<1x40xi32, #tpu.memory_space<vmem>> -> memref<40xi32, #tpu.memory_space<vmem>>
      %dma_start3A_227 = tpu.memref_slice %arg4[%add3A_222] : memref<320000xi32, #tpu.memory_space<hbm>> -> memref<40xi32, #tpu.memory_space<hbm>>
      %dma_start3A_228 = arith.constant 0 : i32
      %dma_start3A_229 = tpu.memref_slice %arg9[%dma_start3A_223, %dma_start3A_228] : memref<4x40xi32, #tpu.memory_space<vmem>> -> memref<1x40xi32, #tpu.memory_space<vmem>>
      %dma_start3A_230 = tpu.memref_squeeze %dma_start3A_229 : memref<1x40xi32, #tpu.memory_space<vmem>> -> memref<40xi32, #tpu.memory_space<vmem>>
      %dma_start3A_231 = tpu.memref_slice %arg4[%add3A_222] : memref<320000xi32, #tpu.memory_space<hbm>> -> memref<40xi32, #tpu.memory_space<hbm>>
      tpu.enqueue_dma source(%dma_start3A_231 : memref<40xi32, #tpu.memory_space<hbm>>) target(%dma_start3A_230 : memref<40xi32, #tpu.memory_space<vmem>>) target_semaphore(%arg18 : memref<!tpu.dma_semaphore, #tpu.memory_space<semaphore_mem>>)
      %dma_start3A_232 = arith.constant 3 : i32
      %dma_start3A_233 = arith.constant 0 : i32
      %dma_start3A_234 = tpu.memref_slice %arg10[%dma_start3A_232, %dma_start3A_233] : memref<4x40xi32, #tpu.memory_space<vmem>> -> memref<1x40xi32, #tpu.memory_space<vmem>>
      %dma_start3A_235 = tpu.memref_squeeze %dma_start3A_234 : memref<1x40xi32, #tpu.memory_space<vmem>> -> memref<40xi32, #tpu.memory_space<vmem>>
      %dma_start3A_236 = tpu.memref_slice %arg5[%add3A_219] : memref<160000xi32, #tpu.memory_space<hbm>> -> memref<40xi32, #tpu.memory_space<hbm>>
      %dma_start3A_237 = arith.constant 0 : i32
      %dma_start3A_238 = tpu.memref_slice %arg10[%dma_start3A_232, %dma_start3A_237] : memref<4x40xi32, #tpu.memory_space<vmem>> -> memref<1x40xi32, #tpu.memory_space<vmem>>
      %dma_start3A_239 = tpu.memref_squeeze %dma_start3A_238 : memref<1x40xi32, #tpu.memory_space<vmem>> -> memref<40xi32, #tpu.memory_space<vmem>>
      %dma_start3A_240 = tpu.memref_slice %arg5[%add3A_219] : memref<160000xi32, #tpu.memory_space<hbm>> -> memref<40xi32, #tpu.memory_space<hbm>>
      tpu.enqueue_dma source(%dma_start3A_240 : memref<40xi32, #tpu.memory_space<hbm>>) target(%dma_start3A_239 : memref<40xi32, #tpu.memory_space<vmem>>) target_semaphore(%arg18 : memref<!tpu.dma_semaphore, #tpu.memory_space<semaphore_mem>>)
      %mul3A_241 = arith.constant 160000 : i32
      %mul3A_242 = arith.muli %arg0, %mul3A_241 : i32
      %add3A_243 = arith.addi %mul3A_242, %add3A_219 : i32
      %dma_start3A_244 = arith.constant 3 : i32
      %dma_start3A_245 = arith.constant 0 : i32
      %dma_start3A_246 = arith.constant 0 : i32
      %dma_start3A_247 = tpu.memref_slice %arg12[%dma_start3A_244, %dma_start3A_245, %dma_start3A_246] : memref<4x40x128xf32, #tpu.memory_space<vmem>> -> memref<1x40x128xf32, #tpu.memory_space<vmem>>
      %dma_start3A_248 = tpu.memref_squeeze %dma_start3A_247 : memref<1x40x128xf32, #tpu.memory_space<vmem>> -> memref<40x128xf32, #tpu.memory_space<vmem>>
      %dma_start3A_249 = arith.constant 0 : i32
      %dma_start3A_250 = tpu.memref_slice %arg3[%add3A_243, %dma_start3A_249] : memref<320000x128xf32, #tpu.memory_space<hbm>> -> memref<40x128xf32, #tpu.memory_space<hbm>>
      %dma_start3A_251 = arith.constant 0 : i32
      %dma_start3A_252 = arith.constant 0 : i32
      %dma_start3A_253 = tpu.memref_slice %arg12[%dma_start3A_244, %dma_start3A_251, %dma_start3A_252] : memref<4x40x128xf32, #tpu.memory_space<vmem>> -> memref<1x40x128xf32, #tpu.memory_space<vmem>>
      %dma_start3A_254 = tpu.memref_squeeze %dma_start3A_253 : memref<1x40x128xf32, #tpu.memory_space<vmem>> -> memref<40x128xf32, #tpu.memory_space<vmem>>
      %dma_start3A_255 = arith.constant 0 : i32
      %dma_start3A_256 = tpu.memref_slice %arg3[%add3A_243, %dma_start3A_255] : memref<320000x128xf32, #tpu.memory_space<hbm>> -> memref<40x128xf32, #tpu.memory_space<hbm>>
      tpu.enqueue_dma source(%dma_start3A_256 : memref<40x128xf32, #tpu.memory_space<hbm>>) target(%dma_start3A_254 : memref<40x128xf32, #tpu.memory_space<vmem>>) target_semaphore(%arg22 : memref<!tpu.dma_semaphore, #tpu.memory_space<semaphore_mem>>)
      %dma_wait3A_257 = arith.constant 0 : i32
      %dma_wait3A_258 = arith.constant 0 : i32
      %dma_wait3A_259 = tpu.memref_slice %arg9[%dma_wait3A_257, %dma_wait3A_258] : memref<4x40xi32, #tpu.memory_space<vmem>> -> memref<1x40xi32, #tpu.memory_space<vmem>>
      %dma_wait3A_260 = tpu.memref_squeeze %dma_wait3A_259 : memref<1x40xi32, #tpu.memory_space<vmem>> -> memref<40xi32, #tpu.memory_space<vmem>>
      %dma_wait3A_261 = tpu.memref_slice %arg4[%add3A_105] : memref<320000xi32, #tpu.memory_space<hbm>> -> memref<40xi32, #tpu.memory_space<hbm>>
      %dma_wait3A_262 = arith.constant 0 : i32
      %dma_wait3A_263 = tpu.memref_slice %arg9[%dma_wait3A_257, %dma_wait3A_262] : memref<4x40xi32, #tpu.memory_space<vmem>> -> memref<1x40xi32, #tpu.memory_space<vmem>>
      %dma_wait3A_264 = tpu.memref_squeeze %dma_wait3A_263 : memref<1x40xi32, #tpu.memory_space<vmem>> -> memref<40xi32, #tpu.memory_space<vmem>>
      %dma_wait3A_265 = tpu.memref_slice %arg4[%add3A_105] : memref<320000xi32, #tpu.memory_space<hbm>> -> memref<40xi32, #tpu.memory_space<hbm>>
      tpu.wait_dma2 semaphore(%arg15 : memref<!tpu.dma_semaphore, #tpu.memory_space<semaphore_mem>>) src(%dma_wait3A_265 : memref<40xi32, #tpu.memory_space<hbm>>) dst(%dma_wait3A_264 : memref<40xi32, #tpu.memory_space<vmem>>)
      %dma_wait3A_266 = arith.constant 0 : i32
      %dma_wait3A_267 = arith.constant 0 : i32
      %dma_wait3A_268 = tpu.memref_slice %arg10[%dma_wait3A_266, %dma_wait3A_267] : memref<4x40xi32, #tpu.memory_space<vmem>> -> memref<1x40xi32, #tpu.memory_space<vmem>>
      %dma_wait3A_269 = tpu.memref_squeeze %dma_wait3A_268 : memref<1x40xi32, #tpu.memory_space<vmem>> -> memref<40xi32, #tpu.memory_space<vmem>>
      %dma_wait3A_270 = tpu.memref_slice %arg5[%add3A_102] : memref<160000xi32, #tpu.memory_space<hbm>> -> memref<40xi32, #tpu.memory_space<hbm>>
      %dma_wait3A_271 = arith.constant 0 : i32
      %dma_wait3A_272 = tpu.memref_slice %arg10[%dma_wait3A_266, %dma_wait3A_271] : memref<4x40xi32, #tpu.memory_space<vmem>> -> memref<1x40xi32, #tpu.memory_space<vmem>>
      %dma_wait3A_273 = tpu.memref_squeeze %dma_wait3A_272 : memref<1x40xi32, #tpu.memory_space<vmem>> -> memref<40xi32, #tpu.memory_space<vmem>>
      %dma_wait3A_274 = tpu.memref_slice %arg5[%add3A_102] : memref<160000xi32, #tpu.memory_space<hbm>> -> memref<40xi32, #tpu.memory_space<hbm>>
      tpu.wait_dma2 semaphore(%arg15 : memref<!tpu.dma_semaphore, #tpu.memory_space<semaphore_mem>>) src(%dma_wait3A_274 : memref<40xi32, #tpu.memory_space<hbm>>) dst(%dma_wait3A_273 : memref<40xi32, #tpu.memory_space<vmem>>)
      %dma_start3A_275 = arith.constant 0 : i32
      %dma_start3A_276 = arith.constant 0 : i32
      %dma_start3A_277 = arith.constant 0 : i32
      %dma_start3A_278 = arith.constant 0 : i32
      %dma_start3A_279 = tpu.memref_slice %arg11[%dma_start3A_276, %dma_start3A_277, %dma_start3A_278] : memref<4x40x128xf32, #tpu.memory_space<vmem>> -> memref<1x40x128xf32, #tpu.memory_space<vmem>>
      %dma_start3A_280 = tpu.memref_squeeze %dma_start3A_279 : memref<1x40x128xf32, #tpu.memory_space<vmem>> -> memref<40x128xf32, #tpu.memory_space<vmem>>
      %dma_start3A_281 = arith.constant 0 : i32
      %dma_start3A_282 = tpu.memref_slice %arg9[%dma_start3A_275, %dma_start3A_281] : memref<4x40xi32, #tpu.memory_space<vmem>> -> memref<1x40xi32, #tpu.memory_space<vmem>>
      %dma_start3A_283 = tpu.memref_squeeze %dma_start3A_282 : memref<1x40xi32, #tpu.memory_space<vmem>> -> memref<40xi32, #tpu.memory_space<vmem>>
      %dma_start3A_284 = arith.constant 0 : i32
      %dma_start3A_285 = arith.constant 0 : i32
      %dma_start3A_286 = tpu.memref_slice %arg2[%dma_start3A_284, %dma_start3A_285] : memref<20000x128xf32, #tpu.memory_space<hbm>> -> memref<20000x128xf32, #tpu.memory_space<hbm>>
      tpu.enqueue_indirect_dma source(%dma_start3A_286 : memref<20000x128xf32, #tpu.memory_space<hbm>>) target(%dma_start3A_280 : memref<40x128xf32, #tpu.memory_space<vmem>>) offsets(%dma_start3A_283 : memref<40xi32, #tpu.memory_space<vmem>>) semaphore(%arg23 : memref<!tpu.dma_semaphore, #tpu.memory_space<semaphore_mem>>)
      %dma_wait3A_287 = arith.constant 1 : i32
      %dma_wait3A_288 = arith.constant 0 : i32
      %dma_wait3A_289 = tpu.memref_slice %arg9[%dma_wait3A_287, %dma_wait3A_288] : memref<4x40xi32, #tpu.memory_space<vmem>> -> memref<1x40xi32, #tpu.memory_space<vmem>>
      %dma_wait3A_290 = tpu.memref_squeeze %dma_wait3A_289 : memref<1x40xi32, #tpu.memory_space<vmem>> -> memref<40xi32, #tpu.memory_space<vmem>>
      %dma_wait3A_291 = tpu.memref_slice %arg4[%add3A_144] : memref<320000xi32, #tpu.memory_space<hbm>> -> memref<40xi32, #tpu.memory_space<hbm>>
      %dma_wait3A_292 = arith.constant 0 : i32
      %dma_wait3A_293 = tpu.memref_slice %arg9[%dma_wait3A_287, %dma_wait3A_292] : memref<4x40xi32, #tpu.memory_space<vmem>> -> memref<1x40xi32, #tpu.memory_space<vmem>>
      %dma_wait3A_294 = tpu.memref_squeeze %dma_wait3A_293 : memref<1x40xi32, #tpu.memory_space<vmem>> -> memref<40xi32, #tpu.memory_space<vmem>>
      %dma_wait3A_295 = tpu.memref_slice %arg4[%add3A_144] : memref<320000xi32, #tpu.memory_space<hbm>> -> memref<40xi32, #tpu.memory_space<hbm>>
      tpu.wait_dma2 semaphore(%arg16 : memref<!tpu.dma_semaphore, #tpu.memory_space<semaphore_mem>>) src(%dma_wait3A_295 : memref<40xi32, #tpu.memory_space<hbm>>) dst(%dma_wait3A_294 : memref<40xi32, #tpu.memory_space<vmem>>)
      %dma_wait3A_296 = arith.constant 1 : i32
      %dma_wait3A_297 = arith.constant 0 : i32
      %dma_wait3A_298 = tpu.memref_slice %arg10[%dma_wait3A_296, %dma_wait3A_297] : memref<4x40xi32, #tpu.memory_space<vmem>> -> memref<1x40xi32, #tpu.memory_space<vmem>>
      %dma_wait3A_299 = tpu.memref_squeeze %dma_wait3A_298 : memref<1x40xi32, #tpu.memory_space<vmem>> -> memref<40xi32, #tpu.memory_space<vmem>>
      %dma_wait3A_300 = tpu.memref_slice %arg5[%add3A_141] : memref<160000xi32, #tpu.memory_space<hbm>> -> memref<40xi32, #tpu.memory_space<hbm>>
      %dma_wait3A_301 = arith.constant 0 : i32
      %dma_wait3A_302 = tpu.memref_slice %arg10[%dma_wait3A_296, %dma_wait3A_301] : memref<4x40xi32, #tpu.memory_space<vmem>> -> memref<1x40xi32, #tpu.memory_space<vmem>>
      %dma_wait3A_303 = tpu.memref_squeeze %dma_wait3A_302 : memref<1x40xi32, #tpu.memory_space<vmem>> -> memref<40xi32, #tpu.memory_space<vmem>>
      %dma_wait3A_304 = tpu.memref_slice %arg5[%add3A_141] : memref<160000xi32, #tpu.memory_space<hbm>> -> memref<40xi32, #tpu.memory_space<hbm>>
      tpu.wait_dma2 semaphore(%arg16 : memref<!tpu.dma_semaphore, #tpu.memory_space<semaphore_mem>>) src(%dma_wait3A_304 : memref<40xi32, #tpu.memory_space<hbm>>) dst(%dma_wait3A_303 : memref<40xi32, #tpu.memory_space<vmem>>)
      %dma_start3A_305 = arith.constant 1 : i32
      %dma_start3A_306 = arith.constant 1 : i32
      %dma_start3A_307 = arith.constant 0 : i32
      %dma_start3A_308 = arith.constant 0 : i32
      %dma_start3A_309 = tpu.memref_slice %arg11[%dma_start3A_306, %dma_start3A_307, %dma_start3A_308] : memref<4x40x128xf32, #tpu.memory_space<vmem>> -> memref<1x40x128xf32, #tpu.memory_space<vmem>>
      %dma_start3A_310 = tpu.memref_squeeze %dma_start3A_309 : memref<1x40x128xf32, #tpu.memory_space<vmem>> -> memref<40x128xf32, #tpu.memory_space<vmem>>
      %dma_start3A_311 = arith.constant 0 : i32
      %dma_start3A_312 = tpu.memref_slice %arg9[%dma_start3A_305, %dma_start3A_311] : memref<4x40xi32, #tpu.memory_space<vmem>> -> memref<1x40xi32, #tpu.memory_space<vmem>>
      %dma_start3A_313 = tpu.memref_squeeze %dma_start3A_312 : memref<1x40xi32, #tpu.memory_space<vmem>> -> memref<40xi32, #tpu.memory_space<vmem>>
      %dma_start3A_314 = arith.constant 0 : i32
      %dma_start3A_315 = arith.constant 0 : i32
      %dma_start3A_316 = tpu.memref_slice %arg2[%dma_start3A_314, %dma_start3A_315] : memref<20000x128xf32, #tpu.memory_space<hbm>> -> memref<20000x128xf32, #tpu.memory_space<hbm>>
      tpu.enqueue_indirect_dma source(%dma_start3A_316 : memref<20000x128xf32, #tpu.memory_space<hbm>>) target(%dma_start3A_310 : memref<40x128xf32, #tpu.memory_space<vmem>>) offsets(%dma_start3A_313 : memref<40xi32, #tpu.memory_space<vmem>>) semaphore(%arg24 : memref<!tpu.dma_semaphore, #tpu.memory_space<semaphore_mem>>)
      %dma_wait3A_317 = arith.constant 2 : i32
      %dma_wait3A_318 = arith.constant 0 : i32
      %dma_wait3A_319 = tpu.memref_slice %arg9[%dma_wait3A_317, %dma_wait3A_318] : memref<4x40xi32, #tpu.memory_space<vmem>> -> memref<1x40xi32, #tpu.memory_space<vmem>>
      %dma_wait3A_320 = tpu.memref_squeeze %dma_wait3A_319 : memref<1x40xi32, #tpu.memory_space<vmem>> -> memref<40xi32, #tpu.memory_space<vmem>>
      %dma_wait3A_321 = tpu.memref_slice %arg4[%add3A_183] : memref<320000xi32, #tpu.memory_space<hbm>> -> memref<40xi32, #tpu.memory_space<hbm>>
      %dma_wait3A_322 = arith.constant 0 : i32
      %dma_wait3A_323 = tpu.memref_slice %arg9[%dma_wait3A_317, %dma_wait3A_322] : memref<4x40xi32, #tpu.memory_space<vmem>> -> memref<1x40xi32, #tpu.memory_space<vmem>>
      %dma_wait3A_324 = tpu.memref_squeeze %dma_wait3A_323 : memref<1x40xi32, #tpu.memory_space<vmem>> -> memref<40xi32, #tpu.memory_space<vmem>>
      %dma_wait3A_325 = tpu.memref_slice %arg4[%add3A_183] : memref<320000xi32, #tpu.memory_space<hbm>> -> memref<40xi32, #tpu.memory_space<hbm>>
      tpu.wait_dma2 semaphore(%arg17 : memref<!tpu.dma_semaphore, #tpu.memory_space<semaphore_mem>>) src(%dma_wait3A_325 : memref<40xi32, #tpu.memory_space<hbm>>) dst(%dma_wait3A_324 : memref<40xi32, #tpu.memory_space<vmem>>)
      %dma_wait3A_326 = arith.constant 2 : i32
      %dma_wait3A_327 = arith.constant 0 : i32
      %dma_wait3A_328 = tpu.memref_slice %arg10[%dma_wait3A_326, %dma_wait3A_327] : memref<4x40xi32, #tpu.memory_space<vmem>> -> memref<1x40xi32, #tpu.memory_space<vmem>>
      %dma_wait3A_329 = tpu.memref_squeeze %dma_wait3A_328 : memref<1x40xi32, #tpu.memory_space<vmem>> -> memref<40xi32, #tpu.memory_space<vmem>>
      %dma_wait3A_330 = tpu.memref_slice %arg5[%add3A_180] : memref<160000xi32, #tpu.memory_space<hbm>> -> memref<40xi32, #tpu.memory_space<hbm>>
      %dma_wait3A_331 = arith.constant 0 : i32
      %dma_wait3A_332 = tpu.memref_slice %arg10[%dma_wait3A_326, %dma_wait3A_331] : memref<4x40xi32, #tpu.memory_space<vmem>> -> memref<1x40xi32, #tpu.memory_space<vmem>>
      %dma_wait3A_333 = tpu.memref_squeeze %dma_wait3A_332 : memref<1x40xi32, #tpu.memory_space<vmem>> -> memref<40xi32, #tpu.memory_space<vmem>>
      %dma_wait3A_334 = tpu.memref_slice %arg5[%add3A_180] : memref<160000xi32, #tpu.memory_space<hbm>> -> memref<40xi32, #tpu.memory_space<hbm>>
      tpu.wait_dma2 semaphore(%arg17 : memref<!tpu.dma_semaphore, #tpu.memory_space<semaphore_mem>>) src(%dma_wait3A_334 : memref<40xi32, #tpu.memory_space<hbm>>) dst(%dma_wait3A_333 : memref<40xi32, #tpu.memory_space<vmem>>)
      %dma_start3A_335 = arith.constant 2 : i32
      %dma_start3A_336 = arith.constant 2 : i32
      %dma_start3A_337 = arith.constant 0 : i32
      %dma_start3A_338 = arith.constant 0 : i32
      %dma_start3A_339 = tpu.memref_slice %arg11[%dma_start3A_336, %dma_start3A_337, %dma_start3A_338] : memref<4x40x128xf32, #tpu.memory_space<vmem>> -> memref<1x40x128xf32, #tpu.memory_space<vmem>>
      %dma_start3A_340 = tpu.memref_squeeze %dma_start3A_339 : memref<1x40x128xf32, #tpu.memory_space<vmem>> -> memref<40x128xf32, #tpu.memory_space<vmem>>
      %dma_start3A_341 = arith.constant 0 : i32
      %dma_start3A_342 = tpu.memref_slice %arg9[%dma_start3A_335, %dma_start3A_341] : memref<4x40xi32, #tpu.memory_space<vmem>> -> memref<1x40xi32, #tpu.memory_space<vmem>>
      %dma_start3A_343 = tpu.memref_squeeze %dma_start3A_342 : memref<1x40xi32, #tpu.memory_space<vmem>> -> memref<40xi32, #tpu.memory_space<vmem>>
      %dma_start3A_344 = arith.constant 0 : i32
      %dma_start3A_345 = arith.constant 0 : i32
      %dma_start3A_346 = tpu.memref_slice %arg2[%dma_start3A_344, %dma_start3A_345] : memref<20000x128xf32, #tpu.memory_space<hbm>> -> memref<20000x128xf32, #tpu.memory_space<hbm>>
      tpu.enqueue_indirect_dma source(%dma_start3A_346 : memref<20000x128xf32, #tpu.memory_space<hbm>>) target(%dma_start3A_340 : memref<40x128xf32, #tpu.memory_space<vmem>>) offsets(%dma_start3A_343 : memref<40xi32, #tpu.memory_space<vmem>>) semaphore(%arg25 : memref<!tpu.dma_semaphore, #tpu.memory_space<semaphore_mem>>)
      %dma_wait3A_347 = arith.constant 3 : i32
      %dma_wait3A_348 = arith.constant 0 : i32
      %dma_wait3A_349 = tpu.memref_slice %arg9[%dma_wait3A_347, %dma_wait3A_348] : memref<4x40xi32, #tpu.memory_space<vmem>> -> memref<1x40xi32, #tpu.memory_space<vmem>>
      %dma_wait3A_350 = tpu.memref_squeeze %dma_wait3A_349 : memref<1x40xi32, #tpu.memory_space<vmem>> -> memref<40xi32, #tpu.memory_space<vmem>>
      %dma_wait3A_351 = tpu.memref_slice %arg4[%add3A_222] : memref<320000xi32, #tpu.memory_space<hbm>> -> memref<40xi32, #tpu.memory_space<hbm>>
      %dma_wait3A_352 = arith.constant 0 : i32
      %dma_wait3A_353 = tpu.memref_slice %arg9[%dma_wait3A_347, %dma_wait3A_352] : memref<4x40xi32, #tpu.memory_space<vmem>> -> memref<1x40xi32, #tpu.memory_space<vmem>>
      %dma_wait3A_354 = tpu.memref_squeeze %dma_wait3A_353 : memref<1x40xi32, #tpu.memory_space<vmem>> -> memref<40xi32, #tpu.memory_space<vmem>>
      %dma_wait3A_355 = tpu.memref_slice %arg4[%add3A_222] : memref<320000xi32, #tpu.memory_space<hbm>> -> memref<40xi32, #tpu.memory_space<hbm>>
      tpu.wait_dma2 semaphore(%arg18 : memref<!tpu.dma_semaphore, #tpu.memory_space<semaphore_mem>>) src(%dma_wait3A_355 : memref<40xi32, #tpu.memory_space<hbm>>) dst(%dma_wait3A_354 : memref<40xi32, #tpu.memory_space<vmem>>)
      %dma_wait3A_356 = arith.constant 3 : i32
      %dma_wait3A_357 = arith.constant 0 : i32
      %dma_wait3A_358 = tpu.memref_slice %arg10[%dma_wait3A_356, %dma_wait3A_357] : memref<4x40xi32, #tpu.memory_space<vmem>> -> memref<1x40xi32, #tpu.memory_space<vmem>>
      %dma_wait3A_359 = tpu.memref_squeeze %dma_wait3A_358 : memref<1x40xi32, #tpu.memory_space<vmem>> -> memref<40xi32, #tpu.memory_space<vmem>>
      %dma_wait3A_360 = tpu.memref_slice %arg5[%add3A_219] : memref<160000xi32, #tpu.memory_space<hbm>> -> memref<40xi32, #tpu.memory_space<hbm>>
      %dma_wait3A_361 = arith.constant 0 : i32
      %dma_wait3A_362 = tpu.memref_slice %arg10[%dma_wait3A_356, %dma_wait3A_361] : memref<4x40xi32, #tpu.memory_space<vmem>> -> memref<1x40xi32, #tpu.memory_space<vmem>>
      %dma_wait3A_363 = tpu.memref_squeeze %dma_wait3A_362 : memref<1x40xi32, #tpu.memory_space<vmem>> -> memref<40xi32, #tpu.memory_space<vmem>>
      %dma_wait3A_364 = tpu.memref_slice %arg5[%add3A_219] : memref<160000xi32, #tpu.memory_space<hbm>> -> memref<40xi32, #tpu.memory_space<hbm>>
      tpu.wait_dma2 semaphore(%arg18 : memref<!tpu.dma_semaphore, #tpu.memory_space<semaphore_mem>>) src(%dma_wait3A_364 : memref<40xi32, #tpu.memory_space<hbm>>) dst(%dma_wait3A_363 : memref<40xi32, #tpu.memory_space<vmem>>)
      %dma_start3A_365 = arith.constant 3 : i32
      %dma_start3A_366 = arith.constant 3 : i32
      %dma_start3A_367 = arith.constant 0 : i32
      %dma_start3A_368 = arith.constant 0 : i32
      %dma_start3A_369 = tpu.memref_slice %arg11[%dma_start3A_366, %dma_start3A_367, %dma_start3A_368] : memref<4x40x128xf32, #tpu.memory_space<vmem>> -> memref<1x40x128xf32, #tpu.memory_space<vmem>>
      %dma_start3A_370 = tpu.memref_squeeze %dma_start3A_369 : memref<1x40x128xf32, #tpu.memory_space<vmem>> -> memref<40x128xf32, #tpu.memory_space<vmem>>
      %dma_start3A_371 = arith.constant 0 : i32
      %dma_start3A_372 = tpu.memref_slice %arg9[%dma_start3A_365, %dma_start3A_371] : memref<4x40xi32, #tpu.memory_space<vmem>> -> memref<1x40xi32, #tpu.memory_space<vmem>>
      %dma_start3A_373 = tpu.memref_squeeze %dma_start3A_372 : memref<1x40xi32, #tpu.memory_space<vmem>> -> memref<40xi32, #tpu.memory_space<vmem>>
      %dma_start3A_374 = arith.constant 0 : i32
      %dma_start3A_375 = arith.constant 0 : i32
      %dma_start3A_376 = tpu.memref_slice %arg2[%dma_start3A_374, %dma_start3A_375] : memref<20000x128xf32, #tpu.memory_space<hbm>> -> memref<20000x128xf32, #tpu.memory_space<hbm>>
      tpu.enqueue_indirect_dma source(%dma_start3A_376 : memref<20000x128xf32, #tpu.memory_space<hbm>>) target(%dma_start3A_370 : memref<40x128xf32, #tpu.memory_space<vmem>>) offsets(%dma_start3A_373 : memref<40xi32, #tpu.memory_space<vmem>>) semaphore(%arg26 : memref<!tpu.dma_semaphore, #tpu.memory_space<semaphore_mem>>)
      %dma_wait3A_377 = arith.constant 0 : i32
      %dma_wait3A_378 = arith.constant 0 : i32
      %dma_wait3A_379 = arith.constant 0 : i32
      %dma_wait3A_380 = arith.constant 0 : i32
      %dma_wait3A_381 = tpu.memref_slice %arg11[%dma_wait3A_378, %dma_wait3A_379, %dma_wait3A_380] : memref<4x40x128xf32, #tpu.memory_space<vmem>> -> memref<1x40x128xf32, #tpu.memory_space<vmem>>
      %dma_wait3A_382 = tpu.memref_squeeze %dma_wait3A_381 : memref<1x40x128xf32, #tpu.memory_space<vmem>> -> memref<40x128xf32, #tpu.memory_space<vmem>>
      %dma_wait3A_383 = arith.constant 0 : i32
      %dma_wait3A_384 = tpu.memref_slice %arg9[%dma_wait3A_377, %dma_wait3A_383] : memref<4x40xi32, #tpu.memory_space<vmem>> -> memref<1x40xi32, #tpu.memory_space<vmem>>
      %dma_wait3A_385 = tpu.memref_squeeze %dma_wait3A_384 : memref<1x40xi32, #tpu.memory_space<vmem>> -> memref<40xi32, #tpu.memory_space<vmem>>
      %dma_wait3A_386 = arith.constant 0 : i32
      %dma_wait3A_387 = arith.constant 0 : i32
      %dma_wait3A_388 = tpu.memref_slice %arg2[%dma_wait3A_386, %dma_wait3A_387] : memref<20000x128xf32, #tpu.memory_space<hbm>> -> memref<20000x128xf32, #tpu.memory_space<hbm>>
      tpu.wait_indirect_dma semaphore(%arg23 : memref<!tpu.dma_semaphore, #tpu.memory_space<semaphore_mem>>) src(%dma_wait3A_388 : memref<20000x128xf32, #tpu.memory_space<hbm>>) dst(%dma_wait3A_382 : memref<40x128xf32, #tpu.memory_space<vmem>>)
      %dma_wait3A_389 = arith.constant 0 : i32
      %dma_wait3A_390 = arith.constant 0 : i32
      %dma_wait3A_391 = arith.constant 0 : i32
      %dma_wait3A_392 = tpu.memref_slice %arg12[%dma_wait3A_389, %dma_wait3A_390, %dma_wait3A_391] : memref<4x40x128xf32, #tpu.memory_space<vmem>> -> memref<1x40x128xf32, #tpu.memory_space<vmem>>
      %dma_wait3A_393 = tpu.memref_squeeze %dma_wait3A_392 : memref<1x40x128xf32, #tpu.memory_space<vmem>> -> memref<40x128xf32, #tpu.memory_space<vmem>>
      %dma_wait3A_394 = arith.constant 0 : i32
      %dma_wait3A_395 = tpu.memref_slice %arg3[%add3A_126, %dma_wait3A_394] : memref<320000x128xf32, #tpu.memory_space<hbm>> -> memref<40x128xf32, #tpu.memory_space<hbm>>
      %dma_wait3A_396 = arith.constant 0 : i32
      %dma_wait3A_397 = arith.constant 0 : i32
      %dma_wait3A_398 = tpu.memref_slice %arg12[%dma_wait3A_389, %dma_wait3A_396, %dma_wait3A_397] : memref<4x40x128xf32, #tpu.memory_space<vmem>> -> memref<1x40x128xf32, #tpu.memory_space<vmem>>
      %dma_wait3A_399 = tpu.memref_squeeze %dma_wait3A_398 : memref<1x40x128xf32, #tpu.memory_space<vmem>> -> memref<40x128xf32, #tpu.memory_space<vmem>>
      %dma_wait3A_400 = arith.constant 0 : i32
      %dma_wait3A_401 = tpu.memref_slice %arg3[%add3A_126, %dma_wait3A_400] : memref<320000x128xf32, #tpu.memory_space<hbm>> -> memref<40x128xf32, #tpu.memory_space<hbm>>
      tpu.wait_dma2 semaphore(%arg19 : memref<!tpu.dma_semaphore, #tpu.memory_space<semaphore_mem>>) src(%dma_wait3A_401 : memref<40x128xf32, #tpu.memory_space<hbm>>) dst(%dma_wait3A_399 : memref<40x128xf32, #tpu.memory_space<vmem>>)
      %dma_start3A_402 = arith.constant 0 : i32
      %dma_start3A_403 = arith.constant 0 : i32
      %dma_start3A_404 = arith.constant 0 : i32
      %dma_start3A_405 = arith.constant 0 : i32
      %dma_start3A_406 = tpu.memref_slice %arg11[%dma_start3A_402, %dma_start3A_404, %dma_start3A_405] : memref<4x40x128xf32, #tpu.memory_space<vmem>> -> memref<1x40x128xf32, #tpu.memory_space<vmem>>
      %dma_start3A_407 = tpu.memref_squeeze %dma_start3A_406 : memref<1x40x128xf32, #tpu.memory_space<vmem>> -> memref<40x128xf32, #tpu.memory_space<vmem>>
      %dma_start3A_408 = arith.constant 0 : i32
      %dma_start3A_409 = tpu.memref_slice %arg10[%dma_start3A_403, %dma_start3A_408] : memref<4x40xi32, #tpu.memory_space<vmem>> -> memref<1x40xi32, #tpu.memory_space<vmem>>
      %dma_start3A_410 = tpu.memref_squeeze %dma_start3A_409 : memref<1x40xi32, #tpu.memory_space<vmem>> -> memref<40xi32, #tpu.memory_space<vmem>>
      %dma_start3A_411 = arith.constant 0 : i32
      %dma_start3A_412 = arith.constant 0 : i32
      %dma_start3A_413 = tpu.memref_slice %arg8[%dma_start3A_411, %dma_start3A_412] : memref<10240x128xf32, #tpu.memory_space<vmem_shared>> -> memref<10240x128xf32, #tpu.memory_space<vmem_shared>>
      tpu.enqueue_indirect_dma source(%dma_start3A_407 : memref<40x128xf32, #tpu.memory_space<vmem>>) target(%dma_start3A_413 : memref<10240x128xf32, #tpu.memory_space<vmem_shared>>) offsets(%dma_start3A_410 : memref<40xi32, #tpu.memory_space<vmem>>) semaphore(%arg27 : memref<!tpu.dma_semaphore, #tpu.memory_space<semaphore_mem>>) {add = true}
      %dma_start3A_414 = arith.constant 0 : i32
      %dma_start3A_415 = arith.constant 0 : i32
      %dma_start3A_416 = arith.constant 0 : i32
      %dma_start3A_417 = arith.constant 0 : i32
      %dma_start3A_418 = tpu.memref_slice %arg12[%dma_start3A_414, %dma_start3A_416, %dma_start3A_417] : memref<4x40x128xf32, #tpu.memory_space<vmem>> -> memref<1x40x128xf32, #tpu.memory_space<vmem>>
      %dma_start3A_419 = tpu.memref_squeeze %dma_start3A_418 : memref<1x40x128xf32, #tpu.memory_space<vmem>> -> memref<40x128xf32, #tpu.memory_space<vmem>>
      %dma_start3A_420 = arith.constant 0 : i32
      %dma_start3A_421 = tpu.memref_slice %arg10[%dma_start3A_415, %dma_start3A_420] : memref<4x40xi32, #tpu.memory_space<vmem>> -> memref<1x40xi32, #tpu.memory_space<vmem>>
      %dma_start3A_422 = tpu.memref_squeeze %dma_start3A_421 : memref<1x40xi32, #tpu.memory_space<vmem>> -> memref<40xi32, #tpu.memory_space<vmem>>
      %dma_start3A_423 = arith.constant 0 : i32
      %dma_start3A_424 = arith.constant 0 : i32
      %dma_start3A_425 = tpu.memref_slice %arg8[%dma_start3A_423, %dma_start3A_424] : memref<10240x128xf32, #tpu.memory_space<vmem_shared>> -> memref<10240x128xf32, #tpu.memory_space<vmem_shared>>
      tpu.enqueue_indirect_dma source(%dma_start3A_419 : memref<40x128xf32, #tpu.memory_space<vmem>>) target(%dma_start3A_425 : memref<10240x128xf32, #tpu.memory_space<vmem_shared>>) offsets(%dma_start3A_422 : memref<40xi32, #tpu.memory_space<vmem>>) semaphore(%arg27 : memref<!tpu.dma_semaphore, #tpu.memory_space<semaphore_mem>>) {add = true}
      %dma_wait3A_426 = arith.constant 1 : i32
      %dma_wait3A_427 = arith.constant 1 : i32
      %dma_wait3A_428 = arith.constant 0 : i32
      %dma_wait3A_429 = arith.constant 0 : i32
      %dma_wait3A_430 = tpu.memref_slice %arg11[%dma_wait3A_427, %dma_wait3A_428, %dma_wait3A_429] : memref<4x40x128xf32, #tpu.memory_space<vmem>> -> memref<1x40x128xf32, #tpu.memory_space<vmem>>
      %dma_wait3A_431 = tpu.memref_squeeze %dma_wait3A_430 : memref<1x40x128xf32, #tpu.memory_space<vmem>> -> memref<40x128xf32, #tpu.memory_space<vmem>>
      %dma_wait3A_432 = arith.constant 0 : i32
      %dma_wait3A_433 = tpu.memref_slice %arg9[%dma_wait3A_426, %dma_wait3A_432] : memref<4x40xi32, #tpu.memory_space<vmem>> -> memref<1x40xi32, #tpu.memory_space<vmem>>
      %dma_wait3A_434 = tpu.memref_squeeze %dma_wait3A_433 : memref<1x40xi32, #tpu.memory_space<vmem>> -> memref<40xi32, #tpu.memory_space<vmem>>
      %dma_wait3A_435 = arith.constant 0 : i32
      %dma_wait3A_436 = arith.constant 0 : i32
      %dma_wait3A_437 = tpu.memref_slice %arg2[%dma_wait3A_435, %dma_wait3A_436] : memref<20000x128xf32, #tpu.memory_space<hbm>> -> memref<20000x128xf32, #tpu.memory_space<hbm>>
      tpu.wait_indirect_dma semaphore(%arg24 : memref<!tpu.dma_semaphore, #tpu.memory_space<semaphore_mem>>) src(%dma_wait3A_437 : memref<20000x128xf32, #tpu.memory_space<hbm>>) dst(%dma_wait3A_431 : memref<40x128xf32, #tpu.memory_space<vmem>>)
      %dma_wait3A_438 = arith.constant 1 : i32
      %dma_wait3A_439 = arith.constant 0 : i32
      %dma_wait3A_440 = arith.constant 0 : i32
      %dma_wait3A_441 = tpu.memref_slice %arg12[%dma_wait3A_438, %dma_wait3A_439, %dma_wait3A_440] : memref<4x40x128xf32, #tpu.memory_space<vmem>> -> memref<1x40x128xf32, #tpu.memory_space<vmem>>
      %dma_wait3A_442 = tpu.memref_squeeze %dma_wait3A_441 : memref<1x40x128xf32, #tpu.memory_space<vmem>> -> memref<40x128xf32, #tpu.memory_space<vmem>>
      %dma_wait3A_443 = arith.constant 0 : i32
      %dma_wait3A_444 = tpu.memref_slice %arg3[%add3A_165, %dma_wait3A_443] : memref<320000x128xf32, #tpu.memory_space<hbm>> -> memref<40x128xf32, #tpu.memory_space<hbm>>
      %dma_wait3A_445 = arith.constant 0 : i32
      %dma_wait3A_446 = arith.constant 0 : i32
      %dma_wait3A_447 = tpu.memref_slice %arg12[%dma_wait3A_438, %dma_wait3A_445, %dma_wait3A_446] : memref<4x40x128xf32, #tpu.memory_space<vmem>> -> memref<1x40x128xf32, #tpu.memory_space<vmem>>
      %dma_wait3A_448 = tpu.memref_squeeze %dma_wait3A_447 : memref<1x40x128xf32, #tpu.memory_space<vmem>> -> memref<40x128xf32, #tpu.memory_space<vmem>>
      %dma_wait3A_449 = arith.constant 0 : i32
      %dma_wait3A_450 = tpu.memref_slice %arg3[%add3A_165, %dma_wait3A_449] : memref<320000x128xf32, #tpu.memory_space<hbm>> -> memref<40x128xf32, #tpu.memory_space<hbm>>
      tpu.wait_dma2 semaphore(%arg20 : memref<!tpu.dma_semaphore, #tpu.memory_space<semaphore_mem>>) src(%dma_wait3A_450 : memref<40x128xf32, #tpu.memory_space<hbm>>) dst(%dma_wait3A_448 : memref<40x128xf32, #tpu.memory_space<vmem>>)
      %dma_start3A_451 = arith.constant 1 : i32
      %dma_start3A_452 = arith.constant 1 : i32
      %dma_start3A_453 = arith.constant 0 : i32
      %dma_start3A_454 = arith.constant 0 : i32
      %dma_start3A_455 = tpu.memref_slice %arg11[%dma_start3A_451, %dma_start3A_453, %dma_start3A_454] : memref<4x40x128xf32, #tpu.memory_space<vmem>> -> memref<1x40x128xf32, #tpu.memory_space<vmem>>
      %dma_start3A_456 = tpu.memref_squeeze %dma_start3A_455 : memref<1x40x128xf32, #tpu.memory_space<vmem>> -> memref<40x128xf32, #tpu.memory_space<vmem>>
      %dma_start3A_457 = arith.constant 0 : i32
      %dma_start3A_458 = tpu.memref_slice %arg10[%dma_start3A_452, %dma_start3A_457] : memref<4x40xi32, #tpu.memory_space<vmem>> -> memref<1x40xi32, #tpu.memory_space<vmem>>
      %dma_start3A_459 = tpu.memref_squeeze %dma_start3A_458 : memref<1x40xi32, #tpu.memory_space<vmem>> -> memref<40xi32, #tpu.memory_space<vmem>>
      %dma_start3A_460 = arith.constant 0 : i32
      %dma_start3A_461 = arith.constant 0 : i32
      %dma_start3A_462 = tpu.memref_slice %arg8[%dma_start3A_460, %dma_start3A_461] : memref<10240x128xf32, #tpu.memory_space<vmem_shared>> -> memref<10240x128xf32, #tpu.memory_space<vmem_shared>>
      tpu.enqueue_indirect_dma source(%dma_start3A_456 : memref<40x128xf32, #tpu.memory_space<vmem>>) target(%dma_start3A_462 : memref<10240x128xf32, #tpu.memory_space<vmem_shared>>) offsets(%dma_start3A_459 : memref<40xi32, #tpu.memory_space<vmem>>) semaphore(%arg27 : memref<!tpu.dma_semaphore, #tpu.memory_space<semaphore_mem>>) {add = true}
      %dma_start3A_463 = arith.constant 1 : i32
      %dma_start3A_464 = arith.constant 1 : i32
      %dma_start3A_465 = arith.constant 0 : i32
      %dma_start3A_466 = arith.constant 0 : i32
      %dma_start3A_467 = tpu.memref_slice %arg12[%dma_start3A_463, %dma_start3A_465, %dma_start3A_466] : memref<4x40x128xf32, #tpu.memory_space<vmem>> -> memref<1x40x128xf32, #tpu.memory_space<vmem>>
      %dma_start3A_468 = tpu.memref_squeeze %dma_start3A_467 : memref<1x40x128xf32, #tpu.memory_space<vmem>> -> memref<40x128xf32, #tpu.memory_space<vmem>>
      %dma_start3A_469 = arith.constant 0 : i32
      %dma_start3A_470 = tpu.memref_slice %arg10[%dma_start3A_464, %dma_start3A_469] : memref<4x40xi32, #tpu.memory_space<vmem>> -> memref<1x40xi32, #tpu.memory_space<vmem>>
      %dma_start3A_471 = tpu.memref_squeeze %dma_start3A_470 : memref<1x40xi32, #tpu.memory_space<vmem>> -> memref<40xi32, #tpu.memory_space<vmem>>
      %dma_start3A_472 = arith.constant 0 : i32
      %dma_start3A_473 = arith.constant 0 : i32
      %dma_start3A_474 = tpu.memref_slice %arg8[%dma_start3A_472, %dma_start3A_473] : memref<10240x128xf32, #tpu.memory_space<vmem_shared>> -> memref<10240x128xf32, #tpu.memory_space<vmem_shared>>
      tpu.enqueue_indirect_dma source(%dma_start3A_468 : memref<40x128xf32, #tpu.memory_space<vmem>>) target(%dma_start3A_474 : memref<10240x128xf32, #tpu.memory_space<vmem_shared>>) offsets(%dma_start3A_471 : memref<40xi32, #tpu.memory_space<vmem>>) semaphore(%arg27 : memref<!tpu.dma_semaphore, #tpu.memory_space<semaphore_mem>>) {add = true}
      %dma_wait3A_475 = arith.constant 2 : i32
      %dma_wait3A_476 = arith.constant 2 : i32
      %dma_wait3A_477 = arith.constant 0 : i32
      %dma_wait3A_478 = arith.constant 0 : i32
      %dma_wait3A_479 = tpu.memref_slice %arg11[%dma_wait3A_476, %dma_wait3A_477, %dma_wait3A_478] : memref<4x40x128xf32, #tpu.memory_space<vmem>> -> memref<1x40x128xf32, #tpu.memory_space<vmem>>
      %dma_wait3A_480 = tpu.memref_squeeze %dma_wait3A_479 : memref<1x40x128xf32, #tpu.memory_space<vmem>> -> memref<40x128xf32, #tpu.memory_space<vmem>>
      %dma_wait3A_481 = arith.constant 0 : i32
      %dma_wait3A_482 = tpu.memref_slice %arg9[%dma_wait3A_475, %dma_wait3A_481] : memref<4x40xi32, #tpu.memory_space<vmem>> -> memref<1x40xi32, #tpu.memory_space<vmem>>
      %dma_wait3A_483 = tpu.memref_squeeze %dma_wait3A_482 : memref<1x40xi32, #tpu.memory_space<vmem>> -> memref<40xi32, #tpu.memory_space<vmem>>
      %dma_wait3A_484 = arith.constant 0 : i32
      %dma_wait3A_485 = arith.constant 0 : i32
      %dma_wait3A_486 = tpu.memref_slice %arg2[%dma_wait3A_484, %dma_wait3A_485] : memref<20000x128xf32, #tpu.memory_space<hbm>> -> memref<20000x128xf32, #tpu.memory_space<hbm>>
      tpu.wait_indirect_dma semaphore(%arg25 : memref<!tpu.dma_semaphore, #tpu.memory_space<semaphore_mem>>) src(%dma_wait3A_486 : memref<20000x128xf32, #tpu.memory_space<hbm>>) dst(%dma_wait3A_480 : memref<40x128xf32, #tpu.memory_space<vmem>>)
      %dma_wait3A_487 = arith.constant 2 : i32
      %dma_wait3A_488 = arith.constant 0 : i32
      %dma_wait3A_489 = arith.constant 0 : i32
      %dma_wait3A_490 = tpu.memref_slice %arg12[%dma_wait3A_487, %dma_wait3A_488, %dma_wait3A_489] : memref<4x40x128xf32, #tpu.memory_space<vmem>> -> memref<1x40x128xf32, #tpu.memory_space<vmem>>
      %dma_wait3A_491 = tpu.memref_squeeze %dma_wait3A_490 : memref<1x40x128xf32, #tpu.memory_space<vmem>> -> memref<40x128xf32, #tpu.memory_space<vmem>>
      %dma_wait3A_492 = arith.constant 0 : i32
      %dma_wait3A_493 = tpu.memref_slice %arg3[%add3A_204, %dma_wait3A_492] : memref<320000x128xf32, #tpu.memory_space<hbm>> -> memref<40x128xf32, #tpu.memory_space<hbm>>
      %dma_wait3A_494 = arith.constant 0 : i32
      %dma_wait3A_495 = arith.constant 0 : i32
      %dma_wait3A_496 = tpu.memref_slice %arg12[%dma_wait3A_487, %dma_wait3A_494, %dma_wait3A_495] : memref<4x40x128xf32, #tpu.memory_space<vmem>> -> memref<1x40x128xf32, #tpu.memory_space<vmem>>
      %dma_wait3A_497 = tpu.memref_squeeze %dma_wait3A_496 : memref<1x40x128xf32, #tpu.memory_space<vmem>> -> memref<40x128xf32, #tpu.memory_space<vmem>>
      %dma_wait3A_498 = arith.constant 0 : i32
      %dma_wait3A_499 = tpu.memref_slice %arg3[%add3A_204, %dma_wait3A_498] : memref<320000x128xf32, #tpu.memory_space<hbm>> -> memref<40x128xf32, #tpu.memory_space<hbm>>
      tpu.wait_dma2 semaphore(%arg21 : memref<!tpu.dma_semaphore, #tpu.memory_space<semaphore_mem>>) src(%dma_wait3A_499 : memref<40x128xf32, #tpu.memory_space<hbm>>) dst(%dma_wait3A_497 : memref<40x128xf32, #tpu.memory_space<vmem>>)
      %dma_start3A_500 = arith.constant 2 : i32
      %dma_start3A_501 = arith.constant 2 : i32
      %dma_start3A_502 = arith.constant 0 : i32
      %dma_start3A_503 = arith.constant 0 : i32
      %dma_start3A_504 = tpu.memref_slice %arg11[%dma_start3A_500, %dma_start3A_502, %dma_start3A_503] : memref<4x40x128xf32, #tpu.memory_space<vmem>> -> memref<1x40x128xf32, #tpu.memory_space<vmem>>
      %dma_start3A_505 = tpu.memref_squeeze %dma_start3A_504 : memref<1x40x128xf32, #tpu.memory_space<vmem>> -> memref<40x128xf32, #tpu.memory_space<vmem>>
      %dma_start3A_506 = arith.constant 0 : i32
      %dma_start3A_507 = tpu.memref_slice %arg10[%dma_start3A_501, %dma_start3A_506] : memref<4x40xi32, #tpu.memory_space<vmem>> -> memref<1x40xi32, #tpu.memory_space<vmem>>
      %dma_start3A_508 = tpu.memref_squeeze %dma_start3A_507 : memref<1x40xi32, #tpu.memory_space<vmem>> -> memref<40xi32, #tpu.memory_space<vmem>>
      %dma_start3A_509 = arith.constant 0 : i32
      %dma_start3A_510 = arith.constant 0 : i32
      %dma_start3A_511 = tpu.memref_slice %arg8[%dma_start3A_509, %dma_start3A_510] : memref<10240x128xf32, #tpu.memory_space<vmem_shared>> -> memref<10240x128xf32, #tpu.memory_space<vmem_shared>>
      tpu.enqueue_indirect_dma source(%dma_start3A_505 : memref<40x128xf32, #tpu.memory_space<vmem>>) target(%dma_start3A_511 : memref<10240x128xf32, #tpu.memory_space<vmem_shared>>) offsets(%dma_start3A_508 : memref<40xi32, #tpu.memory_space<vmem>>) semaphore(%arg27 : memref<!tpu.dma_semaphore, #tpu.memory_space<semaphore_mem>>) {add = true}
      %dma_start3A_512 = arith.constant 2 : i32
      %dma_start3A_513 = arith.constant 2 : i32
      %dma_start3A_514 = arith.constant 0 : i32
      %dma_start3A_515 = arith.constant 0 : i32
      %dma_start3A_516 = tpu.memref_slice %arg12[%dma_start3A_512, %dma_start3A_514, %dma_start3A_515] : memref<4x40x128xf32, #tpu.memory_space<vmem>> -> memref<1x40x128xf32, #tpu.memory_space<vmem>>
      %dma_start3A_517 = tpu.memref_squeeze %dma_start3A_516 : memref<1x40x128xf32, #tpu.memory_space<vmem>> -> memref<40x128xf32, #tpu.memory_space<vmem>>
      %dma_start3A_518 = arith.constant 0 : i32
      %dma_start3A_519 = tpu.memref_slice %arg10[%dma_start3A_513, %dma_start3A_518] : memref<4x40xi32, #tpu.memory_space<vmem>> -> memref<1x40xi32, #tpu.memory_space<vmem>>
      %dma_start3A_520 = tpu.memref_squeeze %dma_start3A_519 : memref<1x40xi32, #tpu.memory_space<vmem>> -> memref<40xi32, #tpu.memory_space<vmem>>
      %dma_start3A_521 = arith.constant 0 : i32
      %dma_start3A_522 = arith.constant 0 : i32
      %dma_start3A_523 = tpu.memref_slice %arg8[%dma_start3A_521, %dma_start3A_522] : memref<10240x128xf32, #tpu.memory_space<vmem_shared>> -> memref<10240x128xf32, #tpu.memory_space<vmem_shared>>
      tpu.enqueue_indirect_dma source(%dma_start3A_517 : memref<40x128xf32, #tpu.memory_space<vmem>>) target(%dma_start3A_523 : memref<10240x128xf32, #tpu.memory_space<vmem_shared>>) offsets(%dma_start3A_520 : memref<40xi32, #tpu.memory_space<vmem>>) semaphore(%arg27 : memref<!tpu.dma_semaphore, #tpu.memory_space<semaphore_mem>>) {add = true}
      %dma_wait3A_524 = arith.constant 3 : i32
      %dma_wait3A_525 = arith.constant 3 : i32
      %dma_wait3A_526 = arith.constant 0 : i32
      %dma_wait3A_527 = arith.constant 0 : i32
      %dma_wait3A_528 = tpu.memref_slice %arg11[%dma_wait3A_525, %dma_wait3A_526, %dma_wait3A_527] : memref<4x40x128xf32, #tpu.memory_space<vmem>> -> memref<1x40x128xf32, #tpu.memory_space<vmem>>
      %dma_wait3A_529 = tpu.memref_squeeze %dma_wait3A_528 : memref<1x40x128xf32, #tpu.memory_space<vmem>> -> memref<40x128xf32, #tpu.memory_space<vmem>>
      %dma_wait3A_530 = arith.constant 0 : i32
      %dma_wait3A_531 = tpu.memref_slice %arg9[%dma_wait3A_524, %dma_wait3A_530] : memref<4x40xi32, #tpu.memory_space<vmem>> -> memref<1x40xi32, #tpu.memory_space<vmem>>
      %dma_wait3A_532 = tpu.memref_squeeze %dma_wait3A_531 : memref<1x40xi32, #tpu.memory_space<vmem>> -> memref<40xi32, #tpu.memory_space<vmem>>
      %dma_wait3A_533 = arith.constant 0 : i32
      %dma_wait3A_534 = arith.constant 0 : i32
      %dma_wait3A_535 = tpu.memref_slice %arg2[%dma_wait3A_533, %dma_wait3A_534] : memref<20000x128xf32, #tpu.memory_space<hbm>> -> memref<20000x128xf32, #tpu.memory_space<hbm>>
      tpu.wait_indirect_dma semaphore(%arg26 : memref<!tpu.dma_semaphore, #tpu.memory_space<semaphore_mem>>) src(%dma_wait3A_535 : memref<20000x128xf32, #tpu.memory_space<hbm>>) dst(%dma_wait3A_529 : memref<40x128xf32, #tpu.memory_space<vmem>>)
      %dma_wait3A_536 = arith.constant 3 : i32
      %dma_wait3A_537 = arith.constant 0 : i32
      %dma_wait3A_538 = arith.constant 0 : i32
      %dma_wait3A_539 = tpu.memref_slice %arg12[%dma_wait3A_536, %dma_wait3A_537, %dma_wait3A_538] : memref<4x40x128xf32, #tpu.memory_space<vmem>> -> memref<1x40x128xf32, #tpu.memory_space<vmem>>
      %dma_wait3A_540 = tpu.memref_squeeze %dma_wait3A_539 : memref<1x40x128xf32, #tpu.memory_space<vmem>> -> memref<40x128xf32, #tpu.memory_space<vmem>>
      %dma_wait3A_541 = arith.constant 0 : i32
      %dma_wait3A_542 = tpu.memref_slice %arg3[%add3A_243, %dma_wait3A_541] : memref<320000x128xf32, #tpu.memory_space<hbm>> -> memref<40x128xf32, #tpu.memory_space<hbm>>
      %dma_wait3A_543 = arith.constant 0 : i32
      %dma_wait3A_544 = arith.constant 0 : i32
      %dma_wait3A_545 = tpu.memref_slice %arg12[%dma_wait3A_536, %dma_wait3A_543, %dma_wait3A_544] : memref<4x40x128xf32, #tpu.memory_space<vmem>> -> memref<1x40x128xf32, #tpu.memory_space<vmem>>
      %dma_wait3A_546 = tpu.memref_squeeze %dma_wait3A_545 : memref<1x40x128xf32, #tpu.memory_space<vmem>> -> memref<40x128xf32, #tpu.memory_space<vmem>>
      %dma_wait3A_547 = arith.constant 0 : i32
      %dma_wait3A_548 = tpu.memref_slice %arg3[%add3A_243, %dma_wait3A_547] : memref<320000x128xf32, #tpu.memory_space<hbm>> -> memref<40x128xf32, #tpu.memory_space<hbm>>
      tpu.wait_dma2 semaphore(%arg22 : memref<!tpu.dma_semaphore, #tpu.memory_space<semaphore_mem>>) src(%dma_wait3A_548 : memref<40x128xf32, #tpu.memory_space<hbm>>) dst(%dma_wait3A_546 : memref<40x128xf32, #tpu.memory_space<vmem>>)
      %dma_start3A_549 = arith.constant 3 : i32
      %dma_start3A_550 = arith.constant 3 : i32
      %dma_start3A_551 = arith.constant 0 : i32
      %dma_start3A_552 = arith.constant 0 : i32
      %dma_start3A_553 = tpu.memref_slice %arg11[%dma_start3A_549, %dma_start3A_551, %dma_start3A_552] : memref<4x40x128xf32, #tpu.memory_space<vmem>> -> memref<1x40x128xf32, #tpu.memory_space<vmem>>
      %dma_start3A_554 = tpu.memref_squeeze %dma_start3A_553 : memref<1x40x128xf32, #tpu.memory_space<vmem>> -> memref<40x128xf32, #tpu.memory_space<vmem>>
      %dma_start3A_555 = arith.constant 0 : i32
      %dma_start3A_556 = tpu.memref_slice %arg10[%dma_start3A_550, %dma_start3A_555] : memref<4x40xi32, #tpu.memory_space<vmem>> -> memref<1x40xi32, #tpu.memory_space<vmem>>
      %dma_start3A_557 = tpu.memref_squeeze %dma_start3A_556 : memref<1x40xi32, #tpu.memory_space<vmem>> -> memref<40xi32, #tpu.memory_space<vmem>>
      %dma_start3A_558 = arith.constant 0 : i32
      %dma_start3A_559 = arith.constant 0 : i32
      %dma_start3A_560 = tpu.memref_slice %arg8[%dma_start3A_558, %dma_start3A_559] : memref<10240x128xf32, #tpu.memory_space<vmem_shared>> -> memref<10240x128xf32, #tpu.memory_space<vmem_shared>>
      tpu.enqueue_indirect_dma source(%dma_start3A_554 : memref<40x128xf32, #tpu.memory_space<vmem>>) target(%dma_start3A_560 : memref<10240x128xf32, #tpu.memory_space<vmem_shared>>) offsets(%dma_start3A_557 : memref<40xi32, #tpu.memory_space<vmem>>) semaphore(%arg27 : memref<!tpu.dma_semaphore, #tpu.memory_space<semaphore_mem>>) {add = true}
      %dma_start3A_561 = arith.constant 3 : i32
      %dma_start3A_562 = arith.constant 3 : i32
      %dma_start3A_563 = arith.constant 0 : i32
      %dma_start3A_564 = arith.constant 0 : i32
      %dma_start3A_565 = tpu.memref_slice %arg12[%dma_start3A_561, %dma_start3A_563, %dma_start3A_564] : memref<4x40x128xf32, #tpu.memory_space<vmem>> -> memref<1x40x128xf32, #tpu.memory_space<vmem>>
      %dma_start3A_566 = tpu.memref_squeeze %dma_start3A_565 : memref<1x40x128xf32, #tpu.memory_space<vmem>> -> memref<40x128xf32, #tpu.memory_space<vmem>>
      %dma_start3A_567 = arith.constant 0 : i32
      %dma_start3A_568 = tpu.memref_slice %arg10[%dma_start3A_562, %dma_start3A_567] : memref<4x40xi32, #tpu.memory_space<vmem>> -> memref<1x40xi32, #tpu.memory_space<vmem>>
      %dma_start3A_569 = tpu.memref_squeeze %dma_start3A_568 : memref<1x40xi32, #tpu.memory_space<vmem>> -> memref<40xi32, #tpu.memory_space<vmem>>
      %dma_start3A_570 = arith.constant 0 : i32
      %dma_start3A_571 = arith.constant 0 : i32
      %dma_start3A_572 = tpu.memref_slice %arg8[%dma_start3A_570, %dma_start3A_571] : memref<10240x128xf32, #tpu.memory_space<vmem_shared>> -> memref<10240x128xf32, #tpu.memory_space<vmem_shared>>
      tpu.enqueue_indirect_dma source(%dma_start3A_566 : memref<40x128xf32, #tpu.memory_space<vmem>>) target(%dma_start3A_572 : memref<10240x128xf32, #tpu.memory_space<vmem_shared>>) offsets(%dma_start3A_569 : memref<40xi32, #tpu.memory_space<vmem>>) semaphore(%arg27 : memref<!tpu.dma_semaphore, #tpu.memory_space<semaphore_mem>>) {add = true}
      %dma_wait3A_573 = arith.constant 0 : i32
      %dma_wait3A_574 = arith.constant 0 : i32
      %dma_wait3A_575 = arith.constant 0 : i32
      %dma_wait3A_576 = arith.constant 0 : i32
      %dma_wait3A_577 = tpu.memref_slice %arg11[%dma_wait3A_573, %dma_wait3A_575, %dma_wait3A_576] : memref<4x40x128xf32, #tpu.memory_space<vmem>> -> memref<1x40x128xf32, #tpu.memory_space<vmem>>
      %dma_wait3A_578 = tpu.memref_squeeze %dma_wait3A_577 : memref<1x40x128xf32, #tpu.memory_space<vmem>> -> memref<40x128xf32, #tpu.memory_space<vmem>>
      %dma_wait3A_579 = arith.constant 0 : i32
      %dma_wait3A_580 = tpu.memref_slice %arg10[%dma_wait3A_574, %dma_wait3A_579] : memref<4x40xi32, #tpu.memory_space<vmem>> -> memref<1x40xi32, #tpu.memory_space<vmem>>
      %dma_wait3A_581 = tpu.memref_squeeze %dma_wait3A_580 : memref<1x40xi32, #tpu.memory_space<vmem>> -> memref<40xi32, #tpu.memory_space<vmem>>
      %dma_wait3A_582 = arith.constant 0 : i32
      %dma_wait3A_583 = arith.constant 0 : i32
      %dma_wait3A_584 = tpu.memref_slice %arg8[%dma_wait3A_582, %dma_wait3A_583] : memref<10240x128xf32, #tpu.memory_space<vmem_shared>> -> memref<10240x128xf32, #tpu.memory_space<vmem_shared>>
      tpu.wait_indirect_dma semaphore(%arg27 : memref<!tpu.dma_semaphore, #tpu.memory_space<semaphore_mem>>) src(%dma_wait3A_578 : memref<40x128xf32, #tpu.memory_space<vmem>>) dst(%dma_wait3A_584 : memref<10240x128xf32, #tpu.memory_space<vmem_shared>>)
      %dma_wait3A_585 = arith.constant 0 : i32
      %dma_wait3A_586 = arith.constant 0 : i32
      %dma_wait3A_587 = arith.constant 0 : i32
      %dma_wait3A_588 = arith.constant 0 : i32
      %dma_wait3A_589 = tpu.memref_slice %arg12[%dma_wait3A_585, %dma_wait3A_587, %dma_wait3A_588] : memref<4x40x128xf32, #tpu.memory_space<vmem>> -> memref<1x40x128xf32, #tpu.memory_space<vmem>>
      %dma_wait3A_590 = tpu.memref_squeeze %dma_wait3A_589 : memref<1x40x128xf32, #tpu.memory_space<vmem>> -> memref<40x128xf32, #tpu.memory_space<vmem>>
      %dma_wait3A_591 = arith.constant 0 : i32
      %dma_wait3A_592 = tpu.memref_slice %arg10[%dma_wait3A_586, %dma_wait3A_591] : memref<4x40xi32, #tpu.memory_space<vmem>> -> memref<1x40xi32, #tpu.memory_space<vmem>>
      %dma_wait3A_593 = tpu.memref_squeeze %dma_wait3A_592 : memref<1x40xi32, #tpu.memory_space<vmem>> -> memref<40xi32, #tpu.memory_space<vmem>>
      %dma_wait3A_594 = arith.constant 0 : i32
      %dma_wait3A_595 = arith.constant 0 : i32
      %dma_wait3A_596 = tpu.memref_slice %arg8[%dma_wait3A_594, %dma_wait3A_595] : memref<10240x128xf32, #tpu.memory_space<vmem_shared>> -> memref<10240x128xf32, #tpu.memory_space<vmem_shared>>
      tpu.wait_indirect_dma semaphore(%arg27 : memref<!tpu.dma_semaphore, #tpu.memory_space<semaphore_mem>>) src(%dma_wait3A_590 : memref<40x128xf32, #tpu.memory_space<vmem>>) dst(%dma_wait3A_596 : memref<10240x128xf32, #tpu.memory_space<vmem_shared>>)
      %dma_wait3A_597 = arith.constant 1 : i32
      %dma_wait3A_598 = arith.constant 1 : i32
      %dma_wait3A_599 = arith.constant 0 : i32
      %dma_wait3A_600 = arith.constant 0 : i32
      %dma_wait3A_601 = tpu.memref_slice %arg11[%dma_wait3A_597, %dma_wait3A_599, %dma_wait3A_600] : memref<4x40x128xf32, #tpu.memory_space<vmem>> -> memref<1x40x128xf32, #tpu.memory_space<vmem>>
      %dma_wait3A_602 = tpu.memref_squeeze %dma_wait3A_601 : memref<1x40x128xf32, #tpu.memory_space<vmem>> -> memref<40x128xf32, #tpu.memory_space<vmem>>
      %dma_wait3A_603 = arith.constant 0 : i32
      %dma_wait3A_604 = tpu.memref_slice %arg10[%dma_wait3A_598, %dma_wait3A_603] : memref<4x40xi32, #tpu.memory_space<vmem>> -> memref<1x40xi32, #tpu.memory_space<vmem>>
      %dma_wait3A_605 = tpu.memref_squeeze %dma_wait3A_604 : memref<1x40xi32, #tpu.memory_space<vmem>> -> memref<40xi32, #tpu.memory_space<vmem>>
      %dma_wait3A_606 = arith.constant 0 : i32
      %dma_wait3A_607 = arith.constant 0 : i32
      %dma_wait3A_608 = tpu.memref_slice %arg8[%dma_wait3A_606, %dma_wait3A_607] : memref<10240x128xf32, #tpu.memory_space<vmem_shared>> -> memref<10240x128xf32, #tpu.memory_space<vmem_shared>>
      tpu.wait_indirect_dma semaphore(%arg27 : memref<!tpu.dma_semaphore, #tpu.memory_space<semaphore_mem>>) src(%dma_wait3A_602 : memref<40x128xf32, #tpu.memory_space<vmem>>) dst(%dma_wait3A_608 : memref<10240x128xf32, #tpu.memory_space<vmem_shared>>)
      %dma_wait3A_609 = arith.constant 1 : i32
      %dma_wait3A_610 = arith.constant 1 : i32
      %dma_wait3A_611 = arith.constant 0 : i32
      %dma_wait3A_612 = arith.constant 0 : i32
      %dma_wait3A_613 = tpu.memref_slice %arg12[%dma_wait3A_609, %dma_wait3A_611, %dma_wait3A_612] : memref<4x40x128xf32, #tpu.memory_space<vmem>> -> memref<1x40x128xf32, #tpu.memory_space<vmem>>
      %dma_wait3A_614 = tpu.memref_squeeze %dma_wait3A_613 : memref<1x40x128xf32, #tpu.memory_space<vmem>> -> memref<40x128xf32, #tpu.memory_space<vmem>>
      %dma_wait3A_615 = arith.constant 0 : i32
      %dma_wait3A_616 = tpu.memref_slice %arg10[%dma_wait3A_610, %dma_wait3A_615] : memref<4x40xi32, #tpu.memory_space<vmem>> -> memref<1x40xi32, #tpu.memory_space<vmem>>
      %dma_wait3A_617 = tpu.memref_squeeze %dma_wait3A_616 : memref<1x40xi32, #tpu.memory_space<vmem>> -> memref<40xi32, #tpu.memory_space<vmem>>
      %dma_wait3A_618 = arith.constant 0 : i32
      %dma_wait3A_619 = arith.constant 0 : i32
      %dma_wait3A_620 = tpu.memref_slice %arg8[%dma_wait3A_618, %dma_wait3A_619] : memref<10240x128xf32, #tpu.memory_space<vmem_shared>> -> memref<10240x128xf32, #tpu.memory_space<vmem_shared>>
      tpu.wait_indirect_dma semaphore(%arg27 : memref<!tpu.dma_semaphore, #tpu.memory_space<semaphore_mem>>) src(%dma_wait3A_614 : memref<40x128xf32, #tpu.memory_space<vmem>>) dst(%dma_wait3A_620 : memref<10240x128xf32, #tpu.memory_space<vmem_shared>>)
      %dma_wait3A_621 = arith.constant 2 : i32
      %dma_wait3A_622 = arith.constant 2 : i32
      %dma_wait3A_623 = arith.constant 0 : i32
      %dma_wait3A_624 = arith.constant 0 : i32
      %dma_wait3A_625 = tpu.memref_slice %arg11[%dma_wait3A_621, %dma_wait3A_623, %dma_wait3A_624] : memref<4x40x128xf32, #tpu.memory_space<vmem>> -> memref<1x40x128xf32, #tpu.memory_space<vmem>>
      %dma_wait3A_626 = tpu.memref_squeeze %dma_wait3A_625 : memref<1x40x128xf32, #tpu.memory_space<vmem>> -> memref<40x128xf32, #tpu.memory_space<vmem>>
      %dma_wait3A_627 = arith.constant 0 : i32
      %dma_wait3A_628 = tpu.memref_slice %arg10[%dma_wait3A_622, %dma_wait3A_627] : memref<4x40xi32, #tpu.memory_space<vmem>> -> memref<1x40xi32, #tpu.memory_space<vmem>>
      %dma_wait3A_629 = tpu.memref_squeeze %dma_wait3A_628 : memref<1x40xi32, #tpu.memory_space<vmem>> -> memref<40xi32, #tpu.memory_space<vmem>>
      %dma_wait3A_630 = arith.constant 0 : i32
      %dma_wait3A_631 = arith.constant 0 : i32
      %dma_wait3A_632 = tpu.memref_slice %arg8[%dma_wait3A_630, %dma_wait3A_631] : memref<10240x128xf32, #tpu.memory_space<vmem_shared>> -> memref<10240x128xf32, #tpu.memory_space<vmem_shared>>
      tpu.wait_indirect_dma semaphore(%arg27 : memref<!tpu.dma_semaphore, #tpu.memory_space<semaphore_mem>>) src(%dma_wait3A_626 : memref<40x128xf32, #tpu.memory_space<vmem>>) dst(%dma_wait3A_632 : memref<10240x128xf32, #tpu.memory_space<vmem_shared>>)
      %dma_wait3A_633 = arith.constant 2 : i32
      %dma_wait3A_634 = arith.constant 2 : i32
      %dma_wait3A_635 = arith.constant 0 : i32
      %dma_wait3A_636 = arith.constant 0 : i32
      %dma_wait3A_637 = tpu.memref_slice %arg12[%dma_wait3A_633, %dma_wait3A_635, %dma_wait3A_636] : memref<4x40x128xf32, #tpu.memory_space<vmem>> -> memref<1x40x128xf32, #tpu.memory_space<vmem>>
      %dma_wait3A_638 = tpu.memref_squeeze %dma_wait3A_637 : memref<1x40x128xf32, #tpu.memory_space<vmem>> -> memref<40x128xf32, #tpu.memory_space<vmem>>
      %dma_wait3A_639 = arith.constant 0 : i32
      %dma_wait3A_640 = tpu.memref_slice %arg10[%dma_wait3A_634, %dma_wait3A_639] : memref<4x40xi32, #tpu.memory_space<vmem>> -> memref<1x40xi32, #tpu.memory_space<vmem>>
      %dma_wait3A_641 = tpu.memref_squeeze %dma_wait3A_640 : memref<1x40xi32, #tpu.memory_space<vmem>> -> memref<40xi32, #tpu.memory_space<vmem>>
      %dma_wait3A_642 = arith.constant 0 : i32
      %dma_wait3A_643 = arith.constant 0 : i32
      %dma_wait3A_644 = tpu.memref_slice %arg8[%dma_wait3A_642, %dma_wait3A_643] : memref<10240x128xf32, #tpu.memory_space<vmem_shared>> -> memref<10240x128xf32, #tpu.memory_space<vmem_shared>>
      tpu.wait_indirect_dma semaphore(%arg27 : memref<!tpu.dma_semaphore, #tpu.memory_space<semaphore_mem>>) src(%dma_wait3A_638 : memref<40x128xf32, #tpu.memory_space<vmem>>) dst(%dma_wait3A_644 : memref<10240x128xf32, #tpu.memory_space<vmem_shared>>)
      %dma_wait3A_645 = arith.constant 3 : i32
      %dma_wait3A_646 = arith.constant 3 : i32
      %dma_wait3A_647 = arith.constant 0 : i32
      %dma_wait3A_648 = arith.constant 0 : i32
      %dma_wait3A_649 = tpu.memref_slice %arg11[%dma_wait3A_645, %dma_wait3A_647, %dma_wait3A_648] : memref<4x40x128xf32, #tpu.memory_space<vmem>> -> memref<1x40x128xf32, #tpu.memory_space<vmem>>
      %dma_wait3A_650 = tpu.memref_squeeze %dma_wait3A_649 : memref<1x40x128xf32, #tpu.memory_space<vmem>> -> memref<40x128xf32, #tpu.memory_space<vmem>>
      %dma_wait3A_651 = arith.constant 0 : i32
      %dma_wait3A_652 = tpu.memref_slice %arg10[%dma_wait3A_646, %dma_wait3A_651] : memref<4x40xi32, #tpu.memory_space<vmem>> -> memref<1x40xi32, #tpu.memory_space<vmem>>
      %dma_wait3A_653 = tpu.memref_squeeze %dma_wait3A_652 : memref<1x40xi32, #tpu.memory_space<vmem>> -> memref<40xi32, #tpu.memory_space<vmem>>
      %dma_wait3A_654 = arith.constant 0 : i32
      %dma_wait3A_655 = arith.constant 0 : i32
      %dma_wait3A_656 = tpu.memref_slice %arg8[%dma_wait3A_654, %dma_wait3A_655] : memref<10240x128xf32, #tpu.memory_space<vmem_shared>> -> memref<10240x128xf32, #tpu.memory_space<vmem_shared>>
      tpu.wait_indirect_dma semaphore(%arg27 : memref<!tpu.dma_semaphore, #tpu.memory_space<semaphore_mem>>) src(%dma_wait3A_650 : memref<40x128xf32, #tpu.memory_space<vmem>>) dst(%dma_wait3A_656 : memref<10240x128xf32, #tpu.memory_space<vmem_shared>>)
      %dma_wait3A_657 = arith.constant 3 : i32
      %dma_wait3A_658 = arith.constant 3 : i32
      %dma_wait3A_659 = arith.constant 0 : i32
      %dma_wait3A_660 = arith.constant 0 : i32
      %dma_wait3A_661 = tpu.memref_slice %arg12[%dma_wait3A_657, %dma_wait3A_659, %dma_wait3A_660] : memref<4x40x128xf32, #tpu.memory_space<vmem>> -> memref<1x40x128xf32, #tpu.memory_space<vmem>>
      %dma_wait3A_662 = tpu.memref_squeeze %dma_wait3A_661 : memref<1x40x128xf32, #tpu.memory_space<vmem>> -> memref<40x128xf32, #tpu.memory_space<vmem>>
      %dma_wait3A_663 = arith.constant 0 : i32
      %dma_wait3A_664 = tpu.memref_slice %arg10[%dma_wait3A_658, %dma_wait3A_663] : memref<4x40xi32, #tpu.memory_space<vmem>> -> memref<1x40xi32, #tpu.memory_space<vmem>>
      %dma_wait3A_665 = tpu.memref_squeeze %dma_wait3A_664 : memref<1x40xi32, #tpu.memory_space<vmem>> -> memref<40xi32, #tpu.memory_space<vmem>>
      %dma_wait3A_666 = arith.constant 0 : i32
      %dma_wait3A_667 = arith.constant 0 : i32
      %dma_wait3A_668 = tpu.memref_slice %arg8[%dma_wait3A_666, %dma_wait3A_667] : memref<10240x128xf32, #tpu.memory_space<vmem_shared>> -> memref<10240x128xf32, #tpu.memory_space<vmem_shared>>
      tpu.wait_indirect_dma semaphore(%arg27 : memref<!tpu.dma_semaphore, #tpu.memory_space<semaphore_mem>>) src(%dma_wait3A_662 : memref<40x128xf32, #tpu.memory_space<vmem>>) dst(%dma_wait3A_668 : memref<10240x128xf32, #tpu.memory_space<vmem_shared>>)
    }
    %scan3A_13 = arith.constant 62 : i32
    %add3A = arith.constant 9920 : i32
    %add3A_14 = arith.addi %mul3A_2, %add3A : i32
    %mul3A_15 = arith.constant 160000 : i32
    %mul3A_16 = arith.muli %arg0, %mul3A_15 : i32
    %add3A_17 = arith.addi %mul3A_16, %add3A_14 : i32
    %run_scoped3A = arith.constant 0 : i32
    "tpu.region"() ({
      %run_scoped3A_95 = tpu.sem_alloc : memref<!tpu.dma_semaphore, #tpu.memory_space<semaphore_mem>>
      %dma_start3A_96 = arith.constant 0 : i32
      %dma_start3A_97 = tpu.memref_slice %arg9[%run_scoped3A, %dma_start3A_96] : memref<4x40xi32, #tpu.memory_space<vmem>> -> memref<1x40xi32, #tpu.memory_space<vmem>>
      %dma_start3A_98 = tpu.memref_squeeze %dma_start3A_97 : memref<1x40xi32, #tpu.memory_space<vmem>> -> memref<40xi32, #tpu.memory_space<vmem>>
      %dma_start3A_99 = tpu.memref_slice %arg4[%add3A_17] : memref<320000xi32, #tpu.memory_space<hbm>> -> memref<40xi32, #tpu.memory_space<hbm>>
      %dma_start3A_100 = arith.constant 0 : i32
      %dma_start3A_101 = tpu.memref_slice %arg9[%run_scoped3A, %dma_start3A_100] : memref<4x40xi32, #tpu.memory_space<vmem>> -> memref<1x40xi32, #tpu.memory_space<vmem>>
      %dma_start3A_102 = tpu.memref_squeeze %dma_start3A_101 : memref<1x40xi32, #tpu.memory_space<vmem>> -> memref<40xi32, #tpu.memory_space<vmem>>
      %dma_start3A_103 = tpu.memref_slice %arg4[%add3A_17] : memref<320000xi32, #tpu.memory_space<hbm>> -> memref<40xi32, #tpu.memory_space<hbm>>
      tpu.enqueue_dma source(%dma_start3A_103 : memref<40xi32, #tpu.memory_space<hbm>>) target(%dma_start3A_102 : memref<40xi32, #tpu.memory_space<vmem>>) target_semaphore(%run_scoped3A_95 : memref<!tpu.dma_semaphore, #tpu.memory_space<semaphore_mem>>)
      %dma_wait3A_104 = arith.constant 0 : i32
      %dma_wait3A_105 = tpu.memref_slice %arg9[%run_scoped3A, %dma_wait3A_104] : memref<4x40xi32, #tpu.memory_space<vmem>> -> memref<1x40xi32, #tpu.memory_space<vmem>>
      %dma_wait3A_106 = tpu.memref_squeeze %dma_wait3A_105 : memref<1x40xi32, #tpu.memory_space<vmem>> -> memref<40xi32, #tpu.memory_space<vmem>>
      %dma_wait3A_107 = tpu.memref_slice %arg4[%add3A_17] : memref<320000xi32, #tpu.memory_space<hbm>> -> memref<40xi32, #tpu.memory_space<hbm>>
      %dma_wait3A_108 = arith.constant 0 : i32
      %dma_wait3A_109 = tpu.memref_slice %arg9[%run_scoped3A, %dma_wait3A_108] : memref<4x40xi32, #tpu.memory_space<vmem>> -> memref<1x40xi32, #tpu.memory_space<vmem>>
      %dma_wait3A_110 = tpu.memref_squeeze %dma_wait3A_109 : memref<1x40xi32, #tpu.memory_space<vmem>> -> memref<40xi32, #tpu.memory_space<vmem>>
      %dma_wait3A_111 = tpu.memref_slice %arg4[%add3A_17] : memref<320000xi32, #tpu.memory_space<hbm>> -> memref<40xi32, #tpu.memory_space<hbm>>
      tpu.wait_dma2 semaphore(%run_scoped3A_95 : memref<!tpu.dma_semaphore, #tpu.memory_space<semaphore_mem>>) src(%dma_wait3A_111 : memref<40xi32, #tpu.memory_space<hbm>>) dst(%dma_wait3A_110 : memref<40xi32, #tpu.memory_space<vmem>>)
      tpu.yield
    }) : () -> ()
    %run_scoped3A_18 = arith.constant 0 : i32
    "tpu.region"() ({
      %run_scoped3A_95 = tpu.sem_alloc : memref<!tpu.dma_semaphore, #tpu.memory_space<semaphore_mem>>
      %dma_start3A_96 = arith.constant 0 : i32
      %dma_start3A_97 = tpu.memref_slice %arg10[%run_scoped3A_18, %dma_start3A_96] : memref<4x40xi32, #tpu.memory_space<vmem>> -> memref<1x40xi32, #tpu.memory_space<vmem>>
      %dma_start3A_98 = tpu.memref_squeeze %dma_start3A_97 : memref<1x40xi32, #tpu.memory_space<vmem>> -> memref<40xi32, #tpu.memory_space<vmem>>
      %dma_start3A_99 = tpu.memref_slice %arg5[%add3A_14] : memref<160000xi32, #tpu.memory_space<hbm>> -> memref<40xi32, #tpu.memory_space<hbm>>
      %dma_start3A_100 = arith.constant 0 : i32
      %dma_start3A_101 = tpu.memref_slice %arg10[%run_scoped3A_18, %dma_start3A_100] : memref<4x40xi32, #tpu.memory_space<vmem>> -> memref<1x40xi32, #tpu.memory_space<vmem>>
      %dma_start3A_102 = tpu.memref_squeeze %dma_start3A_101 : memref<1x40xi32, #tpu.memory_space<vmem>> -> memref<40xi32, #tpu.memory_space<vmem>>
      %dma_start3A_103 = tpu.memref_slice %arg5[%add3A_14] : memref<160000xi32, #tpu.memory_space<hbm>> -> memref<40xi32, #tpu.memory_space<hbm>>
      tpu.enqueue_dma source(%dma_start3A_103 : memref<40xi32, #tpu.memory_space<hbm>>) target(%dma_start3A_102 : memref<40xi32, #tpu.memory_space<vmem>>) target_semaphore(%run_scoped3A_95 : memref<!tpu.dma_semaphore, #tpu.memory_space<semaphore_mem>>)
      %dma_wait3A_104 = arith.constant 0 : i32
      %dma_wait3A_105 = tpu.memref_slice %arg10[%run_scoped3A_18, %dma_wait3A_104] : memref<4x40xi32, #tpu.memory_space<vmem>> -> memref<1x40xi32, #tpu.memory_space<vmem>>
      %dma_wait3A_106 = tpu.memref_squeeze %dma_wait3A_105 : memref<1x40xi32, #tpu.memory_space<vmem>> -> memref<40xi32, #tpu.memory_space<vmem>>
      %dma_wait3A_107 = tpu.memref_slice %arg5[%add3A_14] : memref<160000xi32, #tpu.memory_space<hbm>> -> memref<40xi32, #tpu.memory_space<hbm>>
      %dma_wait3A_108 = arith.constant 0 : i32
      %dma_wait3A_109 = tpu.memref_slice %arg10[%run_scoped3A_18, %dma_wait3A_108] : memref<4x40xi32, #tpu.memory_space<vmem>> -> memref<1x40xi32, #tpu.memory_space<vmem>>
      %dma_wait3A_110 = tpu.memref_squeeze %dma_wait3A_109 : memref<1x40xi32, #tpu.memory_space<vmem>> -> memref<40xi32, #tpu.memory_space<vmem>>
      %dma_wait3A_111 = tpu.memref_slice %arg5[%add3A_14] : memref<160000xi32, #tpu.memory_space<hbm>> -> memref<40xi32, #tpu.memory_space<hbm>>
      tpu.wait_dma2 semaphore(%run_scoped3A_95 : memref<!tpu.dma_semaphore, #tpu.memory_space<semaphore_mem>>) src(%dma_wait3A_111 : memref<40xi32, #tpu.memory_space<hbm>>) dst(%dma_wait3A_110 : memref<40xi32, #tpu.memory_space<vmem>>)
      tpu.yield
    }) : () -> ()
    %dma_start3A = arith.constant 0 : i32
    %dma_start3A_19 = arith.constant 0 : i32
    %dma_start3A_20 = arith.constant 0 : i32
    %dma_start3A_21 = arith.constant 0 : i32
    %dma_start3A_22 = tpu.memref_slice %arg11[%dma_start3A_19, %dma_start3A_20, %dma_start3A_21] : memref<4x40x128xf32, #tpu.memory_space<vmem>> -> memref<1x40x128xf32, #tpu.memory_space<vmem>>
    %dma_start3A_23 = tpu.memref_squeeze %dma_start3A_22 : memref<1x40x128xf32, #tpu.memory_space<vmem>> -> memref<40x128xf32, #tpu.memory_space<vmem>>
    %dma_start3A_24 = arith.constant 0 : i32
    %dma_start3A_25 = tpu.memref_slice %arg9[%dma_start3A, %dma_start3A_24] : memref<4x40xi32, #tpu.memory_space<vmem>> -> memref<1x40xi32, #tpu.memory_space<vmem>>
    %dma_start3A_26 = tpu.memref_squeeze %dma_start3A_25 : memref<1x40xi32, #tpu.memory_space<vmem>> -> memref<40xi32, #tpu.memory_space<vmem>>
    %dma_start3A_27 = arith.constant 0 : i32
    %dma_start3A_28 = arith.constant 0 : i32
    %dma_start3A_29 = tpu.memref_slice %arg2[%dma_start3A_27, %dma_start3A_28] : memref<20000x128xf32, #tpu.memory_space<hbm>> -> memref<20000x128xf32, #tpu.memory_space<hbm>>
    tpu.enqueue_indirect_dma source(%dma_start3A_29 : memref<20000x128xf32, #tpu.memory_space<hbm>>) target(%dma_start3A_23 : memref<40x128xf32, #tpu.memory_space<vmem>>) offsets(%dma_start3A_26 : memref<40xi32, #tpu.memory_space<vmem>>) semaphore(%arg23 : memref<!tpu.dma_semaphore, #tpu.memory_space<semaphore_mem>>)
    %dma_wait3A = arith.constant 0 : i32
    %dma_wait3A_30 = arith.constant 0 : i32
    %dma_wait3A_31 = arith.constant 0 : i32
    %dma_wait3A_32 = arith.constant 0 : i32
    %dma_wait3A_33 = tpu.memref_slice %arg11[%dma_wait3A_30, %dma_wait3A_31, %dma_wait3A_32] : memref<4x40x128xf32, #tpu.memory_space<vmem>> -> memref<1x40x128xf32, #tpu.memory_space<vmem>>
    %dma_wait3A_34 = tpu.memref_squeeze %dma_wait3A_33 : memref<1x40x128xf32, #tpu.memory_space<vmem>> -> memref<40x128xf32, #tpu.memory_space<vmem>>
    %dma_wait3A_35 = arith.constant 0 : i32
    %dma_wait3A_36 = tpu.memref_slice %arg9[%dma_wait3A, %dma_wait3A_35] : memref<4x40xi32, #tpu.memory_space<vmem>> -> memref<1x40xi32, #tpu.memory_space<vmem>>
    %dma_wait3A_37 = tpu.memref_squeeze %dma_wait3A_36 : memref<1x40xi32, #tpu.memory_space<vmem>> -> memref<40xi32, #tpu.memory_space<vmem>>
    %dma_wait3A_38 = arith.constant 0 : i32
    %dma_wait3A_39 = arith.constant 0 : i32
    %dma_wait3A_40 = tpu.memref_slice %arg2[%dma_wait3A_38, %dma_wait3A_39] : memref<20000x128xf32, #tpu.memory_space<hbm>> -> memref<20000x128xf32, #tpu.memory_space<hbm>>
    tpu.wait_indirect_dma semaphore(%arg23 : memref<!tpu.dma_semaphore, #tpu.memory_space<semaphore_mem>>) src(%dma_wait3A_40 : memref<20000x128xf32, #tpu.memory_space<hbm>>) dst(%dma_wait3A_34 : memref<40x128xf32, #tpu.memory_space<vmem>>)
    %mul3A_41 = arith.constant 160000 : i32
    %mul3A_42 = arith.muli %arg0, %mul3A_41 : i32
    %add3A_43 = arith.addi %mul3A_42, %add3A_14 : i32
    %run_scoped3A_44 = arith.constant 0 : i32
    "tpu.region"() ({
      %run_scoped3A_95 = tpu.sem_alloc : memref<!tpu.dma_semaphore, #tpu.memory_space<semaphore_mem>>
      %dma_start3A_96 = arith.constant 0 : i32
      %dma_start3A_97 = arith.constant 0 : i32
      %dma_start3A_98 = tpu.memref_slice %arg12[%run_scoped3A_44, %dma_start3A_96, %dma_start3A_97] : memref<4x40x128xf32, #tpu.memory_space<vmem>> -> memref<1x40x128xf32, #tpu.memory_space<vmem>>
      %dma_start3A_99 = tpu.memref_squeeze %dma_start3A_98 : memref<1x40x128xf32, #tpu.memory_space<vmem>> -> memref<40x128xf32, #tpu.memory_space<vmem>>
      %dma_start3A_100 = arith.constant 0 : i32
      %dma_start3A_101 = tpu.memref_slice %arg3[%add3A_43, %dma_start3A_100] : memref<320000x128xf32, #tpu.memory_space<hbm>> -> memref<40x128xf32, #tpu.memory_space<hbm>>
      %dma_start3A_102 = arith.constant 0 : i32
      %dma_start3A_103 = arith.constant 0 : i32
      %dma_start3A_104 = tpu.memref_slice %arg12[%run_scoped3A_44, %dma_start3A_102, %dma_start3A_103] : memref<4x40x128xf32, #tpu.memory_space<vmem>> -> memref<1x40x128xf32, #tpu.memory_space<vmem>>
      %dma_start3A_105 = tpu.memref_squeeze %dma_start3A_104 : memref<1x40x128xf32, #tpu.memory_space<vmem>> -> memref<40x128xf32, #tpu.memory_space<vmem>>
      %dma_start3A_106 = arith.constant 0 : i32
      %dma_start3A_107 = tpu.memref_slice %arg3[%add3A_43, %dma_start3A_106] : memref<320000x128xf32, #tpu.memory_space<hbm>> -> memref<40x128xf32, #tpu.memory_space<hbm>>
      tpu.enqueue_dma source(%dma_start3A_107 : memref<40x128xf32, #tpu.memory_space<hbm>>) target(%dma_start3A_105 : memref<40x128xf32, #tpu.memory_space<vmem>>) target_semaphore(%run_scoped3A_95 : memref<!tpu.dma_semaphore, #tpu.memory_space<semaphore_mem>>)
      %dma_wait3A_108 = arith.constant 0 : i32
      %dma_wait3A_109 = arith.constant 0 : i32
      %dma_wait3A_110 = tpu.memref_slice %arg12[%run_scoped3A_44, %dma_wait3A_108, %dma_wait3A_109] : memref<4x40x128xf32, #tpu.memory_space<vmem>> -> memref<1x40x128xf32, #tpu.memory_space<vmem>>
      %dma_wait3A_111 = tpu.memref_squeeze %dma_wait3A_110 : memref<1x40x128xf32, #tpu.memory_space<vmem>> -> memref<40x128xf32, #tpu.memory_space<vmem>>
      %dma_wait3A_112 = arith.constant 0 : i32
      %dma_wait3A_113 = tpu.memref_slice %arg3[%add3A_43, %dma_wait3A_112] : memref<320000x128xf32, #tpu.memory_space<hbm>> -> memref<40x128xf32, #tpu.memory_space<hbm>>
      %dma_wait3A_114 = arith.constant 0 : i32
      %dma_wait3A_115 = arith.constant 0 : i32
      %dma_wait3A_116 = tpu.memref_slice %arg12[%run_scoped3A_44, %dma_wait3A_114, %dma_wait3A_115] : memref<4x40x128xf32, #tpu.memory_space<vmem>> -> memref<1x40x128xf32, #tpu.memory_space<vmem>>
      %dma_wait3A_117 = tpu.memref_squeeze %dma_wait3A_116 : memref<1x40x128xf32, #tpu.memory_space<vmem>> -> memref<40x128xf32, #tpu.memory_space<vmem>>
      %dma_wait3A_118 = arith.constant 0 : i32
      %dma_wait3A_119 = tpu.memref_slice %arg3[%add3A_43, %dma_wait3A_118] : memref<320000x128xf32, #tpu.memory_space<hbm>> -> memref<40x128xf32, #tpu.memory_space<hbm>>
      tpu.wait_dma2 semaphore(%run_scoped3A_95 : memref<!tpu.dma_semaphore, #tpu.memory_space<semaphore_mem>>) src(%dma_wait3A_119 : memref<40x128xf32, #tpu.memory_space<hbm>>) dst(%dma_wait3A_117 : memref<40x128xf32, #tpu.memory_space<vmem>>)
      tpu.yield
    }) : () -> ()
    %run_scoped3A_45 = arith.constant 0 : i32
    %run_scoped3A_46 = arith.constant 0 : i32
    "tpu.region"() ({
      %run_scoped3A_95 = tpu.sem_alloc : memref<!tpu.dma_semaphore, #tpu.memory_space<semaphore_mem>>
      %dma_start3A_96 = arith.constant 0 : i32
      %dma_start3A_97 = arith.constant 0 : i32
      %dma_start3A_98 = tpu.memref_slice %arg11[%run_scoped3A_45, %dma_start3A_96, %dma_start3A_97] : memref<4x40x128xf32, #tpu.memory_space<vmem>> -> memref<1x40x128xf32, #tpu.memory_space<vmem>>
      %dma_start3A_99 = tpu.memref_squeeze %dma_start3A_98 : memref<1x40x128xf32, #tpu.memory_space<vmem>> -> memref<40x128xf32, #tpu.memory_space<vmem>>
      %dma_start3A_100 = arith.constant 0 : i32
      %dma_start3A_101 = tpu.memref_slice %arg10[%run_scoped3A_46, %dma_start3A_100] : memref<4x40xi32, #tpu.memory_space<vmem>> -> memref<1x40xi32, #tpu.memory_space<vmem>>
      %dma_start3A_102 = tpu.memref_squeeze %dma_start3A_101 : memref<1x40xi32, #tpu.memory_space<vmem>> -> memref<40xi32, #tpu.memory_space<vmem>>
      %dma_start3A_103 = arith.constant 0 : i32
      %dma_start3A_104 = arith.constant 0 : i32
      %dma_start3A_105 = tpu.memref_slice %arg8[%dma_start3A_103, %dma_start3A_104] : memref<10240x128xf32, #tpu.memory_space<vmem_shared>> -> memref<10240x128xf32, #tpu.memory_space<vmem_shared>>
      tpu.enqueue_indirect_dma source(%dma_start3A_99 : memref<40x128xf32, #tpu.memory_space<vmem>>) target(%dma_start3A_105 : memref<10240x128xf32, #tpu.memory_space<vmem_shared>>) offsets(%dma_start3A_102 : memref<40xi32, #tpu.memory_space<vmem>>) semaphore(%run_scoped3A_95 : memref<!tpu.dma_semaphore, #tpu.memory_space<semaphore_mem>>) {add = true}
      %dma_wait3A_106 = arith.constant 0 : i32
      %dma_wait3A_107 = arith.constant 0 : i32
      %dma_wait3A_108 = tpu.memref_slice %arg11[%run_scoped3A_45, %dma_wait3A_106, %dma_wait3A_107] : memref<4x40x128xf32, #tpu.memory_space<vmem>> -> memref<1x40x128xf32, #tpu.memory_space<vmem>>
      %dma_wait3A_109 = tpu.memref_squeeze %dma_wait3A_108 : memref<1x40x128xf32, #tpu.memory_space<vmem>> -> memref<40x128xf32, #tpu.memory_space<vmem>>
      %dma_wait3A_110 = arith.constant 0 : i32
      %dma_wait3A_111 = tpu.memref_slice %arg10[%run_scoped3A_46, %dma_wait3A_110] : memref<4x40xi32, #tpu.memory_space<vmem>> -> memref<1x40xi32, #tpu.memory_space<vmem>>
      %dma_wait3A_112 = tpu.memref_squeeze %dma_wait3A_111 : memref<1x40xi32, #tpu.memory_space<vmem>> -> memref<40xi32, #tpu.memory_space<vmem>>
      %dma_wait3A_113 = arith.constant 0 : i32
      %dma_wait3A_114 = arith.constant 0 : i32
      %dma_wait3A_115 = tpu.memref_slice %arg8[%dma_wait3A_113, %dma_wait3A_114] : memref<10240x128xf32, #tpu.memory_space<vmem_shared>> -> memref<10240x128xf32, #tpu.memory_space<vmem_shared>>
      tpu.wait_indirect_dma semaphore(%run_scoped3A_95 : memref<!tpu.dma_semaphore, #tpu.memory_space<semaphore_mem>>) src(%dma_wait3A_109 : memref<40x128xf32, #tpu.memory_space<vmem>>) dst(%dma_wait3A_115 : memref<10240x128xf32, #tpu.memory_space<vmem_shared>>)
      tpu.yield
    }) : () -> ()
    %run_scoped3A_47 = arith.constant 0 : i32
    %run_scoped3A_48 = arith.constant 0 : i32
    "tpu.region"() ({
      %run_scoped3A_95 = tpu.sem_alloc : memref<!tpu.dma_semaphore, #tpu.memory_space<semaphore_mem>>
      %dma_start3A_96 = arith.constant 0 : i32
      %dma_start3A_97 = arith.constant 0 : i32
      %dma_start3A_98 = tpu.memref_slice %arg12[%run_scoped3A_47, %dma_start3A_96, %dma_start3A_97] : memref<4x40x128xf32, #tpu.memory_space<vmem>> -> memref<1x40x128xf32, #tpu.memory_space<vmem>>
      %dma_start3A_99 = tpu.memref_squeeze %dma_start3A_98 : memref<1x40x128xf32, #tpu.memory_space<vmem>> -> memref<40x128xf32, #tpu.memory_space<vmem>>
      %dma_start3A_100 = arith.constant 0 : i32
      %dma_start3A_101 = tpu.memref_slice %arg10[%run_scoped3A_48, %dma_start3A_100] : memref<4x40xi32, #tpu.memory_space<vmem>> -> memref<1x40xi32, #tpu.memory_space<vmem>>
      %dma_start3A_102 = tpu.memref_squeeze %dma_start3A_101 : memref<1x40xi32, #tpu.memory_space<vmem>> -> memref<40xi32, #tpu.memory_space<vmem>>
      %dma_start3A_103 = arith.constant 0 : i32
      %dma_start3A_104 = arith.constant 0 : i32
      %dma_start3A_105 = tpu.memref_slice %arg8[%dma_start3A_103, %dma_start3A_104] : memref<10240x128xf32, #tpu.memory_space<vmem_shared>> -> memref<10240x128xf32, #tpu.memory_space<vmem_shared>>
      tpu.enqueue_indirect_dma source(%dma_start3A_99 : memref<40x128xf32, #tpu.memory_space<vmem>>) target(%dma_start3A_105 : memref<10240x128xf32, #tpu.memory_space<vmem_shared>>) offsets(%dma_start3A_102 : memref<40xi32, #tpu.memory_space<vmem>>) semaphore(%run_scoped3A_95 : memref<!tpu.dma_semaphore, #tpu.memory_space<semaphore_mem>>) {add = true}
      %dma_wait3A_106 = arith.constant 0 : i32
      %dma_wait3A_107 = arith.constant 0 : i32
      %dma_wait3A_108 = tpu.memref_slice %arg12[%run_scoped3A_47, %dma_wait3A_106, %dma_wait3A_107] : memref<4x40x128xf32, #tpu.memory_space<vmem>> -> memref<1x40x128xf32, #tpu.memory_space<vmem>>
      %dma_wait3A_109 = tpu.memref_squeeze %dma_wait3A_108 : memref<1x40x128xf32, #tpu.memory_space<vmem>> -> memref<40x128xf32, #tpu.memory_space<vmem>>
      %dma_wait3A_110 = arith.constant 0 : i32
      %dma_wait3A_111 = tpu.memref_slice %arg10[%run_scoped3A_48, %dma_wait3A_110] : memref<4x40xi32, #tpu.memory_space<vmem>> -> memref<1x40xi32, #tpu.memory_space<vmem>>
      %dma_wait3A_112 = tpu.memref_squeeze %dma_wait3A_111 : memref<1x40xi32, #tpu.memory_space<vmem>> -> memref<40xi32, #tpu.memory_space<vmem>>
      %dma_wait3A_113 = arith.constant 0 : i32
      %dma_wait3A_114 = arith.constant 0 : i32
      %dma_wait3A_115 = tpu.memref_slice %arg8[%dma_wait3A_113, %dma_wait3A_114] : memref<10240x128xf32, #tpu.memory_space<vmem_shared>> -> memref<10240x128xf32, #tpu.memory_space<vmem_shared>>
      tpu.wait_indirect_dma semaphore(%run_scoped3A_95 : memref<!tpu.dma_semaphore, #tpu.memory_space<semaphore_mem>>) src(%dma_wait3A_109 : memref<40x128xf32, #tpu.memory_space<vmem>>) dst(%dma_wait3A_115 : memref<10240x128xf32, #tpu.memory_space<vmem_shared>>)
      tpu.yield
    }) : () -> ()
    %add3A_49 = arith.constant 9960 : i32
    %add3A_50 = arith.addi %mul3A_2, %add3A_49 : i32
    %mul3A_51 = arith.constant 160000 : i32
    %mul3A_52 = arith.muli %arg0, %mul3A_51 : i32
    %add3A_53 = arith.addi %mul3A_52, %add3A_50 : i32
    %run_scoped3A_54 = arith.constant 0 : i32
    "tpu.region"() ({
      %run_scoped3A_95 = tpu.sem_alloc : memref<!tpu.dma_semaphore, #tpu.memory_space<semaphore_mem>>
      %dma_start3A_96 = arith.constant 0 : i32
      %dma_start3A_97 = tpu.memref_slice %arg9[%run_scoped3A_54, %dma_start3A_96] : memref<4x40xi32, #tpu.memory_space<vmem>> -> memref<1x40xi32, #tpu.memory_space<vmem>>
      %dma_start3A_98 = tpu.memref_squeeze %dma_start3A_97 : memref<1x40xi32, #tpu.memory_space<vmem>> -> memref<40xi32, #tpu.memory_space<vmem>>
      %dma_start3A_99 = tpu.memref_slice %arg4[%add3A_53] : memref<320000xi32, #tpu.memory_space<hbm>> -> memref<40xi32, #tpu.memory_space<hbm>>
      %dma_start3A_100 = arith.constant 0 : i32
      %dma_start3A_101 = tpu.memref_slice %arg9[%run_scoped3A_54, %dma_start3A_100] : memref<4x40xi32, #tpu.memory_space<vmem>> -> memref<1x40xi32, #tpu.memory_space<vmem>>
      %dma_start3A_102 = tpu.memref_squeeze %dma_start3A_101 : memref<1x40xi32, #tpu.memory_space<vmem>> -> memref<40xi32, #tpu.memory_space<vmem>>
      %dma_start3A_103 = tpu.memref_slice %arg4[%add3A_53] : memref<320000xi32, #tpu.memory_space<hbm>> -> memref<40xi32, #tpu.memory_space<hbm>>
      tpu.enqueue_dma source(%dma_start3A_103 : memref<40xi32, #tpu.memory_space<hbm>>) target(%dma_start3A_102 : memref<40xi32, #tpu.memory_space<vmem>>) target_semaphore(%run_scoped3A_95 : memref<!tpu.dma_semaphore, #tpu.memory_space<semaphore_mem>>)
      %dma_wait3A_104 = arith.constant 0 : i32
      %dma_wait3A_105 = tpu.memref_slice %arg9[%run_scoped3A_54, %dma_wait3A_104] : memref<4x40xi32, #tpu.memory_space<vmem>> -> memref<1x40xi32, #tpu.memory_space<vmem>>
      %dma_wait3A_106 = tpu.memref_squeeze %dma_wait3A_105 : memref<1x40xi32, #tpu.memory_space<vmem>> -> memref<40xi32, #tpu.memory_space<vmem>>
      %dma_wait3A_107 = tpu.memref_slice %arg4[%add3A_53] : memref<320000xi32, #tpu.memory_space<hbm>> -> memref<40xi32, #tpu.memory_space<hbm>>
      %dma_wait3A_108 = arith.constant 0 : i32
      %dma_wait3A_109 = tpu.memref_slice %arg9[%run_scoped3A_54, %dma_wait3A_108] : memref<4x40xi32, #tpu.memory_space<vmem>> -> memref<1x40xi32, #tpu.memory_space<vmem>>
      %dma_wait3A_110 = tpu.memref_squeeze %dma_wait3A_109 : memref<1x40xi32, #tpu.memory_space<vmem>> -> memref<40xi32, #tpu.memory_space<vmem>>
      %dma_wait3A_111 = tpu.memref_slice %arg4[%add3A_53] : memref<320000xi32, #tpu.memory_space<hbm>> -> memref<40xi32, #tpu.memory_space<hbm>>
      tpu.wait_dma2 semaphore(%run_scoped3A_95 : memref<!tpu.dma_semaphore, #tpu.memory_space<semaphore_mem>>) src(%dma_wait3A_111 : memref<40xi32, #tpu.memory_space<hbm>>) dst(%dma_wait3A_110 : memref<40xi32, #tpu.memory_space<vmem>>)
      tpu.yield
    }) : () -> ()
    %run_scoped3A_55 = arith.constant 0 : i32
    "tpu.region"() ({
      %run_scoped3A_95 = tpu.sem_alloc : memref<!tpu.dma_semaphore, #tpu.memory_space<semaphore_mem>>
      %dma_start3A_96 = arith.constant 0 : i32
      %dma_start3A_97 = tpu.memref_slice %arg10[%run_scoped3A_55, %dma_start3A_96] : memref<4x40xi32, #tpu.memory_space<vmem>> -> memref<1x40xi32, #tpu.memory_space<vmem>>
      %dma_start3A_98 = tpu.memref_squeeze %dma_start3A_97 : memref<1x40xi32, #tpu.memory_space<vmem>> -> memref<40xi32, #tpu.memory_space<vmem>>
      %dma_start3A_99 = tpu.memref_slice %arg5[%add3A_50] : memref<160000xi32, #tpu.memory_space<hbm>> -> memref<40xi32, #tpu.memory_space<hbm>>
      %dma_start3A_100 = arith.constant 0 : i32
      %dma_start3A_101 = tpu.memref_slice %arg10[%run_scoped3A_55, %dma_start3A_100] : memref<4x40xi32, #tpu.memory_space<vmem>> -> memref<1x40xi32, #tpu.memory_space<vmem>>
      %dma_start3A_102 = tpu.memref_squeeze %dma_start3A_101 : memref<1x40xi32, #tpu.memory_space<vmem>> -> memref<40xi32, #tpu.memory_space<vmem>>
      %dma_start3A_103 = tpu.memref_slice %arg5[%add3A_50] : memref<160000xi32, #tpu.memory_space<hbm>> -> memref<40xi32, #tpu.memory_space<hbm>>
      tpu.enqueue_dma source(%dma_start3A_103 : memref<40xi32, #tpu.memory_space<hbm>>) target(%dma_start3A_102 : memref<40xi32, #tpu.memory_space<vmem>>) target_semaphore(%run_scoped3A_95 : memref<!tpu.dma_semaphore, #tpu.memory_space<semaphore_mem>>)
      %dma_wait3A_104 = arith.constant 0 : i32
      %dma_wait3A_105 = tpu.memref_slice %arg10[%run_scoped3A_55, %dma_wait3A_104] : memref<4x40xi32, #tpu.memory_space<vmem>> -> memref<1x40xi32, #tpu.memory_space<vmem>>
      %dma_wait3A_106 = tpu.memref_squeeze %dma_wait3A_105 : memref<1x40xi32, #tpu.memory_space<vmem>> -> memref<40xi32, #tpu.memory_space<vmem>>
      %dma_wait3A_107 = tpu.memref_slice %arg5[%add3A_50] : memref<160000xi32, #tpu.memory_space<hbm>> -> memref<40xi32, #tpu.memory_space<hbm>>
      %dma_wait3A_108 = arith.constant 0 : i32
      %dma_wait3A_109 = tpu.memref_slice %arg10[%run_scoped3A_55, %dma_wait3A_108] : memref<4x40xi32, #tpu.memory_space<vmem>> -> memref<1x40xi32, #tpu.memory_space<vmem>>
      %dma_wait3A_110 = tpu.memref_squeeze %dma_wait3A_109 : memref<1x40xi32, #tpu.memory_space<vmem>> -> memref<40xi32, #tpu.memory_space<vmem>>
      %dma_wait3A_111 = tpu.memref_slice %arg5[%add3A_50] : memref<160000xi32, #tpu.memory_space<hbm>> -> memref<40xi32, #tpu.memory_space<hbm>>
      tpu.wait_dma2 semaphore(%run_scoped3A_95 : memref<!tpu.dma_semaphore, #tpu.memory_space<semaphore_mem>>) src(%dma_wait3A_111 : memref<40xi32, #tpu.memory_space<hbm>>) dst(%dma_wait3A_110 : memref<40xi32, #tpu.memory_space<vmem>>)
      tpu.yield
    }) : () -> ()
    %dma_start3A_56 = arith.constant 0 : i32
    %dma_start3A_57 = arith.constant 0 : i32
    %dma_start3A_58 = arith.constant 0 : i32
    %dma_start3A_59 = arith.constant 0 : i32
    %dma_start3A_60 = tpu.memref_slice %arg11[%dma_start3A_57, %dma_start3A_58, %dma_start3A_59] : memref<4x40x128xf32, #tpu.memory_space<vmem>> -> memref<1x40x128xf32, #tpu.memory_space<vmem>>
    %dma_start3A_61 = tpu.memref_squeeze %dma_start3A_60 : memref<1x40x128xf32, #tpu.memory_space<vmem>> -> memref<40x128xf32, #tpu.memory_space<vmem>>
    %dma_start3A_62 = arith.constant 0 : i32
    %dma_start3A_63 = tpu.memref_slice %arg9[%dma_start3A_56, %dma_start3A_62] : memref<4x40xi32, #tpu.memory_space<vmem>> -> memref<1x40xi32, #tpu.memory_space<vmem>>
    %dma_start3A_64 = tpu.memref_squeeze %dma_start3A_63 : memref<1x40xi32, #tpu.memory_space<vmem>> -> memref<40xi32, #tpu.memory_space<vmem>>
    %dma_start3A_65 = arith.constant 0 : i32
    %dma_start3A_66 = arith.constant 0 : i32
    %dma_start3A_67 = tpu.memref_slice %arg2[%dma_start3A_65, %dma_start3A_66] : memref<20000x128xf32, #tpu.memory_space<hbm>> -> memref<20000x128xf32, #tpu.memory_space<hbm>>
    tpu.enqueue_indirect_dma source(%dma_start3A_67 : memref<20000x128xf32, #tpu.memory_space<hbm>>) target(%dma_start3A_61 : memref<40x128xf32, #tpu.memory_space<vmem>>) offsets(%dma_start3A_64 : memref<40xi32, #tpu.memory_space<vmem>>) semaphore(%arg23 : memref<!tpu.dma_semaphore, #tpu.memory_space<semaphore_mem>>)
    %dma_wait3A_68 = arith.constant 0 : i32
    %dma_wait3A_69 = arith.constant 0 : i32
    %dma_wait3A_70 = arith.constant 0 : i32
    %dma_wait3A_71 = arith.constant 0 : i32
    %dma_wait3A_72 = tpu.memref_slice %arg11[%dma_wait3A_69, %dma_wait3A_70, %dma_wait3A_71] : memref<4x40x128xf32, #tpu.memory_space<vmem>> -> memref<1x40x128xf32, #tpu.memory_space<vmem>>
    %dma_wait3A_73 = tpu.memref_squeeze %dma_wait3A_72 : memref<1x40x128xf32, #tpu.memory_space<vmem>> -> memref<40x128xf32, #tpu.memory_space<vmem>>
    %dma_wait3A_74 = arith.constant 0 : i32
    %dma_wait3A_75 = tpu.memref_slice %arg9[%dma_wait3A_68, %dma_wait3A_74] : memref<4x40xi32, #tpu.memory_space<vmem>> -> memref<1x40xi32, #tpu.memory_space<vmem>>
    %dma_wait3A_76 = tpu.memref_squeeze %dma_wait3A_75 : memref<1x40xi32, #tpu.memory_space<vmem>> -> memref<40xi32, #tpu.memory_space<vmem>>
    %dma_wait3A_77 = arith.constant 0 : i32
    %dma_wait3A_78 = arith.constant 0 : i32
    %dma_wait3A_79 = tpu.memref_slice %arg2[%dma_wait3A_77, %dma_wait3A_78] : memref<20000x128xf32, #tpu.memory_space<hbm>> -> memref<20000x128xf32, #tpu.memory_space<hbm>>
    tpu.wait_indirect_dma semaphore(%arg23 : memref<!tpu.dma_semaphore, #tpu.memory_space<semaphore_mem>>) src(%dma_wait3A_79 : memref<20000x128xf32, #tpu.memory_space<hbm>>) dst(%dma_wait3A_73 : memref<40x128xf32, #tpu.memory_space<vmem>>)
    %mul3A_80 = arith.constant 160000 : i32
    %mul3A_81 = arith.muli %arg0, %mul3A_80 : i32
    %add3A_82 = arith.addi %mul3A_81, %add3A_50 : i32
    %run_scoped3A_83 = arith.constant 0 : i32
    "tpu.region"() ({
      %run_scoped3A_95 = tpu.sem_alloc : memref<!tpu.dma_semaphore, #tpu.memory_space<semaphore_mem>>
      %dma_start3A_96 = arith.constant 0 : i32
      %dma_start3A_97 = arith.constant 0 : i32
      %dma_start3A_98 = tpu.memref_slice %arg12[%run_scoped3A_83, %dma_start3A_96, %dma_start3A_97] : memref<4x40x128xf32, #tpu.memory_space<vmem>> -> memref<1x40x128xf32, #tpu.memory_space<vmem>>
      %dma_start3A_99 = tpu.memref_squeeze %dma_start3A_98 : memref<1x40x128xf32, #tpu.memory_space<vmem>> -> memref<40x128xf32, #tpu.memory_space<vmem>>
      %dma_start3A_100 = arith.constant 0 : i32
      %dma_start3A_101 = tpu.memref_slice %arg3[%add3A_82, %dma_start3A_100] : memref<320000x128xf32, #tpu.memory_space<hbm>> -> memref<40x128xf32, #tpu.memory_space<hbm>>
      %dma_start3A_102 = arith.constant 0 : i32
      %dma_start3A_103 = arith.constant 0 : i32
      %dma_start3A_104 = tpu.memref_slice %arg12[%run_scoped3A_83, %dma_start3A_102, %dma_start3A_103] : memref<4x40x128xf32, #tpu.memory_space<vmem>> -> memref<1x40x128xf32, #tpu.memory_space<vmem>>
      %dma_start3A_105 = tpu.memref_squeeze %dma_start3A_104 : memref<1x40x128xf32, #tpu.memory_space<vmem>> -> memref<40x128xf32, #tpu.memory_space<vmem>>
      %dma_start3A_106 = arith.constant 0 : i32
      %dma_start3A_107 = tpu.memref_slice %arg3[%add3A_82, %dma_start3A_106] : memref<320000x128xf32, #tpu.memory_space<hbm>> -> memref<40x128xf32, #tpu.memory_space<hbm>>
      tpu.enqueue_dma source(%dma_start3A_107 : memref<40x128xf32, #tpu.memory_space<hbm>>) target(%dma_start3A_105 : memref<40x128xf32, #tpu.memory_space<vmem>>) target_semaphore(%run_scoped3A_95 : memref<!tpu.dma_semaphore, #tpu.memory_space<semaphore_mem>>)
      %dma_wait3A_108 = arith.constant 0 : i32
      %dma_wait3A_109 = arith.constant 0 : i32
      %dma_wait3A_110 = tpu.memref_slice %arg12[%run_scoped3A_83, %dma_wait3A_108, %dma_wait3A_109] : memref<4x40x128xf32, #tpu.memory_space<vmem>> -> memref<1x40x128xf32, #tpu.memory_space<vmem>>
      %dma_wait3A_111 = tpu.memref_squeeze %dma_wait3A_110 : memref<1x40x128xf32, #tpu.memory_space<vmem>> -> memref<40x128xf32, #tpu.memory_space<vmem>>
      %dma_wait3A_112 = arith.constant 0 : i32
      %dma_wait3A_113 = tpu.memref_slice %arg3[%add3A_82, %dma_wait3A_112] : memref<320000x128xf32, #tpu.memory_space<hbm>> -> memref<40x128xf32, #tpu.memory_space<hbm>>
      %dma_wait3A_114 = arith.constant 0 : i32
      %dma_wait3A_115 = arith.constant 0 : i32
      %dma_wait3A_116 = tpu.memref_slice %arg12[%run_scoped3A_83, %dma_wait3A_114, %dma_wait3A_115] : memref<4x40x128xf32, #tpu.memory_space<vmem>> -> memref<1x40x128xf32, #tpu.memory_space<vmem>>
      %dma_wait3A_117 = tpu.memref_squeeze %dma_wait3A_116 : memref<1x40x128xf32, #tpu.memory_space<vmem>> -> memref<40x128xf32, #tpu.memory_space<vmem>>
      %dma_wait3A_118 = arith.constant 0 : i32
      %dma_wait3A_119 = tpu.memref_slice %arg3[%add3A_82, %dma_wait3A_118] : memref<320000x128xf32, #tpu.memory_space<hbm>> -> memref<40x128xf32, #tpu.memory_space<hbm>>
      tpu.wait_dma2 semaphore(%run_scoped3A_95 : memref<!tpu.dma_semaphore, #tpu.memory_space<semaphore_mem>>) src(%dma_wait3A_119 : memref<40x128xf32, #tpu.memory_space<hbm>>) dst(%dma_wait3A_117 : memref<40x128xf32, #tpu.memory_space<vmem>>)
      tpu.yield
    }) : () -> ()
    %run_scoped3A_84 = arith.constant 0 : i32
    %run_scoped3A_85 = arith.constant 0 : i32
    "tpu.region"() ({
      %run_scoped3A_95 = tpu.sem_alloc : memref<!tpu.dma_semaphore, #tpu.memory_space<semaphore_mem>>
      %dma_start3A_96 = arith.constant 0 : i32
      %dma_start3A_97 = arith.constant 0 : i32
      %dma_start3A_98 = tpu.memref_slice %arg11[%run_scoped3A_84, %dma_start3A_96, %dma_start3A_97] : memref<4x40x128xf32, #tpu.memory_space<vmem>> -> memref<1x40x128xf32, #tpu.memory_space<vmem>>
      %dma_start3A_99 = tpu.memref_squeeze %dma_start3A_98 : memref<1x40x128xf32, #tpu.memory_space<vmem>> -> memref<40x128xf32, #tpu.memory_space<vmem>>
      %dma_start3A_100 = arith.constant 0 : i32
      %dma_start3A_101 = tpu.memref_slice %arg10[%run_scoped3A_85, %dma_start3A_100] : memref<4x40xi32, #tpu.memory_space<vmem>> -> memref<1x40xi32, #tpu.memory_space<vmem>>
      %dma_start3A_102 = tpu.memref_squeeze %dma_start3A_101 : memref<1x40xi32, #tpu.memory_space<vmem>> -> memref<40xi32, #tpu.memory_space<vmem>>
      %dma_start3A_103 = arith.constant 0 : i32
      %dma_start3A_104 = arith.constant 0 : i32
      %dma_start3A_105 = tpu.memref_slice %arg8[%dma_start3A_103, %dma_start3A_104] : memref<10240x128xf32, #tpu.memory_space<vmem_shared>> -> memref<10240x128xf32, #tpu.memory_space<vmem_shared>>
      tpu.enqueue_indirect_dma source(%dma_start3A_99 : memref<40x128xf32, #tpu.memory_space<vmem>>) target(%dma_start3A_105 : memref<10240x128xf32, #tpu.memory_space<vmem_shared>>) offsets(%dma_start3A_102 : memref<40xi32, #tpu.memory_space<vmem>>) semaphore(%run_scoped3A_95 : memref<!tpu.dma_semaphore, #tpu.memory_space<semaphore_mem>>) {add = true}
      %dma_wait3A_106 = arith.constant 0 : i32
      %dma_wait3A_107 = arith.constant 0 : i32
      %dma_wait3A_108 = tpu.memref_slice %arg11[%run_scoped3A_84, %dma_wait3A_106, %dma_wait3A_107] : memref<4x40x128xf32, #tpu.memory_space<vmem>> -> memref<1x40x128xf32, #tpu.memory_space<vmem>>
      %dma_wait3A_109 = tpu.memref_squeeze %dma_wait3A_108 : memref<1x40x128xf32, #tpu.memory_space<vmem>> -> memref<40x128xf32, #tpu.memory_space<vmem>>
      %dma_wait3A_110 = arith.constant 0 : i32
      %dma_wait3A_111 = tpu.memref_slice %arg10[%run_scoped3A_85, %dma_wait3A_110] : memref<4x40xi32, #tpu.memory_space<vmem>> -> memref<1x40xi32, #tpu.memory_space<vmem>>
      %dma_wait3A_112 = tpu.memref_squeeze %dma_wait3A_111 : memref<1x40xi32, #tpu.memory_space<vmem>> -> memref<40xi32, #tpu.memory_space<vmem>>
      %dma_wait3A_113 = arith.constant 0 : i32
      %dma_wait3A_114 = arith.constant 0 : i32
      %dma_wait3A_115 = tpu.memref_slice %arg8[%dma_wait3A_113, %dma_wait3A_114] : memref<10240x128xf32, #tpu.memory_space<vmem_shared>> -> memref<10240x128xf32, #tpu.memory_space<vmem_shared>>
      tpu.wait_indirect_dma semaphore(%run_scoped3A_95 : memref<!tpu.dma_semaphore, #tpu.memory_space<semaphore_mem>>) src(%dma_wait3A_109 : memref<40x128xf32, #tpu.memory_space<vmem>>) dst(%dma_wait3A_115 : memref<10240x128xf32, #tpu.memory_space<vmem_shared>>)
      tpu.yield
    }) : () -> ()
    %run_scoped3A_86 = arith.constant 0 : i32
    %run_scoped3A_87 = arith.constant 0 : i32
    "tpu.region"() ({
      %run_scoped3A_95 = tpu.sem_alloc : memref<!tpu.dma_semaphore, #tpu.memory_space<semaphore_mem>>
      %dma_start3A_96 = arith.constant 0 : i32
      %dma_start3A_97 = arith.constant 0 : i32
      %dma_start3A_98 = tpu.memref_slice %arg12[%run_scoped3A_86, %dma_start3A_96, %dma_start3A_97] : memref<4x40x128xf32, #tpu.memory_space<vmem>> -> memref<1x40x128xf32, #tpu.memory_space<vmem>>
      %dma_start3A_99 = tpu.memref_squeeze %dma_start3A_98 : memref<1x40x128xf32, #tpu.memory_space<vmem>> -> memref<40x128xf32, #tpu.memory_space<vmem>>
      %dma_start3A_100 = arith.constant 0 : i32
      %dma_start3A_101 = tpu.memref_slice %arg10[%run_scoped3A_87, %dma_start3A_100] : memref<4x40xi32, #tpu.memory_space<vmem>> -> memref<1x40xi32, #tpu.memory_space<vmem>>
      %dma_start3A_102 = tpu.memref_squeeze %dma_start3A_101 : memref<1x40xi32, #tpu.memory_space<vmem>> -> memref<40xi32, #tpu.memory_space<vmem>>
      %dma_start3A_103 = arith.constant 0 : i32
      %dma_start3A_104 = arith.constant 0 : i32
      %dma_start3A_105 = tpu.memref_slice %arg8[%dma_start3A_103, %dma_start3A_104] : memref<10240x128xf32, #tpu.memory_space<vmem_shared>> -> memref<10240x128xf32, #tpu.memory_space<vmem_shared>>
      tpu.enqueue_indirect_dma source(%dma_start3A_99 : memref<40x128xf32, #tpu.memory_space<vmem>>) target(%dma_start3A_105 : memref<10240x128xf32, #tpu.memory_space<vmem_shared>>) offsets(%dma_start3A_102 : memref<40xi32, #tpu.memory_space<vmem>>) semaphore(%run_scoped3A_95 : memref<!tpu.dma_semaphore, #tpu.memory_space<semaphore_mem>>) {add = true}
      %dma_wait3A_106 = arith.constant 0 : i32
      %dma_wait3A_107 = arith.constant 0 : i32
      %dma_wait3A_108 = tpu.memref_slice %arg12[%run_scoped3A_86, %dma_wait3A_106, %dma_wait3A_107] : memref<4x40x128xf32, #tpu.memory_space<vmem>> -> memref<1x40x128xf32, #tpu.memory_space<vmem>>
      %dma_wait3A_109 = tpu.memref_squeeze %dma_wait3A_108 : memref<1x40x128xf32, #tpu.memory_space<vmem>> -> memref<40x128xf32, #tpu.memory_space<vmem>>
      %dma_wait3A_110 = arith.constant 0 : i32
      %dma_wait3A_111 = tpu.memref_slice %arg10[%run_scoped3A_87, %dma_wait3A_110] : memref<4x40xi32, #tpu.memory_space<vmem>> -> memref<1x40xi32, #tpu.memory_space<vmem>>
      %dma_wait3A_112 = tpu.memref_squeeze %dma_wait3A_111 : memref<1x40xi32, #tpu.memory_space<vmem>> -> memref<40xi32, #tpu.memory_space<vmem>>
      %dma_wait3A_113 = arith.constant 0 : i32
      %dma_wait3A_114 = arith.constant 0 : i32
      %dma_wait3A_115 = tpu.memref_slice %arg8[%dma_wait3A_113, %dma_wait3A_114] : memref<10240x128xf32, #tpu.memory_space<vmem_shared>> -> memref<10240x128xf32, #tpu.memory_space<vmem_shared>>
      tpu.wait_indirect_dma semaphore(%run_scoped3A_95 : memref<!tpu.dma_semaphore, #tpu.memory_space<semaphore_mem>>) src(%dma_wait3A_109 : memref<40x128xf32, #tpu.memory_space<vmem>>) dst(%dma_wait3A_115 : memref<10240x128xf32, #tpu.memory_space<vmem_shared>>)
      tpu.yield
    }) : () -> ()
    %barrier3A_88 = arith.constant 0 : index
    tpu.barrier barrier_id(%barrier3A_88)
    %scan3A_89 = arith.constant 0 : i32
    %scan3A_90 = arith.constant 0 : i32
    %scan3A_91 = arith.constant 20 : i32
    %scan3A_92 = arith.addi %scan3A_90, %scan3A_91 : i32
    %scan3A_93 = arith.constant 1 : i32
    scf.for %scan3A_95 = %scan3A_90 to %scan3A_92 step %scan3A_93  : i32 {
      %mul3A_96 = arith.constant 32 : i32
      %mul3A_97 = arith.muli %scan3A_95, %mul3A_96 : i32
      %add3A_98 = arith.addi %mul3A_0, %mul3A_97 : i32
      %add3A_99 = arith.constant 0 : i32
      %add3A_100 = arith.addi %add3A_98, %add3A_99 : i32
      %add3A_101 = vector.broadcast %add3A_100 : i32 to vector<16xi32>
      %add3A_102 = arith.addi %iota3A, %add3A_101 : vector<16xi32>
      %swap3A = arith.constant 0 : index
      %swap3A_103 = tpu.vector_load %arg14[%swap3A] {strides = array<i32>} : memref<32xi32, #tpu.memory_space<vmem>>, vector<16xi32>,
      %swap3A_104 = vector.shape_cast %swap3A_103 : vector<16xi32> to vector<16xi32>
      %swap3A_105 = vector.shape_cast %add3A_102 : vector<16xi32> to vector<16xi32>
      tpu.vector_store %arg14[%swap3A], %swap3A_105 {strides = array<i32>} : memref<32xi32, #tpu.memory_space<vmem>>, vector<16xi32>,
      %add3A_106 = arith.constant 16 : i32
      %add3A_107 = arith.addi %add3A_98, %add3A_106 : i32
      %add3A_108 = vector.broadcast %add3A_107 : i32 to vector<16xi32>
      %add3A_109 = arith.addi %iota3A, %add3A_108 : vector<16xi32>
      %swap3A_110 = arith.constant 16 : index
      %swap3A_111 = tpu.vector_load %arg14[%swap3A_110] {strides = array<i32>} : memref<32xi32, #tpu.memory_space<vmem>>, vector<16xi32>,
      %swap3A_112 = vector.shape_cast %swap3A_111 : vector<16xi32> to vector<16xi32>
      %swap3A_113 = vector.shape_cast %add3A_109 : vector<16xi32> to vector<16xi32>
      tpu.vector_store %arg14[%swap3A_110], %swap3A_113 {strides = array<i32>} : memref<32xi32, #tpu.memory_space<vmem>>, vector<16xi32>,
      %mul3A_114 = arith.constant 32 : i32
      %mul3A_115 = arith.muli %scan3A_95, %mul3A_114 : i32
      %add3A_116 = arith.addi %mul3A_0, %mul3A_115 : i32
      %multiple_of3A = tpu.assume_multiple %add3A_116, 8 : i32
      %dma_start3A_117 = arith.constant 0 : i32
      %dma_start3A_118 = arith.constant 0 : i32
      %dma_start3A_119 = tpu.memref_slice %arg8[%dma_start3A_117, %dma_start3A_118] : memref<10240x128xf32, #tpu.memory_space<vmem_shared>> -> memref<10240x128xf32, #tpu.memory_space<vmem_shared>>
      tpu.enqueue_indirect_dma source(%dma_start3A_119 : memref<10240x128xf32, #tpu.memory_space<vmem_shared>>) target(%arg13 : memref<32x128xf32, #tpu.memory_space<vmem>>) offsets(%arg14 : memref<32xi32, #tpu.memory_space<vmem>>) semaphore(%arg23 : memref<!tpu.dma_semaphore, #tpu.memory_space<semaphore_mem>>)
      %dma_wait3A_120 = arith.constant 0 : i32
      %dma_wait3A_121 = arith.constant 0 : i32
      %dma_wait3A_122 = tpu.memref_slice %arg8[%dma_wait3A_120, %dma_wait3A_121] : memref<10240x128xf32, #tpu.memory_space<vmem_shared>> -> memref<10240x128xf32, #tpu.memory_space<vmem_shared>>
      tpu.wait_indirect_dma semaphore(%arg23 : memref<!tpu.dma_semaphore, #tpu.memory_space<semaphore_mem>>) src(%dma_wait3A_122 : memref<10240x128xf32, #tpu.memory_space<vmem_shared>>) dst(%arg13 : memref<32x128xf32, #tpu.memory_space<vmem>>)
      "tpu.region"() ({
        %run_scoped3A_123 = tpu.sem_alloc : memref<!tpu.dma_semaphore, #tpu.memory_space<semaphore_mem>>
        %dma_start3A_124 = arith.constant 0 : i32
        %dma_start3A_125 = tpu.memref_slice %arg7[%arg0, %multiple_of3A, %dma_start3A_124] : memref<2x10240x128xf32, #tpu.memory_space<hbm>> -> memref<1x32x128xf32, #tpu.memory_space<hbm>>
        %dma_start3A_126 = tpu.memref_squeeze %dma_start3A_125 : memref<1x32x128xf32, #tpu.memory_space<hbm>> -> memref<32x128xf32, #tpu.memory_space<hbm>>
        %dma_start3A_127 = arith.constant 0 : i32
        %dma_start3A_128 = tpu.memref_slice %arg7[%arg0, %multiple_of3A, %dma_start3A_127] : memref<2x10240x128xf32, #tpu.memory_space<hbm>> -> memref<1x32x128xf32, #tpu.memory_space<hbm>>
        %dma_start3A_129 = tpu.memref_squeeze %dma_start3A_128 : memref<1x32x128xf32, #tpu.memory_space<hbm>> -> memref<32x128xf32, #tpu.memory_space<hbm>>
        tpu.enqueue_dma source(%arg13 : memref<32x128xf32, #tpu.memory_space<vmem>>) target(%dma_start3A_129 : memref<32x128xf32, #tpu.memory_space<hbm>>) target_semaphore(%run_scoped3A_123 : memref<!tpu.dma_semaphore, #tpu.memory_space<semaphore_mem>>)
        %dma_wait3A_130 = arith.constant 0 : i32
        %dma_wait3A_131 = tpu.memref_slice %arg7[%arg0, %multiple_of3A, %dma_wait3A_130] : memref<2x10240x128xf32, #tpu.memory_space<hbm>> -> memref<1x32x128xf32, #tpu.memory_space<hbm>>
        %dma_wait3A_132 = tpu.memref_squeeze %dma_wait3A_131 : memref<1x32x128xf32, #tpu.memory_space<hbm>> -> memref<32x128xf32, #tpu.memory_space<hbm>>
        %dma_wait3A_133 = arith.constant 0 : i32
        %dma_wait3A_134 = tpu.memref_slice %arg7[%arg0, %multiple_of3A, %dma_wait3A_133] : memref<2x10240x128xf32, #tpu.memory_space<hbm>> -> memref<1x32x128xf32, #tpu.memory_space<hbm>>
        %dma_wait3A_135 = tpu.memref_squeeze %dma_wait3A_134 : memref<1x32x128xf32, #tpu.memory_space<hbm>> -> memref<32x128xf32, #tpu.memory_space<hbm>>
        tpu.wait_dma2 semaphore(%run_scoped3A_123 : memref<!tpu.dma_semaphore, #tpu.memory_space<semaphore_mem>>) src(%arg13 : memref<32x128xf32, #tpu.memory_space<vmem>>) dst(%dma_wait3A_135 : memref<32x128xf32, #tpu.memory_space<hbm>>)
        tpu.yield
      }) : () -> ()
    }
    %scan3A_94 = arith.constant 20 : i32
    return
  }
}

#map = affine_map<(d0, d1) -> (0, 0)>
#map1 = affine_map<(d0, d1) -> (0)>
#map2 = affine_map<(d0, d1) -> (0, 0, 0)>
module attributes {stable_mosaic.version = 14 : i64} {
  func.func @k(%arg0: i32, %arg1: i32, %arg2: memref<20000x128xf32, #tpu.memory_space<hbm>>, %arg3: memref<320000x128xf32, #tpu.memory_space<hbm>>, %arg4: memref<320000xi32, #tpu.memory_space<hbm>>, %arg5: memref<160000xi32, #tpu.memory_space<hbm>>, %arg6: memref<32x128xf32, #tpu.memory_space<hbm>>, %arg7: memref<2x10240x128xf32, #tpu.memory_space<hbm>>, %arg8: memref<10240x128xf32, #tpu.memory_space<vmem_shared>>, %arg9: memref<4x40xi32, #tpu.memory_space<vmem>>, %arg10: memref<4x40xi32, #tpu.memory_space<vmem>>, %arg11: memref<4x40x128xf32, #tpu.memory_space<vmem>>, %arg12: memref<4x40x128xf32, #tpu.memory_space<vmem>>, %arg13: memref<32x128xf32, #tpu.memory_space<vmem>>, %arg14: memref<32xi32, #tpu.memory_space<vmem>>, %arg15: memref<!tpu.dma_semaphore, #tpu.memory_space<semaphore_mem>>, %arg16: memref<!tpu.dma_semaphore, #tpu.memory_space<semaphore_mem>>, %arg17: memref<!tpu.dma_semaphore, #tpu.memory_space<semaphore_mem>>, %arg18: memref<!tpu.dma_semaphore, #tpu.memory_space<semaphore_mem>>, %arg19: memref<!tpu.dma_semaphore, #tpu.memory_space<semaphore_mem>>, %arg20: memref<!tpu.dma_semaphore, #tpu.memory_space<semaphore_mem>>, %arg21: memref<!tpu.dma_semaphore, #tpu.memory_space<semaphore_mem>>, %arg22: memref<!tpu.dma_semaphore, #tpu.memory_space<semaphore_mem>>, %arg23: memref<!tpu.dma_semaphore, #tpu.memory_space<semaphore_mem>>, %arg24: memref<!tpu.dma_semaphore, #tpu.memory_space<semaphore_mem>>, %arg25: memref<!tpu.dma_semaphore, #tpu.memory_space<semaphore_mem>>, %arg26: memref<!tpu.dma_semaphore, #tpu.memory_space<semaphore_mem>>, %arg27: memref<!tpu.dma_semaphore, #tpu.memory_space<semaphore_mem>>) attributes {dimension_semantics = [#tpu.dimension_semantics<core_parallel>, #tpu.dimension_semantics<subcore_parallel>], iteration_bounds = array<i64: 2, 16>, scalar_prefetch = 0 : i64, scratch_operands = 20 : i64, tpu.core_type = #tpu.core_type<sc_vector_subcore>, window_params = [{transform_indices = #map}, {transform_indices = #map}, {transform_indices = #map1}, {transform_indices = #map1}, {transform_indices = #map}, {transform_indices = #map2}]} {
    %mul3A = arith.constant 640 : i32
    %mul3A_0 = arith.muli %arg1, %mul3A : i32
    %mul3A_1 = arith.constant 10000 : i32
    %mul3A_2 = arith.muli %arg1, %mul3A_1 : i32
    %iota3A = tpu.iota {dimensions = array<i32: 0>} : vector<16xi32>
    "tpu.region"() ({
      %run_scoped3A_95 = tpu.sem_alloc : memref<!tpu.dma_semaphore, #tpu.memory_space<semaphore_mem>>
      tpu.enqueue_dma source(%arg6 : memref<32x128xf32, #tpu.memory_space<hbm>>) target(%arg13 : memref<32x128xf32, #tpu.memory_space<vmem>>) target_semaphore(%run_scoped3A_95 : memref<!tpu.dma_semaphore, #tpu.memory_space<semaphore_mem>>)
      tpu.wait_dma2 semaphore(%run_scoped3A_95 : memref<!tpu.dma_semaphore, #tpu.memory_space<semaphore_mem>>) src(%arg6 : memref<32x128xf32, #tpu.memory_space<hbm>>) dst(%arg13 : memref<32x128xf32, #tpu.memory_space<vmem>>)
      tpu.yield
    }) : () -> ()
    %scan3A = arith.constant 0 : i32
    %scan3A_3 = arith.constant 0 : i32
    %scan3A_4 = arith.constant 20 : i32
    %scan3A_5 = arith.addi %scan3A_3, %scan3A_4 : i32
    %scan3A_6 = arith.constant 1 : i32
    scf.for %scan3A_95 = %scan3A_3 to %scan3A_5 step %scan3A_6  : i32 {
      %mul3A_96 = arith.constant 32 : i32
      %mul3A_97 = arith.muli %scan3A_95, %mul3A_96 : i32
      %add3A_98 = arith.addi %mul3A_0, %mul3A_97 : i32
      %add3A_99 = arith.constant 0 : i32
      %add3A_100 = arith.addi %add3A_98, %add3A_99 : i32
      %add3A_101 = vector.broadcast %add3A_100 : i32 to vector<16xi32>
      %add3A_102 = arith.addi %iota3A, %add3A_101 : vector<16xi32>
      %swap3A = arith.constant 0 : index
      %swap3A_103 = tpu.vector_load %arg14[%swap3A] {strides = array<i32>} : memref<32xi32, #tpu.memory_space<vmem>>, vector<16xi32>,
      %swap3A_104 = vector.shape_cast %swap3A_103 : vector<16xi32> to vector<16xi32>
      %swap3A_105 = vector.shape_cast %add3A_102 : vector<16xi32> to vector<16xi32>
      tpu.vector_store %arg14[%swap3A], %swap3A_105 {strides = array<i32>} : memref<32xi32, #tpu.memory_space<vmem>>, vector<16xi32>,
      %add3A_106 = arith.constant 16 : i32
      %add3A_107 = arith.addi %add3A_98, %add3A_106 : i32
      %add3A_108 = vector.broadcast %add3A_107 : i32 to vector<16xi32>
      %add3A_109 = arith.addi %iota3A, %add3A_108 : vector<16xi32>
      %swap3A_110 = arith.constant 16 : index
      %swap3A_111 = tpu.vector_load %arg14[%swap3A_110] {strides = array<i32>} : memref<32xi32, #tpu.memory_space<vmem>>, vector<16xi32>,
      %swap3A_112 = vector.shape_cast %swap3A_111 : vector<16xi32> to vector<16xi32>
      %swap3A_113 = vector.shape_cast %add3A_109 : vector<16xi32> to vector<16xi32>
      tpu.vector_store %arg14[%swap3A_110], %swap3A_113 {strides = array<i32>} : memref<32xi32, #tpu.memory_space<vmem>>, vector<16xi32>,
      "tpu.region"() ({
        %run_scoped3A_114 = tpu.sem_alloc : memref<!tpu.dma_semaphore, #tpu.memory_space<semaphore_mem>>
        %dma_start3A_115 = arith.constant 0 : i32
        %dma_start3A_116 = arith.constant 0 : i32
        %dma_start3A_117 = tpu.memref_slice %arg8[%dma_start3A_115, %dma_start3A_116] : memref<10240x128xf32, #tpu.memory_space<vmem_shared>> -> memref<10240x128xf32, #tpu.memory_space<vmem_shared>>
        tpu.enqueue_indirect_dma source(%arg13 : memref<32x128xf32, #tpu.memory_space<vmem>>) target(%dma_start3A_117 : memref<10240x128xf32, #tpu.memory_space<vmem_shared>>) offsets(%arg14 : memref<32xi32, #tpu.memory_space<vmem>>) semaphore(%run_scoped3A_114 : memref<!tpu.dma_semaphore, #tpu.memory_space<semaphore_mem>>)
        %dma_wait3A_118 = arith.constant 0 : i32
        %dma_wait3A_119 = arith.constant 0 : i32
        %dma_wait3A_120 = tpu.memref_slice %arg8[%dma_wait3A_118, %dma_wait3A_119] : memref<10240x128xf32, #tpu.memory_space<vmem_shared>> -> memref<10240x128xf32, #tpu.memory_space<vmem_shared>>
        tpu.wait_indirect_dma semaphore(%run_scoped3A_114 : memref<!tpu.dma_semaphore, #tpu.memory_space<semaphore_mem>>) src(%arg13 : memref<32x128xf32, #tpu.memory_space<vmem>>) dst(%dma_wait3A_120 : memref<10240x128xf32, #tpu.memory_space<vmem_shared>>)
        tpu.yield
      }) : () -> ()
    }
    %scan3A_7 = arith.constant 20 : i32
    %barrier3A = arith.constant 0 : index
    tpu.barrier barrier_id(%barrier3A)
    %scan3A_8 = arith.constant 0 : i32
    %scan3A_9 = arith.constant 0 : i32
    %scan3A_10 = arith.constant 62 : i32
    %scan3A_11 = arith.addi %scan3A_9, %scan3A_10 : i32
    %scan3A_12 = arith.constant 1 : i32
    scf.for %scan3A_95 = %scan3A_9 to %scan3A_11 step %scan3A_12  : i32 {
      %mul3A_96 = arith.constant 4 : i32
      %mul3A_97 = arith.muli %mul3A_96, %scan3A_95 : i32
      %mul3A_98 = arith.constant 40 : i32
      %mul3A_99 = arith.muli %mul3A_97, %mul3A_98 : i32
      %add3A_100 = arith.addi %mul3A_2, %mul3A_99 : i32
      %add3A_101 = arith.constant 0 : i32
      %add3A_102 = arith.addi %add3A_100, %add3A_101 : i32
      %mul3A_103 = arith.constant 160000 : i32
      %mul3A_104 = arith.muli %arg0, %mul3A_103 : i32
      %add3A_105 = arith.addi %mul3A_104, %add3A_102 : i32
      %dma_start3A_106 = arith.constant 0 : i32
      %dma_start3A_107 = arith.constant 0 : i32
      %dma_start3A_108 = tpu.memref_slice %arg9[%dma_start3A_106, %dma_start3A_107] : memref<4x40xi32, #tpu.memory_space<vmem>> -> memref<1x40xi32, #tpu.memory_space<vmem>>
      %dma_start3A_109 = tpu.memref_squeeze %dma_start3A_108 : memref<1x40xi32, #tpu.memory_space<vmem>> -> memref<40xi32, #tpu.memory_space<vmem>>
      %dma_start3A_110 = tpu.memref_slice %arg4[%add3A_105] : memref<320000xi32, #tpu.memory_space<hbm>> -> memref<40xi32, #tpu.memory_space<hbm>>
      %dma_start3A_111 = arith.constant 0 : i32
      %dma_start3A_112 = tpu.memref_slice %arg9[%dma_start3A_106, %dma_start3A_111] : memref<4x40xi32, #tpu.memory_space<vmem>> -> memref<1x40xi32, #tpu.memory_space<vmem>>
      %dma_start3A_113 = tpu.memref_squeeze %dma_start3A_112 : memref<1x40xi32, #tpu.memory_space<vmem>> -> memref<40xi32, #tpu.memory_space<vmem>>
      %dma_start3A_114 = tpu.memref_slice %arg4[%add3A_105] : memref<320000xi32, #tpu.memory_space<hbm>> -> memref<40xi32, #tpu.memory_space<hbm>>
      tpu.enqueue_dma source(%dma_start3A_114 : memref<40xi32, #tpu.memory_space<hbm>>) target(%dma_start3A_113 : memref<40xi32, #tpu.memory_space<vmem>>) target_semaphore(%arg15 : memref<!tpu.dma_semaphore, #tpu.memory_space<semaphore_mem>>)
      %dma_start3A_115 = arith.constant 0 : i32
      %dma_start3A_116 = arith.constant 0 : i32
      %dma_start3A_117 = tpu.memref_slice %arg10[%dma_start3A_115, %dma_start3A_116] : memref<4x40xi32, #tpu.memory_space<vmem>> -> memref<1x40xi32, #tpu.memory_space<vmem>>
      %dma_start3A_118 = tpu.memref_squeeze %dma_start3A_117 : memref<1x40xi32, #tpu.memory_space<vmem>> -> memref<40xi32, #tpu.memory_space<vmem>>
      %dma_start3A_119 = tpu.memref_slice %arg5[%add3A_102] : memref<160000xi32, #tpu.memory_space<hbm>> -> memref<40xi32, #tpu.memory_space<hbm>>
      %dma_start3A_120 = arith.constant 0 : i32
      %dma_start3A_121 = tpu.memref_slice %arg10[%dma_start3A_115, %dma_start3A_120] : memref<4x40xi32, #tpu.memory_space<vmem>> -> memref<1x40xi32, #tpu.memory_space<vmem>>
      %dma_start3A_122 = tpu.memref_squeeze %dma_start3A_121 : memref<1x40xi32, #tpu.memory_space<vmem>> -> memref<40xi32, #tpu.memory_space<vmem>>
      %dma_start3A_123 = tpu.memref_slice %arg5[%add3A_102] : memref<160000xi32, #tpu.memory_space<hbm>> -> memref<40xi32, #tpu.memory_space<hbm>>
      tpu.enqueue_dma source(%dma_start3A_123 : memref<40xi32, #tpu.memory_space<hbm>>) target(%dma_start3A_122 : memref<40xi32, #tpu.memory_space<vmem>>) target_semaphore(%arg15 : memref<!tpu.dma_semaphore, #tpu.memory_space<semaphore_mem>>)
      %mul3A_124 = arith.constant 160000 : i32
      %mul3A_125 = arith.muli %arg0, %mul3A_124 : i32
      %add3A_126 = arith.addi %mul3A_125, %add3A_102 : i32
      %dma_start3A_127 = arith.constant 0 : i32
      %dma_start3A_128 = arith.constant 0 : i32
      %dma_start3A_129 = arith.constant 0 : i32
      %dma_start3A_130 = tpu.memref_slice %arg12[%dma_start3A_127, %dma_start3A_128, %dma_start3A_129] : memref<4x40x128xf32, #tpu.memory_space<vmem>> -> memref<1x40x128xf32, #tpu.memory_space<vmem>>
      %dma_start3A_131 = tpu.memref_squeeze %dma_start3A_130 : memref<1x40x128xf32, #tpu.memory_space<vmem>> -> memref<40x128xf32, #tpu.memory_space<vmem>>
      %dma_start3A_132 = arith.constant 0 : i32
      %dma_start3A_133 = tpu.memref_slice %arg3[%add3A_126, %dma_start3A_132] : memref<320000x128xf32, #tpu.memory_space<hbm>> -> memref<40x128xf32, #tpu.memory_space<hbm>>
      %dma_start3A_134 = arith.constant 0 : i32
      %dma_start3A_135 = arith.constant 0 : i32
      %dma_start3A_136 = tpu.memref_slice %arg12[%dma_start3A_127, %dma_start3A_134, %dma_start3A_135] : memref<4x40x128xf32, #tpu.memory_space<vmem>> -> memref<1x40x128xf32, #tpu.memory_space<vmem>>
      %dma_start3A_137 = tpu.memref_squeeze %dma_start3A_136 : memref<1x40x128xf32, #tpu.memory_space<vmem>> -> memref<40x128xf32, #tpu.memory_space<vmem>>
      %dma_start3A_138 = arith.constant 0 : i32
      %dma_start3A_139 = tpu.memref_slice %arg3[%add3A_126, %dma_start3A_138] : memref<320000x128xf32, #tpu.memory_space<hbm>> -> memref<40x128xf32, #tpu.memory_space<hbm>>
      tpu.enqueue_dma source(%dma_start3A_139 : memref<40x128xf32, #tpu.memory_space<hbm>>) target(%dma_start3A_137 : memref<40x128xf32, #tpu.memory_space<vmem>>) target_semaphore(%arg19 : memref<!tpu.dma_semaphore, #tpu.memory_space<semaphore_mem>>)
      %add3A_140 = arith.constant 40 : i32
      %add3A_141 = arith.addi %add3A_100, %add3A_140 : i32
      %mul3A_142 = arith.constant 160000 : i32
      %mul3A_143 = arith.muli %arg0, %mul3A_142 : i32
      %add3A_144 = arith.addi %mul3A_143, %add3A_141 : i32
      %dma_start3A_145 = arith.constant 1 : i32
      %dma_start3A_146 = arith.constant 0 : i32
      %dma_start3A_147 = tpu.memref_slice %arg9[%dma_start3A_145, %dma_start3A_146] : memref<4x40xi32, #tpu.memory_space<vmem>> -> memref<1x40xi32, #tpu.memory_space<vmem>>
      %dma_start3A_148 = tpu.memref_squeeze %dma_start3A_147 : memref<1x40xi32, #tpu.memory_space<vmem>> -> memref<40xi32, #tpu.memory_space<vmem>>
      %dma_start3A_149 = tpu.memref_slice %arg4[%add3A_144] : memref<320000xi32, #tpu.memory_space<hbm>> -> memref<40xi32, #tpu.memory_space<hbm>>
      %dma_start3A_150 = arith.constant 0 : i32
      %dma_start3A_151 = tpu.memref_slice %arg9[%dma_start3A_145, %dma_start3A_150] : memref<4x40xi32, #tpu.memory_space<vmem>> -> memref<1x40xi32, #tpu.memory_space<vmem>>
      %dma_start3A_152 = tpu.memref_squeeze %dma_start3A_151 : memref<1x40xi32, #tpu.memory_space<vmem>> -> memref<40xi32, #tpu.memory_space<vmem>>
      %dma_start3A_153 = tpu.memref_slice %arg4[%add3A_144] : memref<320000xi32, #tpu.memory_space<hbm>> -> memref<40xi32, #tpu.memory_space<hbm>>
      tpu.enqueue_dma source(%dma_start3A_153 : memref<40xi32, #tpu.memory_space<hbm>>) target(%dma_start3A_152 : memref<40xi32, #tpu.memory_space<vmem>>) target_semaphore(%arg16 : memref<!tpu.dma_semaphore, #tpu.memory_space<semaphore_mem>>)
      %dma_start3A_154 = arith.constant 1 : i32
      %dma_start3A_155 = arith.constant 0 : i32
      %dma_start3A_156 = tpu.memref_slice %arg10[%dma_start3A_154, %dma_start3A_155] : memref<4x40xi32, #tpu.memory_space<vmem>> -> memref<1x40xi32, #tpu.memory_space<vmem>>
      %dma_start3A_157 = tpu.memref_squeeze %dma_start3A_156 : memref<1x40xi32, #tpu.memory_space<vmem>> -> memref<40xi32, #tpu.memory_space<vmem>>
      %dma_start3A_158 = tpu.memref_slice %arg5[%add3A_141] : memref<160000xi32, #tpu.memory_space<hbm>> -> memref<40xi32, #tpu.memory_space<hbm>>
      %dma_start3A_159 = arith.constant 0 : i32
      %dma_start3A_160 = tpu.memref_slice %arg10[%dma_start3A_154, %dma_start3A_159] : memref<4x40xi32, #tpu.memory_space<vmem>> -> memref<1x40xi32, #tpu.memory_space<vmem>>
      %dma_start3A_161 = tpu.memref_squeeze %dma_start3A_160 : memref<1x40xi32, #tpu.memory_space<vmem>> -> memref<40xi32, #tpu.memory_space<vmem>>
      %dma_start3A_162 = tpu.memref_slice %arg5[%add3A_141] : memref<160000xi32, #tpu.memory_space<hbm>> -> memref<40xi32, #tpu.memory_space<hbm>>
      tpu.enqueue_dma source(%dma_start3A_162 : memref<40xi32, #tpu.memory_space<hbm>>) target(%dma_start3A_161 : memref<40xi32, #tpu.memory_space<vmem>>) target_semaphore(%arg16 : memref<!tpu.dma_semaphore, #tpu.memory_space<semaphore_mem>>)
      %mul3A_163 = arith.constant 160000 : i32
      %mul3A_164 = arith.muli %arg0, %mul3A_163 : i32
      %add3A_165 = arith.addi %mul3A_164, %add3A_141 : i32
      %dma_start3A_166 = arith.constant 1 : i32
      %dma_start3A_167 = arith.constant 0 : i32
      %dma_start3A_168 = arith.constant 0 : i32
      %dma_start3A_169 = tpu.memref_slice %arg12[%dma_start3A_166, %dma_start3A_167, %dma_start3A_168] : memref<4x40x128xf32, #tpu.memory_space<vmem>> -> memref<1x40x128xf32, #tpu.memory_space<vmem>>
      %dma_start3A_170 = tpu.memref_squeeze %dma_start3A_169 : memref<1x40x128xf32, #tpu.memory_space<vmem>> -> memref<40x128xf32, #tpu.memory_space<vmem>>
      %dma_start3A_171 = arith.constant 0 : i32
      %dma_start3A_172 = tpu.memref_slice %arg3[%add3A_165, %dma_start3A_171] : memref<320000x128xf32, #tpu.memory_space<hbm>> -> memref<40x128xf32, #tpu.memory_space<hbm>>
      %dma_start3A_173 = arith.constant 0 : i32
      %dma_start3A_174 = arith.constant 0 : i32
      %dma_start3A_175 = tpu.memref_slice %arg12[%dma_start3A_166, %dma_start3A_173, %dma_start3A_174] : memref<4x40x128xf32, #tpu.memory_space<vmem>> -> memref<1x40x128xf32, #tpu.memory_space<vmem>>
      %dma_start3A_176 = tpu.memref_squeeze %dma_start3A_175 : memref<1x40x128xf32, #tpu.memory_space<vmem>> -> memref<40x128xf32, #tpu.memory_space<vmem>>
      %dma_start3A_177 = arith.constant 0 : i32
      %dma_start3A_178 = tpu.memref_slice %arg3[%add3A_165, %dma_start3A_177] : memref<320000x128xf32, #tpu.memory_space<hbm>> -> memref<40x128xf32, #tpu.memory_space<hbm>>
      tpu.enqueue_dma source(%dma_start3A_178 : memref<40x128xf32, #tpu.memory_space<hbm>>) target(%dma_start3A_176 : memref<40x128xf32, #tpu.memory_space<vmem>>) target_semaphore(%arg20 : memref<!tpu.dma_semaphore, #tpu.memory_space<semaphore_mem>>)
      %add3A_179 = arith.constant 80 : i32
      %add3A_180 = arith.addi %add3A_100, %add3A_179 : i32
      %mul3A_181 = arith.constant 160000 : i32
      %mul3A_182 = arith.muli %arg0, %mul3A_181 : i32
      %add3A_183 = arith.addi %mul3A_182, %add3A_180 : i32
      %dma_start3A_184 = arith.constant 2 : i32
      %dma_start3A_185 = arith.constant 0 : i32
      %dma_start3A_186 = tpu.memref_slice %arg9[%dma_start3A_184, %dma_start3A_185] : memref<4x40xi32, #tpu.memory_space<vmem>> -> memref<1x40xi32, #tpu.memory_space<vmem>>
      %dma_start3A_187 = tpu.memref_squeeze %dma_start3A_186 : memref<1x40xi32, #tpu.memory_space<vmem>> -> memref<40xi32, #tpu.memory_space<vmem>>
      %dma_start3A_188 = tpu.memref_slice %arg4[%add3A_183] : memref<320000xi32, #tpu.memory_space<hbm>> -> memref<40xi32, #tpu.memory_space<hbm>>
      %dma_start3A_189 = arith.constant 0 : i32
      %dma_start3A_190 = tpu.memref_slice %arg9[%dma_start3A_184, %dma_start3A_189] : memref<4x40xi32, #tpu.memory_space<vmem>> -> memref<1x40xi32, #tpu.memory_space<vmem>>
      %dma_start3A_191 = tpu.memref_squeeze %dma_start3A_190 : memref<1x40xi32, #tpu.memory_space<vmem>> -> memref<40xi32, #tpu.memory_space<vmem>>
      %dma_start3A_192 = tpu.memref_slice %arg4[%add3A_183] : memref<320000xi32, #tpu.memory_space<hbm>> -> memref<40xi32, #tpu.memory_space<hbm>>
      tpu.enqueue_dma source(%dma_start3A_192 : memref<40xi32, #tpu.memory_space<hbm>>) target(%dma_start3A_191 : memref<40xi32, #tpu.memory_space<vmem>>) target_semaphore(%arg17 : memref<!tpu.dma_semaphore, #tpu.memory_space<semaphore_mem>>)
      %dma_start3A_193 = arith.constant 2 : i32
      %dma_start3A_194 = arith.constant 0 : i32
      %dma_start3A_195 = tpu.memref_slice %arg10[%dma_start3A_193, %dma_start3A_194] : memref<4x40xi32, #tpu.memory_space<vmem>> -> memref<1x40xi32, #tpu.memory_space<vmem>>
      %dma_start3A_196 = tpu.memref_squeeze %dma_start3A_195 : memref<1x40xi32, #tpu.memory_space<vmem>> -> memref<40xi32, #tpu.memory_space<vmem>>
      %dma_start3A_197 = tpu.memref_slice %arg5[%add3A_180] : memref<160000xi32, #tpu.memory_space<hbm>> -> memref<40xi32, #tpu.memory_space<hbm>>
      %dma_start3A_198 = arith.constant 0 : i32
      %dma_start3A_199 = tpu.memref_slice %arg10[%dma_start3A_193, %dma_start3A_198] : memref<4x40xi32, #tpu.memory_space<vmem>> -> memref<1x40xi32, #tpu.memory_space<vmem>>
      %dma_start3A_200 = tpu.memref_squeeze %dma_start3A_199 : memref<1x40xi32, #tpu.memory_space<vmem>> -> memref<40xi32, #tpu.memory_space<vmem>>
      %dma_start3A_201 = tpu.memref_slice %arg5[%add3A_180] : memref<160000xi32, #tpu.memory_space<hbm>> -> memref<40xi32, #tpu.memory_space<hbm>>
      tpu.enqueue_dma source(%dma_start3A_201 : memref<40xi32, #tpu.memory_space<hbm>>) target(%dma_start3A_200 : memref<40xi32, #tpu.memory_space<vmem>>) target_semaphore(%arg17 : memref<!tpu.dma_semaphore, #tpu.memory_space<semaphore_mem>>)
      %mul3A_202 = arith.constant 160000 : i32
      %mul3A_203 = arith.muli %arg0, %mul3A_202 : i32
      %add3A_204 = arith.addi %mul3A_203, %add3A_180 : i32
      %dma_start3A_205 = arith.constant 2 : i32
      %dma_start3A_206 = arith.constant 0 : i32
      %dma_start3A_207 = arith.constant 0 : i32
      %dma_start3A_208 = tpu.memref_slice %arg12[%dma_start3A_205, %dma_start3A_206, %dma_start3A_207] : memref<4x40x128xf32, #tpu.memory_space<vmem>> -> memref<1x40x128xf32, #tpu.memory_space<vmem>>
      %dma_start3A_209 = tpu.memref_squeeze %dma_start3A_208 : memref<1x40x128xf32, #tpu.memory_space<vmem>> -> memref<40x128xf32, #tpu.memory_space<vmem>>
      %dma_start3A_210 = arith.constant 0 : i32
      %dma_start3A_211 = tpu.memref_slice %arg3[%add3A_204, %dma_start3A_210] : memref<320000x128xf32, #tpu.memory_space<hbm>> -> memref<40x128xf32, #tpu.memory_space<hbm>>
      %dma_start3A_212 = arith.constant 0 : i32
      %dma_start3A_213 = arith.constant 0 : i32
      %dma_start3A_214 = tpu.memref_slice %arg12[%dma_start3A_205, %dma_start3A_212, %dma_start3A_213] : memref<4x40x128xf32, #tpu.memory_space<vmem>> -> memref<1x40x128xf32, #tpu.memory_space<vmem>>
      %dma_start3A_215 = tpu.memref_squeeze %dma_start3A_214 : memref<1x40x128xf32, #tpu.memory_space<vmem>> -> memref<40x128xf32, #tpu.memory_space<vmem>>
      %dma_start3A_216 = arith.constant 0 : i32
      %dma_start3A_217 = tpu.memref_slice %arg3[%add3A_204, %dma_start3A_216] : memref<320000x128xf32, #tpu.memory_space<hbm>> -> memref<40x128xf32, #tpu.memory_space<hbm>>
      tpu.enqueue_dma source(%dma_start3A_217 : memref<40x128xf32, #tpu.memory_space<hbm>>) target(%dma_start3A_215 : memref<40x128xf32, #tpu.memory_space<vmem>>) target_semaphore(%arg21 : memref<!tpu.dma_semaphore, #tpu.memory_space<semaphore_mem>>)
      %add3A_218 = arith.constant 120 : i32
      %add3A_219 = arith.addi %add3A_100, %add3A_218 : i32
      %mul3A_220 = arith.constant 160000 : i32
      %mul3A_221 = arith.muli %arg0, %mul3A_220 : i32
      %add3A_222 = arith.addi %mul3A_221, %add3A_219 : i32
      %dma_start3A_223 = arith.constant 3 : i32
      %dma_start3A_224 = arith.constant 0 : i32
      %dma_start3A_225 = tpu.memref_slice %arg9[%dma_start3A_223, %dma_start3A_224] : memref<4x40xi32, #tpu.memory_space<vmem>> -> memref<1x40xi32, #tpu.memory_space<vmem>>
      %dma_start3A_226 = tpu.memref_squeeze %dma_start3A_225 : memref<1x40xi32, #tpu.memory_space<vmem>> -> memref<40xi32, #tpu.memory_space<vmem>>
      %dma_start3A_227 = tpu.memref_slice %arg4[%add3A_222] : memref<320000xi32, #tpu.memory_space<hbm>> -> memref<40xi32, #tpu.memory_space<hbm>>
      %dma_start3A_228 = arith.constant 0 : i32
      %dma_start3A_229 = tpu.memref_slice %arg9[%dma_start3A_223, %dma_start3A_228] : memref<4x40xi32, #tpu.memory_space<vmem>> -> memref<1x40xi32, #tpu.memory_space<vmem>>
      %dma_start3A_230 = tpu.memref_squeeze %dma_start3A_229 : memref<1x40xi32, #tpu.memory_space<vmem>> -> memref<40xi32, #tpu.memory_space<vmem>>
      %dma_start3A_231 = tpu.memref_slice %arg4[%add3A_222] : memref<320000xi32, #tpu.memory_space<hbm>> -> memref<40xi32, #tpu.memory_space<hbm>>
      tpu.enqueue_dma source(%dma_start3A_231 : memref<40xi32, #tpu.memory_space<hbm>>) target(%dma_start3A_230 : memref<40xi32, #tpu.memory_space<vmem>>) target_semaphore(%arg18 : memref<!tpu.dma_semaphore, #tpu.memory_space<semaphore_mem>>)
      %dma_start3A_232 = arith.constant 3 : i32
      %dma_start3A_233 = arith.constant 0 : i32
      %dma_start3A_234 = tpu.memref_slice %arg10[%dma_start3A_232, %dma_start3A_233] : memref<4x40xi32, #tpu.memory_space<vmem>> -> memref<1x40xi32, #tpu.memory_space<vmem>>
      %dma_start3A_235 = tpu.memref_squeeze %dma_start3A_234 : memref<1x40xi32, #tpu.memory_space<vmem>> -> memref<40xi32, #tpu.memory_space<vmem>>
      %dma_start3A_236 = tpu.memref_slice %arg5[%add3A_219] : memref<160000xi32, #tpu.memory_space<hbm>> -> memref<40xi32, #tpu.memory_space<hbm>>
      %dma_start3A_237 = arith.constant 0 : i32
      %dma_start3A_238 = tpu.memref_slice %arg10[%dma_start3A_232, %dma_start3A_237] : memref<4x40xi32, #tpu.memory_space<vmem>> -> memref<1x40xi32, #tpu.memory_space<vmem>>
      %dma_start3A_239 = tpu.memref_squeeze %dma_start3A_238 : memref<1x40xi32, #tpu.memory_space<vmem>> -> memref<40xi32, #tpu.memory_space<vmem>>
      %dma_start3A_240 = tpu.memref_slice %arg5[%add3A_219] : memref<160000xi32, #tpu.memory_space<hbm>> -> memref<40xi32, #tpu.memory_space<hbm>>
      tpu.enqueue_dma source(%dma_start3A_240 : memref<40xi32, #tpu.memory_space<hbm>>) target(%dma_start3A_239 : memref<40xi32, #tpu.memory_space<vmem>>) target_semaphore(%arg18 : memref<!tpu.dma_semaphore, #tpu.memory_space<semaphore_mem>>)
      %mul3A_241 = arith.constant 160000 : i32
      %mul3A_242 = arith.muli %arg0, %mul3A_241 : i32
      %add3A_243 = arith.addi %mul3A_242, %add3A_219 : i32
      %dma_start3A_244 = arith.constant 3 : i32
      %dma_start3A_245 = arith.constant 0 : i32
      %dma_start3A_246 = arith.constant 0 : i32
      %dma_start3A_247 = tpu.memref_slice %arg12[%dma_start3A_244, %dma_start3A_245, %dma_start3A_246] : memref<4x40x128xf32, #tpu.memory_space<vmem>> -> memref<1x40x128xf32, #tpu.memory_space<vmem>>
      %dma_start3A_248 = tpu.memref_squeeze %dma_start3A_247 : memref<1x40x128xf32, #tpu.memory_space<vmem>> -> memref<40x128xf32, #tpu.memory_space<vmem>>
      %dma_start3A_249 = arith.constant 0 : i32
      %dma_start3A_250 = tpu.memref_slice %arg3[%add3A_243, %dma_start3A_249] : memref<320000x128xf32, #tpu.memory_space<hbm>> -> memref<40x128xf32, #tpu.memory_space<hbm>>
      %dma_start3A_251 = arith.constant 0 : i32
      %dma_start3A_252 = arith.constant 0 : i32
      %dma_start3A_253 = tpu.memref_slice %arg12[%dma_start3A_244, %dma_start3A_251, %dma_start3A_252] : memref<4x40x128xf32, #tpu.memory_space<vmem>> -> memref<1x40x128xf32, #tpu.memory_space<vmem>>
      %dma_start3A_254 = tpu.memref_squeeze %dma_start3A_253 : memref<1x40x128xf32, #tpu.memory_space<vmem>> -> memref<40x128xf32, #tpu.memory_space<vmem>>
      %dma_start3A_255 = arith.constant 0 : i32
      %dma_start3A_256 = tpu.memref_slice %arg3[%add3A_243, %dma_start3A_255] : memref<320000x128xf32, #tpu.memory_space<hbm>> -> memref<40x128xf32, #tpu.memory_space<hbm>>
      tpu.enqueue_dma source(%dma_start3A_256 : memref<40x128xf32, #tpu.memory_space<hbm>>) target(%dma_start3A_254 : memref<40x128xf32, #tpu.memory_space<vmem>>) target_semaphore(%arg22 : memref<!tpu.dma_semaphore, #tpu.memory_space<semaphore_mem>>)
      %dma_wait3A_257 = arith.constant 0 : i32
      %dma_wait3A_258 = arith.constant 0 : i32
      %dma_wait3A_259 = tpu.memref_slice %arg9[%dma_wait3A_257, %dma_wait3A_258] : memref<4x40xi32, #tpu.memory_space<vmem>> -> memref<1x40xi32, #tpu.memory_space<vmem>>
      %dma_wait3A_260 = tpu.memref_squeeze %dma_wait3A_259 : memref<1x40xi32, #tpu.memory_space<vmem>> -> memref<40xi32, #tpu.memory_space<vmem>>
      %dma_wait3A_261 = tpu.memref_slice %arg4[%add3A_105] : memref<320000xi32, #tpu.memory_space<hbm>> -> memref<40xi32, #tpu.memory_space<hbm>>
      %dma_wait3A_262 = arith.constant 0 : i32
      %dma_wait3A_263 = tpu.memref_slice %arg9[%dma_wait3A_257, %dma_wait3A_262] : memref<4x40xi32, #tpu.memory_space<vmem>> -> memref<1x40xi32, #tpu.memory_space<vmem>>
      %dma_wait3A_264 = tpu.memref_squeeze %dma_wait3A_263 : memref<1x40xi32, #tpu.memory_space<vmem>> -> memref<40xi32, #tpu.memory_space<vmem>>
      %dma_wait3A_265 = tpu.memref_slice %arg4[%add3A_105] : memref<320000xi32, #tpu.memory_space<hbm>> -> memref<40xi32, #tpu.memory_space<hbm>>
      tpu.wait_dma2 semaphore(%arg15 : memref<!tpu.dma_semaphore, #tpu.memory_space<semaphore_mem>>) src(%dma_wait3A_265 : memref<40xi32, #tpu.memory_space<hbm>>) dst(%dma_wait3A_264 : memref<40xi32, #tpu.memory_space<vmem>>)
      %dma_wait3A_266 = arith.constant 0 : i32
      %dma_wait3A_267 = arith.constant 0 : i32
      %dma_wait3A_268 = tpu.memref_slice %arg10[%dma_wait3A_266, %dma_wait3A_267] : memref<4x40xi32, #tpu.memory_space<vmem>> -> memref<1x40xi32, #tpu.memory_space<vmem>>
      %dma_wait3A_269 = tpu.memref_squeeze %dma_wait3A_268 : memref<1x40xi32, #tpu.memory_space<vmem>> -> memref<40xi32, #tpu.memory_space<vmem>>
      %dma_wait3A_270 = tpu.memref_slice %arg5[%add3A_102] : memref<160000xi32, #tpu.memory_space<hbm>> -> memref<40xi32, #tpu.memory_space<hbm>>
      %dma_wait3A_271 = arith.constant 0 : i32
      %dma_wait3A_272 = tpu.memref_slice %arg10[%dma_wait3A_266, %dma_wait3A_271] : memref<4x40xi32, #tpu.memory_space<vmem>> -> memref<1x40xi32, #tpu.memory_space<vmem>>
      %dma_wait3A_273 = tpu.memref_squeeze %dma_wait3A_272 : memref<1x40xi32, #tpu.memory_space<vmem>> -> memref<40xi32, #tpu.memory_space<vmem>>
      %dma_wait3A_274 = tpu.memref_slice %arg5[%add3A_102] : memref<160000xi32, #tpu.memory_space<hbm>> -> memref<40xi32, #tpu.memory_space<hbm>>
      tpu.wait_dma2 semaphore(%arg15 : memref<!tpu.dma_semaphore, #tpu.memory_space<semaphore_mem>>) src(%dma_wait3A_274 : memref<40xi32, #tpu.memory_space<hbm>>) dst(%dma_wait3A_273 : memref<40xi32, #tpu.memory_space<vmem>>)
      %dma_start3A_275 = arith.constant 0 : i32
      %dma_start3A_276 = arith.constant 0 : i32
      %dma_start3A_277 = arith.constant 0 : i32
      %dma_start3A_278 = arith.constant 0 : i32
      %dma_start3A_279 = tpu.memref_slice %arg11[%dma_start3A_276, %dma_start3A_277, %dma_start3A_278] : memref<4x40x128xf32, #tpu.memory_space<vmem>> -> memref<1x40x128xf32, #tpu.memory_space<vmem>>
      %dma_start3A_280 = tpu.memref_squeeze %dma_start3A_279 : memref<1x40x128xf32, #tpu.memory_space<vmem>> -> memref<40x128xf32, #tpu.memory_space<vmem>>
      %dma_start3A_281 = arith.constant 0 : i32
      %dma_start3A_282 = tpu.memref_slice %arg9[%dma_start3A_275, %dma_start3A_281] : memref<4x40xi32, #tpu.memory_space<vmem>> -> memref<1x40xi32, #tpu.memory_space<vmem>>
      %dma_start3A_283 = tpu.memref_squeeze %dma_start3A_282 : memref<1x40xi32, #tpu.memory_space<vmem>> -> memref<40xi32, #tpu.memory_space<vmem>>
      %dma_start3A_284 = arith.constant 0 : i32
      %dma_start3A_285 = arith.constant 0 : i32
      %dma_start3A_286 = tpu.memref_slice %arg2[%dma_start3A_284, %dma_start3A_285] : memref<20000x128xf32, #tpu.memory_space<hbm>> -> memref<20000x128xf32, #tpu.memory_space<hbm>>
      tpu.enqueue_indirect_dma source(%dma_start3A_286 : memref<20000x128xf32, #tpu.memory_space<hbm>>) target(%dma_start3A_280 : memref<40x128xf32, #tpu.memory_space<vmem>>) offsets(%dma_start3A_283 : memref<40xi32, #tpu.memory_space<vmem>>) semaphore(%arg23 : memref<!tpu.dma_semaphore, #tpu.memory_space<semaphore_mem>>)
      %dma_wait3A_287 = arith.constant 1 : i32
      %dma_wait3A_288 = arith.constant 0 : i32
      %dma_wait3A_289 = tpu.memref_slice %arg9[%dma_wait3A_287, %dma_wait3A_288] : memref<4x40xi32, #tpu.memory_space<vmem>> -> memref<1x40xi32, #tpu.memory_space<vmem>>
      %dma_wait3A_290 = tpu.memref_squeeze %dma_wait3A_289 : memref<1x40xi32, #tpu.memory_space<vmem>> -> memref<40xi32, #tpu.memory_space<vmem>>
      %dma_wait3A_291 = tpu.memref_slice %arg4[%add3A_144] : memref<320000xi32, #tpu.memory_space<hbm>> -> memref<40xi32, #tpu.memory_space<hbm>>
      %dma_wait3A_292 = arith.constant 0 : i32
      %dma_wait3A_293 = tpu.memref_slice %arg9[%dma_wait3A_287, %dma_wait3A_292] : memref<4x40xi32, #tpu.memory_space<vmem>> -> memref<1x40xi32, #tpu.memory_space<vmem>>
      %dma_wait3A_294 = tpu.memref_squeeze %dma_wait3A_293 : memref<1x40xi32, #tpu.memory_space<vmem>> -> memref<40xi32, #tpu.memory_space<vmem>>
      %dma_wait3A_295 = tpu.memref_slice %arg4[%add3A_144] : memref<320000xi32, #tpu.memory_space<hbm>> -> memref<40xi32, #tpu.memory_space<hbm>>
      tpu.wait_dma2 semaphore(%arg16 : memref<!tpu.dma_semaphore, #tpu.memory_space<semaphore_mem>>) src(%dma_wait3A_295 : memref<40xi32, #tpu.memory_space<hbm>>) dst(%dma_wait3A_294 : memref<40xi32, #tpu.memory_space<vmem>>)
      %dma_wait3A_296 = arith.constant 1 : i32
      %dma_wait3A_297 = arith.constant 0 : i32
      %dma_wait3A_298 = tpu.memref_slice %arg10[%dma_wait3A_296, %dma_wait3A_297] : memref<4x40xi32, #tpu.memory_space<vmem>> -> memref<1x40xi32, #tpu.memory_space<vmem>>
      %dma_wait3A_299 = tpu.memref_squeeze %dma_wait3A_298 : memref<1x40xi32, #tpu.memory_space<vmem>> -> memref<40xi32, #tpu.memory_space<vmem>>
      %dma_wait3A_300 = tpu.memref_slice %arg5[%add3A_141] : memref<160000xi32, #tpu.memory_space<hbm>> -> memref<40xi32, #tpu.memory_space<hbm>>
      %dma_wait3A_301 = arith.constant 0 : i32
      %dma_wait3A_302 = tpu.memref_slice %arg10[%dma_wait3A_296, %dma_wait3A_301] : memref<4x40xi32, #tpu.memory_space<vmem>> -> memref<1x40xi32, #tpu.memory_space<vmem>>
      %dma_wait3A_303 = tpu.memref_squeeze %dma_wait3A_302 : memref<1x40xi32, #tpu.memory_space<vmem>> -> memref<40xi32, #tpu.memory_space<vmem>>
      %dma_wait3A_304 = tpu.memref_slice %arg5[%add3A_141] : memref<160000xi32, #tpu.memory_space<hbm>> -> memref<40xi32, #tpu.memory_space<hbm>>
      tpu.wait_dma2 semaphore(%arg16 : memref<!tpu.dma_semaphore, #tpu.memory_space<semaphore_mem>>) src(%dma_wait3A_304 : memref<40xi32, #tpu.memory_space<hbm>>) dst(%dma_wait3A_303 : memref<40xi32, #tpu.memory_space<vmem>>)
      %dma_start3A_305 = arith.constant 1 : i32
      %dma_start3A_306 = arith.constant 1 : i32
      %dma_start3A_307 = arith.constant 0 : i32
      %dma_start3A_308 = arith.constant 0 : i32
      %dma_start3A_309 = tpu.memref_slice %arg11[%dma_start3A_306, %dma_start3A_307, %dma_start3A_308] : memref<4x40x128xf32, #tpu.memory_space<vmem>> -> memref<1x40x128xf32, #tpu.memory_space<vmem>>
      %dma_start3A_310 = tpu.memref_squeeze %dma_start3A_309 : memref<1x40x128xf32, #tpu.memory_space<vmem>> -> memref<40x128xf32, #tpu.memory_space<vmem>>
      %dma_start3A_311 = arith.constant 0 : i32
      %dma_start3A_312 = tpu.memref_slice %arg9[%dma_start3A_305, %dma_start3A_311] : memref<4x40xi32, #tpu.memory_space<vmem>> -> memref<1x40xi32, #tpu.memory_space<vmem>>
      %dma_start3A_313 = tpu.memref_squeeze %dma_start3A_312 : memref<1x40xi32, #tpu.memory_space<vmem>> -> memref<40xi32, #tpu.memory_space<vmem>>
      %dma_start3A_314 = arith.constant 0 : i32
      %dma_start3A_315 = arith.constant 0 : i32
      %dma_start3A_316 = tpu.memref_slice %arg2[%dma_start3A_314, %dma_start3A_315] : memref<20000x128xf32, #tpu.memory_space<hbm>> -> memref<20000x128xf32, #tpu.memory_space<hbm>>
      tpu.enqueue_indirect_dma source(%dma_start3A_316 : memref<20000x128xf32, #tpu.memory_space<hbm>>) target(%dma_start3A_310 : memref<40x128xf32, #tpu.memory_space<vmem>>) offsets(%dma_start3A_313 : memref<40xi32, #tpu.memory_space<vmem>>) semaphore(%arg24 : memref<!tpu.dma_semaphore, #tpu.memory_space<semaphore_mem>>)
      %dma_wait3A_317 = arith.constant 2 : i32
      %dma_wait3A_318 = arith.constant 0 : i32
      %dma_wait3A_319 = tpu.memref_slice %arg9[%dma_wait3A_317, %dma_wait3A_318] : memref<4x40xi32, #tpu.memory_space<vmem>> -> memref<1x40xi32, #tpu.memory_space<vmem>>
      %dma_wait3A_320 = tpu.memref_squeeze %dma_wait3A_319 : memref<1x40xi32, #tpu.memory_space<vmem>> -> memref<40xi32, #tpu.memory_space<vmem>>
      %dma_wait3A_321 = tpu.memref_slice %arg4[%add3A_183] : memref<320000xi32, #tpu.memory_space<hbm>> -> memref<40xi32, #tpu.memory_space<hbm>>
      %dma_wait3A_322 = arith.constant 0 : i32
      %dma_wait3A_323 = tpu.memref_slice %arg9[%dma_wait3A_317, %dma_wait3A_322] : memref<4x40xi32, #tpu.memory_space<vmem>> -> memref<1x40xi32, #tpu.memory_space<vmem>>
      %dma_wait3A_324 = tpu.memref_squeeze %dma_wait3A_323 : memref<1x40xi32, #tpu.memory_space<vmem>> -> memref<40xi32, #tpu.memory_space<vmem>>
      %dma_wait3A_325 = tpu.memref_slice %arg4[%add3A_183] : memref<320000xi32, #tpu.memory_space<hbm>> -> memref<40xi32, #tpu.memory_space<hbm>>
      tpu.wait_dma2 semaphore(%arg17 : memref<!tpu.dma_semaphore, #tpu.memory_space<semaphore_mem>>) src(%dma_wait3A_325 : memref<40xi32, #tpu.memory_space<hbm>>) dst(%dma_wait3A_324 : memref<40xi32, #tpu.memory_space<vmem>>)
      %dma_wait3A_326 = arith.constant 2 : i32
      %dma_wait3A_327 = arith.constant 0 : i32
      %dma_wait3A_328 = tpu.memref_slice %arg10[%dma_wait3A_326, %dma_wait3A_327] : memref<4x40xi32, #tpu.memory_space<vmem>> -> memref<1x40xi32, #tpu.memory_space<vmem>>
      %dma_wait3A_329 = tpu.memref_squeeze %dma_wait3A_328 : memref<1x40xi32, #tpu.memory_space<vmem>> -> memref<40xi32, #tpu.memory_space<vmem>>
      %dma_wait3A_330 = tpu.memref_slice %arg5[%add3A_180] : memref<160000xi32, #tpu.memory_space<hbm>> -> memref<40xi32, #tpu.memory_space<hbm>>
      %dma_wait3A_331 = arith.constant 0 : i32
      %dma_wait3A_332 = tpu.memref_slice %arg10[%dma_wait3A_326, %dma_wait3A_331] : memref<4x40xi32, #tpu.memory_space<vmem>> -> memref<1x40xi32, #tpu.memory_space<vmem>>
      %dma_wait3A_333 = tpu.memref_squeeze %dma_wait3A_332 : memref<1x40xi32, #tpu.memory_space<vmem>> -> memref<40xi32, #tpu.memory_space<vmem>>
      %dma_wait3A_334 = tpu.memref_slice %arg5[%add3A_180] : memref<160000xi32, #tpu.memory_space<hbm>> -> memref<40xi32, #tpu.memory_space<hbm>>
      tpu.wait_dma2 semaphore(%arg17 : memref<!tpu.dma_semaphore, #tpu.memory_space<semaphore_mem>>) src(%dma_wait3A_334 : memref<40xi32, #tpu.memory_space<hbm>>) dst(%dma_wait3A_333 : memref<40xi32, #tpu.memory_space<vmem>>)
      %dma_start3A_335 = arith.constant 2 : i32
      %dma_start3A_336 = arith.constant 2 : i32
      %dma_start3A_337 = arith.constant 0 : i32
      %dma_start3A_338 = arith.constant 0 : i32
      %dma_start3A_339 = tpu.memref_slice %arg11[%dma_start3A_336, %dma_start3A_337, %dma_start3A_338] : memref<4x40x128xf32, #tpu.memory_space<vmem>> -> memref<1x40x128xf32, #tpu.memory_space<vmem>>
      %dma_start3A_340 = tpu.memref_squeeze %dma_start3A_339 : memref<1x40x128xf32, #tpu.memory_space<vmem>> -> memref<40x128xf32, #tpu.memory_space<vmem>>
      %dma_start3A_341 = arith.constant 0 : i32
      %dma_start3A_342 = tpu.memref_slice %arg9[%dma_start3A_335, %dma_start3A_341] : memref<4x40xi32, #tpu.memory_space<vmem>> -> memref<1x40xi32, #tpu.memory_space<vmem>>
      %dma_start3A_343 = tpu.memref_squeeze %dma_start3A_342 : memref<1x40xi32, #tpu.memory_space<vmem>> -> memref<40xi32, #tpu.memory_space<vmem>>
      %dma_start3A_344 = arith.constant 0 : i32
      %dma_start3A_345 = arith.constant 0 : i32
      %dma_start3A_346 = tpu.memref_slice %arg2[%dma_start3A_344, %dma_start3A_345] : memref<20000x128xf32, #tpu.memory_space<hbm>> -> memref<20000x128xf32, #tpu.memory_space<hbm>>
      tpu.enqueue_indirect_dma source(%dma_start3A_346 : memref<20000x128xf32, #tpu.memory_space<hbm>>) target(%dma_start3A_340 : memref<40x128xf32, #tpu.memory_space<vmem>>) offsets(%dma_start3A_343 : memref<40xi32, #tpu.memory_space<vmem>>) semaphore(%arg25 : memref<!tpu.dma_semaphore, #tpu.memory_space<semaphore_mem>>)
      %dma_wait3A_347 = arith.constant 3 : i32
      %dma_wait3A_348 = arith.constant 0 : i32
      %dma_wait3A_349 = tpu.memref_slice %arg9[%dma_wait3A_347, %dma_wait3A_348] : memref<4x40xi32, #tpu.memory_space<vmem>> -> memref<1x40xi32, #tpu.memory_space<vmem>>
      %dma_wait3A_350 = tpu.memref_squeeze %dma_wait3A_349 : memref<1x40xi32, #tpu.memory_space<vmem>> -> memref<40xi32, #tpu.memory_space<vmem>>
      %dma_wait3A_351 = tpu.memref_slice %arg4[%add3A_222] : memref<320000xi32, #tpu.memory_space<hbm>> -> memref<40xi32, #tpu.memory_space<hbm>>
      %dma_wait3A_352 = arith.constant 0 : i32
      %dma_wait3A_353 = tpu.memref_slice %arg9[%dma_wait3A_347, %dma_wait3A_352] : memref<4x40xi32, #tpu.memory_space<vmem>> -> memref<1x40xi32, #tpu.memory_space<vmem>>
      %dma_wait3A_354 = tpu.memref_squeeze %dma_wait3A_353 : memref<1x40xi32, #tpu.memory_space<vmem>> -> memref<40xi32, #tpu.memory_space<vmem>>
      %dma_wait3A_355 = tpu.memref_slice %arg4[%add3A_222] : memref<320000xi32, #tpu.memory_space<hbm>> -> memref<40xi32, #tpu.memory_space<hbm>>
      tpu.wait_dma2 semaphore(%arg18 : memref<!tpu.dma_semaphore, #tpu.memory_space<semaphore_mem>>) src(%dma_wait3A_355 : memref<40xi32, #tpu.memory_space<hbm>>) dst(%dma_wait3A_354 : memref<40xi32, #tpu.memory_space<vmem>>)
      %dma_wait3A_356 = arith.constant 3 : i32
      %dma_wait3A_357 = arith.constant 0 : i32
      %dma_wait3A_358 = tpu.memref_slice %arg10[%dma_wait3A_356, %dma_wait3A_357] : memref<4x40xi32, #tpu.memory_space<vmem>> -> memref<1x40xi32, #tpu.memory_space<vmem>>
      %dma_wait3A_359 = tpu.memref_squeeze %dma_wait3A_358 : memref<1x40xi32, #tpu.memory_space<vmem>> -> memref<40xi32, #tpu.memory_space<vmem>>
      %dma_wait3A_360 = tpu.memref_slice %arg5[%add3A_219] : memref<160000xi32, #tpu.memory_space<hbm>> -> memref<40xi32, #tpu.memory_space<hbm>>
      %dma_wait3A_361 = arith.constant 0 : i32
      %dma_wait3A_362 = tpu.memref_slice %arg10[%dma_wait3A_356, %dma_wait3A_361] : memref<4x40xi32, #tpu.memory_space<vmem>> -> memref<1x40xi32, #tpu.memory_space<vmem>>
      %dma_wait3A_363 = tpu.memref_squeeze %dma_wait3A_362 : memref<1x40xi32, #tpu.memory_space<vmem>> -> memref<40xi32, #tpu.memory_space<vmem>>
      %dma_wait3A_364 = tpu.memref_slice %arg5[%add3A_219] : memref<160000xi32, #tpu.memory_space<hbm>> -> memref<40xi32, #tpu.memory_space<hbm>>
      tpu.wait_dma2 semaphore(%arg18 : memref<!tpu.dma_semaphore, #tpu.memory_space<semaphore_mem>>) src(%dma_wait3A_364 : memref<40xi32, #tpu.memory_space<hbm>>) dst(%dma_wait3A_363 : memref<40xi32, #tpu.memory_space<vmem>>)
      %dma_start3A_365 = arith.constant 3 : i32
      %dma_start3A_366 = arith.constant 3 : i32
      %dma_start3A_367 = arith.constant 0 : i32
      %dma_start3A_368 = arith.constant 0 : i32
      %dma_start3A_369 = tpu.memref_slice %arg11[%dma_start3A_366, %dma_start3A_367, %dma_start3A_368] : memref<4x40x128xf32, #tpu.memory_space<vmem>> -> memref<1x40x128xf32, #tpu.memory_space<vmem>>
      %dma_start3A_370 = tpu.memref_squeeze %dma_start3A_369 : memref<1x40x128xf32, #tpu.memory_space<vmem>> -> memref<40x128xf32, #tpu.memory_space<vmem>>
      %dma_start3A_371 = arith.constant 0 : i32
      %dma_start3A_372 = tpu.memref_slice %arg9[%dma_start3A_365, %dma_start3A_371] : memref<4x40xi32, #tpu.memory_space<vmem>> -> memref<1x40xi32, #tpu.memory_space<vmem>>
      %dma_start3A_373 = tpu.memref_squeeze %dma_start3A_372 : memref<1x40xi32, #tpu.memory_space<vmem>> -> memref<40xi32, #tpu.memory_space<vmem>>
      %dma_start3A_374 = arith.constant 0 : i32
      %dma_start3A_375 = arith.constant 0 : i32
      %dma_start3A_376 = tpu.memref_slice %arg2[%dma_start3A_374, %dma_start3A_375] : memref<20000x128xf32, #tpu.memory_space<hbm>> -> memref<20000x128xf32, #tpu.memory_space<hbm>>
      tpu.enqueue_indirect_dma source(%dma_start3A_376 : memref<20000x128xf32, #tpu.memory_space<hbm>>) target(%dma_start3A_370 : memref<40x128xf32, #tpu.memory_space<vmem>>) offsets(%dma_start3A_373 : memref<40xi32, #tpu.memory_space<vmem>>) semaphore(%arg26 : memref<!tpu.dma_semaphore, #tpu.memory_space<semaphore_mem>>)
      %dma_wait3A_377 = arith.constant 0 : i32
      %dma_wait3A_378 = arith.constant 0 : i32
      %dma_wait3A_379 = arith.constant 0 : i32
      %dma_wait3A_380 = arith.constant 0 : i32
      %dma_wait3A_381 = tpu.memref_slice %arg11[%dma_wait3A_378, %dma_wait3A_379, %dma_wait3A_380] : memref<4x40x128xf32, #tpu.memory_space<vmem>> -> memref<1x40x128xf32, #tpu.memory_space<vmem>>
      %dma_wait3A_382 = tpu.memref_squeeze %dma_wait3A_381 : memref<1x40x128xf32, #tpu.memory_space<vmem>> -> memref<40x128xf32, #tpu.memory_space<vmem>>
      %dma_wait3A_383 = arith.constant 0 : i32
      %dma_wait3A_384 = tpu.memref_slice %arg9[%dma_wait3A_377, %dma_wait3A_383] : memref<4x40xi32, #tpu.memory_space<vmem>> -> memref<1x40xi32, #tpu.memory_space<vmem>>
      %dma_wait3A_385 = tpu.memref_squeeze %dma_wait3A_384 : memref<1x40xi32, #tpu.memory_space<vmem>> -> memref<40xi32, #tpu.memory_space<vmem>>
      %dma_wait3A_386 = arith.constant 0 : i32
      %dma_wait3A_387 = arith.constant 0 : i32
      %dma_wait3A_388 = tpu.memref_slice %arg2[%dma_wait3A_386, %dma_wait3A_387] : memref<20000x128xf32, #tpu.memory_space<hbm>> -> memref<20000x128xf32, #tpu.memory_space<hbm>>
      tpu.wait_indirect_dma semaphore(%arg23 : memref<!tpu.dma_semaphore, #tpu.memory_space<semaphore_mem>>) src(%dma_wait3A_388 : memref<20000x128xf32, #tpu.memory_space<hbm>>) dst(%dma_wait3A_382 : memref<40x128xf32, #tpu.memory_space<vmem>>)
      %dma_wait3A_389 = arith.constant 0 : i32
      %dma_wait3A_390 = arith.constant 0 : i32
      %dma_wait3A_391 = arith.constant 0 : i32
      %dma_wait3A_392 = tpu.memref_slice %arg12[%dma_wait3A_389, %dma_wait3A_390, %dma_wait3A_391] : memref<4x40x128xf32, #tpu.memory_space<vmem>> -> memref<1x40x128xf32, #tpu.memory_space<vmem>>
      %dma_wait3A_393 = tpu.memref_squeeze %dma_wait3A_392 : memref<1x40x128xf32, #tpu.memory_space<vmem>> -> memref<40x128xf32, #tpu.memory_space<vmem>>
      %dma_wait3A_394 = arith.constant 0 : i32
      %dma_wait3A_395 = tpu.memref_slice %arg3[%add3A_126, %dma_wait3A_394] : memref<320000x128xf32, #tpu.memory_space<hbm>> -> memref<40x128xf32, #tpu.memory_space<hbm>>
      %dma_wait3A_396 = arith.constant 0 : i32
      %dma_wait3A_397 = arith.constant 0 : i32
      %dma_wait3A_398 = tpu.memref_slice %arg12[%dma_wait3A_389, %dma_wait3A_396, %dma_wait3A_397] : memref<4x40x128xf32, #tpu.memory_space<vmem>> -> memref<1x40x128xf32, #tpu.memory_space<vmem>>
      %dma_wait3A_399 = tpu.memref_squeeze %dma_wait3A_398 : memref<1x40x128xf32, #tpu.memory_space<vmem>> -> memref<40x128xf32, #tpu.memory_space<vmem>>
      %dma_wait3A_400 = arith.constant 0 : i32
      %dma_wait3A_401 = tpu.memref_slice %arg3[%add3A_126, %dma_wait3A_400] : memref<320000x128xf32, #tpu.memory_space<hbm>> -> memref<40x128xf32, #tpu.memory_space<hbm>>
      tpu.wait_dma2 semaphore(%arg19 : memref<!tpu.dma_semaphore, #tpu.memory_space<semaphore_mem>>) src(%dma_wait3A_401 : memref<40x128xf32, #tpu.memory_space<hbm>>) dst(%dma_wait3A_399 : memref<40x128xf32, #tpu.memory_space<vmem>>)
      %dma_start3A_402 = arith.constant 0 : i32
      %dma_start3A_403 = arith.constant 0 : i32
      %dma_start3A_404 = arith.constant 0 : i32
      %dma_start3A_405 = arith.constant 0 : i32
      %dma_start3A_406 = tpu.memref_slice %arg11[%dma_start3A_402, %dma_start3A_404, %dma_start3A_405] : memref<4x40x128xf32, #tpu.memory_space<vmem>> -> memref<1x40x128xf32, #tpu.memory_space<vmem>>
      %dma_start3A_407 = tpu.memref_squeeze %dma_start3A_406 : memref<1x40x128xf32, #tpu.memory_space<vmem>> -> memref<40x128xf32, #tpu.memory_space<vmem>>
      %dma_start3A_408 = arith.constant 0 : i32
      %dma_start3A_409 = tpu.memref_slice %arg10[%dma_start3A_403, %dma_start3A_408] : memref<4x40xi32, #tpu.memory_space<vmem>> -> memref<1x40xi32, #tpu.memory_space<vmem>>
      %dma_start3A_410 = tpu.memref_squeeze %dma_start3A_409 : memref<1x40xi32, #tpu.memory_space<vmem>> -> memref<40xi32, #tpu.memory_space<vmem>>
      %dma_start3A_411 = arith.constant 0 : i32
      %dma_start3A_412 = arith.constant 0 : i32
      %dma_start3A_413 = tpu.memref_slice %arg8[%dma_start3A_411, %dma_start3A_412] : memref<10240x128xf32, #tpu.memory_space<vmem_shared>> -> memref<10240x128xf32, #tpu.memory_space<vmem_shared>>
      tpu.enqueue_indirect_dma source(%dma_start3A_407 : memref<40x128xf32, #tpu.memory_space<vmem>>) target(%dma_start3A_413 : memref<10240x128xf32, #tpu.memory_space<vmem_shared>>) offsets(%dma_start3A_410 : memref<40xi32, #tpu.memory_space<vmem>>) semaphore(%arg27 : memref<!tpu.dma_semaphore, #tpu.memory_space<semaphore_mem>>) {add = true}
      %dma_start3A_414 = arith.constant 0 : i32
      %dma_start3A_415 = arith.constant 0 : i32
      %dma_start3A_416 = arith.constant 0 : i32
      %dma_start3A_417 = arith.constant 0 : i32
      %dma_start3A_418 = tpu.memref_slice %arg12[%dma_start3A_414, %dma_start3A_416, %dma_start3A_417] : memref<4x40x128xf32, #tpu.memory_space<vmem>> -> memref<1x40x128xf32, #tpu.memory_space<vmem>>
      %dma_start3A_419 = tpu.memref_squeeze %dma_start3A_418 : memref<1x40x128xf32, #tpu.memory_space<vmem>> -> memref<40x128xf32, #tpu.memory_space<vmem>>
      %dma_start3A_420 = arith.constant 0 : i32
      %dma_start3A_421 = tpu.memref_slice %arg10[%dma_start3A_415, %dma_start3A_420] : memref<4x40xi32, #tpu.memory_space<vmem>> -> memref<1x40xi32, #tpu.memory_space<vmem>>
      %dma_start3A_422 = tpu.memref_squeeze %dma_start3A_421 : memref<1x40xi32, #tpu.memory_space<vmem>> -> memref<40xi32, #tpu.memory_space<vmem>>
      %dma_start3A_423 = arith.constant 0 : i32
      %dma_start3A_424 = arith.constant 0 : i32
      %dma_start3A_425 = tpu.memref_slice %arg8[%dma_start3A_423, %dma_start3A_424] : memref<10240x128xf32, #tpu.memory_space<vmem_shared>> -> memref<10240x128xf32, #tpu.memory_space<vmem_shared>>
      tpu.enqueue_indirect_dma source(%dma_start3A_419 : memref<40x128xf32, #tpu.memory_space<vmem>>) target(%dma_start3A_425 : memref<10240x128xf32, #tpu.memory_space<vmem_shared>>) offsets(%dma_start3A_422 : memref<40xi32, #tpu.memory_space<vmem>>) semaphore(%arg27 : memref<!tpu.dma_semaphore, #tpu.memory_space<semaphore_mem>>) {add = true}
      %dma_wait3A_426 = arith.constant 1 : i32
      %dma_wait3A_427 = arith.constant 1 : i32
      %dma_wait3A_428 = arith.constant 0 : i32
      %dma_wait3A_429 = arith.constant 0 : i32
      %dma_wait3A_430 = tpu.memref_slice %arg11[%dma_wait3A_427, %dma_wait3A_428, %dma_wait3A_429] : memref<4x40x128xf32, #tpu.memory_space<vmem>> -> memref<1x40x128xf32, #tpu.memory_space<vmem>>
      %dma_wait3A_431 = tpu.memref_squeeze %dma_wait3A_430 : memref<1x40x128xf32, #tpu.memory_space<vmem>> -> memref<40x128xf32, #tpu.memory_space<vmem>>
      %dma_wait3A_432 = arith.constant 0 : i32
      %dma_wait3A_433 = tpu.memref_slice %arg9[%dma_wait3A_426, %dma_wait3A_432] : memref<4x40xi32, #tpu.memory_space<vmem>> -> memref<1x40xi32, #tpu.memory_space<vmem>>
      %dma_wait3A_434 = tpu.memref_squeeze %dma_wait3A_433 : memref<1x40xi32, #tpu.memory_space<vmem>> -> memref<40xi32, #tpu.memory_space<vmem>>
      %dma_wait3A_435 = arith.constant 0 : i32
      %dma_wait3A_436 = arith.constant 0 : i32
      %dma_wait3A_437 = tpu.memref_slice %arg2[%dma_wait3A_435, %dma_wait3A_436] : memref<20000x128xf32, #tpu.memory_space<hbm>> -> memref<20000x128xf32, #tpu.memory_space<hbm>>
      tpu.wait_indirect_dma semaphore(%arg24 : memref<!tpu.dma_semaphore, #tpu.memory_space<semaphore_mem>>) src(%dma_wait3A_437 : memref<20000x128xf32, #tpu.memory_space<hbm>>) dst(%dma_wait3A_431 : memref<40x128xf32, #tpu.memory_space<vmem>>)
      %dma_wait3A_438 = arith.constant 1 : i32
      %dma_wait3A_439 = arith.constant 0 : i32
      %dma_wait3A_440 = arith.constant 0 : i32
      %dma_wait3A_441 = tpu.memref_slice %arg12[%dma_wait3A_438, %dma_wait3A_439, %dma_wait3A_440] : memref<4x40x128xf32, #tpu.memory_space<vmem>> -> memref<1x40x128xf32, #tpu.memory_space<vmem>>
      %dma_wait3A_442 = tpu.memref_squeeze %dma_wait3A_441 : memref<1x40x128xf32, #tpu.memory_space<vmem>> -> memref<40x128xf32, #tpu.memory_space<vmem>>
      %dma_wait3A_443 = arith.constant 0 : i32
      %dma_wait3A_444 = tpu.memref_slice %arg3[%add3A_165, %dma_wait3A_443] : memref<320000x128xf32, #tpu.memory_space<hbm>> -> memref<40x128xf32, #tpu.memory_space<hbm>>
      %dma_wait3A_445 = arith.constant 0 : i32
      %dma_wait3A_446 = arith.constant 0 : i32
      %dma_wait3A_447 = tpu.memref_slice %arg12[%dma_wait3A_438, %dma_wait3A_445, %dma_wait3A_446] : memref<4x40x128xf32, #tpu.memory_space<vmem>> -> memref<1x40x128xf32, #tpu.memory_space<vmem>>
      %dma_wait3A_448 = tpu.memref_squeeze %dma_wait3A_447 : memref<1x40x128xf32, #tpu.memory_space<vmem>> -> memref<40x128xf32, #tpu.memory_space<vmem>>
      %dma_wait3A_449 = arith.constant 0 : i32
      %dma_wait3A_450 = tpu.memref_slice %arg3[%add3A_165, %dma_wait3A_449] : memref<320000x128xf32, #tpu.memory_space<hbm>> -> memref<40x128xf32, #tpu.memory_space<hbm>>
      tpu.wait_dma2 semaphore(%arg20 : memref<!tpu.dma_semaphore, #tpu.memory_space<semaphore_mem>>) src(%dma_wait3A_450 : memref<40x128xf32, #tpu.memory_space<hbm>>) dst(%dma_wait3A_448 : memref<40x128xf32, #tpu.memory_space<vmem>>)
      %dma_start3A_451 = arith.constant 1 : i32
      %dma_start3A_452 = arith.constant 1 : i32
      %dma_start3A_453 = arith.constant 0 : i32
      %dma_start3A_454 = arith.constant 0 : i32
      %dma_start3A_455 = tpu.memref_slice %arg11[%dma_start3A_451, %dma_start3A_453, %dma_start3A_454] : memref<4x40x128xf32, #tpu.memory_space<vmem>> -> memref<1x40x128xf32, #tpu.memory_space<vmem>>
      %dma_start3A_456 = tpu.memref_squeeze %dma_start3A_455 : memref<1x40x128xf32, #tpu.memory_space<vmem>> -> memref<40x128xf32, #tpu.memory_space<vmem>>
      %dma_start3A_457 = arith.constant 0 : i32
      %dma_start3A_458 = tpu.memref_slice %arg10[%dma_start3A_452, %dma_start3A_457] : memref<4x40xi32, #tpu.memory_space<vmem>> -> memref<1x40xi32, #tpu.memory_space<vmem>>
      %dma_start3A_459 = tpu.memref_squeeze %dma_start3A_458 : memref<1x40xi32, #tpu.memory_space<vmem>> -> memref<40xi32, #tpu.memory_space<vmem>>
      %dma_start3A_460 = arith.constant 0 : i32
      %dma_start3A_461 = arith.constant 0 : i32
      %dma_start3A_462 = tpu.memref_slice %arg8[%dma_start3A_460, %dma_start3A_461] : memref<10240x128xf32, #tpu.memory_space<vmem_shared>> -> memref<10240x128xf32, #tpu.memory_space<vmem_shared>>
      tpu.enqueue_indirect_dma source(%dma_start3A_456 : memref<40x128xf32, #tpu.memory_space<vmem>>) target(%dma_start3A_462 : memref<10240x128xf32, #tpu.memory_space<vmem_shared>>) offsets(%dma_start3A_459 : memref<40xi32, #tpu.memory_space<vmem>>) semaphore(%arg27 : memref<!tpu.dma_semaphore, #tpu.memory_space<semaphore_mem>>) {add = true}
      %dma_start3A_463 = arith.constant 1 : i32
      %dma_start3A_464 = arith.constant 1 : i32
      %dma_start3A_465 = arith.constant 0 : i32
      %dma_start3A_466 = arith.constant 0 : i32
      %dma_start3A_467 = tpu.memref_slice %arg12[%dma_start3A_463, %dma_start3A_465, %dma_start3A_466] : memref<4x40x128xf32, #tpu.memory_space<vmem>> -> memref<1x40x128xf32, #tpu.memory_space<vmem>>
      %dma_start3A_468 = tpu.memref_squeeze %dma_start3A_467 : memref<1x40x128xf32, #tpu.memory_space<vmem>> -> memref<40x128xf32, #tpu.memory_space<vmem>>
      %dma_start3A_469 = arith.constant 0 : i32
      %dma_start3A_470 = tpu.memref_slice %arg10[%dma_start3A_464, %dma_start3A_469] : memref<4x40xi32, #tpu.memory_space<vmem>> -> memref<1x40xi32, #tpu.memory_space<vmem>>
      %dma_start3A_471 = tpu.memref_squeeze %dma_start3A_470 : memref<1x40xi32, #tpu.memory_space<vmem>> -> memref<40xi32, #tpu.memory_space<vmem>>
      %dma_start3A_472 = arith.constant 0 : i32
      %dma_start3A_473 = arith.constant 0 : i32
      %dma_start3A_474 = tpu.memref_slice %arg8[%dma_start3A_472, %dma_start3A_473] : memref<10240x128xf32, #tpu.memory_space<vmem_shared>> -> memref<10240x128xf32, #tpu.memory_space<vmem_shared>>
      tpu.enqueue_indirect_dma source(%dma_start3A_468 : memref<40x128xf32, #tpu.memory_space<vmem>>) target(%dma_start3A_474 : memref<10240x128xf32, #tpu.memory_space<vmem_shared>>) offsets(%dma_start3A_471 : memref<40xi32, #tpu.memory_space<vmem>>) semaphore(%arg27 : memref<!tpu.dma_semaphore, #tpu.memory_space<semaphore_mem>>) {add = true}
      %dma_wait3A_475 = arith.constant 2 : i32
      %dma_wait3A_476 = arith.constant 2 : i32
      %dma_wait3A_477 = arith.constant 0 : i32
      %dma_wait3A_478 = arith.constant 0 : i32
      %dma_wait3A_479 = tpu.memref_slice %arg11[%dma_wait3A_476, %dma_wait3A_477, %dma_wait3A_478] : memref<4x40x128xf32, #tpu.memory_space<vmem>> -> memref<1x40x128xf32, #tpu.memory_space<vmem>>
      %dma_wait3A_480 = tpu.memref_squeeze %dma_wait3A_479 : memref<1x40x128xf32, #tpu.memory_space<vmem>> -> memref<40x128xf32, #tpu.memory_space<vmem>>
      %dma_wait3A_481 = arith.constant 0 : i32
      %dma_wait3A_482 = tpu.memref_slice %arg9[%dma_wait3A_475, %dma_wait3A_481] : memref<4x40xi32, #tpu.memory_space<vmem>> -> memref<1x40xi32, #tpu.memory_space<vmem>>
      %dma_wait3A_483 = tpu.memref_squeeze %dma_wait3A_482 : memref<1x40xi32, #tpu.memory_space<vmem>> -> memref<40xi32, #tpu.memory_space<vmem>>
      %dma_wait3A_484 = arith.constant 0 : i32
      %dma_wait3A_485 = arith.constant 0 : i32
      %dma_wait3A_486 = tpu.memref_slice %arg2[%dma_wait3A_484, %dma_wait3A_485] : memref<20000x128xf32, #tpu.memory_space<hbm>> -> memref<20000x128xf32, #tpu.memory_space<hbm>>
      tpu.wait_indirect_dma semaphore(%arg25 : memref<!tpu.dma_semaphore, #tpu.memory_space<semaphore_mem>>) src(%dma_wait3A_486 : memref<20000x128xf32, #tpu.memory_space<hbm>>) dst(%dma_wait3A_480 : memref<40x128xf32, #tpu.memory_space<vmem>>)
      %dma_wait3A_487 = arith.constant 2 : i32
      %dma_wait3A_488 = arith.constant 0 : i32
      %dma_wait3A_489 = arith.constant 0 : i32
      %dma_wait3A_490 = tpu.memref_slice %arg12[%dma_wait3A_487, %dma_wait3A_488, %dma_wait3A_489] : memref<4x40x128xf32, #tpu.memory_space<vmem>> -> memref<1x40x128xf32, #tpu.memory_space<vmem>>
      %dma_wait3A_491 = tpu.memref_squeeze %dma_wait3A_490 : memref<1x40x128xf32, #tpu.memory_space<vmem>> -> memref<40x128xf32, #tpu.memory_space<vmem>>
      %dma_wait3A_492 = arith.constant 0 : i32
      %dma_wait3A_493 = tpu.memref_slice %arg3[%add3A_204, %dma_wait3A_492] : memref<320000x128xf32, #tpu.memory_space<hbm>> -> memref<40x128xf32, #tpu.memory_space<hbm>>
      %dma_wait3A_494 = arith.constant 0 : i32
      %dma_wait3A_495 = arith.constant 0 : i32
      %dma_wait3A_496 = tpu.memref_slice %arg12[%dma_wait3A_487, %dma_wait3A_494, %dma_wait3A_495] : memref<4x40x128xf32, #tpu.memory_space<vmem>> -> memref<1x40x128xf32, #tpu.memory_space<vmem>>
      %dma_wait3A_497 = tpu.memref_squeeze %dma_wait3A_496 : memref<1x40x128xf32, #tpu.memory_space<vmem>> -> memref<40x128xf32, #tpu.memory_space<vmem>>
      %dma_wait3A_498 = arith.constant 0 : i32
      %dma_wait3A_499 = tpu.memref_slice %arg3[%add3A_204, %dma_wait3A_498] : memref<320000x128xf32, #tpu.memory_space<hbm>> -> memref<40x128xf32, #tpu.memory_space<hbm>>
      tpu.wait_dma2 semaphore(%arg21 : memref<!tpu.dma_semaphore, #tpu.memory_space<semaphore_mem>>) src(%dma_wait3A_499 : memref<40x128xf32, #tpu.memory_space<hbm>>) dst(%dma_wait3A_497 : memref<40x128xf32, #tpu.memory_space<vmem>>)
      %dma_start3A_500 = arith.constant 2 : i32
      %dma_start3A_501 = arith.constant 2 : i32
      %dma_start3A_502 = arith.constant 0 : i32
      %dma_start3A_503 = arith.constant 0 : i32
      %dma_start3A_504 = tpu.memref_slice %arg11[%dma_start3A_500, %dma_start3A_502, %dma_start3A_503] : memref<4x40x128xf32, #tpu.memory_space<vmem>> -> memref<1x40x128xf32, #tpu.memory_space<vmem>>
      %dma_start3A_505 = tpu.memref_squeeze %dma_start3A_504 : memref<1x40x128xf32, #tpu.memory_space<vmem>> -> memref<40x128xf32, #tpu.memory_space<vmem>>
      %dma_start3A_506 = arith.constant 0 : i32
      %dma_start3A_507 = tpu.memref_slice %arg10[%dma_start3A_501, %dma_start3A_506] : memref<4x40xi32, #tpu.memory_space<vmem>> -> memref<1x40xi32, #tpu.memory_space<vmem>>
      %dma_start3A_508 = tpu.memref_squeeze %dma_start3A_507 : memref<1x40xi32, #tpu.memory_space<vmem>> -> memref<40xi32, #tpu.memory_space<vmem>>
      %dma_start3A_509 = arith.constant 0 : i32
      %dma_start3A_510 = arith.constant 0 : i32
      %dma_start3A_511 = tpu.memref_slice %arg8[%dma_start3A_509, %dma_start3A_510] : memref<10240x128xf32, #tpu.memory_space<vmem_shared>> -> memref<10240x128xf32, #tpu.memory_space<vmem_shared>>
      tpu.enqueue_indirect_dma source(%dma_start3A_505 : memref<40x128xf32, #tpu.memory_space<vmem>>) target(%dma_start3A_511 : memref<10240x128xf32, #tpu.memory_space<vmem_shared>>) offsets(%dma_start3A_508 : memref<40xi32, #tpu.memory_space<vmem>>) semaphore(%arg27 : memref<!tpu.dma_semaphore, #tpu.memory_space<semaphore_mem>>) {add = true}
      %dma_start3A_512 = arith.constant 2 : i32
      %dma_start3A_513 = arith.constant 2 : i32
      %dma_start3A_514 = arith.constant 0 : i32
      %dma_start3A_515 = arith.constant 0 : i32
      %dma_start3A_516 = tpu.memref_slice %arg12[%dma_start3A_512, %dma_start3A_514, %dma_start3A_515] : memref<4x40x128xf32, #tpu.memory_space<vmem>> -> memref<1x40x128xf32, #tpu.memory_space<vmem>>
      %dma_start3A_517 = tpu.memref_squeeze %dma_start3A_516 : memref<1x40x128xf32, #tpu.memory_space<vmem>> -> memref<40x128xf32, #tpu.memory_space<vmem>>
      %dma_start3A_518 = arith.constant 0 : i32
      %dma_start3A_519 = tpu.memref_slice %arg10[%dma_start3A_513, %dma_start3A_518] : memref<4x40xi32, #tpu.memory_space<vmem>> -> memref<1x40xi32, #tpu.memory_space<vmem>>
      %dma_start3A_520 = tpu.memref_squeeze %dma_start3A_519 : memref<1x40xi32, #tpu.memory_space<vmem>> -> memref<40xi32, #tpu.memory_space<vmem>>
      %dma_start3A_521 = arith.constant 0 : i32
      %dma_start3A_522 = arith.constant 0 : i32
      %dma_start3A_523 = tpu.memref_slice %arg8[%dma_start3A_521, %dma_start3A_522] : memref<10240x128xf32, #tpu.memory_space<vmem_shared>> -> memref<10240x128xf32, #tpu.memory_space<vmem_shared>>
      tpu.enqueue_indirect_dma source(%dma_start3A_517 : memref<40x128xf32, #tpu.memory_space<vmem>>) target(%dma_start3A_523 : memref<10240x128xf32, #tpu.memory_space<vmem_shared>>) offsets(%dma_start3A_520 : memref<40xi32, #tpu.memory_space<vmem>>) semaphore(%arg27 : memref<!tpu.dma_semaphore, #tpu.memory_space<semaphore_mem>>) {add = true}
      %dma_wait3A_524 = arith.constant 3 : i32
      %dma_wait3A_525 = arith.constant 3 : i32
      %dma_wait3A_526 = arith.constant 0 : i32
      %dma_wait3A_527 = arith.constant 0 : i32
      %dma_wait3A_528 = tpu.memref_slice %arg11[%dma_wait3A_525, %dma_wait3A_526, %dma_wait3A_527] : memref<4x40x128xf32, #tpu.memory_space<vmem>> -> memref<1x40x128xf32, #tpu.memory_space<vmem>>
      %dma_wait3A_529 = tpu.memref_squeeze %dma_wait3A_528 : memref<1x40x128xf32, #tpu.memory_space<vmem>> -> memref<40x128xf32, #tpu.memory_space<vmem>>
      %dma_wait3A_530 = arith.constant 0 : i32
      %dma_wait3A_531 = tpu.memref_slice %arg9[%dma_wait3A_524, %dma_wait3A_530] : memref<4x40xi32, #tpu.memory_space<vmem>> -> memref<1x40xi32, #tpu.memory_space<vmem>>
      %dma_wait3A_532 = tpu.memref_squeeze %dma_wait3A_531 : memref<1x40xi32, #tpu.memory_space<vmem>> -> memref<40xi32, #tpu.memory_space<vmem>>
      %dma_wait3A_533 = arith.constant 0 : i32
      %dma_wait3A_534 = arith.constant 0 : i32
      %dma_wait3A_535 = tpu.memref_slice %arg2[%dma_wait3A_533, %dma_wait3A_534] : memref<20000x128xf32, #tpu.memory_space<hbm>> -> memref<20000x128xf32, #tpu.memory_space<hbm>>
      tpu.wait_indirect_dma semaphore(%arg26 : memref<!tpu.dma_semaphore, #tpu.memory_space<semaphore_mem>>) src(%dma_wait3A_535 : memref<20000x128xf32, #tpu.memory_space<hbm>>) dst(%dma_wait3A_529 : memref<40x128xf32, #tpu.memory_space<vmem>>)
      %dma_wait3A_536 = arith.constant 3 : i32
      %dma_wait3A_537 = arith.constant 0 : i32
      %dma_wait3A_538 = arith.constant 0 : i32
      %dma_wait3A_539 = tpu.memref_slice %arg12[%dma_wait3A_536, %dma_wait3A_537, %dma_wait3A_538] : memref<4x40x128xf32, #tpu.memory_space<vmem>> -> memref<1x40x128xf32, #tpu.memory_space<vmem>>
      %dma_wait3A_540 = tpu.memref_squeeze %dma_wait3A_539 : memref<1x40x128xf32, #tpu.memory_space<vmem>> -> memref<40x128xf32, #tpu.memory_space<vmem>>
      %dma_wait3A_541 = arith.constant 0 : i32
      %dma_wait3A_542 = tpu.memref_slice %arg3[%add3A_243, %dma_wait3A_541] : memref<320000x128xf32, #tpu.memory_space<hbm>> -> memref<40x128xf32, #tpu.memory_space<hbm>>
      %dma_wait3A_543 = arith.constant 0 : i32
      %dma_wait3A_544 = arith.constant 0 : i32
      %dma_wait3A_545 = tpu.memref_slice %arg12[%dma_wait3A_536, %dma_wait3A_543, %dma_wait3A_544] : memref<4x40x128xf32, #tpu.memory_space<vmem>> -> memref<1x40x128xf32, #tpu.memory_space<vmem>>
      %dma_wait3A_546 = tpu.memref_squeeze %dma_wait3A_545 : memref<1x40x128xf32, #tpu.memory_space<vmem>> -> memref<40x128xf32, #tpu.memory_space<vmem>>
      %dma_wait3A_547 = arith.constant 0 : i32
      %dma_wait3A_548 = tpu.memref_slice %arg3[%add3A_243, %dma_wait3A_547] : memref<320000x128xf32, #tpu.memory_space<hbm>> -> memref<40x128xf32, #tpu.memory_space<hbm>>
      tpu.wait_dma2 semaphore(%arg22 : memref<!tpu.dma_semaphore, #tpu.memory_space<semaphore_mem>>) src(%dma_wait3A_548 : memref<40x128xf32, #tpu.memory_space<hbm>>) dst(%dma_wait3A_546 : memref<40x128xf32, #tpu.memory_space<vmem>>)
      %dma_start3A_549 = arith.constant 3 : i32
      %dma_start3A_550 = arith.constant 3 : i32
      %dma_start3A_551 = arith.constant 0 : i32
      %dma_start3A_552 = arith.constant 0 : i32
      %dma_start3A_553 = tpu.memref_slice %arg11[%dma_start3A_549, %dma_start3A_551, %dma_start3A_552] : memref<4x40x128xf32, #tpu.memory_space<vmem>> -> memref<1x40x128xf32, #tpu.memory_space<vmem>>
      %dma_start3A_554 = tpu.memref_squeeze %dma_start3A_553 : memref<1x40x128xf32, #tpu.memory_space<vmem>> -> memref<40x128xf32, #tpu.memory_space<vmem>>
      %dma_start3A_555 = arith.constant 0 : i32
      %dma_start3A_556 = tpu.memref_slice %arg10[%dma_start3A_550, %dma_start3A_555] : memref<4x40xi32, #tpu.memory_space<vmem>> -> memref<1x40xi32, #tpu.memory_space<vmem>>
      %dma_start3A_557 = tpu.memref_squeeze %dma_start3A_556 : memref<1x40xi32, #tpu.memory_space<vmem>> -> memref<40xi32, #tpu.memory_space<vmem>>
      %dma_start3A_558 = arith.constant 0 : i32
      %dma_start3A_559 = arith.constant 0 : i32
      %dma_start3A_560 = tpu.memref_slice %arg8[%dma_start3A_558, %dma_start3A_559] : memref<10240x128xf32, #tpu.memory_space<vmem_shared>> -> memref<10240x128xf32, #tpu.memory_space<vmem_shared>>
      tpu.enqueue_indirect_dma source(%dma_start3A_554 : memref<40x128xf32, #tpu.memory_space<vmem>>) target(%dma_start3A_560 : memref<10240x128xf32, #tpu.memory_space<vmem_shared>>) offsets(%dma_start3A_557 : memref<40xi32, #tpu.memory_space<vmem>>) semaphore(%arg27 : memref<!tpu.dma_semaphore, #tpu.memory_space<semaphore_mem>>) {add = true}
      %dma_start3A_561 = arith.constant 3 : i32
      %dma_start3A_562 = arith.constant 3 : i32
      %dma_start3A_563 = arith.constant 0 : i32
      %dma_start3A_564 = arith.constant 0 : i32
      %dma_start3A_565 = tpu.memref_slice %arg12[%dma_start3A_561, %dma_start3A_563, %dma_start3A_564] : memref<4x40x128xf32, #tpu.memory_space<vmem>> -> memref<1x40x128xf32, #tpu.memory_space<vmem>>
      %dma_start3A_566 = tpu.memref_squeeze %dma_start3A_565 : memref<1x40x128xf32, #tpu.memory_space<vmem>> -> memref<40x128xf32, #tpu.memory_space<vmem>>
      %dma_start3A_567 = arith.constant 0 : i32
      %dma_start3A_568 = tpu.memref_slice %arg10[%dma_start3A_562, %dma_start3A_567] : memref<4x40xi32, #tpu.memory_space<vmem>> -> memref<1x40xi32, #tpu.memory_space<vmem>>
      %dma_start3A_569 = tpu.memref_squeeze %dma_start3A_568 : memref<1x40xi32, #tpu.memory_space<vmem>> -> memref<40xi32, #tpu.memory_space<vmem>>
      %dma_start3A_570 = arith.constant 0 : i32
      %dma_start3A_571 = arith.constant 0 : i32
      %dma_start3A_572 = tpu.memref_slice %arg8[%dma_start3A_570, %dma_start3A_571] : memref<10240x128xf32, #tpu.memory_space<vmem_shared>> -> memref<10240x128xf32, #tpu.memory_space<vmem_shared>>
      tpu.enqueue_indirect_dma source(%dma_start3A_566 : memref<40x128xf32, #tpu.memory_space<vmem>>) target(%dma_start3A_572 : memref<10240x128xf32, #tpu.memory_space<vmem_shared>>) offsets(%dma_start3A_569 : memref<40xi32, #tpu.memory_space<vmem>>) semaphore(%arg27 : memref<!tpu.dma_semaphore, #tpu.memory_space<semaphore_mem>>) {add = true}
      %dma_wait3A_573 = arith.constant 0 : i32
      %dma_wait3A_574 = arith.constant 0 : i32
      %dma_wait3A_575 = arith.constant 0 : i32
      %dma_wait3A_576 = arith.constant 0 : i32
      %dma_wait3A_577 = tpu.memref_slice %arg11[%dma_wait3A_573, %dma_wait3A_575, %dma_wait3A_576] : memref<4x40x128xf32, #tpu.memory_space<vmem>> -> memref<1x40x128xf32, #tpu.memory_space<vmem>>
      %dma_wait3A_578 = tpu.memref_squeeze %dma_wait3A_577 : memref<1x40x128xf32, #tpu.memory_space<vmem>> -> memref<40x128xf32, #tpu.memory_space<vmem>>
      %dma_wait3A_579 = arith.constant 0 : i32
      %dma_wait3A_580 = tpu.memref_slice %arg10[%dma_wait3A_574, %dma_wait3A_579] : memref<4x40xi32, #tpu.memory_space<vmem>> -> memref<1x40xi32, #tpu.memory_space<vmem>>
      %dma_wait3A_581 = tpu.memref_squeeze %dma_wait3A_580 : memref<1x40xi32, #tpu.memory_space<vmem>> -> memref<40xi32, #tpu.memory_space<vmem>>
      %dma_wait3A_582 = arith.constant 0 : i32
      %dma_wait3A_583 = arith.constant 0 : i32
      %dma_wait3A_584 = tpu.memref_slice %arg8[%dma_wait3A_582, %dma_wait3A_583] : memref<10240x128xf32, #tpu.memory_space<vmem_shared>> -> memref<10240x128xf32, #tpu.memory_space<vmem_shared>>
      tpu.wait_indirect_dma semaphore(%arg27 : memref<!tpu.dma_semaphore, #tpu.memory_space<semaphore_mem>>) src(%dma_wait3A_578 : memref<40x128xf32, #tpu.memory_space<vmem>>) dst(%dma_wait3A_584 : memref<10240x128xf32, #tpu.memory_space<vmem_shared>>)
      %dma_wait3A_585 = arith.constant 0 : i32
      %dma_wait3A_586 = arith.constant 0 : i32
      %dma_wait3A_587 = arith.constant 0 : i32
      %dma_wait3A_588 = arith.constant 0 : i32
      %dma_wait3A_589 = tpu.memref_slice %arg12[%dma_wait3A_585, %dma_wait3A_587, %dma_wait3A_588] : memref<4x40x128xf32, #tpu.memory_space<vmem>> -> memref<1x40x128xf32, #tpu.memory_space<vmem>>
      %dma_wait3A_590 = tpu.memref_squeeze %dma_wait3A_589 : memref<1x40x128xf32, #tpu.memory_space<vmem>> -> memref<40x128xf32, #tpu.memory_space<vmem>>
      %dma_wait3A_591 = arith.constant 0 : i32
      %dma_wait3A_592 = tpu.memref_slice %arg10[%dma_wait3A_586, %dma_wait3A_591] : memref<4x40xi32, #tpu.memory_space<vmem>> -> memref<1x40xi32, #tpu.memory_space<vmem>>
      %dma_wait3A_593 = tpu.memref_squeeze %dma_wait3A_592 : memref<1x40xi32, #tpu.memory_space<vmem>> -> memref<40xi32, #tpu.memory_space<vmem>>
      %dma_wait3A_594 = arith.constant 0 : i32
      %dma_wait3A_595 = arith.constant 0 : i32
      %dma_wait3A_596 = tpu.memref_slice %arg8[%dma_wait3A_594, %dma_wait3A_595] : memref<10240x128xf32, #tpu.memory_space<vmem_shared>> -> memref<10240x128xf32, #tpu.memory_space<vmem_shared>>
      tpu.wait_indirect_dma semaphore(%arg27 : memref<!tpu.dma_semaphore, #tpu.memory_space<semaphore_mem>>) src(%dma_wait3A_590 : memref<40x128xf32, #tpu.memory_space<vmem>>) dst(%dma_wait3A_596 : memref<10240x128xf32, #tpu.memory_space<vmem_shared>>)
      %dma_wait3A_597 = arith.constant 1 : i32
      %dma_wait3A_598 = arith.constant 1 : i32
      %dma_wait3A_599 = arith.constant 0 : i32
      %dma_wait3A_600 = arith.constant 0 : i32
      %dma_wait3A_601 = tpu.memref_slice %arg11[%dma_wait3A_597, %dma_wait3A_599, %dma_wait3A_600] : memref<4x40x128xf32, #tpu.memory_space<vmem>> -> memref<1x40x128xf32, #tpu.memory_space<vmem>>
      %dma_wait3A_602 = tpu.memref_squeeze %dma_wait3A_601 : memref<1x40x128xf32, #tpu.memory_space<vmem>> -> memref<40x128xf32, #tpu.memory_space<vmem>>
      %dma_wait3A_603 = arith.constant 0 : i32
      %dma_wait3A_604 = tpu.memref_slice %arg10[%dma_wait3A_598, %dma_wait3A_603] : memref<4x40xi32, #tpu.memory_space<vmem>> -> memref<1x40xi32, #tpu.memory_space<vmem>>
      %dma_wait3A_605 = tpu.memref_squeeze %dma_wait3A_604 : memref<1x40xi32, #tpu.memory_space<vmem>> -> memref<40xi32, #tpu.memory_space<vmem>>
      %dma_wait3A_606 = arith.constant 0 : i32
      %dma_wait3A_607 = arith.constant 0 : i32
      %dma_wait3A_608 = tpu.memref_slice %arg8[%dma_wait3A_606, %dma_wait3A_607] : memref<10240x128xf32, #tpu.memory_space<vmem_shared>> -> memref<10240x128xf32, #tpu.memory_space<vmem_shared>>
      tpu.wait_indirect_dma semaphore(%arg27 : memref<!tpu.dma_semaphore, #tpu.memory_space<semaphore_mem>>) src(%dma_wait3A_602 : memref<40x128xf32, #tpu.memory_space<vmem>>) dst(%dma_wait3A_608 : memref<10240x128xf32, #tpu.memory_space<vmem_shared>>)
      %dma_wait3A_609 = arith.constant 1 : i32
      %dma_wait3A_610 = arith.constant 1 : i32
      %dma_wait3A_611 = arith.constant 0 : i32
      %dma_wait3A_612 = arith.constant 0 : i32
      %dma_wait3A_613 = tpu.memref_slice %arg12[%dma_wait3A_609, %dma_wait3A_611, %dma_wait3A_612] : memref<4x40x128xf32, #tpu.memory_space<vmem>> -> memref<1x40x128xf32, #tpu.memory_space<vmem>>
      %dma_wait3A_614 = tpu.memref_squeeze %dma_wait3A_613 : memref<1x40x128xf32, #tpu.memory_space<vmem>> -> memref<40x128xf32, #tpu.memory_space<vmem>>
      %dma_wait3A_615 = arith.constant 0 : i32
      %dma_wait3A_616 = tpu.memref_slice %arg10[%dma_wait3A_610, %dma_wait3A_615] : memref<4x40xi32, #tpu.memory_space<vmem>> -> memref<1x40xi32, #tpu.memory_space<vmem>>
      %dma_wait3A_617 = tpu.memref_squeeze %dma_wait3A_616 : memref<1x40xi32, #tpu.memory_space<vmem>> -> memref<40xi32, #tpu.memory_space<vmem>>
      %dma_wait3A_618 = arith.constant 0 : i32
      %dma_wait3A_619 = arith.constant 0 : i32
      %dma_wait3A_620 = tpu.memref_slice %arg8[%dma_wait3A_618, %dma_wait3A_619] : memref<10240x128xf32, #tpu.memory_space<vmem_shared>> -> memref<10240x128xf32, #tpu.memory_space<vmem_shared>>
      tpu.wait_indirect_dma semaphore(%arg27 : memref<!tpu.dma_semaphore, #tpu.memory_space<semaphore_mem>>) src(%dma_wait3A_614 : memref<40x128xf32, #tpu.memory_space<vmem>>) dst(%dma_wait3A_620 : memref<10240x128xf32, #tpu.memory_space<vmem_shared>>)
      %dma_wait3A_621 = arith.constant 2 : i32
      %dma_wait3A_622 = arith.constant 2 : i32
      %dma_wait3A_623 = arith.constant 0 : i32
      %dma_wait3A_624 = arith.constant 0 : i32
      %dma_wait3A_625 = tpu.memref_slice %arg11[%dma_wait3A_621, %dma_wait3A_623, %dma_wait3A_624] : memref<4x40x128xf32, #tpu.memory_space<vmem>> -> memref<1x40x128xf32, #tpu.memory_space<vmem>>
      %dma_wait3A_626 = tpu.memref_squeeze %dma_wait3A_625 : memref<1x40x128xf32, #tpu.memory_space<vmem>> -> memref<40x128xf32, #tpu.memory_space<vmem>>
      %dma_wait3A_627 = arith.constant 0 : i32
      %dma_wait3A_628 = tpu.memref_slice %arg10[%dma_wait3A_622, %dma_wait3A_627] : memref<4x40xi32, #tpu.memory_space<vmem>> -> memref<1x40xi32, #tpu.memory_space<vmem>>
      %dma_wait3A_629 = tpu.memref_squeeze %dma_wait3A_628 : memref<1x40xi32, #tpu.memory_space<vmem>> -> memref<40xi32, #tpu.memory_space<vmem>>
      %dma_wait3A_630 = arith.constant 0 : i32
      %dma_wait3A_631 = arith.constant 0 : i32
      %dma_wait3A_632 = tpu.memref_slice %arg8[%dma_wait3A_630, %dma_wait3A_631] : memref<10240x128xf32, #tpu.memory_space<vmem_shared>> -> memref<10240x128xf32, #tpu.memory_space<vmem_shared>>
      tpu.wait_indirect_dma semaphore(%arg27 : memref<!tpu.dma_semaphore, #tpu.memory_space<semaphore_mem>>) src(%dma_wait3A_626 : memref<40x128xf32, #tpu.memory_space<vmem>>) dst(%dma_wait3A_632 : memref<10240x128xf32, #tpu.memory_space<vmem_shared>>)
      %dma_wait3A_633 = arith.constant 2 : i32
      %dma_wait3A_634 = arith.constant 2 : i32
      %dma_wait3A_635 = arith.constant 0 : i32
      %dma_wait3A_636 = arith.constant 0 : i32
      %dma_wait3A_637 = tpu.memref_slice %arg12[%dma_wait3A_633, %dma_wait3A_635, %dma_wait3A_636] : memref<4x40x128xf32, #tpu.memory_space<vmem>> -> memref<1x40x128xf32, #tpu.memory_space<vmem>>
      %dma_wait3A_638 = tpu.memref_squeeze %dma_wait3A_637 : memref<1x40x128xf32, #tpu.memory_space<vmem>> -> memref<40x128xf32, #tpu.memory_space<vmem>>
      %dma_wait3A_639 = arith.constant 0 : i32
      %dma_wait3A_640 = tpu.memref_slice %arg10[%dma_wait3A_634, %dma_wait3A_639] : memref<4x40xi32, #tpu.memory_space<vmem>> -> memref<1x40xi32, #tpu.memory_space<vmem>>
      %dma_wait3A_641 = tpu.memref_squeeze %dma_wait3A_640 : memref<1x40xi32, #tpu.memory_space<vmem>> -> memref<40xi32, #tpu.memory_space<vmem>>
      %dma_wait3A_642 = arith.constant 0 : i32
      %dma_wait3A_643 = arith.constant 0 : i32
      %dma_wait3A_644 = tpu.memref_slice %arg8[%dma_wait3A_642, %dma_wait3A_643] : memref<10240x128xf32, #tpu.memory_space<vmem_shared>> -> memref<10240x128xf32, #tpu.memory_space<vmem_shared>>
      tpu.wait_indirect_dma semaphore(%arg27 : memref<!tpu.dma_semaphore, #tpu.memory_space<semaphore_mem>>) src(%dma_wait3A_638 : memref<40x128xf32, #tpu.memory_space<vmem>>) dst(%dma_wait3A_644 : memref<10240x128xf32, #tpu.memory_space<vmem_shared>>)
      %dma_wait3A_645 = arith.constant 3 : i32
      %dma_wait3A_646 = arith.constant 3 : i32
      %dma_wait3A_647 = arith.constant 0 : i32
      %dma_wait3A_648 = arith.constant 0 : i32
      %dma_wait3A_649 = tpu.memref_slice %arg11[%dma_wait3A_645, %dma_wait3A_647, %dma_wait3A_648] : memref<4x40x128xf32, #tpu.memory_space<vmem>> -> memref<1x40x128xf32, #tpu.memory_space<vmem>>
      %dma_wait3A_650 = tpu.memref_squeeze %dma_wait3A_649 : memref<1x40x128xf32, #tpu.memory_space<vmem>> -> memref<40x128xf32, #tpu.memory_space<vmem>>
      %dma_wait3A_651 = arith.constant 0 : i32
      %dma_wait3A_652 = tpu.memref_slice %arg10[%dma_wait3A_646, %dma_wait3A_651] : memref<4x40xi32, #tpu.memory_space<vmem>> -> memref<1x40xi32, #tpu.memory_space<vmem>>
      %dma_wait3A_653 = tpu.memref_squeeze %dma_wait3A_652 : memref<1x40xi32, #tpu.memory_space<vmem>> -> memref<40xi32, #tpu.memory_space<vmem>>
      %dma_wait3A_654 = arith.constant 0 : i32
      %dma_wait3A_655 = arith.constant 0 : i32
      %dma_wait3A_656 = tpu.memref_slice %arg8[%dma_wait3A_654, %dma_wait3A_655] : memref<10240x128xf32, #tpu.memory_space<vmem_shared>> -> memref<10240x128xf32, #tpu.memory_space<vmem_shared>>
      tpu.wait_indirect_dma semaphore(%arg27 : memref<!tpu.dma_semaphore, #tpu.memory_space<semaphore_mem>>) src(%dma_wait3A_650 : memref<40x128xf32, #tpu.memory_space<vmem>>) dst(%dma_wait3A_656 : memref<10240x128xf32, #tpu.memory_space<vmem_shared>>)
      %dma_wait3A_657 = arith.constant 3 : i32
      %dma_wait3A_658 = arith.constant 3 : i32
      %dma_wait3A_659 = arith.constant 0 : i32
      %dma_wait3A_660 = arith.constant 0 : i32
      %dma_wait3A_661 = tpu.memref_slice %arg12[%dma_wait3A_657, %dma_wait3A_659, %dma_wait3A_660] : memref<4x40x128xf32, #tpu.memory_space<vmem>> -> memref<1x40x128xf32, #tpu.memory_space<vmem>>
      %dma_wait3A_662 = tpu.memref_squeeze %dma_wait3A_661 : memref<1x40x128xf32, #tpu.memory_space<vmem>> -> memref<40x128xf32, #tpu.memory_space<vmem>>
      %dma_wait3A_663 = arith.constant 0 : i32
      %dma_wait3A_664 = tpu.memref_slice %arg10[%dma_wait3A_658, %dma_wait3A_663] : memref<4x40xi32, #tpu.memory_space<vmem>> -> memref<1x40xi32, #tpu.memory_space<vmem>>
      %dma_wait3A_665 = tpu.memref_squeeze %dma_wait3A_664 : memref<1x40xi32, #tpu.memory_space<vmem>> -> memref<40xi32, #tpu.memory_space<vmem>>
      %dma_wait3A_666 = arith.constant 0 : i32
      %dma_wait3A_667 = arith.constant 0 : i32
      %dma_wait3A_668 = tpu.memref_slice %arg8[%dma_wait3A_666, %dma_wait3A_667] : memref<10240x128xf32, #tpu.memory_space<vmem_shared>> -> memref<10240x128xf32, #tpu.memory_space<vmem_shared>>
      tpu.wait_indirect_dma semaphore(%arg27 : memref<!tpu.dma_semaphore, #tpu.memory_space<semaphore_mem>>) src(%dma_wait3A_662 : memref<40x128xf32, #tpu.memory_space<vmem>>) dst(%dma_wait3A_668 : memref<10240x128xf32, #tpu.memory_space<vmem_shared>>)
    }
    %scan3A_13 = arith.constant 62 : i32
    %add3A = arith.constant 9920 : i32
    %add3A_14 = arith.addi %mul3A_2, %add3A : i32
    %mul3A_15 = arith.constant 160000 : i32
    %mul3A_16 = arith.muli %arg0, %mul3A_15 : i32
    %add3A_17 = arith.addi %mul3A_16, %add3A_14 : i32
    %run_scoped3A = arith.constant 0 : i32
    "tpu.region"() ({
      %run_scoped3A_95 = tpu.sem_alloc : memref<!tpu.dma_semaphore, #tpu.memory_space<semaphore_mem>>
      %dma_start3A_96 = arith.constant 0 : i32
      %dma_start3A_97 = tpu.memref_slice %arg9[%run_scoped3A, %dma_start3A_96] : memref<4x40xi32, #tpu.memory_space<vmem>> -> memref<1x40xi32, #tpu.memory_space<vmem>>
      %dma_start3A_98 = tpu.memref_squeeze %dma_start3A_97 : memref<1x40xi32, #tpu.memory_space<vmem>> -> memref<40xi32, #tpu.memory_space<vmem>>
      %dma_start3A_99 = tpu.memref_slice %arg4[%add3A_17] : memref<320000xi32, #tpu.memory_space<hbm>> -> memref<40xi32, #tpu.memory_space<hbm>>
      %dma_start3A_100 = arith.constant 0 : i32
      %dma_start3A_101 = tpu.memref_slice %arg9[%run_scoped3A, %dma_start3A_100] : memref<4x40xi32, #tpu.memory_space<vmem>> -> memref<1x40xi32, #tpu.memory_space<vmem>>
      %dma_start3A_102 = tpu.memref_squeeze %dma_start3A_101 : memref<1x40xi32, #tpu.memory_space<vmem>> -> memref<40xi32, #tpu.memory_space<vmem>>
      %dma_start3A_103 = tpu.memref_slice %arg4[%add3A_17] : memref<320000xi32, #tpu.memory_space<hbm>> -> memref<40xi32, #tpu.memory_space<hbm>>
      tpu.enqueue_dma source(%dma_start3A_103 : memref<40xi32, #tpu.memory_space<hbm>>) target(%dma_start3A_102 : memref<40xi32, #tpu.memory_space<vmem>>) target_semaphore(%run_scoped3A_95 : memref<!tpu.dma_semaphore, #tpu.memory_space<semaphore_mem>>)
      %dma_wait3A_104 = arith.constant 0 : i32
      %dma_wait3A_105 = tpu.memref_slice %arg9[%run_scoped3A, %dma_wait3A_104] : memref<4x40xi32, #tpu.memory_space<vmem>> -> memref<1x40xi32, #tpu.memory_space<vmem>>
      %dma_wait3A_106 = tpu.memref_squeeze %dma_wait3A_105 : memref<1x40xi32, #tpu.memory_space<vmem>> -> memref<40xi32, #tpu.memory_space<vmem>>
      %dma_wait3A_107 = tpu.memref_slice %arg4[%add3A_17] : memref<320000xi32, #tpu.memory_space<hbm>> -> memref<40xi32, #tpu.memory_space<hbm>>
      %dma_wait3A_108 = arith.constant 0 : i32
      %dma_wait3A_109 = tpu.memref_slice %arg9[%run_scoped3A, %dma_wait3A_108] : memref<4x40xi32, #tpu.memory_space<vmem>> -> memref<1x40xi32, #tpu.memory_space<vmem>>
      %dma_wait3A_110 = tpu.memref_squeeze %dma_wait3A_109 : memref<1x40xi32, #tpu.memory_space<vmem>> -> memref<40xi32, #tpu.memory_space<vmem>>
      %dma_wait3A_111 = tpu.memref_slice %arg4[%add3A_17] : memref<320000xi32, #tpu.memory_space<hbm>> -> memref<40xi32, #tpu.memory_space<hbm>>
      tpu.wait_dma2 semaphore(%run_scoped3A_95 : memref<!tpu.dma_semaphore, #tpu.memory_space<semaphore_mem>>) src(%dma_wait3A_111 : memref<40xi32, #tpu.memory_space<hbm>>) dst(%dma_wait3A_110 : memref<40xi32, #tpu.memory_space<vmem>>)
      tpu.yield
    }) : () -> ()
    %run_scoped3A_18 = arith.constant 0 : i32
    "tpu.region"() ({
      %run_scoped3A_95 = tpu.sem_alloc : memref<!tpu.dma_semaphore, #tpu.memory_space<semaphore_mem>>
      %dma_start3A_96 = arith.constant 0 : i32
      %dma_start3A_97 = tpu.memref_slice %arg10[%run_scoped3A_18, %dma_start3A_96] : memref<4x40xi32, #tpu.memory_space<vmem>> -> memref<1x40xi32, #tpu.memory_space<vmem>>
      %dma_start3A_98 = tpu.memref_squeeze %dma_start3A_97 : memref<1x40xi32, #tpu.memory_space<vmem>> -> memref<40xi32, #tpu.memory_space<vmem>>
      %dma_start3A_99 = tpu.memref_slice %arg5[%add3A_14] : memref<160000xi32, #tpu.memory_space<hbm>> -> memref<40xi32, #tpu.memory_space<hbm>>
      %dma_start3A_100 = arith.constant 0 : i32
      %dma_start3A_101 = tpu.memref_slice %arg10[%run_scoped3A_18, %dma_start3A_100] : memref<4x40xi32, #tpu.memory_space<vmem>> -> memref<1x40xi32, #tpu.memory_space<vmem>>
      %dma_start3A_102 = tpu.memref_squeeze %dma_start3A_101 : memref<1x40xi32, #tpu.memory_space<vmem>> -> memref<40xi32, #tpu.memory_space<vmem>>
      %dma_start3A_103 = tpu.memref_slice %arg5[%add3A_14] : memref<160000xi32, #tpu.memory_space<hbm>> -> memref<40xi32, #tpu.memory_space<hbm>>
      tpu.enqueue_dma source(%dma_start3A_103 : memref<40xi32, #tpu.memory_space<hbm>>) target(%dma_start3A_102 : memref<40xi32, #tpu.memory_space<vmem>>) target_semaphore(%run_scoped3A_95 : memref<!tpu.dma_semaphore, #tpu.memory_space<semaphore_mem>>)
      %dma_wait3A_104 = arith.constant 0 : i32
      %dma_wait3A_105 = tpu.memref_slice %arg10[%run_scoped3A_18, %dma_wait3A_104] : memref<4x40xi32, #tpu.memory_space<vmem>> -> memref<1x40xi32, #tpu.memory_space<vmem>>
      %dma_wait3A_106 = tpu.memref_squeeze %dma_wait3A_105 : memref<1x40xi32, #tpu.memory_space<vmem>> -> memref<40xi32, #tpu.memory_space<vmem>>
      %dma_wait3A_107 = tpu.memref_slice %arg5[%add3A_14] : memref<160000xi32, #tpu.memory_space<hbm>> -> memref<40xi32, #tpu.memory_space<hbm>>
      %dma_wait3A_108 = arith.constant 0 : i32
      %dma_wait3A_109 = tpu.memref_slice %arg10[%run_scoped3A_18, %dma_wait3A_108] : memref<4x40xi32, #tpu.memory_space<vmem>> -> memref<1x40xi32, #tpu.memory_space<vmem>>
      %dma_wait3A_110 = tpu.memref_squeeze %dma_wait3A_109 : memref<1x40xi32, #tpu.memory_space<vmem>> -> memref<40xi32, #tpu.memory_space<vmem>>
      %dma_wait3A_111 = tpu.memref_slice %arg5[%add3A_14] : memref<160000xi32, #tpu.memory_space<hbm>> -> memref<40xi32, #tpu.memory_space<hbm>>
      tpu.wait_dma2 semaphore(%run_scoped3A_95 : memref<!tpu.dma_semaphore, #tpu.memory_space<semaphore_mem>>) src(%dma_wait3A_111 : memref<40xi32, #tpu.memory_space<hbm>>) dst(%dma_wait3A_110 : memref<40xi32, #tpu.memory_space<vmem>>)
      tpu.yield
    }) : () -> ()
    %dma_start3A = arith.constant 0 : i32
    %dma_start3A_19 = arith.constant 0 : i32
    %dma_start3A_20 = arith.constant 0 : i32
    %dma_start3A_21 = arith.constant 0 : i32
    %dma_start3A_22 = tpu.memref_slice %arg11[%dma_start3A_19, %dma_start3A_20, %dma_start3A_21] : memref<4x40x128xf32, #tpu.memory_space<vmem>> -> memref<1x40x128xf32, #tpu.memory_space<vmem>>
    %dma_start3A_23 = tpu.memref_squeeze %dma_start3A_22 : memref<1x40x128xf32, #tpu.memory_space<vmem>> -> memref<40x128xf32, #tpu.memory_space<vmem>>
    %dma_start3A_24 = arith.constant 0 : i32
    %dma_start3A_25 = tpu.memref_slice %arg9[%dma_start3A, %dma_start3A_24] : memref<4x40xi32, #tpu.memory_space<vmem>> -> memref<1x40xi32, #tpu.memory_space<vmem>>
    %dma_start3A_26 = tpu.memref_squeeze %dma_start3A_25 : memref<1x40xi32, #tpu.memory_space<vmem>> -> memref<40xi32, #tpu.memory_space<vmem>>
    %dma_start3A_27 = arith.constant 0 : i32
    %dma_start3A_28 = arith.constant 0 : i32
    %dma_start3A_29 = tpu.memref_slice %arg2[%dma_start3A_27, %dma_start3A_28] : memref<20000x128xf32, #tpu.memory_space<hbm>> -> memref<20000x128xf32, #tpu.memory_space<hbm>>
    tpu.enqueue_indirect_dma source(%dma_start3A_29 : memref<20000x128xf32, #tpu.memory_space<hbm>>) target(%dma_start3A_23 : memref<40x128xf32, #tpu.memory_space<vmem>>) offsets(%dma_start3A_26 : memref<40xi32, #tpu.memory_space<vmem>>) semaphore(%arg23 : memref<!tpu.dma_semaphore, #tpu.memory_space<semaphore_mem>>)
    %dma_wait3A = arith.constant 0 : i32
    %dma_wait3A_30 = arith.constant 0 : i32
    %dma_wait3A_31 = arith.constant 0 : i32
    %dma_wait3A_32 = arith.constant 0 : i32
    %dma_wait3A_33 = tpu.memref_slice %arg11[%dma_wait3A_30, %dma_wait3A_31, %dma_wait3A_32] : memref<4x40x128xf32, #tpu.memory_space<vmem>> -> memref<1x40x128xf32, #tpu.memory_space<vmem>>
    %dma_wait3A_34 = tpu.memref_squeeze %dma_wait3A_33 : memref<1x40x128xf32, #tpu.memory_space<vmem>> -> memref<40x128xf32, #tpu.memory_space<vmem>>
    %dma_wait3A_35 = arith.constant 0 : i32
    %dma_wait3A_36 = tpu.memref_slice %arg9[%dma_wait3A, %dma_wait3A_35] : memref<4x40xi32, #tpu.memory_space<vmem>> -> memref<1x40xi32, #tpu.memory_space<vmem>>
    %dma_wait3A_37 = tpu.memref_squeeze %dma_wait3A_36 : memref<1x40xi32, #tpu.memory_space<vmem>> -> memref<40xi32, #tpu.memory_space<vmem>>
    %dma_wait3A_38 = arith.constant 0 : i32
    %dma_wait3A_39 = arith.constant 0 : i32
    %dma_wait3A_40 = tpu.memref_slice %arg2[%dma_wait3A_38, %dma_wait3A_39] : memref<20000x128xf32, #tpu.memory_space<hbm>> -> memref<20000x128xf32, #tpu.memory_space<hbm>>
    tpu.wait_indirect_dma semaphore(%arg23 : memref<!tpu.dma_semaphore, #tpu.memory_space<semaphore_mem>>) src(%dma_wait3A_40 : memref<20000x128xf32, #tpu.memory_space<hbm>>) dst(%dma_wait3A_34 : memref<40x128xf32, #tpu.memory_space<vmem>>)
    %mul3A_41 = arith.constant 160000 : i32
    %mul3A_42 = arith.muli %arg0, %mul3A_41 : i32
    %add3A_43 = arith.addi %mul3A_42, %add3A_14 : i32
    %run_scoped3A_44 = arith.constant 0 : i32
    "tpu.region"() ({
      %run_scoped3A_95 = tpu.sem_alloc : memref<!tpu.dma_semaphore, #tpu.memory_space<semaphore_mem>>
      %dma_start3A_96 = arith.constant 0 : i32
      %dma_start3A_97 = arith.constant 0 : i32
      %dma_start3A_98 = tpu.memref_slice %arg12[%run_scoped3A_44, %dma_start3A_96, %dma_start3A_97] : memref<4x40x128xf32, #tpu.memory_space<vmem>> -> memref<1x40x128xf32, #tpu.memory_space<vmem>>
      %dma_start3A_99 = tpu.memref_squeeze %dma_start3A_98 : memref<1x40x128xf32, #tpu.memory_space<vmem>> -> memref<40x128xf32, #tpu.memory_space<vmem>>
      %dma_start3A_100 = arith.constant 0 : i32
      %dma_start3A_101 = tpu.memref_slice %arg3[%add3A_43, %dma_start3A_100] : memref<320000x128xf32, #tpu.memory_space<hbm>> -> memref<40x128xf32, #tpu.memory_space<hbm>>
      %dma_start3A_102 = arith.constant 0 : i32
      %dma_start3A_103 = arith.constant 0 : i32
      %dma_start3A_104 = tpu.memref_slice %arg12[%run_scoped3A_44, %dma_start3A_102, %dma_start3A_103] : memref<4x40x128xf32, #tpu.memory_space<vmem>> -> memref<1x40x128xf32, #tpu.memory_space<vmem>>
      %dma_start3A_105 = tpu.memref_squeeze %dma_start3A_104 : memref<1x40x128xf32, #tpu.memory_space<vmem>> -> memref<40x128xf32, #tpu.memory_space<vmem>>
      %dma_start3A_106 = arith.constant 0 : i32
      %dma_start3A_107 = tpu.memref_slice %arg3[%add3A_43, %dma_start3A_106] : memref<320000x128xf32, #tpu.memory_space<hbm>> -> memref<40x128xf32, #tpu.memory_space<hbm>>
      tpu.enqueue_dma source(%dma_start3A_107 : memref<40x128xf32, #tpu.memory_space<hbm>>) target(%dma_start3A_105 : memref<40x128xf32, #tpu.memory_space<vmem>>) target_semaphore(%run_scoped3A_95 : memref<!tpu.dma_semaphore, #tpu.memory_space<semaphore_mem>>)
      %dma_wait3A_108 = arith.constant 0 : i32
      %dma_wait3A_109 = arith.constant 0 : i32
      %dma_wait3A_110 = tpu.memref_slice %arg12[%run_scoped3A_44, %dma_wait3A_108, %dma_wait3A_109] : memref<4x40x128xf32, #tpu.memory_space<vmem>> -> memref<1x40x128xf32, #tpu.memory_space<vmem>>
      %dma_wait3A_111 = tpu.memref_squeeze %dma_wait3A_110 : memref<1x40x128xf32, #tpu.memory_space<vmem>> -> memref<40x128xf32, #tpu.memory_space<vmem>>
      %dma_wait3A_112 = arith.constant 0 : i32
      %dma_wait3A_113 = tpu.memref_slice %arg3[%add3A_43, %dma_wait3A_112] : memref<320000x128xf32, #tpu.memory_space<hbm>> -> memref<40x128xf32, #tpu.memory_space<hbm>>
      %dma_wait3A_114 = arith.constant 0 : i32
      %dma_wait3A_115 = arith.constant 0 : i32
      %dma_wait3A_116 = tpu.memref_slice %arg12[%run_scoped3A_44, %dma_wait3A_114, %dma_wait3A_115] : memref<4x40x128xf32, #tpu.memory_space<vmem>> -> memref<1x40x128xf32, #tpu.memory_space<vmem>>
      %dma_wait3A_117 = tpu.memref_squeeze %dma_wait3A_116 : memref<1x40x128xf32, #tpu.memory_space<vmem>> -> memref<40x128xf32, #tpu.memory_space<vmem>>
      %dma_wait3A_118 = arith.constant 0 : i32
      %dma_wait3A_119 = tpu.memref_slice %arg3[%add3A_43, %dma_wait3A_118] : memref<320000x128xf32, #tpu.memory_space<hbm>> -> memref<40x128xf32, #tpu.memory_space<hbm>>
      tpu.wait_dma2 semaphore(%run_scoped3A_95 : memref<!tpu.dma_semaphore, #tpu.memory_space<semaphore_mem>>) src(%dma_wait3A_119 : memref<40x128xf32, #tpu.memory_space<hbm>>) dst(%dma_wait3A_117 : memref<40x128xf32, #tpu.memory_space<vmem>>)
      tpu.yield
    }) : () -> ()
    %run_scoped3A_45 = arith.constant 0 : i32
    %run_scoped3A_46 = arith.constant 0 : i32
    "tpu.region"() ({
      %run_scoped3A_95 = tpu.sem_alloc : memref<!tpu.dma_semaphore, #tpu.memory_space<semaphore_mem>>
      %dma_start3A_96 = arith.constant 0 : i32
      %dma_start3A_97 = arith.constant 0 : i32
      %dma_start3A_98 = tpu.memref_slice %arg11[%run_scoped3A_45, %dma_start3A_96, %dma_start3A_97] : memref<4x40x128xf32, #tpu.memory_space<vmem>> -> memref<1x40x128xf32, #tpu.memory_space<vmem>>
      %dma_start3A_99 = tpu.memref_squeeze %dma_start3A_98 : memref<1x40x128xf32, #tpu.memory_space<vmem>> -> memref<40x128xf32, #tpu.memory_space<vmem>>
      %dma_start3A_100 = arith.constant 0 : i32
      %dma_start3A_101 = tpu.memref_slice %arg10[%run_scoped3A_46, %dma_start3A_100] : memref<4x40xi32, #tpu.memory_space<vmem>> -> memref<1x40xi32, #tpu.memory_space<vmem>>
      %dma_start3A_102 = tpu.memref_squeeze %dma_start3A_101 : memref<1x40xi32, #tpu.memory_space<vmem>> -> memref<40xi32, #tpu.memory_space<vmem>>
      %dma_start3A_103 = arith.constant 0 : i32
      %dma_start3A_104 = arith.constant 0 : i32
      %dma_start3A_105 = tpu.memref_slice %arg8[%dma_start3A_103, %dma_start3A_104] : memref<10240x128xf32, #tpu.memory_space<vmem_shared>> -> memref<10240x128xf32, #tpu.memory_space<vmem_shared>>
      tpu.enqueue_indirect_dma source(%dma_start3A_99 : memref<40x128xf32, #tpu.memory_space<vmem>>) target(%dma_start3A_105 : memref<10240x128xf32, #tpu.memory_space<vmem_shared>>) offsets(%dma_start3A_102 : memref<40xi32, #tpu.memory_space<vmem>>) semaphore(%run_scoped3A_95 : memref<!tpu.dma_semaphore, #tpu.memory_space<semaphore_mem>>) {add = true}
      %dma_wait3A_106 = arith.constant 0 : i32
      %dma_wait3A_107 = arith.constant 0 : i32
      %dma_wait3A_108 = tpu.memref_slice %arg11[%run_scoped3A_45, %dma_wait3A_106, %dma_wait3A_107] : memref<4x40x128xf32, #tpu.memory_space<vmem>> -> memref<1x40x128xf32, #tpu.memory_space<vmem>>
      %dma_wait3A_109 = tpu.memref_squeeze %dma_wait3A_108 : memref<1x40x128xf32, #tpu.memory_space<vmem>> -> memref<40x128xf32, #tpu.memory_space<vmem>>
      %dma_wait3A_110 = arith.constant 0 : i32
      %dma_wait3A_111 = tpu.memref_slice %arg10[%run_scoped3A_46, %dma_wait3A_110] : memref<4x40xi32, #tpu.memory_space<vmem>> -> memref<1x40xi32, #tpu.memory_space<vmem>>
      %dma_wait3A_112 = tpu.memref_squeeze %dma_wait3A_111 : memref<1x40xi32, #tpu.memory_space<vmem>> -> memref<40xi32, #tpu.memory_space<vmem>>
      %dma_wait3A_113 = arith.constant 0 : i32
      %dma_wait3A_114 = arith.constant 0 : i32
      %dma_wait3A_115 = tpu.memref_slice %arg8[%dma_wait3A_113, %dma_wait3A_114] : memref<10240x128xf32, #tpu.memory_space<vmem_shared>> -> memref<10240x128xf32, #tpu.memory_space<vmem_shared>>
      tpu.wait_indirect_dma semaphore(%run_scoped3A_95 : memref<!tpu.dma_semaphore, #tpu.memory_space<semaphore_mem>>) src(%dma_wait3A_109 : memref<40x128xf32, #tpu.memory_space<vmem>>) dst(%dma_wait3A_115 : memref<10240x128xf32, #tpu.memory_space<vmem_shared>>)
      tpu.yield
    }) : () -> ()
    %run_scoped3A_47 = arith.constant 0 : i32
    %run_scoped3A_48 = arith.constant 0 : i32
    "tpu.region"() ({
      %run_scoped3A_95 = tpu.sem_alloc : memref<!tpu.dma_semaphore, #tpu.memory_space<semaphore_mem>>
      %dma_start3A_96 = arith.constant 0 : i32
      %dma_start3A_97 = arith.constant 0 : i32
      %dma_start3A_98 = tpu.memref_slice %arg12[%run_scoped3A_47, %dma_start3A_96, %dma_start3A_97] : memref<4x40x128xf32, #tpu.memory_space<vmem>> -> memref<1x40x128xf32, #tpu.memory_space<vmem>>
      %dma_start3A_99 = tpu.memref_squeeze %dma_start3A_98 : memref<1x40x128xf32, #tpu.memory_space<vmem>> -> memref<40x128xf32, #tpu.memory_space<vmem>>
      %dma_start3A_100 = arith.constant 0 : i32
      %dma_start3A_101 = tpu.memref_slice %arg10[%run_scoped3A_48, %dma_start3A_100] : memref<4x40xi32, #tpu.memory_space<vmem>> -> memref<1x40xi32, #tpu.memory_space<vmem>>
      %dma_start3A_102 = tpu.memref_squeeze %dma_start3A_101 : memref<1x40xi32, #tpu.memory_space<vmem>> -> memref<40xi32, #tpu.memory_space<vmem>>
      %dma_start3A_103 = arith.constant 0 : i32
      %dma_start3A_104 = arith.constant 0 : i32
      %dma_start3A_105 = tpu.memref_slice %arg8[%dma_start3A_103, %dma_start3A_104] : memref<10240x128xf32, #tpu.memory_space<vmem_shared>> -> memref<10240x128xf32, #tpu.memory_space<vmem_shared>>
      tpu.enqueue_indirect_dma source(%dma_start3A_99 : memref<40x128xf32, #tpu.memory_space<vmem>>) target(%dma_start3A_105 : memref<10240x128xf32, #tpu.memory_space<vmem_shared>>) offsets(%dma_start3A_102 : memref<40xi32, #tpu.memory_space<vmem>>) semaphore(%run_scoped3A_95 : memref<!tpu.dma_semaphore, #tpu.memory_space<semaphore_mem>>) {add = true}
      %dma_wait3A_106 = arith.constant 0 : i32
      %dma_wait3A_107 = arith.constant 0 : i32
      %dma_wait3A_108 = tpu.memref_slice %arg12[%run_scoped3A_47, %dma_wait3A_106, %dma_wait3A_107] : memref<4x40x128xf32, #tpu.memory_space<vmem>> -> memref<1x40x128xf32, #tpu.memory_space<vmem>>
      %dma_wait3A_109 = tpu.memref_squeeze %dma_wait3A_108 : memref<1x40x128xf32, #tpu.memory_space<vmem>> -> memref<40x128xf32, #tpu.memory_space<vmem>>
      %dma_wait3A_110 = arith.constant 0 : i32
      %dma_wait3A_111 = tpu.memref_slice %arg10[%run_scoped3A_48, %dma_wait3A_110] : memref<4x40xi32, #tpu.memory_space<vmem>> -> memref<1x40xi32, #tpu.memory_space<vmem>>
      %dma_wait3A_112 = tpu.memref_squeeze %dma_wait3A_111 : memref<1x40xi32, #tpu.memory_space<vmem>> -> memref<40xi32, #tpu.memory_space<vmem>>
      %dma_wait3A_113 = arith.constant 0 : i32
      %dma_wait3A_114 = arith.constant 0 : i32
      %dma_wait3A_115 = tpu.memref_slice %arg8[%dma_wait3A_113, %dma_wait3A_114] : memref<10240x128xf32, #tpu.memory_space<vmem_shared>> -> memref<10240x128xf32, #tpu.memory_space<vmem_shared>>
      tpu.wait_indirect_dma semaphore(%run_scoped3A_95 : memref<!tpu.dma_semaphore, #tpu.memory_space<semaphore_mem>>) src(%dma_wait3A_109 : memref<40x128xf32, #tpu.memory_space<vmem>>) dst(%dma_wait3A_115 : memref<10240x128xf32, #tpu.memory_space<vmem_shared>>)
      tpu.yield
    }) : () -> ()
    %add3A_49 = arith.constant 9960 : i32
    %add3A_50 = arith.addi %mul3A_2, %add3A_49 : i32
    %mul3A_51 = arith.constant 160000 : i32
    %mul3A_52 = arith.muli %arg0, %mul3A_51 : i32
    %add3A_53 = arith.addi %mul3A_52, %add3A_50 : i32
    %run_scoped3A_54 = arith.constant 0 : i32
    "tpu.region"() ({
      %run_scoped3A_95 = tpu.sem_alloc : memref<!tpu.dma_semaphore, #tpu.memory_space<semaphore_mem>>
      %dma_start3A_96 = arith.constant 0 : i32
      %dma_start3A_97 = tpu.memref_slice %arg9[%run_scoped3A_54, %dma_start3A_96] : memref<4x40xi32, #tpu.memory_space<vmem>> -> memref<1x40xi32, #tpu.memory_space<vmem>>
      %dma_start3A_98 = tpu.memref_squeeze %dma_start3A_97 : memref<1x40xi32, #tpu.memory_space<vmem>> -> memref<40xi32, #tpu.memory_space<vmem>>
      %dma_start3A_99 = tpu.memref_slice %arg4[%add3A_53] : memref<320000xi32, #tpu.memory_space<hbm>> -> memref<40xi32, #tpu.memory_space<hbm>>
      %dma_start3A_100 = arith.constant 0 : i32
      %dma_start3A_101 = tpu.memref_slice %arg9[%run_scoped3A_54, %dma_start3A_100] : memref<4x40xi32, #tpu.memory_space<vmem>> -> memref<1x40xi32, #tpu.memory_space<vmem>>
      %dma_start3A_102 = tpu.memref_squeeze %dma_start3A_101 : memref<1x40xi32, #tpu.memory_space<vmem>> -> memref<40xi32, #tpu.memory_space<vmem>>
      %dma_start3A_103 = tpu.memref_slice %arg4[%add3A_53] : memref<320000xi32, #tpu.memory_space<hbm>> -> memref<40xi32, #tpu.memory_space<hbm>>
      tpu.enqueue_dma source(%dma_start3A_103 : memref<40xi32, #tpu.memory_space<hbm>>) target(%dma_start3A_102 : memref<40xi32, #tpu.memory_space<vmem>>) target_semaphore(%run_scoped3A_95 : memref<!tpu.dma_semaphore, #tpu.memory_space<semaphore_mem>>)
      %dma_wait3A_104 = arith.constant 0 : i32
      %dma_wait3A_105 = tpu.memref_slice %arg9[%run_scoped3A_54, %dma_wait3A_104] : memref<4x40xi32, #tpu.memory_space<vmem>> -> memref<1x40xi32, #tpu.memory_space<vmem>>
      %dma_wait3A_106 = tpu.memref_squeeze %dma_wait3A_105 : memref<1x40xi32, #tpu.memory_space<vmem>> -> memref<40xi32, #tpu.memory_space<vmem>>
      %dma_wait3A_107 = tpu.memref_slice %arg4[%add3A_53] : memref<320000xi32, #tpu.memory_space<hbm>> -> memref<40xi32, #tpu.memory_space<hbm>>
      %dma_wait3A_108 = arith.constant 0 : i32
      %dma_wait3A_109 = tpu.memref_slice %arg9[%run_scoped3A_54, %dma_wait3A_108] : memref<4x40xi32, #tpu.memory_space<vmem>> -> memref<1x40xi32, #tpu.memory_space<vmem>>
      %dma_wait3A_110 = tpu.memref_squeeze %dma_wait3A_109 : memref<1x40xi32, #tpu.memory_space<vmem>> -> memref<40xi32, #tpu.memory_space<vmem>>
      %dma_wait3A_111 = tpu.memref_slice %arg4[%add3A_53] : memref<320000xi32, #tpu.memory_space<hbm>> -> memref<40xi32, #tpu.memory_space<hbm>>
      tpu.wait_dma2 semaphore(%run_scoped3A_95 : memref<!tpu.dma_semaphore, #tpu.memory_space<semaphore_mem>>) src(%dma_wait3A_111 : memref<40xi32, #tpu.memory_space<hbm>>) dst(%dma_wait3A_110 : memref<40xi32, #tpu.memory_space<vmem>>)
      tpu.yield
    }) : () -> ()
    %run_scoped3A_55 = arith.constant 0 : i32
    "tpu.region"() ({
      %run_scoped3A_95 = tpu.sem_alloc : memref<!tpu.dma_semaphore, #tpu.memory_space<semaphore_mem>>
      %dma_start3A_96 = arith.constant 0 : i32
      %dma_start3A_97 = tpu.memref_slice %arg10[%run_scoped3A_55, %dma_start3A_96] : memref<4x40xi32, #tpu.memory_space<vmem>> -> memref<1x40xi32, #tpu.memory_space<vmem>>
      %dma_start3A_98 = tpu.memref_squeeze %dma_start3A_97 : memref<1x40xi32, #tpu.memory_space<vmem>> -> memref<40xi32, #tpu.memory_space<vmem>>
      %dma_start3A_99 = tpu.memref_slice %arg5[%add3A_50] : memref<160000xi32, #tpu.memory_space<hbm>> -> memref<40xi32, #tpu.memory_space<hbm>>
      %dma_start3A_100 = arith.constant 0 : i32
      %dma_start3A_101 = tpu.memref_slice %arg10[%run_scoped3A_55, %dma_start3A_100] : memref<4x40xi32, #tpu.memory_space<vmem>> -> memref<1x40xi32, #tpu.memory_space<vmem>>
      %dma_start3A_102 = tpu.memref_squeeze %dma_start3A_101 : memref<1x40xi32, #tpu.memory_space<vmem>> -> memref<40xi32, #tpu.memory_space<vmem>>
      %dma_start3A_103 = tpu.memref_slice %arg5[%add3A_50] : memref<160000xi32, #tpu.memory_space<hbm>> -> memref<40xi32, #tpu.memory_space<hbm>>
      tpu.enqueue_dma source(%dma_start3A_103 : memref<40xi32, #tpu.memory_space<hbm>>) target(%dma_start3A_102 : memref<40xi32, #tpu.memory_space<vmem>>) target_semaphore(%run_scoped3A_95 : memref<!tpu.dma_semaphore, #tpu.memory_space<semaphore_mem>>)
      %dma_wait3A_104 = arith.constant 0 : i32
      %dma_wait3A_105 = tpu.memref_slice %arg10[%run_scoped3A_55, %dma_wait3A_104] : memref<4x40xi32, #tpu.memory_space<vmem>> -> memref<1x40xi32, #tpu.memory_space<vmem>>
      %dma_wait3A_106 = tpu.memref_squeeze %dma_wait3A_105 : memref<1x40xi32, #tpu.memory_space<vmem>> -> memref<40xi32, #tpu.memory_space<vmem>>
      %dma_wait3A_107 = tpu.memref_slice %arg5[%add3A_50] : memref<160000xi32, #tpu.memory_space<hbm>> -> memref<40xi32, #tpu.memory_space<hbm>>
      %dma_wait3A_108 = arith.constant 0 : i32
      %dma_wait3A_109 = tpu.memref_slice %arg10[%run_scoped3A_55, %dma_wait3A_108] : memref<4x40xi32, #tpu.memory_space<vmem>> -> memref<1x40xi32, #tpu.memory_space<vmem>>
      %dma_wait3A_110 = tpu.memref_squeeze %dma_wait3A_109 : memref<1x40xi32, #tpu.memory_space<vmem>> -> memref<40xi32, #tpu.memory_space<vmem>>
      %dma_wait3A_111 = tpu.memref_slice %arg5[%add3A_50] : memref<160000xi32, #tpu.memory_space<hbm>> -> memref<40xi32, #tpu.memory_space<hbm>>
      tpu.wait_dma2 semaphore(%run_scoped3A_95 : memref<!tpu.dma_semaphore, #tpu.memory_space<semaphore_mem>>) src(%dma_wait3A_111 : memref<40xi32, #tpu.memory_space<hbm>>) dst(%dma_wait3A_110 : memref<40xi32, #tpu.memory_space<vmem>>)
      tpu.yield
    }) : () -> ()
    %dma_start3A_56 = arith.constant 0 : i32
    %dma_start3A_57 = arith.constant 0 : i32
    %dma_start3A_58 = arith.constant 0 : i32
    %dma_start3A_59 = arith.constant 0 : i32
    %dma_start3A_60 = tpu.memref_slice %arg11[%dma_start3A_57, %dma_start3A_58, %dma_start3A_59] : memref<4x40x128xf32, #tpu.memory_space<vmem>> -> memref<1x40x128xf32, #tpu.memory_space<vmem>>
    %dma_start3A_61 = tpu.memref_squeeze %dma_start3A_60 : memref<1x40x128xf32, #tpu.memory_space<vmem>> -> memref<40x128xf32, #tpu.memory_space<vmem>>
    %dma_start3A_62 = arith.constant 0 : i32
    %dma_start3A_63 = tpu.memref_slice %arg9[%dma_start3A_56, %dma_start3A_62] : memref<4x40xi32, #tpu.memory_space<vmem>> -> memref<1x40xi32, #tpu.memory_space<vmem>>
    %dma_start3A_64 = tpu.memref_squeeze %dma_start3A_63 : memref<1x40xi32, #tpu.memory_space<vmem>> -> memref<40xi32, #tpu.memory_space<vmem>>
    %dma_start3A_65 = arith.constant 0 : i32
    %dma_start3A_66 = arith.constant 0 : i32
    %dma_start3A_67 = tpu.memref_slice %arg2[%dma_start3A_65, %dma_start3A_66] : memref<20000x128xf32, #tpu.memory_space<hbm>> -> memref<20000x128xf32, #tpu.memory_space<hbm>>
    tpu.enqueue_indirect_dma source(%dma_start3A_67 : memref<20000x128xf32, #tpu.memory_space<hbm>>) target(%dma_start3A_61 : memref<40x128xf32, #tpu.memory_space<vmem>>) offsets(%dma_start3A_64 : memref<40xi32, #tpu.memory_space<vmem>>) semaphore(%arg23 : memref<!tpu.dma_semaphore, #tpu.memory_space<semaphore_mem>>)
    %dma_wait3A_68 = arith.constant 0 : i32
    %dma_wait3A_69 = arith.constant 0 : i32
    %dma_wait3A_70 = arith.constant 0 : i32
    %dma_wait3A_71 = arith.constant 0 : i32
    %dma_wait3A_72 = tpu.memref_slice %arg11[%dma_wait3A_69, %dma_wait3A_70, %dma_wait3A_71] : memref<4x40x128xf32, #tpu.memory_space<vmem>> -> memref<1x40x128xf32, #tpu.memory_space<vmem>>
    %dma_wait3A_73 = tpu.memref_squeeze %dma_wait3A_72 : memref<1x40x128xf32, #tpu.memory_space<vmem>> -> memref<40x128xf32, #tpu.memory_space<vmem>>
    %dma_wait3A_74 = arith.constant 0 : i32
    %dma_wait3A_75 = tpu.memref_slice %arg9[%dma_wait3A_68, %dma_wait3A_74] : memref<4x40xi32, #tpu.memory_space<vmem>> -> memref<1x40xi32, #tpu.memory_space<vmem>>
    %dma_wait3A_76 = tpu.memref_squeeze %dma_wait3A_75 : memref<1x40xi32, #tpu.memory_space<vmem>> -> memref<40xi32, #tpu.memory_space<vmem>>
    %dma_wait3A_77 = arith.constant 0 : i32
    %dma_wait3A_78 = arith.constant 0 : i32
    %dma_wait3A_79 = tpu.memref_slice %arg2[%dma_wait3A_77, %dma_wait3A_78] : memref<20000x128xf32, #tpu.memory_space<hbm>> -> memref<20000x128xf32, #tpu.memory_space<hbm>>
    tpu.wait_indirect_dma semaphore(%arg23 : memref<!tpu.dma_semaphore, #tpu.memory_space<semaphore_mem>>) src(%dma_wait3A_79 : memref<20000x128xf32, #tpu.memory_space<hbm>>) dst(%dma_wait3A_73 : memref<40x128xf32, #tpu.memory_space<vmem>>)
    %mul3A_80 = arith.constant 160000 : i32
    %mul3A_81 = arith.muli %arg0, %mul3A_80 : i32
    %add3A_82 = arith.addi %mul3A_81, %add3A_50 : i32
    %run_scoped3A_83 = arith.constant 0 : i32
    "tpu.region"() ({
      %run_scoped3A_95 = tpu.sem_alloc : memref<!tpu.dma_semaphore, #tpu.memory_space<semaphore_mem>>
      %dma_start3A_96 = arith.constant 0 : i32
      %dma_start3A_97 = arith.constant 0 : i32
      %dma_start3A_98 = tpu.memref_slice %arg12[%run_scoped3A_83, %dma_start3A_96, %dma_start3A_97] : memref<4x40x128xf32, #tpu.memory_space<vmem>> -> memref<1x40x128xf32, #tpu.memory_space<vmem>>
      %dma_start3A_99 = tpu.memref_squeeze %dma_start3A_98 : memref<1x40x128xf32, #tpu.memory_space<vmem>> -> memref<40x128xf32, #tpu.memory_space<vmem>>
      %dma_start3A_100 = arith.constant 0 : i32
      %dma_start3A_101 = tpu.memref_slice %arg3[%add3A_82, %dma_start3A_100] : memref<320000x128xf32, #tpu.memory_space<hbm>> -> memref<40x128xf32, #tpu.memory_space<hbm>>
      %dma_start3A_102 = arith.constant 0 : i32
      %dma_start3A_103 = arith.constant 0 : i32
      %dma_start3A_104 = tpu.memref_slice %arg12[%run_scoped3A_83, %dma_start3A_102, %dma_start3A_103] : memref<4x40x128xf32, #tpu.memory_space<vmem>> -> memref<1x40x128xf32, #tpu.memory_space<vmem>>
      %dma_start3A_105 = tpu.memref_squeeze %dma_start3A_104 : memref<1x40x128xf32, #tpu.memory_space<vmem>> -> memref<40x128xf32, #tpu.memory_space<vmem>>
      %dma_start3A_106 = arith.constant 0 : i32
      %dma_start3A_107 = tpu.memref_slice %arg3[%add3A_82, %dma_start3A_106] : memref<320000x128xf32, #tpu.memory_space<hbm>> -> memref<40x128xf32, #tpu.memory_space<hbm>>
      tpu.enqueue_dma source(%dma_start3A_107 : memref<40x128xf32, #tpu.memory_space<hbm>>) target(%dma_start3A_105 : memref<40x128xf32, #tpu.memory_space<vmem>>) target_semaphore(%run_scoped3A_95 : memref<!tpu.dma_semaphore, #tpu.memory_space<semaphore_mem>>)
      %dma_wait3A_108 = arith.constant 0 : i32
      %dma_wait3A_109 = arith.constant 0 : i32
      %dma_wait3A_110 = tpu.memref_slice %arg12[%run_scoped3A_83, %dma_wait3A_108, %dma_wait3A_109] : memref<4x40x128xf32, #tpu.memory_space<vmem>> -> memref<1x40x128xf32, #tpu.memory_space<vmem>>
      %dma_wait3A_111 = tpu.memref_squeeze %dma_wait3A_110 : memref<1x40x128xf32, #tpu.memory_space<vmem>> -> memref<40x128xf32, #tpu.memory_space<vmem>>
      %dma_wait3A_112 = arith.constant 0 : i32
      %dma_wait3A_113 = tpu.memref_slice %arg3[%add3A_82, %dma_wait3A_112] : memref<320000x128xf32, #tpu.memory_space<hbm>> -> memref<40x128xf32, #tpu.memory_space<hbm>>
      %dma_wait3A_114 = arith.constant 0 : i32
      %dma_wait3A_115 = arith.constant 0 : i32
      %dma_wait3A_116 = tpu.memref_slice %arg12[%run_scoped3A_83, %dma_wait3A_114, %dma_wait3A_115] : memref<4x40x128xf32, #tpu.memory_space<vmem>> -> memref<1x40x128xf32, #tpu.memory_space<vmem>>
      %dma_wait3A_117 = tpu.memref_squeeze %dma_wait3A_116 : memref<1x40x128xf32, #tpu.memory_space<vmem>> -> memref<40x128xf32, #tpu.memory_space<vmem>>
      %dma_wait3A_118 = arith.constant 0 : i32
      %dma_wait3A_119 = tpu.memref_slice %arg3[%add3A_82, %dma_wait3A_118] : memref<320000x128xf32, #tpu.memory_space<hbm>> -> memref<40x128xf32, #tpu.memory_space<hbm>>
      tpu.wait_dma2 semaphore(%run_scoped3A_95 : memref<!tpu.dma_semaphore, #tpu.memory_space<semaphore_mem>>) src(%dma_wait3A_119 : memref<40x128xf32, #tpu.memory_space<hbm>>) dst(%dma_wait3A_117 : memref<40x128xf32, #tpu.memory_space<vmem>>)
      tpu.yield
    }) : () -> ()
    %run_scoped3A_84 = arith.constant 0 : i32
    %run_scoped3A_85 = arith.constant 0 : i32
    "tpu.region"() ({
      %run_scoped3A_95 = tpu.sem_alloc : memref<!tpu.dma_semaphore, #tpu.memory_space<semaphore_mem>>
      %dma_start3A_96 = arith.constant 0 : i32
      %dma_start3A_97 = arith.constant 0 : i32
      %dma_start3A_98 = tpu.memref_slice %arg11[%run_scoped3A_84, %dma_start3A_96, %dma_start3A_97] : memref<4x40x128xf32, #tpu.memory_space<vmem>> -> memref<1x40x128xf32, #tpu.memory_space<vmem>>
      %dma_start3A_99 = tpu.memref_squeeze %dma_start3A_98 : memref<1x40x128xf32, #tpu.memory_space<vmem>> -> memref<40x128xf32, #tpu.memory_space<vmem>>
      %dma_start3A_100 = arith.constant 0 : i32
      %dma_start3A_101 = tpu.memref_slice %arg10[%run_scoped3A_85, %dma_start3A_100] : memref<4x40xi32, #tpu.memory_space<vmem>> -> memref<1x40xi32, #tpu.memory_space<vmem>>
      %dma_start3A_102 = tpu.memref_squeeze %dma_start3A_101 : memref<1x40xi32, #tpu.memory_space<vmem>> -> memref<40xi32, #tpu.memory_space<vmem>>
      %dma_start3A_103 = arith.constant 0 : i32
      %dma_start3A_104 = arith.constant 0 : i32
      %dma_start3A_105 = tpu.memref_slice %arg8[%dma_start3A_103, %dma_start3A_104] : memref<10240x128xf32, #tpu.memory_space<vmem_shared>> -> memref<10240x128xf32, #tpu.memory_space<vmem_shared>>
      tpu.enqueue_indirect_dma source(%dma_start3A_99 : memref<40x128xf32, #tpu.memory_space<vmem>>) target(%dma_start3A_105 : memref<10240x128xf32, #tpu.memory_space<vmem_shared>>) offsets(%dma_start3A_102 : memref<40xi32, #tpu.memory_space<vmem>>) semaphore(%run_scoped3A_95 : memref<!tpu.dma_semaphore, #tpu.memory_space<semaphore_mem>>) {add = true}
      %dma_wait3A_106 = arith.constant 0 : i32
      %dma_wait3A_107 = arith.constant 0 : i32
      %dma_wait3A_108 = tpu.memref_slice %arg11[%run_scoped3A_84, %dma_wait3A_106, %dma_wait3A_107] : memref<4x40x128xf32, #tpu.memory_space<vmem>> -> memref<1x40x128xf32, #tpu.memory_space<vmem>>
      %dma_wait3A_109 = tpu.memref_squeeze %dma_wait3A_108 : memref<1x40x128xf32, #tpu.memory_space<vmem>> -> memref<40x128xf32, #tpu.memory_space<vmem>>
      %dma_wait3A_110 = arith.constant 0 : i32
      %dma_wait3A_111 = tpu.memref_slice %arg10[%run_scoped3A_85, %dma_wait3A_110] : memref<4x40xi32, #tpu.memory_space<vmem>> -> memref<1x40xi32, #tpu.memory_space<vmem>>
      %dma_wait3A_112 = tpu.memref_squeeze %dma_wait3A_111 : memref<1x40xi32, #tpu.memory_space<vmem>> -> memref<40xi32, #tpu.memory_space<vmem>>
      %dma_wait3A_113 = arith.constant 0 : i32
      %dma_wait3A_114 = arith.constant 0 : i32
      %dma_wait3A_115 = tpu.memref_slice %arg8[%dma_wait3A_113, %dma_wait3A_114] : memref<10240x128xf32, #tpu.memory_space<vmem_shared>> -> memref<10240x128xf32, #tpu.memory_space<vmem_shared>>
      tpu.wait_indirect_dma semaphore(%run_scoped3A_95 : memref<!tpu.dma_semaphore, #tpu.memory_space<semaphore_mem>>) src(%dma_wait3A_109 : memref<40x128xf32, #tpu.memory_space<vmem>>) dst(%dma_wait3A_115 : memref<10240x128xf32, #tpu.memory_space<vmem_shared>>)
      tpu.yield
    }) : () -> ()
    %run_scoped3A_86 = arith.constant 0 : i32
    %run_scoped3A_87 = arith.constant 0 : i32
    "tpu.region"() ({
      %run_scoped3A_95 = tpu.sem_alloc : memref<!tpu.dma_semaphore, #tpu.memory_space<semaphore_mem>>
      %dma_start3A_96 = arith.constant 0 : i32
      %dma_start3A_97 = arith.constant 0 : i32
      %dma_start3A_98 = tpu.memref_slice %arg12[%run_scoped3A_86, %dma_start3A_96, %dma_start3A_97] : memref<4x40x128xf32, #tpu.memory_space<vmem>> -> memref<1x40x128xf32, #tpu.memory_space<vmem>>
      %dma_start3A_99 = tpu.memref_squeeze %dma_start3A_98 : memref<1x40x128xf32, #tpu.memory_space<vmem>> -> memref<40x128xf32, #tpu.memory_space<vmem>>
      %dma_start3A_100 = arith.constant 0 : i32
      %dma_start3A_101 = tpu.memref_slice %arg10[%run_scoped3A_87, %dma_start3A_100] : memref<4x40xi32, #tpu.memory_space<vmem>> -> memref<1x40xi32, #tpu.memory_space<vmem>>
      %dma_start3A_102 = tpu.memref_squeeze %dma_start3A_101 : memref<1x40xi32, #tpu.memory_space<vmem>> -> memref<40xi32, #tpu.memory_space<vmem>>
      %dma_start3A_103 = arith.constant 0 : i32
      %dma_start3A_104 = arith.constant 0 : i32
      %dma_start3A_105 = tpu.memref_slice %arg8[%dma_start3A_103, %dma_start3A_104] : memref<10240x128xf32, #tpu.memory_space<vmem_shared>> -> memref<10240x128xf32, #tpu.memory_space<vmem_shared>>
      tpu.enqueue_indirect_dma source(%dma_start3A_99 : memref<40x128xf32, #tpu.memory_space<vmem>>) target(%dma_start3A_105 : memref<10240x128xf32, #tpu.memory_space<vmem_shared>>) offsets(%dma_start3A_102 : memref<40xi32, #tpu.memory_space<vmem>>) semaphore(%run_scoped3A_95 : memref<!tpu.dma_semaphore, #tpu.memory_space<semaphore_mem>>) {add = true}
      %dma_wait3A_106 = arith.constant 0 : i32
      %dma_wait3A_107 = arith.constant 0 : i32
      %dma_wait3A_108 = tpu.memref_slice %arg12[%run_scoped3A_86, %dma_wait3A_106, %dma_wait3A_107] : memref<4x40x128xf32, #tpu.memory_space<vmem>> -> memref<1x40x128xf32, #tpu.memory_space<vmem>>
      %dma_wait3A_109 = tpu.memref_squeeze %dma_wait3A_108 : memref<1x40x128xf32, #tpu.memory_space<vmem>> -> memref<40x128xf32, #tpu.memory_space<vmem>>
      %dma_wait3A_110 = arith.constant 0 : i32
      %dma_wait3A_111 = tpu.memref_slice %arg10[%run_scoped3A_87, %dma_wait3A_110] : memref<4x40xi32, #tpu.memory_space<vmem>> -> memref<1x40xi32, #tpu.memory_space<vmem>>
      %dma_wait3A_112 = tpu.memref_squeeze %dma_wait3A_111 : memref<1x40xi32, #tpu.memory_space<vmem>> -> memref<40xi32, #tpu.memory_space<vmem>>
      %dma_wait3A_113 = arith.constant 0 : i32
      %dma_wait3A_114 = arith.constant 0 : i32
      %dma_wait3A_115 = tpu.memref_slice %arg8[%dma_wait3A_113, %dma_wait3A_114] : memref<10240x128xf32, #tpu.memory_space<vmem_shared>> -> memref<10240x128xf32, #tpu.memory_space<vmem_shared>>
      tpu.wait_indirect_dma semaphore(%run_scoped3A_95 : memref<!tpu.dma_semaphore, #tpu.memory_space<semaphore_mem>>) src(%dma_wait3A_109 : memref<40x128xf32, #tpu.memory_space<vmem>>) dst(%dma_wait3A_115 : memref<10240x128xf32, #tpu.memory_space<vmem_shared>>)
      tpu.yield
    }) : () -> ()
    %barrier3A_88 = arith.constant 0 : index
    tpu.barrier barrier_id(%barrier3A_88)
    %scan3A_89 = arith.constant 0 : i32
    %scan3A_90 = arith.constant 0 : i32
    %scan3A_91 = arith.constant 20 : i32
    %scan3A_92 = arith.addi %scan3A_90, %scan3A_91 : i32
    %scan3A_93 = arith.constant 1 : i32
    scf.for %scan3A_95 = %scan3A_90 to %scan3A_92 step %scan3A_93  : i32 {
      %mul3A_96 = arith.constant 32 : i32
      %mul3A_97 = arith.muli %scan3A_95, %mul3A_96 : i32
      %add3A_98 = arith.addi %mul3A_0, %mul3A_97 : i32
      %add3A_99 = arith.constant 0 : i32
      %add3A_100 = arith.addi %add3A_98, %add3A_99 : i32
      %add3A_101 = vector.broadcast %add3A_100 : i32 to vector<16xi32>
      %add3A_102 = arith.addi %iota3A, %add3A_101 : vector<16xi32>
      %swap3A = arith.constant 0 : index
      %swap3A_103 = tpu.vector_load %arg14[%swap3A] {strides = array<i32>} : memref<32xi32, #tpu.memory_space<vmem>>, vector<16xi32>,
      %swap3A_104 = vector.shape_cast %swap3A_103 : vector<16xi32> to vector<16xi32>
      %swap3A_105 = vector.shape_cast %add3A_102 : vector<16xi32> to vector<16xi32>
      tpu.vector_store %arg14[%swap3A], %swap3A_105 {strides = array<i32>} : memref<32xi32, #tpu.memory_space<vmem>>, vector<16xi32>,
      %add3A_106 = arith.constant 16 : i32
      %add3A_107 = arith.addi %add3A_98, %add3A_106 : i32
      %add3A_108 = vector.broadcast %add3A_107 : i32 to vector<16xi32>
      %add3A_109 = arith.addi %iota3A, %add3A_108 : vector<16xi32>
      %swap3A_110 = arith.constant 16 : index
      %swap3A_111 = tpu.vector_load %arg14[%swap3A_110] {strides = array<i32>} : memref<32xi32, #tpu.memory_space<vmem>>, vector<16xi32>,
      %swap3A_112 = vector.shape_cast %swap3A_111 : vector<16xi32> to vector<16xi32>
      %swap3A_113 = vector.shape_cast %add3A_109 : vector<16xi32> to vector<16xi32>
      tpu.vector_store %arg14[%swap3A_110], %swap3A_113 {strides = array<i32>} : memref<32xi32, #tpu.memory_space<vmem>>, vector<16xi32>,
      %mul3A_114 = arith.constant 32 : i32
      %mul3A_115 = arith.muli %scan3A_95, %mul3A_114 : i32
      %add3A_116 = arith.addi %mul3A_0, %mul3A_115 : i32
      %multiple_of3A = tpu.assume_multiple %add3A_116, 8 : i32
      %dma_start3A_117 = arith.constant 0 : i32
      %dma_start3A_118 = arith.constant 0 : i32
      %dma_start3A_119 = tpu.memref_slice %arg8[%dma_start3A_117, %dma_start3A_118] : memref<10240x128xf32, #tpu.memory_space<vmem_shared>> -> memref<10240x128xf32, #tpu.memory_space<vmem_shared>>
      tpu.enqueue_indirect_dma source(%dma_start3A_119 : memref<10240x128xf32, #tpu.memory_space<vmem_shared>>) target(%arg13 : memref<32x128xf32, #tpu.memory_space<vmem>>) offsets(%arg14 : memref<32xi32, #tpu.memory_space<vmem>>) semaphore(%arg23 : memref<!tpu.dma_semaphore, #tpu.memory_space<semaphore_mem>>)
      %dma_wait3A_120 = arith.constant 0 : i32
      %dma_wait3A_121 = arith.constant 0 : i32
      %dma_wait3A_122 = tpu.memref_slice %arg8[%dma_wait3A_120, %dma_wait3A_121] : memref<10240x128xf32, #tpu.memory_space<vmem_shared>> -> memref<10240x128xf32, #tpu.memory_space<vmem_shared>>
      tpu.wait_indirect_dma semaphore(%arg23 : memref<!tpu.dma_semaphore, #tpu.memory_space<semaphore_mem>>) src(%dma_wait3A_122 : memref<10240x128xf32, #tpu.memory_space<vmem_shared>>) dst(%arg13 : memref<32x128xf32, #tpu.memory_space<vmem>>)
      "tpu.region"() ({
        %run_scoped3A_123 = tpu.sem_alloc : memref<!tpu.dma_semaphore, #tpu.memory_space<semaphore_mem>>
        %dma_start3A_124 = arith.constant 0 : i32
        %dma_start3A_125 = tpu.memref_slice %arg7[%arg0, %multiple_of3A, %dma_start3A_124] : memref<2x10240x128xf32, #tpu.memory_space<hbm>> -> memref<1x32x128xf32, #tpu.memory_space<hbm>>
        %dma_start3A_126 = tpu.memref_squeeze %dma_start3A_125 : memref<1x32x128xf32, #tpu.memory_space<hbm>> -> memref<32x128xf32, #tpu.memory_space<hbm>>
        %dma_start3A_127 = arith.constant 0 : i32
        %dma_start3A_128 = tpu.memref_slice %arg7[%arg0, %multiple_of3A, %dma_start3A_127] : memref<2x10240x128xf32, #tpu.memory_space<hbm>> -> memref<1x32x128xf32, #tpu.memory_space<hbm>>
        %dma_start3A_129 = tpu.memref_squeeze %dma_start3A_128 : memref<1x32x128xf32, #tpu.memory_space<hbm>> -> memref<32x128xf32, #tpu.memory_space<hbm>>
        tpu.enqueue_dma source(%arg13 : memref<32x128xf32, #tpu.memory_space<vmem>>) target(%dma_start3A_129 : memref<32x128xf32, #tpu.memory_space<hbm>>) target_semaphore(%run_scoped3A_123 : memref<!tpu.dma_semaphore, #tpu.memory_space<semaphore_mem>>)
        %dma_wait3A_130 = arith.constant 0 : i32
        %dma_wait3A_131 = tpu.memref_slice %arg7[%arg0, %multiple_of3A, %dma_wait3A_130] : memref<2x10240x128xf32, #tpu.memory_space<hbm>> -> memref<1x32x128xf32, #tpu.memory_space<hbm>>
        %dma_wait3A_132 = tpu.memref_squeeze %dma_wait3A_131 : memref<1x32x128xf32, #tpu.memory_space<hbm>> -> memref<32x128xf32, #tpu.memory_space<hbm>>
        %dma_wait3A_133 = arith.constant 0 : i32
        %dma_wait3A_134 = tpu.memref_slice %arg7[%arg0, %multiple_of3A, %dma_wait3A_133] : memref<2x10240x128xf32, #tpu.memory_space<hbm>> -> memref<1x32x128xf32, #tpu.memory_space<hbm>>
        %dma_wait3A_135 = tpu.memref_squeeze %dma_wait3A_134 : memref<1x32x128xf32, #tpu.memory_space<hbm>> -> memref<32x128xf32, #tpu.memory_space<hbm>>
        tpu.wait_dma2 semaphore(%run_scoped3A_123 : memref<!tpu.dma_semaphore, #tpu.memory_space<semaphore_mem>>) src(%arg13 : memref<32x128xf32, #tpu.memory_space<vmem>>) dst(%dma_wait3A_135 : memref<32x128xf32, #tpu.memory_space<hbm>>)
        tpu.yield
      }) : () -> ()
    }
    %scan3A_94 = arith.constant 20 : i32
    return
  }
}

module attributes {stable_mosaic.version = 14 : i64} {
  func.func @_proj_body(%arg0: i32, %arg1: memref<2000x256xf32, #tpu.memory_space<vmem>>, %arg2: memref<256x256xf32, #tpu.memory_space<vmem>>, %arg3: memref<2x2000x128xf32, #tpu.memory_space<vmem>>) attributes {dimension_semantics = [#tpu.dimension_semantics<arbitrary>], iteration_bounds = array<i64: 5>, scalar_prefetch = 0 : i64, scratch_operands = 0 : i64, tpu.core_type = #tpu.core_type<tc>, window_params = [{transform_indices = @transform_0, window_bounds = array<i64: 2000, 256>}, {pipeline_mode = #tpu.pipeline_mode<synchronous>, transform_indices = @transform_1, window_bounds = array<i64: 256, 256>}, {transform_indices = @transform_2, window_bounds = array<i64: 2, 2000, 128>}]} {
    %get3A = arith.constant 0 : index
    %get3A_0 = arith.constant 0 : index
    %get3A_1 = vector.load %arg1[%get3A, %get3A_0] : memref<2000x256xf32, #tpu.memory_space<vmem>>, vector<2000x256xf32>
    %get3A_2 = arith.constant 0 : index
    %get3A_3 = arith.constant 0 : index
    %get3A_4 = vector.load %arg2[%get3A_2, %get3A_3] : memref<256x256xf32, #tpu.memory_space<vmem>>, vector<256x256xf32>
    %dot_general3A = arith.constant dense<0.000000e+00> : vector<2000x256xf32>
    %dot_general3A_5 = tpu.matmul %get3A_1, %get3A_4, %dot_general3A {dimension_numbers = #tpu.dot_dimension_numbers<[1], [0], [0], [1], [0, 0, 1, 1], [], []>, transpose_lhs_hint = false} : vector<2000x256xf32>, vector<256x256xf32>, vector<2000x256xf32> -> vector<2000x256xf32>
    %slice3A = vector.extract_strided_slice %dot_general3A_5 {offsets = [0, 0], sizes = [2000, 128], strides = [1, 1]} : vector<2000x256xf32> to vector<2000x128xf32>
    %swap3A = arith.constant 0 : index
    %swap3A_6 = arith.constant 0 : index
    %swap3A_7 = arith.constant 0 : index
    %swap3A_8 = vector.load %arg3[%swap3A, %swap3A_6, %swap3A_7] : memref<2x2000x128xf32, #tpu.memory_space<vmem>>, vector<1x2000x128xf32>
    %swap3A_9 = vector.shape_cast %swap3A_8 : vector<1x2000x128xf32> to vector<2000x128xf32>
    %swap3A_10 = vector.shape_cast %slice3A : vector<2000x128xf32> to vector<1x2000x128xf32>
    tpu.vector_store %arg3[%swap3A, %swap3A_6, %swap3A_7], %swap3A_10 {strides = array<i32>} : memref<2x2000x128xf32, #tpu.memory_space<vmem>>, vector<1x2000x128xf32>,
    %slice3A_11 = vector.extract_strided_slice %dot_general3A_5 {offsets = [0, 128], sizes = [2000, 128], strides = [1, 1]} : vector<2000x256xf32> to vector<2000x128xf32>
    %swap3A_12 = arith.constant 1 : index
    %swap3A_13 = arith.constant 0 : index
    %swap3A_14 = arith.constant 0 : index
    %swap3A_15 = vector.load %arg3[%swap3A_12, %swap3A_13, %swap3A_14] : memref<2x2000x128xf32, #tpu.memory_space<vmem>>, vector<1x2000x128xf32>
    %swap3A_16 = vector.shape_cast %swap3A_15 : vector<1x2000x128xf32> to vector<2000x128xf32>
    %swap3A_17 = vector.shape_cast %slice3A_11 : vector<2000x128xf32> to vector<1x2000x128xf32>
    tpu.vector_store %arg3[%swap3A_12, %swap3A_13, %swap3A_14], %swap3A_17 {strides = array<i32>} : memref<2x2000x128xf32, #tpu.memory_space<vmem>>, vector<1x2000x128xf32>,
    return
  }
  func.func @transform_0(%arg0: i32) -> (i32, i32) {
    %c0_i32 = arith.constant 0 : i32
    %c0_i32_0 = arith.constant 0 : i32
    return %arg0, %c0_i32 : i32, i32
  }
  func.func @transform_1(%arg0: i32) -> (i32, i32) {
    %c0_i32 = arith.constant 0 : i32
    %c0_i32_0 = arith.constant 0 : i32
    %c0_i32_1 = arith.constant 0 : i32
    return %c0_i32, %c0_i32_0 : i32, i32
  }
  func.func @transform_2(%arg0: i32) -> (i32, i32, i32) {
    %c0_i32 = arith.constant 0 : i32
    %c0_i32_0 = arith.constant 0 : i32
    %c0_i32_1 = arith.constant 0 : i32
    return %c0_i32, %arg0, %c0_i32_0 : i32, i32, i32
  }
}

module attributes {stable_mosaic.version = 14 : i64} {
  func.func @_proj_body(%arg0: i32, %arg1: memref<2000x32xf32, #tpu.memory_space<vmem>>, %arg2: memref<32x256xf32, #tpu.memory_space<vmem>>, %arg3: memref<2x2000x128xf32, #tpu.memory_space<vmem>>) attributes {dimension_semantics = [#tpu.dimension_semantics<arbitrary>], iteration_bounds = array<i64: 80>, scalar_prefetch = 0 : i64, scratch_operands = 0 : i64, tpu.core_type = #tpu.core_type<tc>, window_params = [{transform_indices = @transform_0, window_bounds = array<i64: 2000, 32>}, {pipeline_mode = #tpu.pipeline_mode<synchronous>, transform_indices = @transform_1, window_bounds = array<i64: 32, 256>}, {transform_indices = @transform_2, window_bounds = array<i64: 2, 2000, 128>}]} {
    %get3A = arith.constant 0 : index
    %get3A_0 = arith.constant 0 : index
    %get3A_1 = vector.load %arg1[%get3A, %get3A_0] : memref<2000x32xf32, #tpu.memory_space<vmem>>, vector<2000x32xf32>
    %get3A_2 = arith.constant 0 : index
    %get3A_3 = arith.constant 0 : index
    %get3A_4 = vector.load %arg2[%get3A_2, %get3A_3] : memref<32x256xf32, #tpu.memory_space<vmem>>, vector<32x256xf32>
    %dot_general3A = arith.constant dense<0.000000e+00> : vector<2000x256xf32>
    %dot_general3A_5 = tpu.matmul %get3A_1, %get3A_4, %dot_general3A {dimension_numbers = #tpu.dot_dimension_numbers<[1], [0], [0], [1], [0, 0, 1, 1], [], []>, transpose_lhs_hint = false} : vector<2000x32xf32>, vector<32x256xf32>, vector<2000x256xf32> -> vector<2000x256xf32>
    %slice3A = vector.extract_strided_slice %dot_general3A_5 {offsets = [0, 0], sizes = [2000, 128], strides = [1, 1]} : vector<2000x256xf32> to vector<2000x128xf32>
    %swap3A = arith.constant 0 : index
    %swap3A_6 = arith.constant 0 : index
    %swap3A_7 = arith.constant 0 : index
    %swap3A_8 = vector.load %arg3[%swap3A, %swap3A_6, %swap3A_7] : memref<2x2000x128xf32, #tpu.memory_space<vmem>>, vector<1x2000x128xf32>
    %swap3A_9 = vector.shape_cast %swap3A_8 : vector<1x2000x128xf32> to vector<2000x128xf32>
    %swap3A_10 = vector.shape_cast %slice3A : vector<2000x128xf32> to vector<1x2000x128xf32>
    tpu.vector_store %arg3[%swap3A, %swap3A_6, %swap3A_7], %swap3A_10 {strides = array<i32>} : memref<2x2000x128xf32, #tpu.memory_space<vmem>>, vector<1x2000x128xf32>,
    %slice3A_11 = vector.extract_strided_slice %dot_general3A_5 {offsets = [0, 128], sizes = [2000, 128], strides = [1, 1]} : vector<2000x256xf32> to vector<2000x128xf32>
    %swap3A_12 = arith.constant 1 : index
    %swap3A_13 = arith.constant 0 : index
    %swap3A_14 = arith.constant 0 : index
    %swap3A_15 = vector.load %arg3[%swap3A_12, %swap3A_13, %swap3A_14] : memref<2x2000x128xf32, #tpu.memory_space<vmem>>, vector<1x2000x128xf32>
    %swap3A_16 = vector.shape_cast %swap3A_15 : vector<1x2000x128xf32> to vector<2000x128xf32>
    %swap3A_17 = vector.shape_cast %slice3A_11 : vector<2000x128xf32> to vector<1x2000x128xf32>
    tpu.vector_store %arg3[%swap3A_12, %swap3A_13, %swap3A_14], %swap3A_17 {strides = array<i32>} : memref<2x2000x128xf32, #tpu.memory_space<vmem>>, vector<1x2000x128xf32>,
    return
  }
  func.func @transform_0(%arg0: i32) -> (i32, i32) {
    %c0_i32 = arith.constant 0 : i32
    %c0_i32_0 = arith.constant 0 : i32
    return %arg0, %c0_i32 : i32, i32
  }
  func.func @transform_1(%arg0: i32) -> (i32, i32) {
    %c0_i32 = arith.constant 0 : i32
    %c0_i32_0 = arith.constant 0 : i32
    %c0_i32_1 = arith.constant 0 : i32
    return %c0_i32, %c0_i32_0 : i32, i32
  }
  func.func @transform_2(%arg0: i32) -> (i32, i32, i32) {
    %c0_i32 = arith.constant 0 : i32
    %c0_i32_0 = arith.constant 0 : i32
    %c0_i32_1 = arith.constant 0 : i32
    return %c0_i32, %arg0, %c0_i32_0 : i32, i32, i32
  }
}

module attributes {stable_mosaic.version = 14 : i64} {
  func.func @_mid_body(%arg0: i32, %arg1: memref<2x2000x128xf32, #tpu.memory_space<vmem>>, %arg2: memref<2000x256xf32, #tpu.memory_space<vmem>>, %arg3: memref<512x256xf32, #tpu.memory_space<vmem>>, %arg4: memref<2x2000x128xf32, #tpu.memory_space<vmem>>) attributes {dimension_semantics = [#tpu.dimension_semantics<arbitrary>], iteration_bounds = array<i64: 5>, scalar_prefetch = 0 : i64, scratch_operands = 0 : i64, tpu.core_type = #tpu.core_type<tc>, window_params = [{transform_indices = @transform_0, window_bounds = array<i64: 2, 2000, 128>}, {transform_indices = @transform_1, window_bounds = array<i64: 2000, 256>}, {pipeline_mode = #tpu.pipeline_mode<synchronous>, transform_indices = @transform_2, window_bounds = array<i64: 512, 256>}, {transform_indices = @transform_3, window_bounds = array<i64: 2, 2000, 128>}]} {
    %get3A = arith.constant 0 : index
    %get3A_0 = arith.constant 0 : index
    %get3A_1 = arith.constant 0 : index
    %get3A_2 = vector.load %arg1[%get3A, %get3A_0, %get3A_1] : memref<2x2000x128xf32, #tpu.memory_space<vmem>>, vector<1x2000x128xf32>
    %get3A_3 = vector.shape_cast %get3A_2 : vector<1x2000x128xf32> to vector<2000x128xf32>
    %get3A_4 = arith.constant 1 : index
    %get3A_5 = arith.constant 0 : index
    %get3A_6 = arith.constant 0 : index
    %get3A_7 = vector.load %arg1[%get3A_4, %get3A_5, %get3A_6] : memref<2x2000x128xf32, #tpu.memory_space<vmem>>, vector<1x2000x128xf32>
    %get3A_8 = vector.shape_cast %get3A_7 : vector<1x2000x128xf32> to vector<2000x128xf32>
    %concatenate3A = tpu.concatenate %get3A_3, %get3A_8 in 1 : vector<2000x128xf32>, vector<2000x128xf32> -> vector<2000x256xf32>
    %max3A = arith.constant 0.000000e+00 : f32
    %max3A_9 = vector.broadcast %max3A : f32 to vector<2000x256xf32>
    %max3A_10 = arith.maximumf %concatenate3A, %max3A_9 : vector<2000x256xf32>
    %get3A_11 = arith.constant 0 : index
    %get3A_12 = arith.constant 0 : index
    %get3A_13 = vector.load %arg2[%get3A_11, %get3A_12] : memref<2000x256xf32, #tpu.memory_space<vmem>>, vector<2000x256xf32>
    %concatenate3A_14 = tpu.concatenate %max3A_10, %get3A_13 in 1 : vector<2000x256xf32>, vector<2000x256xf32> -> vector<2000x512xf32>
    %get3A_15 = arith.constant 0 : index
    %get3A_16 = arith.constant 0 : index
    %get3A_17 = vector.load %arg3[%get3A_15, %get3A_16] : memref<512x256xf32, #tpu.memory_space<vmem>>, vector<512x256xf32>
    %dot_general3A = arith.constant dense<0.000000e+00> : vector<2000x256xf32>
    %dot_general3A_18 = tpu.matmul %concatenate3A_14, %get3A_17, %dot_general3A {dimension_numbers = #tpu.dot_dimension_numbers<[1], [0], [0], [1], [0, 0, 1, 1], [], []>, transpose_lhs_hint = false} : vector<2000x512xf32>, vector<512x256xf32>, vector<2000x256xf32> -> vector<2000x256xf32>
    %slice3A = vector.extract_strided_slice %dot_general3A_18 {offsets = [0, 0], sizes = [2000, 128], strides = [1, 1]} : vector<2000x256xf32> to vector<2000x128xf32>
    %swap3A = arith.constant 0 : index
    %swap3A_19 = arith.constant 0 : index
    %swap3A_20 = arith.constant 0 : index
    %swap3A_21 = vector.load %arg4[%swap3A, %swap3A_19, %swap3A_20] : memref<2x2000x128xf32, #tpu.memory_space<vmem>>, vector<1x2000x128xf32>
    %swap3A_22 = vector.shape_cast %swap3A_21 : vector<1x2000x128xf32> to vector<2000x128xf32>
    %swap3A_23 = vector.shape_cast %slice3A : vector<2000x128xf32> to vector<1x2000x128xf32>
    tpu.vector_store %arg4[%swap3A, %swap3A_19, %swap3A_20], %swap3A_23 {strides = array<i32>} : memref<2x2000x128xf32, #tpu.memory_space<vmem>>, vector<1x2000x128xf32>,
    %slice3A_24 = vector.extract_strided_slice %dot_general3A_18 {offsets = [0, 128], sizes = [2000, 128], strides = [1, 1]} : vector<2000x256xf32> to vector<2000x128xf32>
    %swap3A_25 = arith.constant 1 : index
    %swap3A_26 = arith.constant 0 : index
    %swap3A_27 = arith.constant 0 : index
    %swap3A_28 = vector.load %arg4[%swap3A_25, %swap3A_26, %swap3A_27] : memref<2x2000x128xf32, #tpu.memory_space<vmem>>, vector<1x2000x128xf32>
    %swap3A_29 = vector.shape_cast %swap3A_28 : vector<1x2000x128xf32> to vector<2000x128xf32>
    %swap3A_30 = vector.shape_cast %slice3A_24 : vector<2000x128xf32> to vector<1x2000x128xf32>
    tpu.vector_store %arg4[%swap3A_25, %swap3A_26, %swap3A_27], %swap3A_30 {strides = array<i32>} : memref<2x2000x128xf32, #tpu.memory_space<vmem>>, vector<1x2000x128xf32>,
    return
  }
  func.func @transform_0(%arg0: i32) -> (i32, i32, i32) {
    %c0_i32 = arith.constant 0 : i32
    %c0_i32_0 = arith.constant 0 : i32
    %c0_i32_1 = arith.constant 0 : i32
    return %c0_i32, %arg0, %c0_i32_0 : i32, i32, i32
  }
  func.func @transform_1(%arg0: i32) -> (i32, i32) {
    %c0_i32 = arith.constant 0 : i32
    %c0_i32_0 = arith.constant 0 : i32
    return %arg0, %c0_i32 : i32, i32
  }
  func.func @transform_2(%arg0: i32) -> (i32, i32) {
    %c0_i32 = arith.constant 0 : i32
    %c0_i32_0 = arith.constant 0 : i32
    %c0_i32_1 = arith.constant 0 : i32
    return %c0_i32, %c0_i32_0 : i32, i32
  }
  func.func @transform_3(%arg0: i32) -> (i32, i32, i32) {
    %c0_i32 = arith.constant 0 : i32
    %c0_i32_0 = arith.constant 0 : i32
    %c0_i32_1 = arith.constant 0 : i32
    return %c0_i32, %arg0, %c0_i32_0 : i32, i32, i32
  }
}

module attributes {stable_mosaic.version = 14 : i64} {
  func.func @_fin_body(%arg0: i32, %arg1: memref<2x2000x128xf32, #tpu.memory_space<vmem>>, %arg2: memref<2000x256xf32, #tpu.memory_space<vmem>>) attributes {dimension_semantics = [#tpu.dimension_semantics<arbitrary>], iteration_bounds = array<i64: 5>, scalar_prefetch = 0 : i64, scratch_operands = 0 : i64, tpu.core_type = #tpu.core_type<tc>, window_params = [{transform_indices = @transform_0, window_bounds = array<i64: 2, 2000, 128>}, {transform_indices = @transform_1, window_bounds = array<i64: 2000, 256>}]} {
    %get3A = arith.constant 0 : index
    %get3A_0 = arith.constant 0 : index
    %get3A_1 = arith.constant 0 : index
    %get3A_2 = vector.load %arg1[%get3A, %get3A_0, %get3A_1] : memref<2x2000x128xf32, #tpu.memory_space<vmem>>, vector<1x2000x128xf32>
    %get3A_3 = vector.shape_cast %get3A_2 : vector<1x2000x128xf32> to vector<2000x128xf32>
    %get3A_4 = arith.constant 1 : index
    %get3A_5 = arith.constant 0 : index
    %get3A_6 = arith.constant 0 : index
    %get3A_7 = vector.load %arg1[%get3A_4, %get3A_5, %get3A_6] : memref<2x2000x128xf32, #tpu.memory_space<vmem>>, vector<1x2000x128xf32>
    %get3A_8 = vector.shape_cast %get3A_7 : vector<1x2000x128xf32> to vector<2000x128xf32>
    %concatenate3A = tpu.concatenate %get3A_3, %get3A_8 in 1 : vector<2000x128xf32>, vector<2000x128xf32> -> vector<2000x256xf32>
    %max3A = arith.constant 0.000000e+00 : f32
    %max3A_9 = vector.broadcast %max3A : f32 to vector<2000x256xf32>
    %max3A_10 = arith.maximumf %concatenate3A, %max3A_9 : vector<2000x256xf32>
    %swap3A = arith.constant 0 : index
    %swap3A_11 = arith.constant 0 : index
    %swap3A_12 = vector.load %arg2[%swap3A, %swap3A_11] : memref<2000x256xf32, #tpu.memory_space<vmem>>, vector<2000x256xf32>
    tpu.vector_store %arg2[%swap3A, %swap3A_11], %max3A_10 {strides = array<i32>} : memref<2000x256xf32, #tpu.memory_space<vmem>>, vector<2000x256xf32>,
    return
  }
  func.func @transform_0(%arg0: i32) -> (i32, i32, i32) {
    %c0_i32 = arith.constant 0 : i32
    %c0_i32_0 = arith.constant 0 : i32
    %c0_i32_1 = arith.constant 0 : i32
    return %c0_i32, %arg0, %c0_i32_0 : i32, i32, i32
  }
  func.func @transform_1(%arg0: i32) -> (i32, i32) {
    %c0_i32 = arith.constant 0 : i32
    %c0_i32_0 = arith.constant 0 : i32
    return %arg0, %c0_i32 : i32, i32
  }
}

</mosaic_0001>

<sc_bundles>
// kernel: kernel.12.cloned.1.call-start
scs
__scs_entry_jumppad:
0x0: {  	(pc) =	sbr.rel $0x88, $3  }
0x1: {  	(tag) =	ssettag $0x0;
	lr =	simm.s32 $0x1  }
0x2: {  	[smem:$0x3F97] =	sst lr;
	_ =	strace $0xD0000000  }
0x3: {  	_ = 	snop  }
0x4: {  	_ = 	snop  }
0x5: {  	_ = 	snop  }
0x6: {  	_ = 	snop  }
0x7: {  	_ = 	snop  }
__scs_overlays_trampoline_lowered:
0x8: {  	[smem:$0x3FA6] =	sst s0  }
0x9: {  	[smem:$0x3FA7] =	sst s1  }
0xa: {  	[smem:$0x3FA8] =	sst s2  }
0xb: {  	[smem:$0x3FA9] =	sst s3  }
0xc: {  	[smem:$0x3FAA] =	sst s4  }
0xd: {  	[smem:$0x3FAB] =	sst s5  }
0xe: {  	[smem:$0x3FAC] =	sst s6  }
0xf: {  	[smem:$0x3FAD] =	sst s7  }
0x10: {  	[smem:$0x3FAE] =	sst s8  }
0x11: {  	[smem:$0x3FAF] =	sst s9;
	s0 =	simm.s32 @!p0 $0x0  }
0x12: {  	s1 =	sld [smem:$0x3F95];
	s0 =	simm.s32 @p0 $0x1  }
0x13: {  	[smem:$0x3FB0] =	sst s0;
	s0 =	simm.s32 @!p1 $0x0  }
0x14: {  	s2 =	sld [smem:$0x3F94];
	s0 =	simm.s32 @p1 $0x1  }
0x15: {  	[smem:$0x3FB1] =	sst s0;
	s0 =	simm.s32 @!p2 $0x0  }
0x16: {  	s3 =	sld [smem:$0x3FDB];
	s0 =	simm.s32 @p2 $0x1  }
0x17: {  	s4 =	simm.s32 $0x1BF5;
	[smem:$0x3FB3] =	sst s0  }
0x18: {  	s0 =	sld [smem:$0x3F96];
	_ =	swait.ge [sflag:s4], $0x0  }
0x19: {  	s7 =	sld [smem:$0x3F97]  }
0x1a: {  	s8 =	sadd.s32 $0xFFFFE003, lr  }
0x1b: {  	s9 =	sadd.s32 $0xFFFFFEF7, lr;
	s5 =	simm.s32 $0xFFFFFFFF;
	p2 =	slt.u32 s8, $0xFFFFF086  }
0x1c: {  	p1 =	slt.u32 s9, $0xF7A;
	s5 =	simm.s32 @!p2 $0x0  }
0x1d: {  	s5 =	simm.s32 @p1 $0x1;
	p0 =	seq.s32 s7, s2  }
0x1e: {  	s7 =	smul.u32 @!p0 $0xF7A, s2;
	p2 =	seq.s32 @!p0 s5, $0x0  }
0x1f: {  	s9 =	smul.u32 $0xF7A, s1;
	s8 =	simm.s32 @!p0 $0x1BF5;
	p2 =	por !p2, p0  }
0x20: {  	[sflag:s8] =	ssyncset.s32 @!p0 $0xFFFFF086;
	s6 =	sadd.s32 @!p0 s3, s7;
	s7 =	simm.s32 @!p0 $0x108  }
0x21: {  	s3 =	sadd.s32 s3, s9;
	s6 =	sadd.s32 @!p0 $0x88, s6;
	s7 =	simm.s32 @p2 $0x1082  }
0x22: {  	[simem:s7], [sflag:s8] =	dma.local @!p0 [hbm:s6], $0xF7A  }
0x23: {  	s9 =	sor.u32 $0xD0000000, s2;
	s6 =	simm.s32 $0x108;
	_ =	swait.ge @!p0 [sflag:s8], $0x0  }
0x24: {  	s3 =	sadd.s32 $0x88, s3;
	s6 =	simm.s32 @!p1 $0x1082;
	[sflag:s4] =	ssyncset.s32 $0xFFFFF086  }
0x25: {  	[simem:s6], [sflag:s4] =	dma.local [hbm:s3], $0xF7A  }
0x26: {  	[smem:$0x3F97] =	sst s1;
	(tag) =	ssettag s2;
	_ =	strace s9  }
0x27: {  	s1 =	sld [smem:$0x3FA7]  }
0x28: {  	s2 =	sld [smem:$0x3FA8]  }
0x29: {  	s4 =	sld [smem:$0x3FAA]  }
0x2a: {  	p0 =	seq.s32 s5, $0x0;
	s5 =	sld [smem:$0x3FAB]  }
0x2b: {  	s6 =	sld [smem:$0x3FAC]  }
0x2c: {  	s7 =	sld [smem:$0x3FAD]  }
0x2d: {  	s3 =	simm.s32 $0x108;
	s8 =	sld [smem:$0x3FAE]  }
0x2e: {  	s3 =	simm.s32 @!p0 $0x1082;
	s9 =	sld [smem:$0x3FAF]  }
0x2f: {  	lr =	sadd.s32 s0, s3;
	s0 =	sld [smem:$0x3FA6]  }
0x30: {  	s3 =	sld [smem:$0x3FA9]  }
0x31: {  	[smem:$0x3FB2] =	sst s10  }
0x32: {  	s10 =	sld [smem:$0x3FB0];
	_ =	sdelay $0x3  }
0x33: {  	p0 =	seq.s32 s10, $0x1;
	s10 =	sld [smem:$0x3FB2];
	_ =	sdelay $0x3  }
0x34: {  	[smem:$0x3FB2] =	sst s10  }
0x35: {  	s10 =	sld [smem:$0x3FB1];
	_ =	sdelay $0x3  }
0x36: {  	p1 =	seq.s32 s10, $0x1;
	s10 =	sld [smem:$0x3FB2];
	_ =	sdelay $0x3  }
0x37: {  	[smem:$0x3FB2] =	sst s10  }
0x38: {  	s10 =	sld [smem:$0x3FB3]  }
0x39: {  	_ = 	snop;
	(pc) =	sbr.ind lr, $3  }
0x3a: {  	_ = 	snop  }
0x3b: {  	_ = 	snop  }
0x3c: {  	p2 =	seq.s32 s10, $0x1;
	s10 =	sld [smem:$0x3FB2]  }
0x3d: {  	_ =	shalt  }
0x3e: {  	_ =	shalt  }
0x3f: {  	_ =	shalt  }
0x40: {  	_ =	shalt  }
0x41: {  	_ =	shalt  }
0x42: {  	_ =	shalt  }
0x43: {  	_ =	shalt  }
0x44: {  	_ =	shalt  }
0x45: {  	_ =	shalt  }
0x46: {  	_ =	shalt  }
0x47: {  	_ =	shalt  }
0x48: {  	_ =	shalt  }
0x49: {  	_ =	shalt  }
0x4a: {  	_ =	shalt  }
0x4b: {  	_ =	shalt  }
0x4c: {  	_ =	shalt  }
0x4d: {  	_ =	shalt  }
0x4e: {  	_ =	shalt  }
0x4f: {  	_ =	shalt  }
0x50: {  	_ =	shalt  }
0x51: {  	_ =	shalt  }
0x52: {  	_ =	shalt  }
0x53: {  	_ =	shalt  }
0x54: {  	_ =	shalt  }
0x55: {  	_ =	shalt  }
0x56: {  	_ =	shalt  }
0x57: {  	_ =	shalt  }
0x58: {  	_ =	shalt  }
0x59: {  	_ =	shalt  }
0x5a: {  	_ =	shalt  }
0x5b: {  	_ =	shalt  }
0x5c: {  	_ =	shalt  }
0x5d: {  	_ =	shalt  }
0x5e: {  	_ =	shalt  }
0x5f: {  	_ =	shalt  }
0x60: {  	_ =	shalt  }
0x61: {  	_ =	shalt  }
0x62: {  	_ =	shalt  }
0x63: {  	_ =	shalt  }
0x64: {  	_ =	shalt  }
0x65: {  	_ =	shalt  }
0x66: {  	_ =	shalt  }
0x67: {  	_ =	shalt  }
0x68: {  	_ =	shalt  }
0x69: {  	_ =	shalt  }
0x6a: {  	_ =	shalt  }
0x6b: {  	_ =	shalt  }
0x6c: {  	_ =	shalt  }
0x6d: {  	_ =	shalt  }
0x6e: {  	_ =	shalt  }
0x6f: {  	_ =	shalt  }
0x70: {  	_ =	shalt  }
0x71: {  	_ =	shalt  }
0x72: {  	_ =	shalt  }
0x73: {  	_ =	shalt  }
0x74: {  	_ =	shalt  }
0x75: {  	_ =	shalt  }
0x76: {  	_ =	shalt  }
0x77: {  	_ =	shalt  }
0x78: {  	_ =	shalt  }
0x79: {  	_ =	shalt  }
0x7a: {  	_ =	shalt  }
0x7b: {  	_ =	shalt  }
0x7c: {  	_ =	shalt  }
0x7d: {  	_ =	shalt  }
0x7e: {  	_ =	shalt  }
0x7f: {  	_ =	shalt  }
0x80: {  	_ =	shalt  }
0x81: {  	_ =	shalt  }
0x82: {  	_ =	shalt  }
0x83: {  	_ =	shalt  }
0x84: {  	_ =	shalt  }
0x85: {  	_ =	shalt  }
0x86: {  	_ =	shalt  }
0x87: {  	_ =	shalt  }
.Lfunc_end0:
.L_simem_size_0:
called_computation.1_lowered:
.L_overlay_start_0:
0x88: {  	s2 =	sld [smem:$0x3FD9]  }
0x89: {  	s3 =	sld [smem:$0x3FFE];
	_ =	sdelay $0x1  }
0x8a: {  	s1 =	srdreg.scid  }
0x8b: {  	s0 =	sand.u32 $0x1, s1  }
0x8c: {  	s17 =	sshll.u32 s0, $0xA;
	s2 =	sadd.s32 s3, s2  }
0x8d: {  	s2 =	sadd.s32 s2, s17  }
0x8e: {  	[smem:$0x3FBE] =	sst s2  }
0x8f: {  	_ = 	snop  }
0x90: {  	s2 =	sld [smem:$0x3FD0];
	(tm) =	ssettm $0x1  }
0x91: {  	s18 =	sld [smem:$0x3FFB];
	_ =	sdelay $0x3  }
0x92: {  	_ =	strace s18  }
0x93: {  	s3 =	sld [smem:$0x3FFC];
	_ =	sdelay $0x3  }
0x94: {  	_ =	strace s3  }
0x95: {  	s3 =	sld [smem:$0x3FFD];
	_ =	sdelay $0x3  }
0x96: {  	_ =	strace s3  }
0x97: {  	_ =	strace $0x8FFFFFFF  }
0x98: {  	s19 =	sld [smem:$0x3FDB];
	_ =	sdelay $0x1  }
0x99: {  	s4 =	simm.s32 $_scs_section_size  }
0x9a: {  	s5 =	simm.s32 $_size__tile_overlayer_lowered;
	s6 =	simm.s32 $_tile_overlayer_lowered  }
0x9b: {  	s22 =	simm.s32 $0x1BFF;
	s21 =	sshll.u32 s6, $0x1;
	s3 =	sadd.s32 s4, s19  }
0x9c: {  	s7 =	simm.s32 $0x0;
	s20 =	sshll.u32 s5, $0x1;
	s5 =	sadd.s32 s21, s3  }
0x9d: {  	[timem:s7], [sflag:s22] =	dma.local [hbm:s5], s20  }
0x9e: {  	_ =	swait.ge [sflag:s22], s20  }
0x9f: {  	s4 =	ssub.s32 $0x0, s20;
	[sflag:s22] =	ssyncset.done $0x0  }
0xa0: {  	[sflag:s22] =	ssyncadd.s32 s4;
	_ =	sdelay $0x1  }
0xa1: {  	s23 =	simm.s32 $0x1B8B  }
0xa2: {  	_ =	swait.ge [sflag:s23], $0x1  }
0xa3: {  	[sflag:s23] =	ssyncset.done $0x0  }
0xa4: {  	s25 =	simm.s32 $0x1B8E;
	s24 =	sld [smem:$0x3FFE];
	[sflag:s23] =	ssyncadd.s32 $0xFFFFFFFF  }
0xa5: {  	s26 =	simm.s32 $execute0_lowered;
	[smem:$0x3FD2] =	sst s25  }
0xa6: {  	s5 =	sshll.u32 s26, $0x1;
	_ =	strace $0x80000049;
	[dreg:$0x1] =	wrdreg $0xFFFFFFFF  }
0xa7: {  	s28 =	simm.s32 $_size_execute0_lowered;
	s3 =	sadd.s32 s3, s5;
	[dreg:$0x0] =	wrdreg $0x0  }
0xa8: {  	s5 =	sshll.u32 s28, $0x1;
	[dreg:$0x2] =	wrdreg s3  }
0xa9: {  	[dreg:$0x3] =	wrdreg s5  }
0xaa: {  	[dreg:$0x4] =	wrdreg $0xC0  }
0xab: {  	_ =	task [dreg:s7], $0x5FFFF  }
0xac: {  	[dreg:$0x1] =	wrdreg $0xFFFFFFFF  }
0xad: {  	[dreg:$0x0] =	wrdreg $0x60  }
0xae: {  	[dreg:$0x2] =	wrdreg s2  }
0xaf: {  	[dreg:$0x3] =	wrdreg s24  }
0xb0: {  	[dreg:$0x4] =	wrdreg $0x0  }
0xb1: {  	[dreg:$0x5] =	wrdreg $0x9  }
0xb2: {  	_ =	task.clear_ibuf [dreg:s7], $0x6FFFF;
	_ =	strace $0x90000049  }
0xb3: {  	s29 =	simm.s32 $0x9;
	_ =	strace $0x8000004B  }
0xb4: {  	_ =	swait.ge [sflag:s29], $0x1  }
0xb5: {  	[sflag:s29] =	ssyncadd.s32 $0xFFFFFFFF  }
0xb6: {  	_ =	strace $0x9000004B  }
0xb7: {  	_ =	sfence  }
0xb8: {  	s30 =	sld [smem:$0x0];
	_ =	sdelay $0x2  }
0xb9: {  	s31 =	sshll.u32 s1, $0xD;
	s1 =	sshrl.u32 s1, $0x2  }
0xba: {  	s3 =	sand.u32 $0x4000, s31;
	s1 =	sadd.s32 s1, s30  }
0xbb: {  	s0 =	sor.u32 s3, s0;
	s1 =	sshll.u32 s1, $0x11  }
0xbc: {  	s0 =	sor.u32 s1, s0  }
0xbd: {  	s0 =	sadd.s32 $0x8F2B, s0  }
0xbe: {  	[sflag:s0] =	ssyncadd.remote.s32 $0x1  }
0xbf: {  	_ =	sfence.sel $0xFFFF  }
0xc0: {  	[dreg:$0x0] =	wrdreg $0xFFFFFFFF;
	(pc) =	sbr.abs _section_cstart, $3  }
0xc1: {  	[dreg:$0x1] =	wrdreg $0xFFFFFFFF  }
0xc2: {  	_ =	task.clear_ibuf [dreg:s7], $0x2FFFF;
	_ =	strace $0x9FFFFFFF  }
0xc3: {  	(tm) =	ssettm $0x7FFFFFFF  }
tec
execute0_lowered:
.L_overlay_start_1:
0x0: {  	(tag) =	ssettag $0x1  }
0x1: {  	s20 =	rddreg [dreg:$0x0]  }
0x2: {  	s0 =	rddreg [dreg:$0x1];
	s16 =	stileid.u32  }
0x3: {  	s2 =	rddreg [dreg:$0x2];
	s7 =	smul.u32 $0x14000, s16  }
0x4: {  	s3 =	simm.s32 $0x0;
	s4 =	srdreg.scid;
	s10 =	smul.u32 $0x2710, s16  }
0x5: {  	s31 =	simm.s32 $0x1E400;
	s29 =	simm.s32 $0x14300;
	s30 =	smul.u32 $0x280, s16  }
0x6: {  	[smem:$0x7FF] =	sst s3;
	s4 =	sand.u32 $0x1, s4;
	s1 =	smul.u32 $0x4E2, s16  }
0x7: {  	s6 =	sadd.s32 $0xA71800, s0;
	s8 =	sadd.s32 $0x7200, s0;
	s17 =	smul.u32 $0x27100, s16  }
0x8: {  	s9 =	sadd.s32 $0x2200, s0;
	s11 =	sadd.s32 $0x9E600, s0;
	s5 =	smul.u32 $0x140000, s4  }
0x9: {  	_ =	strace $0x8000004A;
	[dreg:$0x9] =	wrdreg s11;
	s19 =	smul.u32 $0x27100, s4  }
0xa: {  	s21 =	ssub.s32 $0x2, s4;
	s4 =	smul.u32 $0x271000, s4;
	s12 =	sadd.s32 $0x26C0, s10  }
0xb: {  	s22 =	sshrl.u32 s21, $0x1;
	s14 =	sadd.s32 $0x26E8, s10;
	[dreg:$0xa] =	wrdreg s30  }
0xc: {  	s5 =	sadd.s32 s7, s5;
	s13 =	sadd.s32 s19, s12;
	s24 =	sadd.s32 s19, s14  }
0xd: {  	s12 =	sshrl.u32 s12, $0x3;
	s28 =	sshrl.u32 s14, $0x3;
	s14 =	sadd.s32 s1, s9  }
0xe: {  	s7 =	sadd.s32 s10, s19;
	s4 =	sadd.s32 s4, s6;
	s1 =	simm.s32 $0x14000  }
0xf: {  	s5 =	sshrl.u32 s5, $0x3;
	s23 =	sshrl.u32 s13, $0x3;
	s13 =	sshll.u32 s13, $0x4  }
0x10: {  	s15 =	sshrl.u32 s24, $0x3;
	s12 =	sadd.s32 s9, s12;
	[dreg:$0x4] =	wrdreg s14  }
0x11: {  	s18 =	sadd.s32 $0x50, s7;
	s10 =	sadd.s32 $0x28, s7;
	s4 =	sadd.s32 s17, s4  }
0x12: {  	s17 =	simm.s32 $0x19400;
	s14 =	simm.s32 $0x9;
	s0 =	sadd.s32 s5, s0  }
0x13: {  	s5 =	ssub.s32 s21, s22;
	s11 =	sadd.s32 s8, s23;
	[dreg:$0xc] =	wrdreg s12  }
0x14: {  	s25 =	sadd.s32 s6, s13;
	s26 =	sadd.s32 s8, s15;
	s12 =	sadd.s32 s9, s28  }
0x15: {  	s15 =	sadd.s32 $0x78, s7;
	s9 =	sshrl.u32 s18, $0x3;
	[dreg:$0xb] =	wrdreg s11  }
0x16: {  	s21 =	sshrl.u32 s10, $0x3;
	s7 =	sshrl.u32 s7, $0x3;
	[dreg:$0xd] =	wrdreg s25  }
0x17: {  	s4 =	sadd.s32 $0x780, s4;
	s28 =	sor.u32 $0x10, s30;
	[dreg:$0xe] =	wrdreg s26  }
0x18: {  	s18 =	simm.s32 $0xE;
	s10 =	simm.s32 $0x20;
	[dreg:$0xf] =	wrdreg s12  }
0x19: {  	s13 =	simm.s32 $0x4;
	s11 =	sshll.u32 s24, $0x4;
	[dreg:$0x12] =	wrdreg s4  }
0x1a: {  	s5 =	smax.u32 s5, $0x1;
	s19 =	sadd.s32 s9, s8;
	[dreg:$0x14] =	wrdreg s28  }
0x1b: {  	s22 =	sadd.s32 s21, s8;
	s23 =	sadd.s32 s7, s8;
	[dreg:$0x11] =	wrdreg s5  }
0x1c: {  	s24 =	sadd.s32 $0x11000, s0;
	s25 =	simm.s32 $0x14280;
	[dreg:$0x6] =	wrdreg s19  }
0x1d: {  	s7 =	simm.s32 $0x28;
	s9 =	simm.s32 $0x2;
	[dreg:$0x7] =	wrdreg s22  }
0x1e: {  	s26 =	simm.s32 $0xD;
	s0 =	simm.s32 $0x0;
	[dreg:$0x8] =	wrdreg s23  }
0x1f: {  	s11 =	sadd.s32 s6, s11;
	s5 =	sshrl.u32 s15, $0x3;
	[dreg:$0x13] =	wrdreg s24  }
0x20: {  	[dreg:$0x10] =	wrdreg s11;
	s5 =	sadd.s32 s5, s8;
	s8 =	simm.s32 $0x1F400  }
0x21: {  	v0 =	vlaneseq.u32;
	s11 =	simm.s32 $0x3;
	[dreg:$0x5] =	wrdreg s5;
	s5 =	simm.s32 $0x1  }
.LBB2_1:
0x22: {  	[dreg:$0x15] =	wrdreg s0  }
0x23: {  	s4 =	rddreg [dreg:$0x9]  }
0x24: {  	[tilespmem:s31], [sflag:$0xE] =	stream.linear.gather [hbm4b:s4+s3], $0x1000, $0x38;
	[tilespmem:$0x1F480] =	vst v63  }
0x25: {  	_ =	swait.ge [sflag:s18], $0x1000  }
0x26: {  	s28 =	sadd.s32 $0x0, s30;
	[sflag:s18] =	ssyncset.done $0x0  }
0x27: {  	v1 =	vor.u32 s28, v0;
	s4 =	sadd.s32 $0x10, s28;
	[sflag:s18] =	ssyncadd.s32 $0xFFFFF000  }
0x28: {  	[tilespmem:$0x1F400] =	vst v1;
	v1 =	vor.u32 s4, v0  }
0x29: {  	[tilespmem:$0x1F410] =	vst v1  }
0x2a: {  	[spmem:s2] =	stream.indirect.scatter [tilespmem:s31], [sflag:$0xE], $0x80, s8, s10, $0xb8;
	[tilespmem:$0x1F480] =	vst v63  }
0x2b: {  	s4 =	simm.s32 $0x20;
	_ =	swait.ge [sflag:s18], $0x1000  }
.LBB2_2:
0x2c: {  	s28 =	sadd.s32 s4, s30;
	[sflag:s18] =	ssyncset.done $0x0;
	p0 =	sne.s32 s4, $0x260  }
.Ltmp0:
0x2d: {  	v1 =	vor.u32 s28, v0;
	s28 =	sadd.s32 $0x10, s28;
	[sflag:s18] =	ssyncadd.s32 $0xFFFFF000;
	(pc) =	sbr.rel @p0 .LBB2_2-.Ltmp0, $4  }
0x2e: {  	s4 =	sadd.s32 $0x20, s4;
	[tilespmem:$0x1F400] =	vst v1;
	v1 =	vor.u32 s28, v0  }
0x2f: {  	[tilespmem:$0x1F410] =	vst v1  }
0x30: {  	[spmem:s2] =	stream.indirect.scatter [tilespmem:s31], [sflag:$0xE], $0x80, s8, s10, $0xb8;
	[tilespmem:$0x1F480] =	vst v63  }
0x31: {  	_ =	swait.ge [sflag:s18], $0x1000  }
0x32: {  	[sflag:s18] =	ssyncset.done $0x0  }
0x33: {  	[sflag:s18] =	ssyncadd.s32 $0xFFFFF000  }
0x34: {  	[bflag:$0x0] =	sbarrier.arrive $0xFFFF  }
0x35: {  	s4 =	rddreg [dreg:$0x8]  }
0x36: {  	s28 =	rddreg [dreg:$0x4];
	s4 =	sadd.s32 $0x0, s4  }
0x37: {  	[tilespmem:s1], [sflag:$0x1] =	stream.linear.gather [hbm4b:s4+s3], $0x28, $0x38;
	[tilespmem:$0x1F480] =	vst v63  }
0x38: {  	s12 =	simm.s32 $0x14200;
	s8 =	rddreg [dreg:$0x12];
	s24 =	sadd.s32 $0x0, s28  }
0x39: {  	[tilespmem:s12], [sflag:$0x1] =	stream.linear.gather [hbm4b:s24+s3], $0x28, $0x38;
	[tilespmem:$0x1F480] =	vst v63  }
0x3a: {  	s28 =	rddreg [dreg:$0x7];
	s30 =	sadd.s32 $0xFFFFF880, s8  }
0x3b: {  	[tilespmem:s17], [sflag:$0x5] =	stream.linear.gather [hbm4b:s30+s3], $0x1400, $0x38;
	[tilespmem:$0x1F480] =	vst v63  }
0x3c: {  	s15 =	simm.s32 $0x14080;
	s28 =	sadd.s32 $0x0, s28  }
0x3d: {  	[tilespmem:s15], [sflag:$0x2] =	stream.linear.gather [hbm4b:s28+s3], $0x28, $0x38;
	[tilespmem:$0x1F480] =	vst v63  }
0x3e: {  	s28 =	sadd.s32 $0x5, s24  }
0x3f: {  	[tilespmem:s25], [sflag:$0x2] =	stream.linear.gather [hbm4b:s28+s3], $0x28, $0x38;
	[tilespmem:$0x1F480] =	vst v63  }
0x40: {  	s19 =	simm.s32 $0x1A800;
	s30 =	rddreg [dreg:$0x6];
	s28 =	sadd.s32 $0xFFFFFB00, s8  }
0x41: {  	[tilespmem:s19], [sflag:$0x6] =	stream.linear.gather [hbm4b:s28+s3], $0x1400, $0x38;
	[tilespmem:$0x1F480] =	vst v63  }
0x42: {  	s22 =	simm.s32 $0x14100;
	s28 =	sadd.s32 $0x0, s30  }
0x43: {  	[tilespmem:s22], [sflag:$0x3] =	stream.linear.gather [hbm4b:s28+s3], $0x28, $0x38;
	[tilespmem:$0x1F480] =	vst v63  }
0x44: {  	s6 =	simm.s32 $0x14300;
	s28 =	sadd.s32 $0xA, s24  }
0x45: {  	[tilespmem:s6], [sflag:$0x3] =	stream.linear.gather [hbm4b:s28+s3], $0x28, $0x38;
	[tilespmem:$0x1F480] =	vst v63  }
0x46: {  	s10 =	simm.s32 $0x1BC00;
	s30 =	rddreg [dreg:$0x5];
	s28 =	sadd.s32 $0xFFFFFD80, s8  }
0x47: {  	[tilespmem:s10], [sflag:$0x7] =	stream.linear.gather [hbm4b:s28+s3], $0x1400, $0x38;
	[tilespmem:$0x1F480] =	vst v63  }
0x48: {  	s23 =	simm.s32 $0x14180;
	s28 =	sadd.s32 $0x0, s30  }
0x49: {  	[tilespmem:s23], [sflag:$0x4] =	stream.linear.gather [hbm4b:s28+s3], $0x28, $0x38;
	[tilespmem:$0x1F480] =	vst v63  }
0x4a: {  	s16 =	simm.s32 $0x14380;
	s4 =	sadd.s32 $0xF, s24  }
0x4b: {  	[tilespmem:s16], [sflag:$0x4] =	stream.linear.gather [hbm4b:s4+s3], $0x28, $0x38;
	[tilespmem:$0x1F480] =	vst v63  }
0x4c: {  	s4 =	simm.s32 $0x1D000  }
0x4d: {  	[tilespmem:s4], [sflag:$0x8] =	stream.linear.gather [hbm4b:s8+s3], $0x1400, $0x38;
	[tilespmem:$0x1F480] =	vst v63  }
0x4e: {  	_ =	swait.ge [sflag:s5], $0x28  }
0x4f: {  	[sflag:s5] =	ssyncset.done $0x0  }
0x50: {  	[sflag:s5] =	ssyncadd.s32 $0xFFFFFFD8  }
0x51: {  	_ =	swait.ge [sflag:s5], $0x28  }
0x52: {  	[sflag:s5] =	ssyncset.done $0x0  }
0x53: {  	s0 =	simm.s32 $0x14400;
	[sflag:s5] =	ssyncadd.s32 $0xFFFFFFD8  }
0x54: {  	[tilespmem:s0], [sflag:$0x9] =	stream.indirect.gather [hbm4b:s20+s7], $0x80, s1, s7, $0xb8;
	[tilespmem:$0x1F480] =	vst v63  }
0x55: {  	_ =	swait.ge [sflag:s9], $0x28  }
0x56: {  	[sflag:s9] =	ssyncset.done $0x0  }
0x57: {  	[sflag:s9] =	ssyncadd.s32 $0xFFFFFFD8  }
0x58: {  	_ =	swait.ge [sflag:s9], $0x28  }
0x59: {  	[sflag:s9] =	ssyncset.done $0x0  }
0x5a: {  	s24 =	simm.s32 $0x15800;
	[sflag:s9] =	ssyncadd.s32 $0xFFFFFFD8  }
0x5b: {  	[tilespmem:s24], [sflag:$0xA] =	stream.indirect.gather [hbm4b:s20+s7], $0x80, s15, s7, $0xb8;
	[tilespmem:$0x1F480] =	vst v63  }
0x5c: {  	_ =	swait.ge [sflag:s11], $0x28  }
0x5d: {  	[sflag:s11] =	ssyncset.done $0x0  }
0x5e: {  	[sflag:s11] =	ssyncadd.s32 $0xFFFFFFD8  }
0x5f: {  	_ =	swait.ge [sflag:s11], $0x28  }
0x60: {  	[sflag:s11] =	ssyncset.done $0x0  }
0x61: {  	s15 =	simm.s32 $0x16C00;
	[sflag:s11] =	ssyncadd.s32 $0xFFFFFFD8  }
0x62: {  	[tilespmem:s15], [sflag:$0xB] =	stream.indirect.gather [hbm4b:s20+s7], $0x80, s22, s7, $0xb8;
	[tilespmem:$0x1F480] =	vst v63  }
0x63: {  	_ =	swait.ge [sflag:s13], $0x28  }
0x64: {  	[sflag:s13] =	ssyncset.done $0x0  }
0x65: {  	[sflag:s13] =	ssyncadd.s32 $0xFFFFFFD8  }
0x66: {  	_ =	swait.ge [sflag:s13], $0x28  }
0x67: {  	[sflag:s13] =	ssyncset.done $0x0  }
0x68: {  	s1 =	simm.s32 $0x18000;
	[sflag:s13] =	ssyncadd.s32 $0xFFFFFFD8  }
0x69: {  	[tilespmem:s1], [sflag:$0xC] =	stream.indirect.gather [hbm4b:s20+s7], $0x80, s23, s7, $0xb8;
	[tilespmem:$0x1F480] =	vst v63  }
0x6a: {  	_ =	swait.ge [sflag:s14], $0x1400  }
0x6b: {  	[sflag:s14] =	ssyncset.done $0x0  }
0x6c: {  	s25 =	simm.s32 $0x5;
	[sflag:s14] =	ssyncadd.s32 $0xFFFFEC00  }
0x6d: {  	_ =	swait.ge [sflag:s25], $0x1400  }
0x6e: {  	[sflag:s25] =	ssyncset.done $0x0  }
0x6f: {  	[sflag:s25] =	ssyncadd.s32 $0xFFFFEC00  }
0x70: {  	[spmem:s2] =	stream.indirect.scatter.add.f32 [tilespmem:s0], [sflag:$0xD], $0x80, s12, s7, $0xb8;
	[tilespmem:$0x1F480] =	vst v63  }
0x71: {  	s25 =	simm.s32 $0xA  }
0x72: {  	[spmem:s2] =	stream.indirect.scatter.add.f32 [tilespmem:s17], [sflag:$0xD], $0x80, s12, s7, $0xb8;
	[tilespmem:$0x1F480] =	vst v63  }
0x73: {  	_ =	swait.ge [sflag:s25], $0x1400  }
0x74: {  	[sflag:s25] =	ssyncset.done $0x0  }
0x75: {  	s22 =	simm.s32 $0x6;
	[sflag:s25] =	ssyncadd.s32 $0xFFFFEC00  }
0x76: {  	_ =	swait.ge [sflag:s22], $0x1400  }
0x77: {  	[sflag:s22] =	ssyncset.done $0x0  }
0x78: {  	s21 =	simm.s32 $0x14280;
	[sflag:s22] =	ssyncadd.s32 $0xFFFFEC00  }
0x79: {  	[spmem:s2] =	stream.indirect.scatter.add.f32 [tilespmem:s24], [sflag:$0xD], $0x80, s21, s7, $0xb8;
	[tilespmem:$0x1F480] =	vst v63  }
0x7a: {  	s23 =	simm.s32 $0xB  }
0x7b: {  	[spmem:s2] =	stream.indirect.scatter.add.f32 [tilespmem:s19], [sflag:$0xD], $0x80, s21, s7, $0xb8;
	[tilespmem:$0x1F480] =	vst v63  }
0x7c: {  	_ =	swait.ge [sflag:s23], $0x1400  }
0x7d: {  	[sflag:s23] =	ssyncset.done $0x0  }
0x7e: {  	s24 =	simm.s32 $0x7;
	[sflag:s23] =	ssyncadd.s32 $0xFFFFEC00  }
0x7f: {  	_ =	swait.ge [sflag:s24], $0x1400  }
0x80: {  	[sflag:s24] =	ssyncset.done $0x0  }
0x81: {  	[sflag:s24] =	ssyncadd.s32 $0xFFFFEC00  }
0x82: {  	[spmem:s2] =	stream.indirect.scatter.add.f32 [tilespmem:s15], [sflag:$0xD], $0x80, s6, s7, $0xb8;
	[tilespmem:$0x1F480] =	vst v63  }
0x83: {  	s22 =	simm.s32 $0xC  }
0x84: {  	[spmem:s2] =	stream.indirect.scatter.add.f32 [tilespmem:s10], [sflag:$0xD], $0x80, s6, s7, $0xb8;
	[tilespmem:$0x1F480] =	vst v63  }
0x85: {  	_ =	swait.ge [sflag:s22], $0x1400  }
0x86: {  	[sflag:s22] =	ssyncset.done $0x0  }
0x87: {  	s23 =	simm.s32 $0x8;
	[sflag:s22] =	ssyncadd.s32 $0xFFFFEC00  }
0x88: {  	_ =	swait.ge [sflag:s23], $0x1400  }
0x89: {  	[sflag:s23] =	ssyncset.done $0x0  }
0x8a: {  	[sflag:s23] =	ssyncadd.s32 $0xFFFFEC00  }
0x8b: {  	[spmem:s2] =	stream.indirect.scatter.add.f32 [tilespmem:s1], [sflag:$0xD], $0x80, s16, s7, $0xb8;
	[tilespmem:$0x1F480] =	vst v63  }
0x8c: {  	_ = 	snop  }
0x8d: {  	[spmem:s2] =	stream.indirect.scatter.add.f32 [tilespmem:s4], [sflag:$0xD], $0x80, s16, s7, $0xb8;
	[tilespmem:$0x1F480] =	vst v63  }
0x8e: {  	_ =	swait.ge [sflag:s26], $0x1400  }
0x8f: {  	[sflag:s26] =	ssyncset.done $0x0  }
0x90: {  	[sflag:s26] =	ssyncadd.s32 $0xFFFFEC00  }
0x91: {  	_ =	swait.ge [sflag:s26], $0x1400  }
0x92: {  	[sflag:s26] =	ssyncset.done $0x0  }
0x93: {  	[sflag:s26] =	ssyncadd.s32 $0xFFFFEC00  }
0x94: {  	_ =	swait.ge [sflag:s26], $0x1400  }
0x95: {  	[sflag:s26] =	ssyncset.done $0x0  }
0x96: {  	[sflag:s26] =	ssyncadd.s32 $0xFFFFEC00  }
0x97: {  	_ =	swait.ge [sflag:s26], $0x1400  }
0x98: {  	[sflag:s26] =	ssyncset.done $0x0  }
0x99: {  	[sflag:s26] =	ssyncadd.s32 $0xFFFFEC00  }
0x9a: {  	_ =	swait.ge [sflag:s26], $0x1400  }
0x9b: {  	[sflag:s26] =	ssyncset.done $0x0  }
0x9c: {  	[sflag:s26] =	ssyncadd.s32 $0xFFFFEC00  }
0x9d: {  	_ =	swait.ge [sflag:s26], $0x1400  }
0x9e: {  	[sflag:s26] =	ssyncset.done $0x0  }
0x9f: {  	[sflag:s26] =	ssyncadd.s32 $0xFFFFEC00  }
0xa0: {  	_ =	swait.ge [sflag:s26], $0x1400  }
0xa1: {  	[sflag:s26] =	ssyncset.done $0x0  }
0xa2: {  	[sflag:s26] =	ssyncadd.s32 $0xFFFFEC00  }
0xa3: {  	s31 =	simm.s32 $0x28;
	s30 =	smov.u32 s8;
	_ =	swait.ge [sflag:s26], $0x1400  }
0xa4: {  	s28 =	simm.s32 $0x14;
	s4 =	rddreg [dreg:$0x8];
	[sflag:s26] =	ssyncset.done $0x0  }
.LBB2_4:
0xa5: {  	[sflag:s26] =	ssyncadd.s32 $0xFFFFEC00  }
0xa6: {  	s8 =	rddreg [dreg:$0x4];
	s4 =	sadd.s32 s28, s4;
	s16 =	simm.s32 $0x14000  }
0xa7: {  	[tilespmem:s16], [sflag:$0x1] =	stream.linear.gather [hbm4b:s4+s3], $0x28, $0x38;
	[tilespmem:$0x1F480] =	vst v63  }
0xa8: {  	s30 =	sadd.s32 $0xA00, s30;
	s4 =	sadd.s32 s28, s8  }
0xa9: {  	[tilespmem:s12], [sflag:$0x1] =	stream.linear.gather [hbm4b:s4+s3], $0x28, $0x38;
	[tilespmem:$0x1F480] =	vst v63  }
0xaa: {  	s6 =	rddreg [dreg:$0x7];
	s1 =	simm.s32 $0x19400;
	s15 =	sadd.s32 $0xFFFFF880, s30  }
0xab: {  	[tilespmem:s1], [sflag:$0x5] =	stream.linear.gather [hbm4b:s15+s3], $0x1400, $0x38;
	[tilespmem:$0x1F480] =	vst v63  }
0xac: {  	s8 =	sadd.s32 s28, s6;
	s6 =	simm.s32 $0x14080  }
0xad: {  	[tilespmem:s6], [sflag:$0x2] =	stream.linear.gather [hbm4b:s8+s3], $0x28, $0x38;
	[tilespmem:$0x1F480] =	vst v63  }
0xae: {  	s0 =	simm.s32 $0x14280;
	s17 =	sadd.s32 $0x5, s4  }
0xaf: {  	[tilespmem:s0], [sflag:$0x2] =	stream.linear.gather [hbm4b:s17+s3], $0x28, $0x38;
	[tilespmem:$0x1F480] =	vst v63  }
0xb0: {  	s19 =	rddreg [dreg:$0x6];
	s21 =	simm.s32 $0x1A800;
	s24 =	sadd.s32 $0xFFFFFB00, s30  }
0xb1: {  	[tilespmem:s21], [sflag:$0x6] =	stream.linear.gather [hbm4b:s24+s3], $0x1400, $0x38;
	[tilespmem:$0x1F480] =	vst v63  }
0xb2: {  	s12 =	sadd.s32 s28, s19;
	s15 =	simm.s32 $0x14100  }
0xb3: {  	[tilespmem:s15], [sflag:$0x3] =	stream.linear.gather [hbm4b:s12+s3], $0x28, $0x38;
	[tilespmem:$0x1F480] =	vst v63  }
0xb4: {  	s17 =	sadd.s32 $0xA, s4  }
0xb5: {  	[tilespmem:s29], [sflag:$0x3] =	stream.linear.gather [hbm4b:s17+s3], $0x28, $0x38;
	[tilespmem:$0x1F480] =	vst v63  }
0xb6: {  	s19 =	rddreg [dreg:$0x5];
	s24 =	simm.s32 $0x1BC00;
	s17 =	sadd.s32 $0xFFFFFD80, s30  }
0xb7: {  	[tilespmem:s24], [sflag:$0x7] =	stream.linear.gather [hbm4b:s17+s3], $0x1400, $0x38;
	[tilespmem:$0x1F480] =	vst v63  }
0xb8: {  	s10 =	smov.u32 s31;
	s19 =	sadd.s32 s28, s19;
	s17 =	simm.s32 $0x14180  }
0xb9: {  	[tilespmem:s17], [sflag:$0x4] =	stream.linear.gather [hbm4b:s19+s3], $0x28, $0x38;
	[tilespmem:$0x1F480] =	vst v63  }
0xba: {  	s28 =	smov.u32 s10;
	s10 =	simm.s32 $0x14380;
	s4 =	sadd.s32 $0xF, s4  }
0xbb: {  	[tilespmem:s10], [sflag:$0x4] =	stream.linear.gather [hbm4b:s4+s3], $0x28, $0x38;
	[tilespmem:$0x1F480] =	vst v63  }
0xbc: {  	s8 =	simm.s32 $0x1D000  }
0xbd: {  	[tilespmem:s8], [sflag:$0x8] =	stream.linear.gather [hbm4b:s30+s3], $0x1400, $0x38;
	[tilespmem:$0x1F480] =	vst v63  }
0xbe: {  	_ =	swait.ge [sflag:s5], $0x28  }
0xbf: {  	[sflag:s5] =	ssyncset.done $0x0  }
0xc0: {  	[sflag:s5] =	ssyncadd.s32 $0xFFFFFFD8  }
0xc1: {  	_ =	swait.ge [sflag:s5], $0x28  }
0xc2: {  	[sflag:s5] =	ssyncset.done $0x0  }
0xc3: {  	s4 =	simm.s32 $0x14400;
	[sflag:s5] =	ssyncadd.s32 $0xFFFFFFD8  }
0xc4: {  	[tilespmem:s4], [sflag:$0x9] =	stream.indirect.gather [hbm4b:s20+s7], $0x80, s16, s7, $0xb8;
	[tilespmem:$0x1F480] =	vst v63  }
0xc5: {  	_ =	swait.ge [sflag:s9], $0x28  }
0xc6: {  	[sflag:s9] =	ssyncset.done $0x0  }
0xc7: {  	[sflag:s9] =	ssyncadd.s32 $0xFFFFFFD8  }
0xc8: {  	_ =	swait.ge [sflag:s9], $0x28  }
0xc9: {  	[sflag:s9] =	ssyncset.done $0x0  }
0xca: {  	s19 =	simm.s32 $0x15800;
	[sflag:s9] =	ssyncadd.s32 $0xFFFFFFD8  }
0xcb: {  	[tilespmem:s19], [sflag:$0xA] =	stream.indirect.gather [hbm4b:s20+s7], $0x80, s6, s7, $0xb8;
	[tilespmem:$0x1F480] =	vst v63  }
0xcc: {  	_ =	swait.ge [sflag:s11], $0x28  }
0xcd: {  	[sflag:s11] =	ssyncset.done $0x0  }
0xce: {  	[sflag:s11] =	ssyncadd.s32 $0xFFFFFFD8  }
0xcf: {  	_ =	swait.ge [sflag:s11], $0x28  }
0xd0: {  	[sflag:s11] =	ssyncset.done $0x0  }
0xd1: {  	s16 =	simm.s32 $0x16C00;
	[sflag:s11] =	ssyncadd.s32 $0xFFFFFFD8  }
0xd2: {  	[tilespmem:s16], [sflag:$0xB] =	stream.indirect.gather [hbm4b:s20+s7], $0x80, s15, s7, $0xb8;
	[tilespmem:$0x1F480] =	vst v63  }
0xd3: {  	_ =	swait.ge [sflag:s13], $0x28  }
0xd4: {  	[sflag:s13] =	ssyncset.done $0x0  }
0xd5: {  	[sflag:s13] =	ssyncadd.s32 $0xFFFFFFD8  }
0xd6: {  	_ =	swait.ge [sflag:s13], $0x28  }
0xd7: {  	[sflag:s13] =	ssyncset.done $0x0  }
0xd8: {  	s6 =	simm.s32 $0x18000;
	[sflag:s13] =	ssyncadd.s32 $0xFFFFFFD8  }
0xd9: {  	[tilespmem:s6], [sflag:$0xC] =	stream.indirect.gather [hbm4b:s20+s7], $0x80, s17, s7, $0xb8;
	[tilespmem:$0x1F480] =	vst v63  }
0xda: {  	_ =	swait.ge [sflag:s14], $0x1400  }
0xdb: {  	[sflag:s14] =	ssyncset.done $0x0  }
0xdc: {  	s17 =	simm.s32 $0x5;
	[sflag:s14] =	ssyncadd.s32 $0xFFFFEC00  }
0xdd: {  	_ =	swait.ge [sflag:s17], $0x1400  }
0xde: {  	[sflag:s17] =	ssyncset.done $0x0  }
0xdf: {  	s12 =	simm.s32 $0x14200;
	[sflag:s17] =	ssyncadd.s32 $0xFFFFEC00  }
0xe0: {  	[spmem:s2] =	stream.indirect.scatter.add.f32 [tilespmem:s4], [sflag:$0xD], $0x80, s12, s7, $0xb8;
	[tilespmem:$0x1F480] =	vst v63  }
0xe1: {  	_ = 	snop  }
0xe2: {  	[spmem:s2] =	stream.indirect.scatter.add.f32 [tilespmem:s1], [sflag:$0xD], $0x80, s12, s7, $0xb8;
	[tilespmem:$0x1F480] =	vst v63  }
0xe3: {  	_ =	swait.ge [sflag:s25], $0x1400  }
0xe4: {  	[sflag:s25] =	ssyncset.done $0x0  }
0xe5: {  	s17 =	simm.s32 $0x6;
	[sflag:s25] =	ssyncadd.s32 $0xFFFFEC00  }
0xe6: {  	_ =	swait.ge [sflag:s17], $0x1400  }
0xe7: {  	[sflag:s17] =	ssyncset.done $0x0  }
0xe8: {  	[sflag:s17] =	ssyncadd.s32 $0xFFFFEC00  }
0xe9: {  	[spmem:s2] =	stream.indirect.scatter.add.f32 [tilespmem:s19], [sflag:$0xD], $0x80, s0, s7, $0xb8;
	[tilespmem:$0x1F480] =	vst v63  }
0xea: {  	s19 =	simm.s32 $0xB  }
0xeb: {  	[spmem:s2] =	stream.indirect.scatter.add.f32 [tilespmem:s21], [sflag:$0xD], $0x80, s0, s7, $0xb8;
	[tilespmem:$0x1F480] =	vst v63  }
0xec: {  	_ =	swait.ge [sflag:s19], $0x1400  }
0xed: {  	[sflag:s19] =	ssyncset.done $0x0  }
0xee: {  	s21 =	simm.s32 $0x7;
	[sflag:s19] =	ssyncadd.s32 $0xFFFFEC00  }
0xef: {  	_ =	swait.ge [sflag:s21], $0x1400  }
0xf0: {  	[sflag:s21] =	ssyncset.done $0x0  }
0xf1: {  	[sflag:s21] =	ssyncadd.s32 $0xFFFFEC00  }
0xf2: {  	[spmem:s2] =	stream.indirect.scatter.add.f32 [tilespmem:s16], [sflag:$0xD], $0x80, s29, s7, $0xb8;
	[tilespmem:$0x1F480] =	vst v63  }
0xf3: {  	_ = 	snop  }
0xf4: {  	[spmem:s2] =	stream.indirect.scatter.add.f32 [tilespmem:s24], [sflag:$0xD], $0x80, s29, s7, $0xb8;
	[tilespmem:$0x1F480] =	vst v63  }
0xf5: {  	_ =	swait.ge [sflag:s22], $0x1400  }
0xf6: {  	[sflag:s22] =	ssyncset.done $0x0  }
0xf7: {  	[sflag:s22] =	ssyncadd.s32 $0xFFFFEC00  }
0xf8: {  	_ =	swait.ge [sflag:s23], $0x1400  }
0xf9: {  	[sflag:s23] =	ssyncset.done $0x0  }
0xfa: {  	[sflag:s23] =	ssyncadd.s32 $0xFFFFEC00  }
0xfb: {  	[spmem:s2] =	stream.indirect.scatter.add.f32 [tilespmem:s6], [sflag:$0xD], $0x80, s10, s7, $0xb8;
	[tilespmem:$0x1F480] =	vst v63  }
0xfc: {  	_ = 	snop  }
0xfd: {  	[spmem:s2] =	stream.indirect.scatter.add.f32 [tilespmem:s8], [sflag:$0xD], $0x80, s10, s7, $0xb8;
	[tilespmem:$0x1F480] =	vst v63  }
0xfe: {  	_ =	swait.ge [sflag:s26], $0x1400  }
0xff: {  	[sflag:s26] =	ssyncset.done $0x0  }
0x100: {  	[sflag:s26] =	ssyncadd.s32 $0xFFFFEC00  }
0x101: {  	_ =	swait.ge [sflag:s26], $0x1400  }
0x102: {  	[sflag:s26] =	ssyncset.done $0x0  }
0x103: {  	[sflag:s26] =	ssyncadd.s32 $0xFFFFEC00  }
0x104: {  	_ =	swait.ge [sflag:s26], $0x1400  }
0x105: {  	[sflag:s26] =	ssyncset.done $0x0  }
0x106: {  	[sflag:s26] =	ssyncadd.s32 $0xFFFFEC00  }
0x107: {  	_ =	swait.ge [sflag:s26], $0x1400  }
0x108: {  	[sflag:s26] =	ssyncset.done $0x0  }
0x109: {  	[sflag:s26] =	ssyncadd.s32 $0xFFFFEC00  }
0x10a: {  	_ =	swait.ge [sflag:s26], $0x1400  }
0x10b: {  	[sflag:s26] =	ssyncset.done $0x0  }
0x10c: {  	[sflag:s26] =	ssyncadd.s32 $0xFFFFEC00  }
0x10d: {  	_ =	swait.ge [sflag:s26], $0x1400  }
0x10e: {  	[sflag:s26] =	ssyncset.done $0x0  }
0x10f: {  	p0 =	sne.s32 s31, $0x4C4;
	[sflag:s26] =	ssyncadd.s32 $0xFFFFEC00  }
.Ltmp1:
0x110: {  	_ =	swait.ge [sflag:s26], $0x1400;
	(pc) =	sbr.rel @p0 .LBB2_4-.Ltmp1, $4  }
0x111: {  	[sflag:s26] =	ssyncset.done $0x0  }
0x112: {  	[sflag:s26] =	ssyncadd.s32 $0xFFFFEC00  }
0x113: {  	_ =	swait.ge [sflag:s26], $0x1400  }
0x114: {  	s31 =	sadd.s32 $0x14, s31;
	s4 =	rddreg [dreg:$0x8];
	[sflag:s26] =	ssyncset.done $0x0  }
0x115: {  	s8 =	rddreg [dreg:$0x4]  }
0x116: {  	[sflag:s26] =	ssyncadd.s32 $0xFFFFEC00;
	s4 =	sadd.s32 s28, s4;
	s1 =	simm.s32 $0x14000  }
0x117: {  	[tilespmem:s1], [sflag:$0x1] =	stream.linear.gather [hbm4b:s4+s3], $0x28, $0x38;
	[tilespmem:$0x1F480] =	vst v63  }
0x118: {  	s4 =	sadd.s32 $0xA00, s30;
	s8 =	sadd.s32 s28, s8  }
0x119: {  	[tilespmem:s12], [sflag:$0x1] =	stream.linear.gather [hbm4b:s8+s3], $0x28, $0x38;
	[tilespmem:$0x1F480] =	vst v63  }
0x11a: {  	s10 =	rddreg [dreg:$0x7];
	s31 =	simm.s32 $0x19400;
	s15 =	sadd.s32 $0xFFFFF880, s4  }
0x11b: {  	[tilespmem:s31], [sflag:$0x5] =	stream.linear.gather [hbm4b:s15+s3], $0x1400, $0x38;
	[tilespmem:$0x1F480] =	vst v63  }
0x11c: {  	s6 =	simm.s32 $0x14080;
	s10 =	sadd.s32 s28, s10  }
0x11d: {  	[tilespmem:s6], [sflag:$0x2] =	stream.linear.gather [hbm4b:s10+s3], $0x28, $0x38;
	[tilespmem:$0x1F480] =	vst v63  }
0x11e: {  	s0 =	simm.s32 $0x14280;
	s16 =	sadd.s32 $0x5, s8  }
0x11f: {  	[tilespmem:s0], [sflag:$0x2] =	stream.linear.gather [hbm4b:s16+s3], $0x28, $0x38;
	[tilespmem:$0x1F480] =	vst v63  }
0x120: {  	s17 =	rddreg [dreg:$0x6];
	s21 =	simm.s32 $0x1A800;
	s19 =	sadd.s32 $0xFFFFFB00, s4  }
0x121: {  	[tilespmem:s21], [sflag:$0x6] =	stream.linear.gather [hbm4b:s19+s3], $0x1400, $0x38;
	[tilespmem:$0x1F480] =	vst v63  }
0x122: {  	s24 =	sadd.s32 s28, s17;
	s15 =	simm.s32 $0x14100  }
0x123: {  	[tilespmem:s15], [sflag:$0x3] =	stream.linear.gather [hbm4b:s24+s3], $0x28, $0x38;
	[tilespmem:$0x1F480] =	vst v63  }
0x124: {  	s12 =	sadd.s32 $0xA, s8;
	s16 =	simm.s32 $0x14300  }
0x125: {  	[tilespmem:s16], [sflag:$0x3] =	stream.linear.gather [hbm4b:s12+s3], $0x28, $0x38;
	[tilespmem:$0x1F480] =	vst v63  }
0x126: {  	s17 =	rddreg [dreg:$0x5];
	s19 =	sadd.s32 $0xFFFFFD80, s4;
	s24 =	simm.s32 $0x1BC00  }
0x127: {  	[tilespmem:s24], [sflag:$0x7] =	stream.linear.gather [hbm4b:s19+s3], $0x1400, $0x38;
	[tilespmem:$0x1F480] =	vst v63  }
0x128: {  	s12 =	sadd.s32 s28, s17;
	s17 =	simm.s32 $0x14180  }
0x129: {  	[tilespmem:s17], [sflag:$0x4] =	stream.linear.gather [hbm4b:s12+s3], $0x28, $0x38;
	[tilespmem:$0x1F480] =	vst v63  }
0x12a: {  	s8 =	sadd.s32 $0xF, s8;
	s12 =	simm.s32 $0x14380  }
0x12b: {  	[tilespmem:s12], [sflag:$0x4] =	stream.linear.gather [hbm4b:s8+s3], $0x28, $0x38;
	[tilespmem:$0x1F480] =	vst v63  }
0x12c: {  	s8 =	simm.s32 $0x1D000  }
0x12d: {  	[tilespmem:s8], [sflag:$0x8] =	stream.linear.gather [hbm4b:s4+s3], $0x1400, $0x38;
	[tilespmem:$0x1F480] =	vst v63  }
0x12e: {  	_ =	swait.ge [sflag:s5], $0x28  }
0x12f: {  	[sflag:s5] =	ssyncset.done $0x0  }
0x130: {  	[sflag:s5] =	ssyncadd.s32 $0xFFFFFFD8  }
0x131: {  	_ =	swait.ge [sflag:s5], $0x28  }
0x132: {  	[sflag:s5] =	ssyncset.done $0x0  }
0x133: {  	s10 =	simm.s32 $0x14400;
	[sflag:s5] =	ssyncadd.s32 $0xFFFFFFD8  }
0x134: {  	[tilespmem:s10], [sflag:$0x9] =	stream.indirect.gather [hbm4b:s20+s7], $0x80, s1, s7, $0xb8;
	[tilespmem:$0x1F480] =	vst v63  }
0x135: {  	_ =	swait.ge [sflag:s9], $0x28  }
0x136: {  	[sflag:s9] =	ssyncset.done $0x0  }
0x137: {  	[sflag:s9] =	ssyncadd.s32 $0xFFFFFFD8  }
0x138: {  	_ =	swait.ge [sflag:s9], $0x28  }
0x139: {  	[sflag:s9] =	ssyncset.done $0x0  }
0x13a: {  	s19 =	simm.s32 $0x15800;
	[sflag:s9] =	ssyncadd.s32 $0xFFFFFFD8  }
0x13b: {  	[tilespmem:s19], [sflag:$0xA] =	stream.indirect.gather [hbm4b:s20+s7], $0x80, s6, s7, $0xb8;
	[tilespmem:$0x1F480] =	vst v63  }
0x13c: {  	_ =	swait.ge [sflag:s11], $0x28  }
0x13d: {  	[sflag:s11] =	ssyncset.done $0x0  }
0x13e: {  	[sflag:s11] =	ssyncadd.s32 $0xFFFFFFD8  }
0x13f: {  	_ =	swait.ge [sflag:s11], $0x28  }
0x140: {  	[sflag:s11] =	ssyncset.done $0x0  }
0x141: {  	s6 =	simm.s32 $0x16C00;
	[sflag:s11] =	ssyncadd.s32 $0xFFFFFFD8  }
0x142: {  	[tilespmem:s6], [sflag:$0xB] =	stream.indirect.gather [hbm4b:s20+s7], $0x80, s15, s7, $0xb8;
	[tilespmem:$0x1F480] =	vst v63  }
0x143: {  	_ =	swait.ge [sflag:s13], $0x28  }
0x144: {  	[sflag:s13] =	ssyncset.done $0x0  }
0x145: {  	[sflag:s13] =	ssyncadd.s32 $0xFFFFFFD8  }
0x146: {  	_ =	swait.ge [sflag:s13], $0x28  }
0x147: {  	[sflag:s13] =	ssyncset.done $0x0  }
0x148: {  	s4 =	simm.s32 $0x18000;
	[sflag:s13] =	ssyncadd.s32 $0xFFFFFFD8  }
0x149: {  	[tilespmem:s4], [sflag:$0xC] =	stream.indirect.gather [hbm4b:s20+s7], $0x80, s17, s7, $0xb8;
	[tilespmem:$0x1F480] =	vst v63  }
0x14a: {  	_ =	swait.ge [sflag:s14], $0x1400  }
0x14b: {  	[sflag:s14] =	ssyncset.done $0x0  }
0x14c: {  	s17 =	simm.s32 $0x5;
	[sflag:s14] =	ssyncadd.s32 $0xFFFFEC00  }
0x14d: {  	_ =	swait.ge [sflag:s17], $0x1400  }
0x14e: {  	[sflag:s17] =	ssyncset.done $0x0  }
0x14f: {  	s30 =	simm.s32 $0x14200;
	[sflag:s17] =	ssyncadd.s32 $0xFFFFEC00  }
0x150: {  	[spmem:s2] =	stream.indirect.scatter.add.f32 [tilespmem:s10], [sflag:$0xD], $0x80, s30, s7, $0xb8;
	[tilespmem:$0x1F480] =	vst v63  }
0x151: {  	_ = 	snop  }
0x152: {  	[spmem:s2] =	stream.indirect.scatter.add.f32 [tilespmem:s31], [sflag:$0xD], $0x80, s30, s7, $0xb8;
	[tilespmem:$0x1F480] =	vst v63  }
0x153: {  	_ =	swait.ge [sflag:s25], $0x1400  }
0x154: {  	[sflag:s25] =	ssyncset.done $0x0  }
0x155: {  	s17 =	simm.s32 $0x6;
	[sflag:s25] =	ssyncadd.s32 $0xFFFFEC00  }
0x156: {  	_ =	swait.ge [sflag:s17], $0x1400  }
0x157: {  	[sflag:s17] =	ssyncset.done $0x0  }
0x158: {  	[sflag:s17] =	ssyncadd.s32 $0xFFFFEC00  }
0x159: {  	[spmem:s2] =	stream.indirect.scatter.add.f32 [tilespmem:s19], [sflag:$0xD], $0x80, s0, s7, $0xb8;
	[tilespmem:$0x1F480] =	vst v63  }
0x15a: {  	_ = 	snop  }
0x15b: {  	[spmem:s2] =	stream.indirect.scatter.add.f32 [tilespmem:s21], [sflag:$0xD], $0x80, s0, s7, $0xb8;
	[tilespmem:$0x1F480] =	vst v63  }
0x15c: {  	s21 =	simm.s32 $0xB  }
0x15d: {  	_ =	swait.ge [sflag:s21], $0x1400  }
0x15e: {  	[sflag:s21] =	ssyncset.done $0x0  }
0x15f: {  	s25 =	simm.s32 $0x7;
	[sflag:s21] =	ssyncadd.s32 $0xFFFFEC00  }
0x160: {  	_ =	swait.ge [sflag:s25], $0x1400  }
0x161: {  	[sflag:s25] =	ssyncset.done $0x0  }
0x162: {  	[sflag:s25] =	ssyncadd.s32 $0xFFFFEC00  }
0x163: {  	[spmem:s2] =	stream.indirect.scatter.add.f32 [tilespmem:s6], [sflag:$0xD], $0x80, s16, s7, $0xb8;
	[tilespmem:$0x1F480] =	vst v63  }
0x164: {  	_ = 	snop  }
0x165: {  	[spmem:s2] =	stream.indirect.scatter.add.f32 [tilespmem:s24], [sflag:$0xD], $0x80, s16, s7, $0xb8;
	[tilespmem:$0x1F480] =	vst v63  }
0x166: {  	_ =	swait.ge [sflag:s22], $0x1400  }
0x167: {  	[sflag:s22] =	ssyncset.done $0x0  }
0x168: {  	[sflag:s22] =	ssyncadd.s32 $0xFFFFEC00  }
0x169: {  	_ =	swait.ge [sflag:s23], $0x1400  }
0x16a: {  	[sflag:s23] =	ssyncset.done $0x0  }
0x16b: {  	[sflag:s23] =	ssyncadd.s32 $0xFFFFEC00  }
0x16c: {  	[spmem:s2] =	stream.indirect.scatter.add.f32 [tilespmem:s4], [sflag:$0xD], $0x80, s12, s7, $0xb8;
	[tilespmem:$0x1F480] =	vst v63  }
0x16d: {  	_ = 	snop  }
0x16e: {  	[spmem:s2] =	stream.indirect.scatter.add.f32 [tilespmem:s8], [sflag:$0xD], $0x80, s12, s7, $0xb8;
	[tilespmem:$0x1F480] =	vst v63  }
0x16f: {  	_ =	swait.ge [sflag:s26], $0x1400  }
0x170: {  	[sflag:s26] =	ssyncset.done $0x0  }
0x171: {  	[sflag:s26] =	ssyncadd.s32 $0xFFFFEC00  }
0x172: {  	_ =	swait.ge [sflag:s26], $0x1400  }
0x173: {  	[sflag:s26] =	ssyncset.done $0x0  }
0x174: {  	[sflag:s26] =	ssyncadd.s32 $0xFFFFEC00  }
0x175: {  	_ =	swait.ge [sflag:s26], $0x1400  }
0x176: {  	[sflag:s26] =	ssyncset.done $0x0  }
0x177: {  	[sflag:s26] =	ssyncadd.s32 $0xFFFFEC00  }
0x178: {  	_ =	swait.ge [sflag:s26], $0x1400  }
0x179: {  	[sflag:s26] =	ssyncset.done $0x0  }
0x17a: {  	[sflag:s26] =	ssyncadd.s32 $0xFFFFEC00  }
0x17b: {  	_ =	swait.ge [sflag:s26], $0x1400  }
0x17c: {  	[sflag:s26] =	ssyncset.done $0x0  }
0x17d: {  	[sflag:s26] =	ssyncadd.s32 $0xFFFFEC00  }
0x17e: {  	_ =	swait.ge [sflag:s26], $0x1400  }
0x17f: {  	[sflag:s26] =	ssyncset.done $0x0  }
0x180: {  	[sflag:s26] =	ssyncadd.s32 $0xFFFFEC00  }
0x181: {  	_ =	swait.ge [sflag:s26], $0x1400  }
0x182: {  	[sflag:s26] =	ssyncset.done $0x0  }
0x183: {  	[sflag:s26] =	ssyncadd.s32 $0xFFFFEC00  }
0x184: {  	_ =	swait.ge [sflag:s26], $0x1400  }
0x185: {  	[sflag:s26] =	ssyncset.done $0x0  }
0x186: {  	s12 =	simm.s32 $0x0;
	s15 =	rddreg [dreg:$0xb];
	[sflag:s26] =	ssyncadd.s32 $0xFFFFEC00  }
0x187: {  	[tilespmem:s1], [sflag:$0xE] =	stream.linear.gather [hbm4b:s15+s12], $0x28, $0x38;
	[tilespmem:$0x1F480] =	vst v63  }
0x188: {  	_ =	swait.ge [sflag:s18], $0x28  }
0x189: {  	[sflag:s18] =	ssyncset.done $0x0  }
0x18a: {  	s16 =	rddreg [dreg:$0xc];
	[sflag:s18] =	ssyncadd.s32 $0xFFFFFFD8  }
0x18b: {  	[tilespmem:s30], [sflag:$0xE] =	stream.linear.gather [hbm4b:s16+s12], $0x28, $0x38;
	[tilespmem:$0x1F480] =	vst v63  }
0x18c: {  	_ =	swait.ge [sflag:s18], $0x28  }
0x18d: {  	[sflag:s18] =	ssyncset.done $0x0  }
0x18e: {  	[sflag:s18] =	ssyncadd.s32 $0xFFFFFFD8  }
0x18f: {  	[tilespmem:s10], [sflag:$0x9] =	stream.indirect.gather [hbm4b:s20+s7], $0x80, s1, s7, $0xb8;
	[tilespmem:$0x1F480] =	vst v63  }
0x190: {  	_ =	swait.ge [sflag:s14], $0x1400  }
0x191: {  	[sflag:s14] =	ssyncset.done $0x0  }
0x192: {  	s17 =	rddreg [dreg:$0xd];
	[sflag:s14] =	ssyncadd.s32 $0xFFFFEC00  }
0x193: {  	[tilespmem:s31], [sflag:$0xE] =	stream.linear.gather [hbm4b:s17+s12], $0x1400, $0x38;
	[tilespmem:$0x1F480] =	vst v63  }
0x194: {  	_ =	swait.ge [sflag:s18], $0x1400  }
0x195: {  	[sflag:s18] =	ssyncset.done $0x0  }
0x196: {  	[sflag:s18] =	ssyncadd.s32 $0xFFFFEC00  }
0x197: {  	[spmem:s2] =	stream.indirect.scatter.add.f32 [tilespmem:s10], [sflag:$0xE], $0x80, s30, s7, $0xb8;
	[tilespmem:$0x1F480] =	vst v63  }
0x198: {  	_ =	swait.ge [sflag:s18], $0x1400  }
0x199: {  	[sflag:s18] =	ssyncset.done $0x0  }
0x19a: {  	[sflag:s18] =	ssyncadd.s32 $0xFFFFEC00  }
0x19b: {  	[spmem:s2] =	stream.indirect.scatter.add.f32 [tilespmem:s31], [sflag:$0xE], $0x80, s30, s7, $0xb8;
	[tilespmem:$0x1F480] =	vst v63  }
0x19c: {  	_ =	swait.ge [sflag:s18], $0x1400  }
0x19d: {  	[sflag:s18] =	ssyncset.done $0x0  }
0x19e: {  	s19 =	rddreg [dreg:$0xe];
	[sflag:s18] =	ssyncadd.s32 $0xFFFFEC00  }
0x19f: {  	[tilespmem:s1], [sflag:$0xE] =	stream.linear.gather [hbm4b:s19+s12], $0x28, $0x38;
	[tilespmem:$0x1F480] =	vst v63  }
0x1a0: {  	_ =	swait.ge [sflag:s18], $0x28  }
0x1a1: {  	[sflag:s18] =	ssyncset.done $0x0  }
0x1a2: {  	s21 =	rddreg [dreg:$0xf];
	[sflag:s18] =	ssyncadd.s32 $0xFFFFFFD8  }
0x1a3: {  	[tilespmem:s30], [sflag:$0xE] =	stream.linear.gather [hbm4b:s21+s12], $0x28, $0x38;
	[tilespmem:$0x1F480] =	vst v63  }
0x1a4: {  	_ =	swait.ge [sflag:s18], $0x28  }
0x1a5: {  	[sflag:s18] =	ssyncset.done $0x0  }
0x1a6: {  	[sflag:s18] =	ssyncadd.s32 $0xFFFFFFD8  }
0x1a7: {  	[tilespmem:s10], [sflag:$0x9] =	stream.indirect.gather [hbm4b:s20+s7], $0x80, s1, s7, $0xb8;
	[tilespmem:$0x1F480] =	vst v63  }
0x1a8: {  	_ =	swait.ge [sflag:s14], $0x1400  }
0x1a9: {  	[sflag:s14] =	ssyncset.done $0x0  }
0x1aa: {  	s22 =	rddreg [dreg:$0x10];
	[sflag:s14] =	ssyncadd.s32 $0xFFFFEC00  }
0x1ab: {  	[tilespmem:s31], [sflag:$0xE] =	stream.linear.gather [hbm4b:s22+s12], $0x1400, $0x38;
	[tilespmem:$0x1F480] =	vst v63  }
0x1ac: {  	_ =	swait.ge [sflag:s18], $0x1400  }
0x1ad: {  	[sflag:s18] =	ssyncset.done $0x0  }
0x1ae: {  	[sflag:s18] =	ssyncadd.s32 $0xFFFFEC00  }
0x1af: {  	[spmem:s2] =	stream.indirect.scatter.add.f32 [tilespmem:s10], [sflag:$0xE], $0x80, s30, s7, $0xb8;
	[tilespmem:$0x1F480] =	vst v63  }
0x1b0: {  	_ =	swait.ge [sflag:s18], $0x1400  }
0x1b1: {  	[sflag:s18] =	ssyncset.done $0x0  }
0x1b2: {  	[sflag:s18] =	ssyncadd.s32 $0xFFFFEC00  }
0x1b3: {  	[spmem:s2] =	stream.indirect.scatter.add.f32 [tilespmem:s31], [sflag:$0xE], $0x80, s30, s7, $0xb8;
	[tilespmem:$0x1F480] =	vst v63  }
0x1b4: {  	_ =	swait.ge [sflag:s18], $0x1400  }
0x1b5: {  	[sflag:s18] =	ssyncset.done $0x0  }
0x1b6: {  	[sflag:s18] =	ssyncadd.s32 $0xFFFFEC00  }
0x1b7: {  	[bflag:$0x0] =	sbarrier.arrive $0xFFFF  }
0x1b8: {  	s23 =	rddreg [dreg:$0x14]  }
0x1b9: {  	v1 =	vor.u32 s23, v0;
	s24 =	sadd.s32 $0xFFFFFFF0, s23  }
0x1ba: {  	v2 =	vor.u32 s24, v0;
	[tilespmem:$0x1F410] =	vst v1  }
0x1bb: {  	s16 =	simm.s32 $0x1F400;
	s17 =	simm.s32 $0x1E400;
	s10 =	simm.s32 $0x20;
	[tilespmem:$0x1F400] =	vst v2  }
0x1bc: {  	[tilespmem:s17], [sflag:$0x9] =	stream.indirect.gather [spmem:s2], $0x80, s16, s10, $0xb8;
	[tilespmem:$0x1F480] =	vst v63  }
0x1bd: {  	_ =	swait.ge [sflag:s14], $0x1000  }
0x1be: {  	[sflag:s14] =	ssyncset.done $0x0;
	s12 =	rddreg [dreg:$0x13]  }
0x1bf: {  	s28 =	simm.s32 $0x200;
	[sflag:s14] =	ssyncadd.s32 $0xFFFFF000;
	s25 =	sadd.s32 $0x0, s12  }
0x1c0: {  	[hbm4b:s25+s3] =	stream.linear.scatter [tilespmem:s17], [sflag:$0xE], $0x1000, $0x38;
	[tilespmem:$0x1F480] =	vst v63  }
0x1c1: {  	s30 =	simm.s32 $0x400;
	s4 =	sadd.s32 $0x20, s23;
	_ =	swait.ge [sflag:s18], $0x1000  }
0x1c2: {  	v1 =	vor.u32 s4, v0;
	s31 =	sadd.s32 $0x20, s4;
	s25 =	simm.s32 $0x14280;
	[sflag:s18] =	ssyncset.done $0x0  }
.LBB2_6:
0x1c3: {  	v2 =	vor.u32 s31, v0;
	p0 =	sne.s32 s30, $0x2600;
	s4 =	sadd.s32 $0xFFFFFFF0, s4;
	[sflag:s18] =	ssyncadd.s32 $0xFFFFF000  }
0x1c4: {  	s8 =	smov.u32 s30;
	s30 =	sadd.s32 $0x200, s30;
	v3 =	vor.u32 s4, v0;
	[tilespmem:$0x1F410] =	vst v1;
	v1 =	vmov v2;
	s4 =	smov.u32 s31  }
0x1c5: {  	[tilespmem:$0x1F400] =	vst v3  }
0x1c6: {  	[tilespmem:s17], [sflag:$0x9] =	stream.indirect.gather [spmem:s2], $0x80, s16, s10, $0xb8;
	[tilespmem:$0x1F480] =	vst v63  }
0x1c7: {  	_ =	swait.ge [sflag:s14], $0x1000  }
0x1c8: {  	s10 =	sadd.s32 s28, s12;
	[sflag:s14] =	ssyncset.done $0x0  }
.Ltmp2:
0x1c9: {  	s28 =	smov.u32 s8;
	[sflag:s14] =	ssyncadd.s32 $0xFFFFF000;
	(pc) =	sbr.rel @p0 .LBB2_6-.Ltmp2, $4  }
0x1ca: {  	[hbm4b:s10+s3] =	stream.linear.scatter [tilespmem:s17], [sflag:$0xE], $0x1000, $0x38;
	[tilespmem:$0x1F480] =	vst v63  }
0x1cb: {  	s10 =	simm.s32 $0x20  }
0x1cc: {  	_ =	swait.ge [sflag:s18], $0x1000  }
0x1cd: {  	s31 =	sadd.s32 $0x20, s31;
	[sflag:s18] =	ssyncset.done $0x0  }
0x1ce: {  	s4 =	sadd.s32 $0xFFFFFFF0, s4;
	[sflag:s18] =	ssyncadd.s32 $0xFFFFF000  }
0x1cf: {  	v2 =	vor.u32 s4, v0;
	[tilespmem:$0x1F410] =	vst v1  }
0x1d0: {  	[tilespmem:$0x1F400] =	vst v2  }
0x1d1: {  	[tilespmem:s17], [sflag:$0x9] =	stream.indirect.gather [spmem:s2], $0x80, s16, s10, $0xb8;
	[tilespmem:$0x1F480] =	vst v63  }
0x1d2: {  	_ =	swait.ge [sflag:s14], $0x1000  }
0x1d3: {  	[sflag:s14] =	ssyncset.done $0x0  }
0x1d4: {  	s24 =	sadd.s32 s28, s12;
	[sflag:s14] =	ssyncadd.s32 $0xFFFFF000  }
0x1d5: {  	[hbm4b:s24+s3] =	stream.linear.scatter [tilespmem:s17], [sflag:$0xE], $0x1000, $0x38;
	[tilespmem:$0x1F480] =	vst v63  }
0x1d6: {  	_ =	swait.ge [sflag:s18], $0x1000  }
0x1d7: {  	s0 =	rddreg [dreg:$0x15]  }
0x1d8: {  	s28 =	rddreg [dreg:$0x11];
	s0 =	sadd.s32 $0x1, s0  }
0x1d9: {  	p0 =	sne.s32 s0, s28  }
.Ltmp3:
0x1da: {  	_ = 	snop;
	(pc) =	sbr.rel @p0 .LBB2_1-.Ltmp3, $4  }
0x1db: {  	_ = 	snop  }
0x1dc: {  	s8 =	simm.s32 $0x1F400  }
0x1dd: {  	s1 =	simm.s32 $0x14000;
	s31 =	simm.s32 $0x1E400;
	[sflag:s18] =	ssyncset.done $0x0  }
0x1de: {  	s17 =	simm.s32 $0x19400;
	s30 =	rddreg [dreg:$0xa];
	[sflag:s18] =	ssyncadd.s32 $0xFFFFF000  }
0x1df: {  	_ =	sfence.sel $0x180000  }
0x1e0: {  	[bflag:$0x0] =	sbarrier.arrive $0xFFFF  }
0x1e1: {  	_ =	strace $0x9000004A  }
0x1e2: {  	s0 =	stileid.u32;
	[bflag:$0x2] =	sbarrier.arrive $0xFFFF  }
0x1e3: {  	p0 =	sne.s32 s0, $0x0;
	s0 =	rddreg [dreg:$0x3]  }
0x1e4: {  	s0 =	sadd.s32 @!p0 $0x100000, s0  }
0x1e5: {  	[sflag:s0] =	ssyncadd.tile.s32 @!p0 $0x1;
	_ =	shalt  }
.Lfunc_end2:
_tile_overlayer_lowered:
.L_overlay_start_2:
0x1e6: {  	(tag) =	ssettag $0x2  }
0x1e7: {  	s0 =	rddreg [dreg:$0x0];
	s2 =	stileid.u32  }
0x1e8: {  	s1 =	rddreg [dreg:$0x1];
	p0 =	sne.s32 s2, $0x0  }
0x1e9: {  	s3 =	rddreg [dreg:$0x2];
	[bflag:$0x3] =	sbarrier.arrive $0xFFFF;
	s2 =	simm.s32 @!p0 $0x1C0E  }
0x1ea: {  	[timem:s3], [sflag:s2] =	dma.local @!p0 [hbm:s0], s1  }
0x1eb: {  	s0 =	simm.s32 @!p0 $0xE  }
0x1ec: {  	_ =	swait.ge @!p0 [sflag:s0], s1  }
0x1ed: {  	s1 =	ssub.s32 @!p0 $0x0, s1;
	[sflag:s0] =	ssyncset.done @!p0 $0x0  }
0x1ee: {  	[sflag:s0] =	ssyncadd.s32 @!p0 s1  }
0x1ef: {  	[bflag:$0x3] =	sbarrier.arrive $0xFFFF  }
0x1f0: {  	_ =	shalt  }

// kernel: kernel.9.cloned.1.call-start
scs
__scs_entry_jumppad:
0x0: {  	(pc) =	sbr.rel $0x88, $3  }
0x1: {  	(tag) =	ssettag $0x0;
	lr =	simm.s32 $0x1  }
0x2: {  	[smem:$0x3F97] =	sst lr;
	_ =	strace $0xD0000000  }
0x3: {  	_ = 	snop  }
0x4: {  	_ = 	snop  }
0x5: {  	_ = 	snop  }
0x6: {  	_ = 	snop  }
0x7: {  	_ = 	snop  }
__scs_overlays_trampoline_lowered:
0x8: {  	[smem:$0x3FA6] =	sst s0  }
0x9: {  	[smem:$0x3FA7] =	sst s1  }
0xa: {  	[smem:$0x3FA8] =	sst s2  }
0xb: {  	[smem:$0x3FA9] =	sst s3  }
0xc: {  	[smem:$0x3FAA] =	sst s4  }
0xd: {  	[smem:$0x3FAB] =	sst s5  }
0xe: {  	[smem:$0x3FAC] =	sst s6  }
0xf: {  	[smem:$0x3FAD] =	sst s7  }
0x10: {  	[smem:$0x3FAE] =	sst s8  }
0x11: {  	[smem:$0x3FAF] =	sst s9;
	s0 =	simm.s32 @!p0 $0x0  }
0x12: {  	s1 =	sld [smem:$0x3F95];
	s0 =	simm.s32 @p0 $0x1  }
0x13: {  	[smem:$0x3FB0] =	sst s0;
	s0 =	simm.s32 @!p1 $0x0  }
0x14: {  	s2 =	sld [smem:$0x3F94];
	s0 =	simm.s32 @p1 $0x1  }
0x15: {  	[smem:$0x3FB1] =	sst s0;
	s0 =	simm.s32 @!p2 $0x0  }
0x16: {  	s3 =	sld [smem:$0x3FDB];
	s0 =	simm.s32 @p2 $0x1  }
0x17: {  	s4 =	simm.s32 $0x1BF5;
	[smem:$0x3FB3] =	sst s0  }
0x18: {  	s0 =	sld [smem:$0x3F96];
	_ =	swait.ge [sflag:s4], $0x0  }
0x19: {  	s7 =	sld [smem:$0x3F97]  }
0x1a: {  	s8 =	sadd.s32 $0xFFFFE003, lr  }
0x1b: {  	s9 =	sadd.s32 $0xFFFFFEF7, lr;
	s5 =	simm.s32 $0xFFFFFFFF;
	p2 =	slt.u32 s8, $0xFFFFF086  }
0x1c: {  	p1 =	slt.u32 s9, $0xF7A;
	s5 =	simm.s32 @!p2 $0x0  }
0x1d: {  	s5 =	simm.s32 @p1 $0x1;
	p0 =	seq.s32 s7, s2  }
0x1e: {  	s7 =	smul.u32 @!p0 $0xF7A, s2;
	p2 =	seq.s32 @!p0 s5, $0x0  }
0x1f: {  	s9 =	smul.u32 $0xF7A, s1;
	s8 =	simm.s32 @!p0 $0x1BF5;
	p2 =	por !p2, p0  }
0x20: {  	[sflag:s8] =	ssyncset.s32 @!p0 $0xFFFFF086;
	s6 =	sadd.s32 @!p0 s3, s7;
	s7 =	simm.s32 @!p0 $0x108  }
0x21: {  	s3 =	sadd.s32 s3, s9;
	s6 =	sadd.s32 @!p0 $0x88, s6;
	s7 =	simm.s32 @p2 $0x1082  }
0x22: {  	[simem:s7], [sflag:s8] =	dma.local @!p0 [hbm:s6], $0xF7A  }
0x23: {  	s9 =	sor.u32 $0xD0000000, s2;
	s6 =	simm.s32 $0x108;
	_ =	swait.ge @!p0 [sflag:s8], $0x0  }
0x24: {  	s3 =	sadd.s32 $0x88, s3;
	s6 =	simm.s32 @!p1 $0x1082;
	[sflag:s4] =	ssyncset.s32 $0xFFFFF086  }
0x25: {  	[simem:s6], [sflag:s4] =	dma.local [hbm:s3], $0xF7A  }
0x26: {  	[smem:$0x3F97] =	sst s1;
	(tag) =	ssettag s2;
	_ =	strace s9  }
0x27: {  	s1 =	sld [smem:$0x3FA7]  }
0x28: {  	s2 =	sld [smem:$0x3FA8]  }
0x29: {  	s4 =	sld [smem:$0x3FAA]  }
0x2a: {  	p0 =	seq.s32 s5, $0x0;
	s5 =	sld [smem:$0x3FAB]  }
0x2b: {  	s6 =	sld [smem:$0x3FAC]  }
0x2c: {  	s7 =	sld [smem:$0x3FAD]  }
0x2d: {  	s3 =	simm.s32 $0x108;
	s8 =	sld [smem:$0x3FAE]  }
0x2e: {  	s3 =	simm.s32 @!p0 $0x1082;
	s9 =	sld [smem:$0x3FAF]  }
0x2f: {  	lr =	sadd.s32 s0, s3;
	s0 =	sld [smem:$0x3FA6]  }
0x30: {  	s3 =	sld [smem:$0x3FA9]  }
0x31: {  	[smem:$0x3FB2] =	sst s10  }
0x32: {  	s10 =	sld [smem:$0x3FB0];
	_ =	sdelay $0x3  }
0x33: {  	p0 =	seq.s32 s10, $0x1;
	s10 =	sld [smem:$0x3FB2];
	_ =	sdelay $0x3  }
0x34: {  	[smem:$0x3FB2] =	sst s10  }
0x35: {  	s10 =	sld [smem:$0x3FB1];
	_ =	sdelay $0x3  }
0x36: {  	p1 =	seq.s32 s10, $0x1;
	s10 =	sld [smem:$0x3FB2];
	_ =	sdelay $0x3  }
0x37: {  	[smem:$0x3FB2] =	sst s10  }
0x38: {  	s10 =	sld [smem:$0x3FB3]  }
0x39: {  	_ = 	snop;
	(pc) =	sbr.ind lr, $3  }
0x3a: {  	_ = 	snop  }
0x3b: {  	_ = 	snop  }
0x3c: {  	p2 =	seq.s32 s10, $0x1;
	s10 =	sld [smem:$0x3FB2]  }
0x3d: {  	_ =	shalt  }
0x3e: {  	_ =	shalt  }
0x3f: {  	_ =	shalt  }
0x40: {  	_ =	shalt  }
0x41: {  	_ =	shalt  }
0x42: {  	_ =	shalt  }
0x43: {  	_ =	shalt  }
0x44: {  	_ =	shalt  }
0x45: {  	_ =	shalt  }
0x46: {  	_ =	shalt  }
0x47: {  	_ =	shalt  }
0x48: {  	_ =	shalt  }
0x49: {  	_ =	shalt  }
0x4a: {  	_ =	shalt  }
0x4b: {  	_ =	shalt  }
0x4c: {  	_ =	shalt  }
0x4d: {  	_ =	shalt  }
0x4e: {  	_ =	shalt  }
0x4f: {  	_ =	shalt  }
0x50: {  	_ =	shalt  }
0x51: {  	_ =	shalt  }
0x52: {  	_ =	shalt  }
0x53: {  	_ =	shalt  }
0x54: {  	_ =	shalt  }
0x55: {  	_ =	shalt  }
0x56: {  	_ =	shalt  }
0x57: {  	_ =	shalt  }
0x58: {  	_ =	shalt  }
0x59: {  	_ =	shalt  }
0x5a: {  	_ =	shalt  }
0x5b: {  	_ =	shalt  }
0x5c: {  	_ =	shalt  }
0x5d: {  	_ =	shalt  }
0x5e: {  	_ =	shalt  }
0x5f: {  	_ =	shalt  }
0x60: {  	_ =	shalt  }
0x61: {  	_ =	shalt  }
0x62: {  	_ =	shalt  }
0x63: {  	_ =	shalt  }
0x64: {  	_ =	shalt  }
0x65: {  	_ =	shalt  }
0x66: {  	_ =	shalt  }
0x67: {  	_ =	shalt  }
0x68: {  	_ =	shalt  }
0x69: {  	_ =	shalt  }
0x6a: {  	_ =	shalt  }
0x6b: {  	_ =	shalt  }
0x6c: {  	_ =	shalt  }
0x6d: {  	_ =	shalt  }
0x6e: {  	_ =	shalt  }
0x6f: {  	_ =	shalt  }
0x70: {  	_ =	shalt  }
0x71: {  	_ =	shalt  }
0x72: {  	_ =	shalt  }
0x73: {  	_ =	shalt  }
0x74: {  	_ =	shalt  }
0x75: {  	_ =	shalt  }
0x76: {  	_ =	shalt  }
0x77: {  	_ =	shalt  }
0x78: {  	_ =	shalt  }
0x79: {  	_ =	shalt  }
0x7a: {  	_ =	shalt  }
0x7b: {  	_ =	shalt  }
0x7c: {  	_ =	shalt  }
0x7d: {  	_ =	shalt  }
0x7e: {  	_ =	shalt  }
0x7f: {  	_ =	shalt  }
0x80: {  	_ =	shalt  }
0x81: {  	_ =	shalt  }
0x82: {  	_ =	shalt  }
0x83: {  	_ =	shalt  }
0x84: {  	_ =	shalt  }
0x85: {  	_ =	shalt  }
0x86: {  	_ =	shalt  }
0x87: {  	_ =	shalt  }
.Lfunc_end0:
.L_simem_size_0:
called_computation_lowered:
.L_overlay_start_0:
0x88: {  	s2 =	sld [smem:$0x3FD9]  }
0x89: {  	s3 =	sld [smem:$0x3FFE];
	_ =	sdelay $0x1  }
0x8a: {  	s1 =	srdreg.scid  }
0x8b: {  	s0 =	sand.u32 $0x1, s1  }
0x8c: {  	s17 =	sshll.u32 s0, $0xA;
	s2 =	sadd.s32 s3, s2  }
0x8d: {  	s2 =	sadd.s32 s2, s17  }
0x8e: {  	[smem:$0x3FBE] =	sst s2  }
0x8f: {  	_ = 	snop  }
0x90: {  	s2 =	sld [smem:$0x3FD0];
	(tm) =	ssettm $0x1  }
0x91: {  	s18 =	sld [smem:$0x3FFB];
	_ =	sdelay $0x3  }
0x92: {  	_ =	strace s18  }
0x93: {  	s3 =	sld [smem:$0x3FFC];
	_ =	sdelay $0x3  }
0x94: {  	_ =	strace s3  }
0x95: {  	s3 =	sld [smem:$0x3FFD];
	_ =	sdelay $0x3  }
0x96: {  	_ =	strace s3  }
0x97: {  	_ =	strace $0x8FFFFFFF  }
0x98: {  	s19 =	sld [smem:$0x3FDB];
	_ =	sdelay $0x1  }
0x99: {  	s4 =	simm.s32 $_scs_section_size  }
0x9a: {  	s5 =	simm.s32 $_size__tile_overlayer_lowered;
	s6 =	simm.s32 $_tile_overlayer_lowered  }
0x9b: {  	s22 =	simm.s32 $0x1BFF;
	s21 =	sshll.u32 s6, $0x1;
	s3 =	sadd.s32 s4, s19  }
0x9c: {  	s7 =	simm.s32 $0x0;
	s20 =	sshll.u32 s5, $0x1;
	s5 =	sadd.s32 s21, s3  }
0x9d: {  	[timem:s7], [sflag:s22] =	dma.local [hbm:s5], s20  }
0x9e: {  	_ =	swait.ge [sflag:s22], s20  }
0x9f: {  	s4 =	ssub.s32 $0x0, s20;
	[sflag:s22] =	ssyncset.done $0x0  }
0xa0: {  	[sflag:s22] =	ssyncadd.s32 s4;
	_ =	sdelay $0x1  }
0xa1: {  	s23 =	simm.s32 $0x1B8B  }
0xa2: {  	_ =	swait.ge [sflag:s23], $0x1  }
0xa3: {  	[sflag:s23] =	ssyncset.done $0x0  }
0xa4: {  	s25 =	simm.s32 $0x1B8E;
	s24 =	sld [smem:$0x3FFE];
	[sflag:s23] =	ssyncadd.s32 $0xFFFFFFFF  }
0xa5: {  	s26 =	simm.s32 $execute0_lowered;
	[smem:$0x3FD2] =	sst s25  }
0xa6: {  	s5 =	sshll.u32 s26, $0x1;
	_ =	strace $0x80000046;
	[dreg:$0x1] =	wrdreg $0xFFFFFFFF  }
0xa7: {  	s28 =	simm.s32 $_size_execute0_lowered;
	s3 =	sadd.s32 s3, s5;
	[dreg:$0x0] =	wrdreg $0x0  }
0xa8: {  	s5 =	sshll.u32 s28, $0x1;
	[dreg:$0x2] =	wrdreg s3  }
0xa9: {  	[dreg:$0x3] =	wrdreg s5  }
0xaa: {  	[dreg:$0x4] =	wrdreg $0xC0  }
0xab: {  	_ =	task [dreg:s7], $0x5FFFF  }
0xac: {  	[dreg:$0x1] =	wrdreg $0xFFFFFFFF  }
0xad: {  	[dreg:$0x0] =	wrdreg $0x60  }
0xae: {  	[dreg:$0x2] =	wrdreg s2  }
0xaf: {  	[dreg:$0x3] =	wrdreg s24  }
0xb0: {  	[dreg:$0x4] =	wrdreg $0x0  }
0xb1: {  	[dreg:$0x5] =	wrdreg $0x9  }
0xb2: {  	_ =	task.clear_ibuf [dreg:s7], $0x6FFFF;
	_ =	strace $0x90000046  }
0xb3: {  	s29 =	simm.s32 $0x9;
	_ =	strace $0x80000048  }
0xb4: {  	_ =	swait.ge [sflag:s29], $0x1  }
0xb5: {  	[sflag:s29] =	ssyncadd.s32 $0xFFFFFFFF  }
0xb6: {  	_ =	strace $0x90000048  }
0xb7: {  	_ =	sfence  }
0xb8: {  	s30 =	sld [smem:$0x0];
	_ =	sdelay $0x2  }
0xb9: {  	s31 =	sshll.u32 s1, $0xD;
	s1 =	sshrl.u32 s1, $0x2  }
0xba: {  	s3 =	sand.u32 $0x4000, s31;
	s1 =	sadd.s32 s1, s30  }
0xbb: {  	s0 =	sor.u32 s3, s0;
	s1 =	sshll.u32 s1, $0x11  }
0xbc: {  	s0 =	sor.u32 s1, s0  }
0xbd: {  	s0 =	sadd.s32 $0x8F2B, s0  }
0xbe: {  	[sflag:s0] =	ssyncadd.remote.s32 $0x1  }
0xbf: {  	_ =	sfence.sel $0xFFFF  }
0xc0: {  	[dreg:$0x0] =	wrdreg $0xFFFFFFFF;
	(pc) =	sbr.abs _section_cstart, $3  }
0xc1: {  	[dreg:$0x1] =	wrdreg $0xFFFFFFFF  }
0xc2: {  	_ =	task.clear_ibuf [dreg:s7], $0x2FFFF;
	_ =	strace $0x9FFFFFFF  }
0xc3: {  	(tm) =	ssettm $0x7FFFFFFF  }
tec
execute0_lowered:
.L_overlay_start_1:
0x0: {  	(tag) =	ssettag $0x1  }
0x1: {  	s20 =	rddreg [dreg:$0x0]  }
0x2: {  	s0 =	rddreg [dreg:$0x1];
	s16 =	stileid.u32  }
0x3: {  	s2 =	rddreg [dreg:$0x2];
	s8 =	smul.u32 $0x14000, s16  }
0x4: {  	s3 =	simm.s32 $0x0;
	s4 =	srdreg.scid;
	s10 =	smul.u32 $0x2710, s16  }
0x5: {  	s31 =	simm.s32 $0x1E400;
	s29 =	simm.s32 $0x14300;
	s30 =	smul.u32 $0x280, s16  }
0x6: {  	[smem:$0x7FF] =	sst s3;
	s5 =	sadd.s32 $0x31E800, s0;
	s1 =	smul.u32 $0x4E2, s16  }
0x7: {  	s4 =	sand.u32 $0x1, s4;
	s7 =	sadd.s32 $0x314600, s0;
	s17 =	smul.u32 $0x27100, s16  }
0x8: {  	s9 =	sadd.s32 $0x30F600, s0;
	s11 =	sadd.s32 $0x9E600, s0;
	s6 =	smul.u32 $0x140000, s4  }
0x9: {  	_ =	strace $0x80000047;
	[dreg:$0x9] =	wrdreg s11;
	s19 =	smul.u32 $0x27100, s4  }
0xa: {  	s21 =	ssub.s32 $0x2, s4;
	s4 =	smul.u32 $0x271000, s4;
	s12 =	sadd.s32 $0x26C0, s10  }
0xb: {  	s22 =	sshrl.u32 s21, $0x1;
	s14 =	sadd.s32 $0x26E8, s10;
	[dreg:$0xa] =	wrdreg s30  }
0xc: {  	s6 =	sadd.s32 s8, s6;
	s13 =	sadd.s32 s19, s12;
	s24 =	sadd.s32 s19, s14  }
0xd: {  	s12 =	sshrl.u32 s12, $0x3;
	s28 =	sshrl.u32 s14, $0x3;
	s14 =	sadd.s32 s1, s9  }
0xe: {  	s8 =	sadd.s32 s10, s19;
	s4 =	sadd.s32 s4, s5;
	s1 =	simm.s32 $0x14000  }
0xf: {  	s6 =	sshrl.u32 s6, $0x3;
	s23 =	sshrl.u32 s13, $0x3;
	s13 =	sshll.u32 s13, $0x4  }
0x10: {  	s15 =	sshrl.u32 s24, $0x3;
	s12 =	sadd.s32 s9, s12;
	[dreg:$0x4] =	wrdreg s14  }
0x11: {  	s18 =	sadd.s32 $0x50, s8;
	s10 =	sadd.s32 $0x28, s8;
	s4 =	sadd.s32 s17, s4  }
0x12: {  	s17 =	simm.s32 $0x19400;
	s14 =	simm.s32 $0x9;
	s0 =	sadd.s32 s6, s0  }
0x13: {  	s6 =	ssub.s32 s21, s22;
	s11 =	sadd.s32 s7, s23;
	[dreg:$0xc] =	wrdreg s12  }
0x14: {  	s25 =	sadd.s32 s5, s13;
	s26 =	sadd.s32 s7, s15;
	s12 =	sadd.s32 s9, s28  }
0x15: {  	s15 =	sadd.s32 $0x78, s8;
	s9 =	sshrl.u32 s18, $0x3;
	[dreg:$0xb] =	wrdreg s11  }
0x16: {  	s21 =	sshrl.u32 s10, $0x3;
	s8 =	sshrl.u32 s8, $0x3;
	[dreg:$0xd] =	wrdreg s25  }
0x17: {  	s4 =	sadd.s32 $0x780, s4;
	s28 =	sor.u32 $0x10, s30;
	[dreg:$0xe] =	wrdreg s26  }
0x18: {  	s18 =	simm.s32 $0xE;
	s10 =	simm.s32 $0x20;
	[dreg:$0xf] =	wrdreg s12  }
0x19: {  	s13 =	simm.s32 $0x4;
	s11 =	sshll.u32 s24, $0x4;
	[dreg:$0x12] =	wrdreg s4  }
0x1a: {  	s6 =	smax.u32 s6, $0x1;
	s19 =	sadd.s32 s9, s7;
	[dreg:$0x14] =	wrdreg s28  }
0x1b: {  	s22 =	sadd.s32 s21, s7;
	s23 =	sadd.s32 s8, s7;
	[dreg:$0x11] =	wrdreg s6  }
0x1c: {  	s24 =	sadd.s32 $0x9E800, s0;
	s8 =	simm.s32 $0x1F400;
	[dreg:$0x6] =	wrdreg s19  }
0x1d: {  	s25 =	simm.s32 $0x14280;
	s9 =	simm.s32 $0x2;
	[dreg:$0x7] =	wrdreg s22  }
0x1e: {  	s26 =	simm.s32 $0xD;
	s0 =	simm.s32 $0x0;
	[dreg:$0x8] =	wrdreg s23  }
0x1f: {  	s11 =	sadd.s32 s5, s11;
	s5 =	sshrl.u32 s15, $0x3;
	[dreg:$0x13] =	wrdreg s24  }
0x20: {  	[dreg:$0x10] =	wrdreg s11;
	s5 =	sadd.s32 s5, s7;
	s7 =	simm.s32 $0x28  }
0x21: {  	v0 =	vlaneseq.u32;
	s11 =	simm.s32 $0x3;
	[dreg:$0x5] =	wrdreg s5;
	s5 =	simm.s32 $0x1  }
.LBB2_1:
0x22: {  	[dreg:$0x15] =	wrdreg s0  }
0x23: {  	s4 =	rddreg [dreg:$0x9]  }
0x24: {  	[tilespmem:s31], [sflag:$0xE] =	stream.linear.gather [hbm4b:s4+s3], $0x1000, $0x38;
	[tilespmem:$0x1F480] =	vst v63  }
0x25: {  	_ =	swait.ge [sflag:s18], $0x1000  }
0x26: {  	s28 =	sadd.s32 $0x0, s30;
	[sflag:s18] =	ssyncset.done $0x0  }
0x27: {  	v1 =	vor.u32 s28, v0;
	s4 =	sadd.s32 $0x10, s28;
	[sflag:s18] =	ssyncadd.s32 $0xFFFFF000  }
0x28: {  	[tilespmem:$0x1F400] =	vst v1;
	v1 =	vor.u32 s4, v0  }
0x29: {  	[tilespmem:$0x1F410] =	vst v1  }
0x2a: {  	[spmem:s2] =	stream.indirect.scatter [tilespmem:s31], [sflag:$0xE], $0x80, s8, s10, $0xb8;
	[tilespmem:$0x1F480] =	vst v63  }
0x2b: {  	s4 =	simm.s32 $0x20;
	_ =	swait.ge [sflag:s18], $0x1000  }
.LBB2_2:
0x2c: {  	s28 =	sadd.s32 s4, s30;
	[sflag:s18] =	ssyncset.done $0x0;
	p0 =	sne.s32 s4, $0x260  }
.Ltmp0:
0x2d: {  	v1 =	vor.u32 s28, v0;
	s28 =	sadd.s32 $0x10, s28;
	[sflag:s18] =	ssyncadd.s32 $0xFFFFF000;
	(pc) =	sbr.rel @p0 .LBB2_2-.Ltmp0, $4  }
0x2e: {  	s4 =	sadd.s32 $0x20, s4;
	[tilespmem:$0x1F400] =	vst v1;
	v1 =	vor.u32 s28, v0  }
0x2f: {  	[tilespmem:$0x1F410] =	vst v1  }
0x30: {  	[spmem:s2] =	stream.indirect.scatter [tilespmem:s31], [sflag:$0xE], $0x80, s8, s10, $0xb8;
	[tilespmem:$0x1F480] =	vst v63  }
0x31: {  	_ =	swait.ge [sflag:s18], $0x1000  }
0x32: {  	[sflag:s18] =	ssyncset.done $0x0  }
0x33: {  	[sflag:s18] =	ssyncadd.s32 $0xFFFFF000  }
0x34: {  	[bflag:$0x0] =	sbarrier.arrive $0xFFFF  }
0x35: {  	s4 =	rddreg [dreg:$0x8]  }
0x36: {  	s28 =	rddreg [dreg:$0x4];
	s4 =	sadd.s32 $0x0, s4  }
0x37: {  	[tilespmem:s1], [sflag:$0x1] =	stream.linear.gather [hbm4b:s4+s3], $0x28, $0x38;
	[tilespmem:$0x1F480] =	vst v63  }
0x38: {  	s12 =	simm.s32 $0x14200;
	s8 =	rddreg [dreg:$0x12];
	s24 =	sadd.s32 $0x0, s28  }
0x39: {  	[tilespmem:s12], [sflag:$0x1] =	stream.linear.gather [hbm4b:s24+s3], $0x28, $0x38;
	[tilespmem:$0x1F480] =	vst v63  }
0x3a: {  	s28 =	rddreg [dreg:$0x7];
	s30 =	sadd.s32 $0xFFFFF880, s8  }
0x3b: {  	[tilespmem:s17], [sflag:$0x5] =	stream.linear.gather [hbm4b:s30+s3], $0x1400, $0x38;
	[tilespmem:$0x1F480] =	vst v63  }
0x3c: {  	s15 =	simm.s32 $0x14080;
	s28 =	sadd.s32 $0x0, s28  }
0x3d: {  	[tilespmem:s15], [sflag:$0x2] =	stream.linear.gather [hbm4b:s28+s3], $0x28, $0x38;
	[tilespmem:$0x1F480] =	vst v63  }
0x3e: {  	s28 =	sadd.s32 $0x5, s24  }
0x3f: {  	[tilespmem:s25], [sflag:$0x2] =	stream.linear.gather [hbm4b:s28+s3], $0x28, $0x38;
	[tilespmem:$0x1F480] =	vst v63  }
0x40: {  	s19 =	simm.s32 $0x1A800;
	s30 =	rddreg [dreg:$0x6];
	s28 =	sadd.s32 $0xFFFFFB00, s8  }
0x41: {  	[tilespmem:s19], [sflag:$0x6] =	stream.linear.gather [hbm4b:s28+s3], $0x1400, $0x38;
	[tilespmem:$0x1F480] =	vst v63  }
0x42: {  	s22 =	simm.s32 $0x14100;
	s28 =	sadd.s32 $0x0, s30  }
0x43: {  	[tilespmem:s22], [sflag:$0x3] =	stream.linear.gather [hbm4b:s28+s3], $0x28, $0x38;
	[tilespmem:$0x1F480] =	vst v63  }
0x44: {  	s6 =	simm.s32 $0x14300;
	s28 =	sadd.s32 $0xA, s24  }
0x45: {  	[tilespmem:s6], [sflag:$0x3] =	stream.linear.gather [hbm4b:s28+s3], $0x28, $0x38;
	[tilespmem:$0x1F480] =	vst v63  }
0x46: {  	s10 =	simm.s32 $0x1BC00;
	s30 =	rddreg [dreg:$0x5];
	s28 =	sadd.s32 $0xFFFFFD80, s8  }
0x47: {  	[tilespmem:s10], [sflag:$0x7] =	stream.linear.gather [hbm4b:s28+s3], $0x1400, $0x38;
	[tilespmem:$0x1F480] =	vst v63  }
0x48: {  	s23 =	simm.s32 $0x14180;
	s28 =	sadd.s32 $0x0, s30  }
0x49: {  	[tilespmem:s23], [sflag:$0x4] =	stream.linear.gather [hbm4b:s28+s3], $0x28, $0x38;
	[tilespmem:$0x1F480] =	vst v63  }
0x4a: {  	s16 =	simm.s32 $0x14380;
	s4 =	sadd.s32 $0xF, s24  }
0x4b: {  	[tilespmem:s16], [sflag:$0x4] =	stream.linear.gather [hbm4b:s4+s3], $0x28, $0x38;
	[tilespmem:$0x1F480] =	vst v63  }
0x4c: {  	s4 =	simm.s32 $0x1D000  }
0x4d: {  	[tilespmem:s4], [sflag:$0x8] =	stream.linear.gather [hbm4b:s8+s3], $0x1400, $0x38;
	[tilespmem:$0x1F480] =	vst v63  }
0x4e: {  	_ =	swait.ge [sflag:s5], $0x28  }
0x4f: {  	[sflag:s5] =	ssyncset.done $0x0  }
0x50: {  	[sflag:s5] =	ssyncadd.s32 $0xFFFFFFD8  }
0x51: {  	_ =	swait.ge [sflag:s5], $0x28  }
0x52: {  	[sflag:s5] =	ssyncset.done $0x0  }
0x53: {  	s0 =	simm.s32 $0x14400;
	[sflag:s5] =	ssyncadd.s32 $0xFFFFFFD8  }
0x54: {  	[tilespmem:s0], [sflag:$0x9] =	stream.indirect.gather [hbm4b:s20+s7], $0x80, s1, s7, $0xb8;
	[tilespmem:$0x1F480] =	vst v63  }
0x55: {  	_ =	swait.ge [sflag:s9], $0x28  }
0x56: {  	[sflag:s9] =	ssyncset.done $0x0  }
0x57: {  	[sflag:s9] =	ssyncadd.s32 $0xFFFFFFD8  }
0x58: {  	_ =	swait.ge [sflag:s9], $0x28  }
0x59: {  	[sflag:s9] =	ssyncset.done $0x0  }
0x5a: {  	s24 =	simm.s32 $0x15800;
	[sflag:s9] =	ssyncadd.s32 $0xFFFFFFD8  }
0x5b: {  	[tilespmem:s24], [sflag:$0xA] =	stream.indirect.gather [hbm4b:s20+s7], $0x80, s15, s7, $0xb8;
	[tilespmem:$0x1F480] =	vst v63  }
0x5c: {  	_ =	swait.ge [sflag:s11], $0x28  }
0x5d: {  	[sflag:s11] =	ssyncset.done $0x0  }
0x5e: {  	[sflag:s11] =	ssyncadd.s32 $0xFFFFFFD8  }
0x5f: {  	_ =	swait.ge [sflag:s11], $0x28  }
0x60: {  	[sflag:s11] =	ssyncset.done $0x0  }
0x61: {  	s15 =	simm.s32 $0x16C00;
	[sflag:s11] =	ssyncadd.s32 $0xFFFFFFD8  }
0x62: {  	[tilespmem:s15], [sflag:$0xB] =	stream.indirect.gather [hbm4b:s20+s7], $0x80, s22, s7, $0xb8;
	[tilespmem:$0x1F480] =	vst v63  }
0x63: {  	_ =	swait.ge [sflag:s13], $0x28  }
0x64: {  	[sflag:s13] =	ssyncset.done $0x0  }
0x65: {  	[sflag:s13] =	ssyncadd.s32 $0xFFFFFFD8  }
0x66: {  	_ =	swait.ge [sflag:s13], $0x28  }
0x67: {  	[sflag:s13] =	ssyncset.done $0x0  }
0x68: {  	s1 =	simm.s32 $0x18000;
	[sflag:s13] =	ssyncadd.s32 $0xFFFFFFD8  }
0x69: {  	[tilespmem:s1], [sflag:$0xC] =	stream.indirect.gather [hbm4b:s20+s7], $0x80, s23, s7, $0xb8;
	[tilespmem:$0x1F480] =	vst v63  }
0x6a: {  	_ =	swait.ge [sflag:s14], $0x1400  }
0x6b: {  	[sflag:s14] =	ssyncset.done $0x0  }
0x6c: {  	s25 =	simm.s32 $0x5;
	[sflag:s14] =	ssyncadd.s32 $0xFFFFEC00  }
0x6d: {  	_ =	swait.ge [sflag:s25], $0x1400  }
0x6e: {  	[sflag:s25] =	ssyncset.done $0x0  }
0x6f: {  	[sflag:s25] =	ssyncadd.s32 $0xFFFFEC00  }
0x70: {  	[spmem:s2] =	stream.indirect.scatter.add.f32 [tilespmem:s0], [sflag:$0xD], $0x80, s12, s7, $0xb8;
	[tilespmem:$0x1F480] =	vst v63  }
0x71: {  	s25 =	simm.s32 $0xA  }
0x72: {  	[spmem:s2] =	stream.indirect.scatter.add.f32 [tilespmem:s17], [sflag:$0xD], $0x80, s12, s7, $0xb8;
	[tilespmem:$0x1F480] =	vst v63  }
0x73: {  	_ =	swait.ge [sflag:s25], $0x1400  }
0x74: {  	[sflag:s25] =	ssyncset.done $0x0  }
0x75: {  	s22 =	simm.s32 $0x6;
	[sflag:s25] =	ssyncadd.s32 $0xFFFFEC00  }
0x76: {  	_ =	swait.ge [sflag:s22], $0x1400  }
0x77: {  	[sflag:s22] =	ssyncset.done $0x0  }
0x78: {  	s21 =	simm.s32 $0x14280;
	[sflag:s22] =	ssyncadd.s32 $0xFFFFEC00  }
0x79: {  	[spmem:s2] =	stream.indirect.scatter.add.f32 [tilespmem:s24], [sflag:$0xD], $0x80, s21, s7, $0xb8;
	[tilespmem:$0x1F480] =	vst v63  }
0x7a: {  	s23 =	simm.s32 $0xB  }
0x7b: {  	[spmem:s2] =	stream.indirect.scatter.add.f32 [tilespmem:s19], [sflag:$0xD], $0x80, s21, s7, $0xb8;
	[tilespmem:$0x1F480] =	vst v63  }
0x7c: {  	_ =	swait.ge [sflag:s23], $0x1400  }
0x7d: {  	[sflag:s23] =	ssyncset.done $0x0  }
0x7e: {  	s24 =	simm.s32 $0x7;
	[sflag:s23] =	ssyncadd.s32 $0xFFFFEC00  }
0x7f: {  	_ =	swait.ge [sflag:s24], $0x1400  }
0x80: {  	[sflag:s24] =	ssyncset.done $0x0  }
0x81: {  	[sflag:s24] =	ssyncadd.s32 $0xFFFFEC00  }
0x82: {  	[spmem:s2] =	stream.indirect.scatter.add.f32 [tilespmem:s15], [sflag:$0xD], $0x80, s6, s7, $0xb8;
	[tilespmem:$0x1F480] =	vst v63  }
0x83: {  	s22 =	simm.s32 $0xC  }
0x84: {  	[spmem:s2] =	stream.indirect.scatter.add.f32 [tilespmem:s10], [sflag:$0xD], $0x80, s6, s7, $0xb8;
	[tilespmem:$0x1F480] =	vst v63  }
0x85: {  	_ =	swait.ge [sflag:s22], $0x1400  }
0x86: {  	[sflag:s22] =	ssyncset.done $0x0  }
0x87: {  	s23 =	simm.s32 $0x8;
	[sflag:s22] =	ssyncadd.s32 $0xFFFFEC00  }
0x88: {  	_ =	swait.ge [sflag:s23], $0x1400  }
0x89: {  	[sflag:s23] =	ssyncset.done $0x0  }
0x8a: {  	[sflag:s23] =	ssyncadd.s32 $0xFFFFEC00  }
0x8b: {  	[spmem:s2] =	stream.indirect.scatter.add.f32 [tilespmem:s1], [sflag:$0xD], $0x80, s16, s7, $0xb8;
	[tilespmem:$0x1F480] =	vst v63  }
0x8c: {  	_ = 	snop  }
0x8d: {  	[spmem:s2] =	stream.indirect.scatter.add.f32 [tilespmem:s4], [sflag:$0xD], $0x80, s16, s7, $0xb8;
	[tilespmem:$0x1F480] =	vst v63  }
0x8e: {  	_ =	swait.ge [sflag:s26], $0x1400  }
0x8f: {  	[sflag:s26] =	ssyncset.done $0x0  }
0x90: {  	[sflag:s26] =	ssyncadd.s32 $0xFFFFEC00  }
0x91: {  	_ =	swait.ge [sflag:s26], $0x1400  }
0x92: {  	[sflag:s26] =	ssyncset.done $0x0  }
0x93: {  	[sflag:s26] =	ssyncadd.s32 $0xFFFFEC00  }
0x94: {  	_ =	swait.ge [sflag:s26], $0x1400  }
0x95: {  	[sflag:s26] =	ssyncset.done $0x0  }
0x96: {  	[sflag:s26] =	ssyncadd.s32 $0xFFFFEC00  }
0x97: {  	_ =	swait.ge [sflag:s26], $0x1400  }
0x98: {  	[sflag:s26] =	ssyncset.done $0x0  }
0x99: {  	[sflag:s26] =	ssyncadd.s32 $0xFFFFEC00  }
0x9a: {  	_ =	swait.ge [sflag:s26], $0x1400  }
0x9b: {  	[sflag:s26] =	ssyncset.done $0x0  }
0x9c: {  	[sflag:s26] =	ssyncadd.s32 $0xFFFFEC00  }
0x9d: {  	_ =	swait.ge [sflag:s26], $0x1400  }
0x9e: {  	[sflag:s26] =	ssyncset.done $0x0  }
0x9f: {  	[sflag:s26] =	ssyncadd.s32 $0xFFFFEC00  }
0xa0: {  	_ =	swait.ge [sflag:s26], $0x1400  }
0xa1: {  	[sflag:s26] =	ssyncset.done $0x0  }
0xa2: {  	[sflag:s26] =	ssyncadd.s32 $0xFFFFEC00  }
0xa3: {  	s31 =	simm.s32 $0x28;
	s30 =	smov.u32 s8;
	_ =	swait.ge [sflag:s26], $0x1400  }
0xa4: {  	s28 =	simm.s32 $0x14;
	s4 =	rddreg [dreg:$0x8];
	[sflag:s26] =	ssyncset.done $0x0  }
.LBB2_4:
0xa5: {  	[sflag:s26] =	ssyncadd.s32 $0xFFFFEC00  }
0xa6: {  	s8 =	rddreg [dreg:$0x4];
	s4 =	sadd.s32 s28, s4;
	s16 =	simm.s32 $0x14000  }
0xa7: {  	[tilespmem:s16], [sflag:$0x1] =	stream.linear.gather [hbm4b:s4+s3], $0x28, $0x38;
	[tilespmem:$0x1F480] =	vst v63  }
0xa8: {  	s30 =	sadd.s32 $0xA00, s30;
	s4 =	sadd.s32 s28, s8  }
0xa9: {  	[tilespmem:s12], [sflag:$0x1] =	stream.linear.gather [hbm4b:s4+s3], $0x28, $0x38;
	[tilespmem:$0x1F480] =	vst v63  }
0xaa: {  	s6 =	rddreg [dreg:$0x7];
	s1 =	simm.s32 $0x19400;
	s15 =	sadd.s32 $0xFFFFF880, s30  }
0xab: {  	[tilespmem:s1], [sflag:$0x5] =	stream.linear.gather [hbm4b:s15+s3], $0x1400, $0x38;
	[tilespmem:$0x1F480] =	vst v63  }
0xac: {  	s8 =	sadd.s32 s28, s6;
	s6 =	simm.s32 $0x14080  }
0xad: {  	[tilespmem:s6], [sflag:$0x2] =	stream.linear.gather [hbm4b:s8+s3], $0x28, $0x38;
	[tilespmem:$0x1F480] =	vst v63  }
0xae: {  	s0 =	simm.s32 $0x14280;
	s17 =	sadd.s32 $0x5, s4  }
0xaf: {  	[tilespmem:s0], [sflag:$0x2] =	stream.linear.gather [hbm4b:s17+s3], $0x28, $0x38;
	[tilespmem:$0x1F480] =	vst v63  }
0xb0: {  	s19 =	rddreg [dreg:$0x6];
	s21 =	simm.s32 $0x1A800;
	s24 =	sadd.s32 $0xFFFFFB00, s30  }
0xb1: {  	[tilespmem:s21], [sflag:$0x6] =	stream.linear.gather [hbm4b:s24+s3], $0x1400, $0x38;
	[tilespmem:$0x1F480] =	vst v63  }
0xb2: {  	s12 =	sadd.s32 s28, s19;
	s15 =	simm.s32 $0x14100  }
0xb3: {  	[tilespmem:s15], [sflag:$0x3] =	stream.linear.gather [hbm4b:s12+s3], $0x28, $0x38;
	[tilespmem:$0x1F480] =	vst v63  }
0xb4: {  	s17 =	sadd.s32 $0xA, s4  }
0xb5: {  	[tilespmem:s29], [sflag:$0x3] =	stream.linear.gather [hbm4b:s17+s3], $0x28, $0x38;
	[tilespmem:$0x1F480] =	vst v63  }
0xb6: {  	s19 =	rddreg [dreg:$0x5];
	s24 =	simm.s32 $0x1BC00;
	s17 =	sadd.s32 $0xFFFFFD80, s30  }
0xb7: {  	[tilespmem:s24], [sflag:$0x7] =	stream.linear.gather [hbm4b:s17+s3], $0x1400, $0x38;
	[tilespmem:$0x1F480] =	vst v63  }
0xb8: {  	s10 =	smov.u32 s31;
	s19 =	sadd.s32 s28, s19;
	s17 =	simm.s32 $0x14180  }
0xb9: {  	[tilespmem:s17], [sflag:$0x4] =	stream.linear.gather [hbm4b:s19+s3], $0x28, $0x38;
	[tilespmem:$0x1F480] =	vst v63  }
0xba: {  	s28 =	smov.u32 s10;
	s10 =	simm.s32 $0x14380;
	s4 =	sadd.s32 $0xF, s4  }
0xbb: {  	[tilespmem:s10], [sflag:$0x4] =	stream.linear.gather [hbm4b:s4+s3], $0x28, $0x38;
	[tilespmem:$0x1F480] =	vst v63  }
0xbc: {  	s8 =	simm.s32 $0x1D000  }
0xbd: {  	[tilespmem:s8], [sflag:$0x8] =	stream.linear.gather [hbm4b:s30+s3], $0x1400, $0x38;
	[tilespmem:$0x1F480] =	vst v63  }
0xbe: {  	_ =	swait.ge [sflag:s5], $0x28  }
0xbf: {  	[sflag:s5] =	ssyncset.done $0x0  }
0xc0: {  	[sflag:s5] =	ssyncadd.s32 $0xFFFFFFD8  }
0xc1: {  	_ =	swait.ge [sflag:s5], $0x28  }
0xc2: {  	[sflag:s5] =	ssyncset.done $0x0  }
0xc3: {  	s4 =	simm.s32 $0x14400;
	[sflag:s5] =	ssyncadd.s32 $0xFFFFFFD8  }
0xc4: {  	[tilespmem:s4], [sflag:$0x9] =	stream.indirect.gather [hbm4b:s20+s7], $0x80, s16, s7, $0xb8;
	[tilespmem:$0x1F480] =	vst v63  }
0xc5: {  	_ =	swait.ge [sflag:s9], $0x28  }
0xc6: {  	[sflag:s9] =	ssyncset.done $0x0  }
0xc7: {  	[sflag:s9] =	ssyncadd.s32 $0xFFFFFFD8  }
0xc8: {  	_ =	swait.ge [sflag:s9], $0x28  }
0xc9: {  	[sflag:s9] =	ssyncset.done $0x0  }
0xca: {  	s19 =	simm.s32 $0x15800;
	[sflag:s9] =	ssyncadd.s32 $0xFFFFFFD8  }
0xcb: {  	[tilespmem:s19], [sflag:$0xA] =	stream.indirect.gather [hbm4b:s20+s7], $0x80, s6, s7, $0xb8;
	[tilespmem:$0x1F480] =	vst v63  }
0xcc: {  	_ =	swait.ge [sflag:s11], $0x28  }
0xcd: {  	[sflag:s11] =	ssyncset.done $0x0  }
0xce: {  	[sflag:s11] =	ssyncadd.s32 $0xFFFFFFD8  }
0xcf: {  	_ =	swait.ge [sflag:s11], $0x28  }
0xd0: {  	[sflag:s11] =	ssyncset.done $0x0  }
0xd1: {  	s16 =	simm.s32 $0x16C00;
	[sflag:s11] =	ssyncadd.s32 $0xFFFFFFD8  }
0xd2: {  	[tilespmem:s16], [sflag:$0xB] =	stream.indirect.gather [hbm4b:s20+s7], $0x80, s15, s7, $0xb8;
	[tilespmem:$0x1F480] =	vst v63  }
0xd3: {  	_ =	swait.ge [sflag:s13], $0x28  }
0xd4: {  	[sflag:s13] =	ssyncset.done $0x0  }
0xd5: {  	[sflag:s13] =	ssyncadd.s32 $0xFFFFFFD8  }
0xd6: {  	_ =	swait.ge [sflag:s13], $0x28  }
0xd7: {  	[sflag:s13] =	ssyncset.done $0x0  }
0xd8: {  	s6 =	simm.s32 $0x18000;
	[sflag:s13] =	ssyncadd.s32 $0xFFFFFFD8  }
0xd9: {  	[tilespmem:s6], [sflag:$0xC] =	stream.indirect.gather [hbm4b:s20+s7], $0x80, s17, s7, $0xb8;
	[tilespmem:$0x1F480] =	vst v63  }
0xda: {  	_ =	swait.ge [sflag:s14], $0x1400  }
0xdb: {  	[sflag:s14] =	ssyncset.done $0x0  }
0xdc: {  	s17 =	simm.s32 $0x5;
	[sflag:s14] =	ssyncadd.s32 $0xFFFFEC00  }
0xdd: {  	_ =	swait.ge [sflag:s17], $0x1400  }
0xde: {  	[sflag:s17] =	ssyncset.done $0x0  }
0xdf: {  	s12 =	simm.s32 $0x14200;
	[sflag:s17] =	ssyncadd.s32 $0xFFFFEC00  }
0xe0: {  	[spmem:s2] =	stream.indirect.scatter.add.f32 [tilespmem:s4], [sflag:$0xD], $0x80, s12, s7, $0xb8;
	[tilespmem:$0x1F480] =	vst v63  }
0xe1: {  	_ = 	snop  }
0xe2: {  	[spmem:s2] =	stream.indirect.scatter.add.f32 [tilespmem:s1], [sflag:$0xD], $0x80, s12, s7, $0xb8;
	[tilespmem:$0x1F480] =	vst v63  }
0xe3: {  	_ =	swait.ge [sflag:s25], $0x1400  }
0xe4: {  	[sflag:s25] =	ssyncset.done $0x0  }
0xe5: {  	s17 =	simm.s32 $0x6;
	[sflag:s25] =	ssyncadd.s32 $0xFFFFEC00  }
0xe6: {  	_ =	swait.ge [sflag:s17], $0x1400  }
0xe7: {  	[sflag:s17] =	ssyncset.done $0x0  }
0xe8: {  	[sflag:s17] =	ssyncadd.s32 $0xFFFFEC00  }
0xe9: {  	[spmem:s2] =	stream.indirect.scatter.add.f32 [tilespmem:s19], [sflag:$0xD], $0x80, s0, s7, $0xb8;
	[tilespmem:$0x1F480] =	vst v63  }
0xea: {  	s19 =	simm.s32 $0xB  }
0xeb: {  	[spmem:s2] =	stream.indirect.scatter.add.f32 [tilespmem:s21], [sflag:$0xD], $0x80, s0, s7, $0xb8;
	[tilespmem:$0x1F480] =	vst v63  }
0xec: {  	_ =	swait.ge [sflag:s19], $0x1400  }
0xed: {  	[sflag:s19] =	ssyncset.done $0x0  }
0xee: {  	s21 =	simm.s32 $0x7;
	[sflag:s19] =	ssyncadd.s32 $0xFFFFEC00  }
0xef: {  	_ =	swait.ge [sflag:s21], $0x1400  }
0xf0: {  	[sflag:s21] =	ssyncset.done $0x0  }
0xf1: {  	[sflag:s21] =	ssyncadd.s32 $0xFFFFEC00  }
0xf2: {  	[spmem:s2] =	stream.indirect.scatter.add.f32 [tilespmem:s16], [sflag:$0xD], $0x80, s29, s7, $0xb8;
	[tilespmem:$0x1F480] =	vst v63  }
0xf3: {  	_ = 	snop  }
0xf4: {  	[spmem:s2] =	stream.indirect.scatter.add.f32 [tilespmem:s24], [sflag:$0xD], $0x80, s29, s7, $0xb8;
	[tilespmem:$0x1F480] =	vst v63  }
0xf5: {  	_ =	swait.ge [sflag:s22], $0x1400  }
0xf6: {  	[sflag:s22] =	ssyncset.done $0x0  }
0xf7: {  	[sflag:s22] =	ssyncadd.s32 $0xFFFFEC00  }
0xf8: {  	_ =	swait.ge [sflag:s23], $0x1400  }
0xf9: {  	[sflag:s23] =	ssyncset.done $0x0  }
0xfa: {  	[sflag:s23] =	ssyncadd.s32 $0xFFFFEC00  }
0xfb: {  	[spmem:s2] =	stream.indirect.scatter.add.f32 [tilespmem:s6], [sflag:$0xD], $0x80, s10, s7, $0xb8;
	[tilespmem:$0x1F480] =	vst v63  }
0xfc: {  	_ = 	snop  }
0xfd: {  	[spmem:s2] =	stream.indirect.scatter.add.f32 [tilespmem:s8], [sflag:$0xD], $0x80, s10, s7, $0xb8;
	[tilespmem:$0x1F480] =	vst v63  }
0xfe: {  	_ =	swait.ge [sflag:s26], $0x1400  }
0xff: {  	[sflag:s26] =	ssyncset.done $0x0  }
0x100: {  	[sflag:s26] =	ssyncadd.s32 $0xFFFFEC00  }
0x101: {  	_ =	swait.ge [sflag:s26], $0x1400  }
0x102: {  	[sflag:s26] =	ssyncset.done $0x0  }
0x103: {  	[sflag:s26] =	ssyncadd.s32 $0xFFFFEC00  }
0x104: {  	_ =	swait.ge [sflag:s26], $0x1400  }
0x105: {  	[sflag:s26] =	ssyncset.done $0x0  }
0x106: {  	[sflag:s26] =	ssyncadd.s32 $0xFFFFEC00  }
0x107: {  	_ =	swait.ge [sflag:s26], $0x1400  }
0x108: {  	[sflag:s26] =	ssyncset.done $0x0  }
0x109: {  	[sflag:s26] =	ssyncadd.s32 $0xFFFFEC00  }
0x10a: {  	_ =	swait.ge [sflag:s26], $0x1400  }
0x10b: {  	[sflag:s26] =	ssyncset.done $0x0  }
0x10c: {  	[sflag:s26] =	ssyncadd.s32 $0xFFFFEC00  }
0x10d: {  	_ =	swait.ge [sflag:s26], $0x1400  }
0x10e: {  	[sflag:s26] =	ssyncset.done $0x0  }
0x10f: {  	p0 =	sne.s32 s31, $0x4C4;
	[sflag:s26] =	ssyncadd.s32 $0xFFFFEC00  }
.Ltmp1:
0x110: {  	_ =	swait.ge [sflag:s26], $0x1400;
	(pc) =	sbr.rel @p0 .LBB2_4-.Ltmp1, $4  }
0x111: {  	[sflag:s26] =	ssyncset.done $0x0  }
0x112: {  	[sflag:s26] =	ssyncadd.s32 $0xFFFFEC00  }
0x113: {  	_ =	swait.ge [sflag:s26], $0x1400  }
0x114: {  	s31 =	sadd.s32 $0x14, s31;
	s4 =	rddreg [dreg:$0x8];
	[sflag:s26] =	ssyncset.done $0x0  }
0x115: {  	s8 =	rddreg [dreg:$0x4]  }
0x116: {  	[sflag:s26] =	ssyncadd.s32 $0xFFFFEC00;
	s4 =	sadd.s32 s28, s4;
	s1 =	simm.s32 $0x14000  }
0x117: {  	[tilespmem:s1], [sflag:$0x1] =	stream.linear.gather [hbm4b:s4+s3], $0x28, $0x38;
	[tilespmem:$0x1F480] =	vst v63  }
0x118: {  	s4 =	sadd.s32 $0xA00, s30;
	s8 =	sadd.s32 s28, s8  }
0x119: {  	[tilespmem:s12], [sflag:$0x1] =	stream.linear.gather [hbm4b:s8+s3], $0x28, $0x38;
	[tilespmem:$0x1F480] =	vst v63  }
0x11a: {  	s10 =	rddreg [dreg:$0x7];
	s31 =	simm.s32 $0x19400;
	s15 =	sadd.s32 $0xFFFFF880, s4  }
0x11b: {  	[tilespmem:s31], [sflag:$0x5] =	stream.linear.gather [hbm4b:s15+s3], $0x1400, $0x38;
	[tilespmem:$0x1F480] =	vst v63  }
0x11c: {  	s6 =	simm.s32 $0x14080;
	s10 =	sadd.s32 s28, s10  }
0x11d: {  	[tilespmem:s6], [sflag:$0x2] =	stream.linear.gather [hbm4b:s10+s3], $0x28, $0x38;
	[tilespmem:$0x1F480] =	vst v63  }
0x11e: {  	s0 =	simm.s32 $0x14280;
	s16 =	sadd.s32 $0x5, s8  }
0x11f: {  	[tilespmem:s0], [sflag:$0x2] =	stream.linear.gather [hbm4b:s16+s3], $0x28, $0x38;
	[tilespmem:$0x1F480] =	vst v63  }
0x120: {  	s17 =	rddreg [dreg:$0x6];
	s21 =	simm.s32 $0x1A800;
	s19 =	sadd.s32 $0xFFFFFB00, s4  }
0x121: {  	[tilespmem:s21], [sflag:$0x6] =	stream.linear.gather [hbm4b:s19+s3], $0x1400, $0x38;
	[tilespmem:$0x1F480] =	vst v63  }
0x122: {  	s24 =	sadd.s32 s28, s17;
	s15 =	simm.s32 $0x14100  }
0x123: {  	[tilespmem:s15], [sflag:$0x3] =	stream.linear.gather [hbm4b:s24+s3], $0x28, $0x38;
	[tilespmem:$0x1F480] =	vst v63  }
0x124: {  	s12 =	sadd.s32 $0xA, s8;
	s16 =	simm.s32 $0x14300  }
0x125: {  	[tilespmem:s16], [sflag:$0x3] =	stream.linear.gather [hbm4b:s12+s3], $0x28, $0x38;
	[tilespmem:$0x1F480] =	vst v63  }
0x126: {  	s17 =	rddreg [dreg:$0x5];
	s19 =	sadd.s32 $0xFFFFFD80, s4;
	s24 =	simm.s32 $0x1BC00  }
0x127: {  	[tilespmem:s24], [sflag:$0x7] =	stream.linear.gather [hbm4b:s19+s3], $0x1400, $0x38;
	[tilespmem:$0x1F480] =	vst v63  }
0x128: {  	s12 =	sadd.s32 s28, s17;
	s17 =	simm.s32 $0x14180  }
0x129: {  	[tilespmem:s17], [sflag:$0x4] =	stream.linear.gather [hbm4b:s12+s3], $0x28, $0x38;
	[tilespmem:$0x1F480] =	vst v63  }
0x12a: {  	s8 =	sadd.s32 $0xF, s8;
	s12 =	simm.s32 $0x14380  }
0x12b: {  	[tilespmem:s12], [sflag:$0x4] =	stream.linear.gather [hbm4b:s8+s3], $0x28, $0x38;
	[tilespmem:$0x1F480] =	vst v63  }
0x12c: {  	s8 =	simm.s32 $0x1D000  }
0x12d: {  	[tilespmem:s8], [sflag:$0x8] =	stream.linear.gather [hbm4b:s4+s3], $0x1400, $0x38;
	[tilespmem:$0x1F480] =	vst v63  }
0x12e: {  	_ =	swait.ge [sflag:s5], $0x28  }
0x12f: {  	[sflag:s5] =	ssyncset.done $0x0  }
0x130: {  	[sflag:s5] =	ssyncadd.s32 $0xFFFFFFD8  }
0x131: {  	_ =	swait.ge [sflag:s5], $0x28  }
0x132: {  	[sflag:s5] =	ssyncset.done $0x0  }
0x133: {  	s10 =	simm.s32 $0x14400;
	[sflag:s5] =	ssyncadd.s32 $0xFFFFFFD8  }
0x134: {  	[tilespmem:s10], [sflag:$0x9] =	stream.indirect.gather [hbm4b:s20+s7], $0x80, s1, s7, $0xb8;
	[tilespmem:$0x1F480] =	vst v63  }
0x135: {  	_ =	swait.ge [sflag:s9], $0x28  }
0x136: {  	[sflag:s9] =	ssyncset.done $0x0  }
0x137: {  	[sflag:s9] =	ssyncadd.s32 $0xFFFFFFD8  }
0x138: {  	_ =	swait.ge [sflag:s9], $0x28  }
0x139: {  	[sflag:s9] =	ssyncset.done $0x0  }
0x13a: {  	s19 =	simm.s32 $0x15800;
	[sflag:s9] =	ssyncadd.s32 $0xFFFFFFD8  }
0x13b: {  	[tilespmem:s19], [sflag:$0xA] =	stream.indirect.gather [hbm4b:s20+s7], $0x80, s6, s7, $0xb8;
	[tilespmem:$0x1F480] =	vst v63  }
0x13c: {  	_ =	swait.ge [sflag:s11], $0x28  }
0x13d: {  	[sflag:s11] =	ssyncset.done $0x0  }
0x13e: {  	[sflag:s11] =	ssyncadd.s32 $0xFFFFFFD8  }
0x13f: {  	_ =	swait.ge [sflag:s11], $0x28  }
0x140: {  	[sflag:s11] =	ssyncset.done $0x0  }
0x141: {  	s6 =	simm.s32 $0x16C00;
	[sflag:s11] =	ssyncadd.s32 $0xFFFFFFD8  }
0x142: {  	[tilespmem:s6], [sflag:$0xB] =	stream.indirect.gather [hbm4b:s20+s7], $0x80, s15, s7, $0xb8;
	[tilespmem:$0x1F480] =	vst v63  }
0x143: {  	_ =	swait.ge [sflag:s13], $0x28  }
0x144: {  	[sflag:s13] =	ssyncset.done $0x0  }
0x145: {  	[sflag:s13] =	ssyncadd.s32 $0xFFFFFFD8  }
0x146: {  	_ =	swait.ge [sflag:s13], $0x28  }
0x147: {  	[sflag:s13] =	ssyncset.done $0x0  }
0x148: {  	s4 =	simm.s32 $0x18000;
	[sflag:s13] =	ssyncadd.s32 $0xFFFFFFD8  }
0x149: {  	[tilespmem:s4], [sflag:$0xC] =	stream.indirect.gather [hbm4b:s20+s7], $0x80, s17, s7, $0xb8;
	[tilespmem:$0x1F480] =	vst v63  }
0x14a: {  	_ =	swait.ge [sflag:s14], $0x1400  }
0x14b: {  	[sflag:s14] =	ssyncset.done $0x0  }
0x14c: {  	s17 =	simm.s32 $0x5;
	[sflag:s14] =	ssyncadd.s32 $0xFFFFEC00  }
0x14d: {  	_ =	swait.ge [sflag:s17], $0x1400  }
0x14e: {  	[sflag:s17] =	ssyncset.done $0x0  }
0x14f: {  	s30 =	simm.s32 $0x14200;
	[sflag:s17] =	ssyncadd.s32 $0xFFFFEC00  }
0x150: {  	[spmem:s2] =	stream.indirect.scatter.add.f32 [tilespmem:s10], [sflag:$0xD], $0x80, s30, s7, $0xb8;
	[tilespmem:$0x1F480] =	vst v63  }
0x151: {  	_ = 	snop  }
0x152: {  	[spmem:s2] =	stream.indirect.scatter.add.f32 [tilespmem:s31], [sflag:$0xD], $0x80, s30, s7, $0xb8;
	[tilespmem:$0x1F480] =	vst v63  }
0x153: {  	_ =	swait.ge [sflag:s25], $0x1400  }
0x154: {  	[sflag:s25] =	ssyncset.done $0x0  }
0x155: {  	s17 =	simm.s32 $0x6;
	[sflag:s25] =	ssyncadd.s32 $0xFFFFEC00  }
0x156: {  	_ =	swait.ge [sflag:s17], $0x1400  }
0x157: {  	[sflag:s17] =	ssyncset.done $0x0  }
0x158: {  	[sflag:s17] =	ssyncadd.s32 $0xFFFFEC00  }
0x159: {  	[spmem:s2] =	stream.indirect.scatter.add.f32 [tilespmem:s19], [sflag:$0xD], $0x80, s0, s7, $0xb8;
	[tilespmem:$0x1F480] =	vst v63  }
0x15a: {  	_ = 	snop  }
0x15b: {  	[spmem:s2] =	stream.indirect.scatter.add.f32 [tilespmem:s21], [sflag:$0xD], $0x80, s0, s7, $0xb8;
	[tilespmem:$0x1F480] =	vst v63  }
0x15c: {  	s21 =	simm.s32 $0xB  }
0x15d: {  	_ =	swait.ge [sflag:s21], $0x1400  }
0x15e: {  	[sflag:s21] =	ssyncset.done $0x0  }
0x15f: {  	s25 =	simm.s32 $0x7;
	[sflag:s21] =	ssyncadd.s32 $0xFFFFEC00  }
0x160: {  	_ =	swait.ge [sflag:s25], $0x1400  }
0x161: {  	[sflag:s25] =	ssyncset.done $0x0  }
0x162: {  	[sflag:s25] =	ssyncadd.s32 $0xFFFFEC00  }
0x163: {  	[spmem:s2] =	stream.indirect.scatter.add.f32 [tilespmem:s6], [sflag:$0xD], $0x80, s16, s7, $0xb8;
	[tilespmem:$0x1F480] =	vst v63  }
0x164: {  	_ = 	snop  }
0x165: {  	[spmem:s2] =	stream.indirect.scatter.add.f32 [tilespmem:s24], [sflag:$0xD], $0x80, s16, s7, $0xb8;
	[tilespmem:$0x1F480] =	vst v63  }
0x166: {  	_ =	swait.ge [sflag:s22], $0x1400  }
0x167: {  	[sflag:s22] =	ssyncset.done $0x0  }
0x168: {  	[sflag:s22] =	ssyncadd.s32 $0xFFFFEC00  }
0x169: {  	_ =	swait.ge [sflag:s23], $0x1400  }
0x16a: {  	[sflag:s23] =	ssyncset.done $0x0  }
0x16b: {  	[sflag:s23] =	ssyncadd.s32 $0xFFFFEC00  }
0x16c: {  	[spmem:s2] =	stream.indirect.scatter.add.f32 [tilespmem:s4], [sflag:$0xD], $0x80, s12, s7, $0xb8;
	[tilespmem:$0x1F480] =	vst v63  }
0x16d: {  	_ = 	snop  }
0x16e: {  	[spmem:s2] =	stream.indirect.scatter.add.f32 [tilespmem:s8], [sflag:$0xD], $0x80, s12, s7, $0xb8;
	[tilespmem:$0x1F480] =	vst v63  }
0x16f: {  	_ =	swait.ge [sflag:s26], $0x1400  }
0x170: {  	[sflag:s26] =	ssyncset.done $0x0  }
0x171: {  	[sflag:s26] =	ssyncadd.s32 $0xFFFFEC00  }
0x172: {  	_ =	swait.ge [sflag:s26], $0x1400  }
0x173: {  	[sflag:s26] =	ssyncset.done $0x0  }
0x174: {  	[sflag:s26] =	ssyncadd.s32 $0xFFFFEC00  }
0x175: {  	_ =	swait.ge [sflag:s26], $0x1400  }
0x176: {  	[sflag:s26] =	ssyncset.done $0x0  }
0x177: {  	[sflag:s26] =	ssyncadd.s32 $0xFFFFEC00  }
0x178: {  	_ =	swait.ge [sflag:s26], $0x1400  }
0x179: {  	[sflag:s26] =	ssyncset.done $0x0  }
0x17a: {  	[sflag:s26] =	ssyncadd.s32 $0xFFFFEC00  }
0x17b: {  	_ =	swait.ge [sflag:s26], $0x1400  }
0x17c: {  	[sflag:s26] =	ssyncset.done $0x0  }
0x17d: {  	[sflag:s26] =	ssyncadd.s32 $0xFFFFEC00  }
0x17e: {  	_ =	swait.ge [sflag:s26], $0x1400  }
0x17f: {  	[sflag:s26] =	ssyncset.done $0x0  }
0x180: {  	[sflag:s26] =	ssyncadd.s32 $0xFFFFEC00  }
0x181: {  	_ =	swait.ge [sflag:s26], $0x1400  }
0x182: {  	[sflag:s26] =	ssyncset.done $0x0  }
0x183: {  	[sflag:s26] =	ssyncadd.s32 $0xFFFFEC00  }
0x184: {  	_ =	swait.ge [sflag:s26], $0x1400  }
0x185: {  	[sflag:s26] =	ssyncset.done $0x0  }
0x186: {  	s12 =	simm.s32 $0x0;
	s15 =	rddreg [dreg:$0xb];
	[sflag:s26] =	ssyncadd.s32 $0xFFFFEC00  }
0x187: {  	[tilespmem:s1], [sflag:$0xE] =	stream.linear.gather [hbm4b:s15+s12], $0x28, $0x38;
	[tilespmem:$0x1F480] =	vst v63  }
0x188: {  	_ =	swait.ge [sflag:s18], $0x28  }
0x189: {  	[sflag:s18] =	ssyncset.done $0x0  }
0x18a: {  	s16 =	rddreg [dreg:$0xc];
	[sflag:s18] =	ssyncadd.s32 $0xFFFFFFD8  }
0x18b: {  	[tilespmem:s30], [sflag:$0xE] =	stream.linear.gather [hbm4b:s16+s12], $0x28, $0x38;
	[tilespmem:$0x1F480] =	vst v63  }
0x18c: {  	_ =	swait.ge [sflag:s18], $0x28  }
0x18d: {  	[sflag:s18] =	ssyncset.done $0x0  }
0x18e: {  	[sflag:s18] =	ssyncadd.s32 $0xFFFFFFD8  }
0x18f: {  	[tilespmem:s10], [sflag:$0x9] =	stream.indirect.gather [hbm4b:s20+s7], $0x80, s1, s7, $0xb8;
	[tilespmem:$0x1F480] =	vst v63  }
0x190: {  	_ =	swait.ge [sflag:s14], $0x1400  }
0x191: {  	[sflag:s14] =	ssyncset.done $0x0  }
0x192: {  	s17 =	rddreg [dreg:$0xd];
	[sflag:s14] =	ssyncadd.s32 $0xFFFFEC00  }
0x193: {  	[tilespmem:s31], [sflag:$0xE] =	stream.linear.gather [hbm4b:s17+s12], $0x1400, $0x38;
	[tilespmem:$0x1F480] =	vst v63  }
0x194: {  	_ =	swait.ge [sflag:s18], $0x1400  }
0x195: {  	[sflag:s18] =	ssyncset.done $0x0  }
0x196: {  	[sflag:s18] =	ssyncadd.s32 $0xFFFFEC00  }
0x197: {  	[spmem:s2] =	stream.indirect.scatter.add.f32 [tilespmem:s10], [sflag:$0xE], $0x80, s30, s7, $0xb8;
	[tilespmem:$0x1F480] =	vst v63  }
0x198: {  	_ =	swait.ge [sflag:s18], $0x1400  }
0x199: {  	[sflag:s18] =	ssyncset.done $0x0  }
0x19a: {  	[sflag:s18] =	ssyncadd.s32 $0xFFFFEC00  }
0x19b: {  	[spmem:s2] =	stream.indirect.scatter.add.f32 [tilespmem:s31], [sflag:$0xE], $0x80, s30, s7, $0xb8;
	[tilespmem:$0x1F480] =	vst v63  }
0x19c: {  	_ =	swait.ge [sflag:s18], $0x1400  }
0x19d: {  	[sflag:s18] =	ssyncset.done $0x0  }
0x19e: {  	s19 =	rddreg [dreg:$0xe];
	[sflag:s18] =	ssyncadd.s32 $0xFFFFEC00  }
0x19f: {  	[tilespmem:s1], [sflag:$0xE] =	stream.linear.gather [hbm4b:s19+s12], $0x28, $0x38;
	[tilespmem:$0x1F480] =	vst v63  }
0x1a0: {  	_ =	swait.ge [sflag:s18], $0x28  }
0x1a1: {  	[sflag:s18] =	ssyncset.done $0x0  }
0x1a2: {  	s21 =	rddreg [dreg:$0xf];
	[sflag:s18] =	ssyncadd.s32 $0xFFFFFFD8  }
0x1a3: {  	[tilespmem:s30], [sflag:$0xE] =	stream.linear.gather [hbm4b:s21+s12], $0x28, $0x38;
	[tilespmem:$0x1F480] =	vst v63  }
0x1a4: {  	_ =	swait.ge [sflag:s18], $0x28  }
0x1a5: {  	[sflag:s18] =	ssyncset.done $0x0  }
0x1a6: {  	[sflag:s18] =	ssyncadd.s32 $0xFFFFFFD8  }
0x1a7: {  	[tilespmem:s10], [sflag:$0x9] =	stream.indirect.gather [hbm4b:s20+s7], $0x80, s1, s7, $0xb8;
	[tilespmem:$0x1F480] =	vst v63  }
0x1a8: {  	_ =	swait.ge [sflag:s14], $0x1400  }
0x1a9: {  	[sflag:s14] =	ssyncset.done $0x0  }
0x1aa: {  	s22 =	rddreg [dreg:$0x10];
	[sflag:s14] =	ssyncadd.s32 $0xFFFFEC00  }
0x1ab: {  	[tilespmem:s31], [sflag:$0xE] =	stream.linear.gather [hbm4b:s22+s12], $0x1400, $0x38;
	[tilespmem:$0x1F480] =	vst v63  }
0x1ac: {  	_ =	swait.ge [sflag:s18], $0x1400  }
0x1ad: {  	[sflag:s18] =	ssyncset.done $0x0  }
0x1ae: {  	[sflag:s18] =	ssyncadd.s32 $0xFFFFEC00  }
0x1af: {  	[spmem:s2] =	stream.indirect.scatter.add.f32 [tilespmem:s10], [sflag:$0xE], $0x80, s30, s7, $0xb8;
	[tilespmem:$0x1F480] =	vst v63  }
0x1b0: {  	_ =	swait.ge [sflag:s18], $0x1400  }
0x1b1: {  	[sflag:s18] =	ssyncset.done $0x0  }
0x1b2: {  	[sflag:s18] =	ssyncadd.s32 $0xFFFFEC00  }
0x1b3: {  	[spmem:s2] =	stream.indirect.scatter.add.f32 [tilespmem:s31], [sflag:$0xE], $0x80, s30, s7, $0xb8;
	[tilespmem:$0x1F480] =	vst v63  }
0x1b4: {  	_ =	swait.ge [sflag:s18], $0x1400  }
0x1b5: {  	[sflag:s18] =	ssyncset.done $0x0  }
0x1b6: {  	[sflag:s18] =	ssyncadd.s32 $0xFFFFEC00  }
0x1b7: {  	[bflag:$0x0] =	sbarrier.arrive $0xFFFF  }
0x1b8: {  	s23 =	rddreg [dreg:$0x14]  }
0x1b9: {  	v1 =	vor.u32 s23, v0;
	s24 =	sadd.s32 $0xFFFFFFF0, s23  }
0x1ba: {  	v2 =	vor.u32 s24, v0;
	[tilespmem:$0x1F410] =	vst v1  }
0x1bb: {  	s16 =	simm.s32 $0x1F400;
	s17 =	simm.s32 $0x1E400;
	s10 =	simm.s32 $0x20;
	[tilespmem:$0x1F400] =	vst v2  }
0x1bc: {  	[tilespmem:s17], [sflag:$0x9] =	stream.indirect.gather [spmem:s2], $0x80, s16, s10, $0xb8;
	[tilespmem:$0x1F480] =	vst v63  }
0x1bd: {  	_ =	swait.ge [sflag:s14], $0x1000  }
0x1be: {  	[sflag:s14] =	ssyncset.done $0x0;
	s12 =	rddreg [dreg:$0x13]  }
0x1bf: {  	s28 =	simm.s32 $0x200;
	[sflag:s14] =	ssyncadd.s32 $0xFFFFF000;
	s25 =	sadd.s32 $0x0, s12  }
0x1c0: {  	[hbm4b:s25+s3] =	stream.linear.scatter [tilespmem:s17], [sflag:$0xE], $0x1000, $0x38;
	[tilespmem:$0x1F480] =	vst v63  }
0x1c1: {  	s30 =	simm.s32 $0x400;
	s4 =	sadd.s32 $0x20, s23;
	_ =	swait.ge [sflag:s18], $0x1000  }
0x1c2: {  	v1 =	vor.u32 s4, v0;
	s31 =	sadd.s32 $0x20, s4;
	s25 =	simm.s32 $0x14280;
	[sflag:s18] =	ssyncset.done $0x0  }
.LBB2_6:
0x1c3: {  	v2 =	vor.u32 s31, v0;
	p0 =	sne.s32 s30, $0x2600;
	s4 =	sadd.s32 $0xFFFFFFF0, s4;
	[sflag:s18] =	ssyncadd.s32 $0xFFFFF000  }
0x1c4: {  	s8 =	smov.u32 s30;
	s30 =	sadd.s32 $0x200, s30;
	v3 =	vor.u32 s4, v0;
	[tilespmem:$0x1F410] =	vst v1;
	v1 =	vmov v2;
	s4 =	smov.u32 s31  }
0x1c5: {  	[tilespmem:$0x1F400] =	vst v3  }
0x1c6: {  	[tilespmem:s17], [sflag:$0x9] =	stream.indirect.gather [spmem:s2], $0x80, s16, s10, $0xb8;
	[tilespmem:$0x1F480] =	vst v63  }
0x1c7: {  	_ =	swait.ge [sflag:s14], $0x1000  }
0x1c8: {  	s10 =	sadd.s32 s28, s12;
	[sflag:s14] =	ssyncset.done $0x0  }
.Ltmp2:
0x1c9: {  	s28 =	smov.u32 s8;
	[sflag:s14] =	ssyncadd.s32 $0xFFFFF000;
	(pc) =	sbr.rel @p0 .LBB2_6-.Ltmp2, $4  }
0x1ca: {  	[hbm4b:s10+s3] =	stream.linear.scatter [tilespmem:s17], [sflag:$0xE], $0x1000, $0x38;
	[tilespmem:$0x1F480] =	vst v63  }
0x1cb: {  	s10 =	simm.s32 $0x20  }
0x1cc: {  	_ =	swait.ge [sflag:s18], $0x1000  }
0x1cd: {  	s31 =	sadd.s32 $0x20, s31;
	[sflag:s18] =	ssyncset.done $0x0  }
0x1ce: {  	s4 =	sadd.s32 $0xFFFFFFF0, s4;
	[sflag:s18] =	ssyncadd.s32 $0xFFFFF000  }
0x1cf: {  	v2 =	vor.u32 s4, v0;
	[tilespmem:$0x1F410] =	vst v1  }
0x1d0: {  	[tilespmem:$0x1F400] =	vst v2  }
0x1d1: {  	[tilespmem:s17], [sflag:$0x9] =	stream.indirect.gather [spmem:s2], $0x80, s16, s10, $0xb8;
	[tilespmem:$0x1F480] =	vst v63  }
0x1d2: {  	_ =	swait.ge [sflag:s14], $0x1000  }
0x1d3: {  	[sflag:s14] =	ssyncset.done $0x0  }
0x1d4: {  	s24 =	sadd.s32 s28, s12;
	[sflag:s14] =	ssyncadd.s32 $0xFFFFF000  }
0x1d5: {  	[hbm4b:s24+s3] =	stream.linear.scatter [tilespmem:s17], [sflag:$0xE], $0x1000, $0x38;
	[tilespmem:$0x1F480] =	vst v63  }
0x1d6: {  	_ =	swait.ge [sflag:s18], $0x1000  }
0x1d7: {  	s0 =	rddreg [dreg:$0x15]  }
0x1d8: {  	s28 =	rddreg [dreg:$0x11];
	s0 =	sadd.s32 $0x1, s0  }
0x1d9: {  	p0 =	sne.s32 s0, s28  }
.Ltmp3:
0x1da: {  	_ = 	snop;
	(pc) =	sbr.rel @p0 .LBB2_1-.Ltmp3, $4  }
0x1db: {  	_ = 	snop  }
0x1dc: {  	s8 =	simm.s32 $0x1F400  }
0x1dd: {  	s1 =	simm.s32 $0x14000;
	s31 =	simm.s32 $0x1E400;
	[sflag:s18] =	ssyncset.done $0x0  }
0x1de: {  	s17 =	simm.s32 $0x19400;
	s30 =	rddreg [dreg:$0xa];
	[sflag:s18] =	ssyncadd.s32 $0xFFFFF000  }
0x1df: {  	_ =	sfence.sel $0x180000  }
0x1e0: {  	[bflag:$0x0] =	sbarrier.arrive $0xFFFF  }
0x1e1: {  	_ =	strace $0x90000047  }
0x1e2: {  	s0 =	stileid.u32;
	[bflag:$0x2] =	sbarrier.arrive $0xFFFF  }
0x1e3: {  	p0 =	sne.s32 s0, $0x0;
	s0 =	rddreg [dreg:$0x3]  }
0x1e4: {  	s0 =	sadd.s32 @!p0 $0x100000, s0  }
0x1e5: {  	[sflag:s0] =	ssyncadd.tile.s32 @!p0 $0x1;
	_ =	shalt  }
.Lfunc_end2:
_tile_overlayer_lowered:
.L_overlay_start_2:
0x1e6: {  	(tag) =	ssettag $0x2  }
0x1e7: {  	s0 =	rddreg [dreg:$0x0];
	s2 =	stileid.u32  }
0x1e8: {  	s1 =	rddreg [dreg:$0x1];
	p0 =	sne.s32 s2, $0x0  }
0x1e9: {  	s3 =	rddreg [dreg:$0x2];
	[bflag:$0x3] =	sbarrier.arrive $0xFFFF;
	s2 =	simm.s32 @!p0 $0x1C0E  }
0x1ea: {  	[timem:s3], [sflag:s2] =	dma.local @!p0 [hbm:s0], s1  }
0x1eb: {  	s0 =	simm.s32 @!p0 $0xE  }
0x1ec: {  	_ =	swait.ge @!p0 [sflag:s0], s1  }
0x1ed: {  	s1 =	ssub.s32 @!p0 $0x0, s1;
	[sflag:s0] =	ssyncset.done @!p0 $0x0  }
0x1ee: {  	[sflag:s0] =	ssyncadd.s32 @!p0 s1  }
0x1ef: {  	[bflag:$0x3] =	sbarrier.arrive $0xFFFF  }
0x1f0: {  	_ =	shalt  }

</sc_bundles>
